<compile_context>
chip_gen: v7x
topology: tpu7x:2x2x1
jax: 0.10.2.dev20260603
libtpu: 0.0.44.dev20260713+nightly
codegen_flags: <defaults>
</compile_context>

<pallas_src>
import jax
import jax.numpy as jnp
import numpy as np
from jax import lax
from jax.experimental import pallas as pl
from jax.experimental.pallas import tpu as pltpu
from jax.experimental.pallas import tpu_sc as plsc

_NC = 2
_NS = 16
_NW = _NC * _NS

_N = 10000
_E = 320000
_D = 128
_DE = 16
_H = 128

_IDXR = _E // 128
_NP = 10240
_RPT = _NP // _NS
_CH = 128

_BR4 = 4
_NB4 = _IDXR // _BR4
_IT4 = -(-_NB4 // _NW)
_BE4 = _BR4 * 128

_BR2 = 2
_NB2 = _IDXR // _BR2
_IT2 = -(-_NB2 // _NW)


def _sc_mesh():
    return plsc.VectorSubcoreMesh(
        core_axis_name="c", subcore_axis_name="s",
        num_cores=_NC, num_subcores=_NS)



def _deg_body(dst3d, ones_hbm, z16_hbm, degp, acc16, dst_v, ones_v, z16_v,
              sem):
    c = lax.axis_index("c")
    s = lax.axis_index("s")
    wid = c * _NS + s

    pltpu.sync_copy(z16_hbm, z16_v)
    pltpu.sync_copy(ones_hbm, ones_v)
    pltpu.sync_copy(z16_v, acc16.at[pl.ds(s * _RPT, _RPT)])
    plsc.subcore_barrier()

    def body(i, carry):
        bi = i * _NW + wid

        @pl.when(bi < _NB4)
        def _():
            pltpu.sync_copy(dst3d.at[bi], dst_v)
            for k in range(_BR4):
                pltpu.sync_copy(ones_v, acc16.at[dst_v.at[k]], add=True)

        return carry

    lax.fori_loop(0, _IT4, body, None)
    plsc.subcore_barrier()
    pltpu.sync_copy(acc16.at[pl.ds(s * _RPT, _RPT)], z16_v)
    pltpu.sync_copy(z16_v, degp.at[c, pl.ds(s * _RPT, _RPT)])


def _deg_call(dst3d, ones, z16):
    return pl.kernel(
        _deg_body,
        out_type=jax.ShapeDtypeStruct((_NC, _NP, 16), jnp.float32),
        mesh=_sc_mesh(),
        compiler_params=pltpu.CompilerParams(use_tc_tiling_on_sc=False),
        scratch_types=[
            pltpu.VMEM_SHARED((_NP, 16), jnp.float32),
            pltpu.VMEM((_BR4, 128), jnp.int32),
            pltpu.VMEM((128, 16), jnp.float32),
            pltpu.VMEM((_RPT, 16), jnp.float32),
            pltpu.SemaphoreType.DMA,
        ],
    )(dst3d, ones, z16)



def _sa_body(dis1d_hbm, ea_hbm, src3d, dst3d, z16_hbm, ap, acc16,
             src_v, dst_v, ea_v, dis_v, z16_v, seme):
    c = lax.axis_index("c")
    s = lax.axis_index("s")
    wid = c * _NS + s

    pltpu.sync_copy(z16_hbm, z16_v)
    pltpu.sync_copy(dis1d_hbm, dis_v)
    pltpu.sync_copy(z16_v, acc16.at[pl.ds(s * _RPT, _RPT)])
    plsc.subcore_barrier()

    def body(i, carry):
        bi = i * _NW + wid

        @pl.when(bi < _NB4)
        def _():
            pltpu.sync_copy(src3d.at[bi], src_v)
            pltpu.sync_copy(dst3d.at[bi], dst_v)
            ecp = pltpu.async_copy(ea_hbm.at[pl.ds(bi * _BE4, _BE4)], ea_v,
                                   seme)
            ecp.wait()

            def mbody(j, mc):
                iv = src_v[j // 8, pl.ds((j % 8) * 16, 16)]
                d16 = plsc.load_gather(dis_v, [iv])
                zero16 = lax.iota(jnp.int32, 16) * 0
                for t in range(16):
                    bt = jnp.take_along_axis(d16, zero16 + t, axis=0,
                                             mode="promise_in_bounds")
                    ea_v[j * 16 + t, :] = ea_v[j * 16 + t, :] * bt
                return mc

            lax.fori_loop(0, _BE4 // 16, mbody, None)
            for k in range(_BR4):
                pltpu.sync_copy(ea_v.at[pl.ds(k * 128, 128)],
                                acc16.at[dst_v.at[k]], add=True)

        return carry

    lax.fori_loop(0, _IT4, body, None)
    plsc.subcore_barrier()
    pltpu.sync_copy(acc16.at[pl.ds(s * _RPT, _RPT)], z16_v)
    pltpu.sync_copy(z16_v, ap.at[c, pl.ds(s * _RPT, _RPT)])


def _sa_call(dis1d, ea, src3d, dst3d, z16):
    return pl.kernel(
        _sa_body,
        out_type=jax.ShapeDtypeStruct((_NC, _NP, 16), jnp.float32),
        mesh=_sc_mesh(),
        compiler_params=pltpu.CompilerParams(needs_layout_passes=False,
                                             use_tc_tiling_on_sc=False),
        scratch_types=[
            pltpu.VMEM_SHARED((_NP, 16), jnp.float32),
            pltpu.VMEM((_BR4, 128), jnp.int32),
            pltpu.VMEM((_BR4, 128), jnp.int32),
            pltpu.VMEM((_BE4, 16), jnp.float32),
            pltpu.VMEM((_N,), jnp.float32),
            pltpu.VMEM((_RPT, 16), jnp.float32),
            pltpu.SemaphoreType.DMA,
        ],
    )(dis1d, ea, src3d, dst3d, z16)



def _s_body(hq_hbm, src3d, dst3d, z128_hbm, sp, acc, src_v, dst_v, rows_v,
            semg):
    c = lax.axis_index("c")
    s = lax.axis_index("s")
    wid = c * _NS + s

    pltpu.sync_copy(z128_hbm, rows_v.at[pl.ds(0, _CH)])
    for k in range(_RPT // _CH):
        pltpu.sync_copy(rows_v.at[pl.ds(0, _CH)],
                        acc.at[pl.ds(s * _RPT + k * _CH, _CH)])
    plsc.subcore_barrier()

    def body(i, carry):
        bi = i * _NW + wid

        @pl.when(bi < _NB2)
        def _():
            pltpu.sync_copy(src3d.at[bi], src_v)
            pltpu.sync_copy(dst3d.at[bi], dst_v)
            gcp = [pltpu.async_copy(hq_hbm.at[src_v.at[k]],
                                    rows_v.at[pl.ds(k * 128, 128)], semg)
                   for k in range(_BR2)]
            for k in range(_BR2):
                gcp[k].wait()
                pltpu.sync_copy(rows_v.at[pl.ds(k * 128, 128)],
                                acc.at[dst_v.at[k]], add=True)

        return carry

    lax.fori_loop(0, _IT2, body, None)
    plsc.subcore_barrier()
    for k in range(_RPT // _CH):
        pltpu.sync_copy(acc.at[pl.ds(s * _RPT + k * _CH, _CH)],
                        rows_v.at[pl.ds(0, _CH)])
        pltpu.sync_copy(rows_v.at[pl.ds(0, _CH)],
                        sp.at[c, pl.ds(s * _RPT + k * _CH, _CH)])


def _s_call(hq, src3d, dst3d, z128):
    return pl.kernel(
        _s_body,
        out_type=jax.ShapeDtypeStruct((_NC, _NP, _H), jnp.float32),
        mesh=_sc_mesh(),
        scratch_types=[
            pltpu.VMEM_SHARED((_NP, _H), jnp.float32),
            pltpu.VMEM((_BR2, 128), jnp.int32),
            pltpu.VMEM((_BR2, 128), jnp.int32),
            pltpu.VMEM((_BR2 * 128, _H), jnp.float32),
            pltpu.SemaphoreType.DMA,
        ],
    )(hq, src3d, dst3d, z128)



_TBR = 400
_TG = _N // _TBR


def _tc1_body(degp_ref, x_ref, wn_ref, b_ref, hq_ref, dis16_ref):
    deg16 = degp_ref[0] + degp_ref[1]
    dis16 = lax.rsqrt(deg16 + 1.0)
    hp = jnp.dot(x_ref[...], wn_ref[...],
                 preferred_element_type=jnp.float32) + b_ref[...]
    hq_ref[...] = hp * dis16[:, 0:1]
    dis16_ref[...] = dis16


def _tc1_call(degp, x, wn, b):
    return pl.pallas_call(
        _tc1_body,
        grid=(_TG,),
        in_specs=[
            pl.BlockSpec((_NC, _TBR, 16), lambda i: (0, i, 0)),
            pl.BlockSpec((_TBR, _D), lambda i: (i, 0)),
            pl.BlockSpec((_D, _H), lambda i: (0, 0)),
            pl.BlockSpec((1, _H), lambda i: (0, 0)),
        ],
        out_specs=[
            pl.BlockSpec((_TBR, _H), lambda i: (i, 0)),
            pl.BlockSpec((_TBR, 16), lambda i: (i, 0)),
        ],
        out_shape=[jax.ShapeDtypeStruct((_N, _H), jnp.float32),
                   jax.ShapeDtypeStruct((_N, 16), jnp.float32)],
    )(degp, x, wn, b)


def _tca_body(sp_ref, ap_ref, we_ref, dis16_ref, h_ref, a_ref, stats_ref):
    i = pl.program_id(0)
    a = ap_ref[0] + ap_ref[1]
    s = sp_ref[0] + sp_ref[1]
    h = (s + jnp.dot(a, we_ref[...], preferred_element_type=jnp.float32)
         ) * dis16_ref[:, 0:1]
    h_ref[...] = h
    a_ref[...] = a

    @pl.when(i == 0)
    def _():
        stats_ref[...] = jnp.zeros_like(stats_ref)

    stats_ref[0:1, :] += jnp.sum(h, axis=0, keepdims=True)
    stats_ref[1:2, :] += jnp.sum(h * h, axis=0, keepdims=True)


def _tca_call(sp, ap, we, dis16):
    return pl.pallas_call(
        _tca_body,
        grid=(_TG,),
        in_specs=[
            pl.BlockSpec((_NC, _TBR, _H), lambda i: (0, i, 0)),
            pl.BlockSpec((_NC, _TBR, 16), lambda i: (0, i, 0)),
            pl.BlockSpec((_DE, _H), lambda i: (0, 0)),
            pl.BlockSpec((_TBR, 16), lambda i: (i, 0)),
        ],
        out_specs=[
            pl.BlockSpec((_TBR, _H), lambda i: (i, 0)),
            pl.BlockSpec((_TBR, 16), lambda i: (i, 0)),
            pl.BlockSpec((8, _H), lambda i: (0, 0)),
        ],
        out_shape=[jax.ShapeDtypeStruct((_N, _H), jnp.float32),
                   jax.ShapeDtypeStruct((_N, 16), jnp.float32),
                   jax.ShapeDtypeStruct((8, _H), jnp.float32)],
    )(sp, ap, we, dis16)


def _tc2b_body(h_ref, stats_ref, g_ref, bb_ref, wn_ref, b_ref, dis16_ref,
               hq_ref):
    mean = stats_ref[0:1, :] * (1.0 / _N)
    var = stats_ref[1:2, :] * (1.0 / _N) - mean * mean
    sc = lax.rsqrt(var + 1e-5) * g_ref[...]
    bn = (h_ref[...] - mean) * sc + bb_ref[...]
    r = jnp.maximum(bn, 0.0)
    hq_ref[...] = (jnp.dot(r, wn_ref[...],
                           preferred_element_type=jnp.float32)
                   + b_ref[...]) * dis16_ref[:, 0:1]


def _tc2b_call(h, stats, g, bb, wn, b, dis16):
    return pl.pallas_call(
        _tc2b_body,
        grid=(_TG,),
        in_specs=[
            pl.BlockSpec((_TBR, _H), lambda i: (i, 0)),
            pl.BlockSpec((8, _H), lambda i: (0, 0)),
            pl.BlockSpec((1, _H), lambda i: (0, 0)),
            pl.BlockSpec((1, _H), lambda i: (0, 0)),
            pl.BlockSpec((_H, _H), lambda i: (0, 0)),
            pl.BlockSpec((1, _H), lambda i: (0, 0)),
            pl.BlockSpec((_TBR, 16), lambda i: (i, 0)),
        ],
        out_specs=pl.BlockSpec((_TBR, _H), lambda i: (i, 0)),
        out_shape=jax.ShapeDtypeStruct((_N, _H), jnp.float32),
    )(h, stats, g, bb, wn, b, dis16)


def _tc3a_body(sp_ref, a_ref, we_ref, dis16_ref, h_ref, stats_ref):
    i = pl.program_id(0)
    s = sp_ref[0] + sp_ref[1]
    h = (s + jnp.dot(a_ref[...], we_ref[...],
                     preferred_element_type=jnp.float32)) * dis16_ref[:, 0:1]
    h_ref[...] = h

    @pl.when(i == 0)
    def _():
        stats_ref[...] = jnp.zeros_like(stats_ref)

    stats_ref[0:1, :] += jnp.sum(h, axis=0, keepdims=True)
    stats_ref[1:2, :] += jnp.sum(h * h, axis=0, keepdims=True)


def _tc3a_call(sp, a, we, dis16):
    return pl.pallas_call(
        _tc3a_body,
        grid=(_TG,),
        in_specs=[
            pl.BlockSpec((_NC, _TBR, _H), lambda i: (0, i, 0)),
            pl.BlockSpec((_TBR, 16), lambda i: (i, 0)),
            pl.BlockSpec((_DE, _H), lambda i: (0, 0)),
            pl.BlockSpec((_TBR, 16), lambda i: (i, 0)),
        ],
        out_specs=[
            pl.BlockSpec((_TBR, _H), lambda i: (i, 0)),
            pl.BlockSpec((8, _H), lambda i: (0, 0)),
        ],
        out_shape=[jax.ShapeDtypeStruct((_N, _H), jnp.float32),
                   jax.ShapeDtypeStruct((8, _H), jnp.float32)],
    )(sp, a, we, dis16)


def _tc3b_body(h_ref, stats_ref, g_ref, bb_ref, out_ref):
    mean = stats_ref[0:1, :] * (1.0 / _N)
    var = stats_ref[1:2, :] * (1.0 / _N) - mean * mean
    sc = lax.rsqrt(var + 1e-5) * g_ref[...]
    out_ref[...] = (h_ref[...] - mean) * sc + bb_ref[...]


def _tc3b_call(h, stats, g, bb):
    return pl.pallas_call(
        _tc3b_body,
        grid=(_TG,),
        in_specs=[
            pl.BlockSpec((_TBR, _H), lambda i: (i, 0)),
            pl.BlockSpec((8, _H), lambda i: (0, 0)),
            pl.BlockSpec((1, _H), lambda i: (0, 0)),
            pl.BlockSpec((1, _H), lambda i: (0, 0)),
        ],
        out_specs=pl.BlockSpec((_TBR, _H), lambda i: (i, 0)),
        out_shape=jax.ShapeDtypeStruct((_N, _H), jnp.float32),
    )(h, stats, g, bb)



def kernel(x, edge_index, edge_attr, Wn0, We0, b0, g0, bb0,
           Wn1, We1, b1, g1, bb1):
    src4 = edge_index[0].reshape(_NB4, _BR4, 128)
    dst4 = edge_index[1].reshape(_NB4, _BR4, 128)
    src2 = edge_index[0].reshape(_NB2, _BR2, 128)
    dst2 = edge_index[1].reshape(_NB2, _BR2, 128)
    ones = jnp.ones((128, 16), jnp.float32)
    z16 = jnp.zeros((_RPT, 16), jnp.float32)
    z128 = jnp.zeros((_CH, _H), jnp.float32)
    b0r = b0.reshape(1, _H)
    b1r = b1.reshape(1, _H)
    g0r = g0.reshape(1, _H)
    g1r = g1.reshape(1, _H)
    bb0r = bb0.reshape(1, _H)
    bb1r = bb1.reshape(1, _H)

    degp = _deg_call(dst4, ones, z16)
    hq0, dis16 = _tc1_call(degp, x, Wn0, b0r)
    dis1d = dis16[:, 0]
    ap = _sa_call(dis1d, edge_attr, src4, dst4, z16)
    s0p = _s_call(hq0, src2, dst2, z128)
    h0, a, stats0 = _tca_call(s0p, ap, We0, dis16)
    hq1 = _tc2b_call(h0, stats0, g0r, bb0r, Wn1, b1r, dis16)
    s1p = _s_call(hq1, src2, dst2, z128)
    h1, stats1 = _tc3a_call(s1p, a, We1, dis16)
    return _tc3b_call(h1, stats1, g1r, bb1r)

# --- scband reference (transcript-rebuilt; emitter-appended) ---
"""Pipeline reference for scband-gnn-8693013807837 (READ-ONLY COPY).

The authoritative reference and input builder live on the scoring server;
editing this copy changes nothing except your own understanding.
"""

import jax, jax.numpy as jnp
import numpy as np

N = 10000
E = 320000
D = 128
DE = 16
H = 128

def setup_inputs(seed: int = 0) -> dict:
    key = jax.random.key(seed)
    ks = jax.random.split(key, 16)
    inp = {}
    inp["x"] = jax.random.normal(ks[0], (N, D), dtype=jnp.float32)
    inp["edge_index"] = jax.random.randint(ks[1], (2, E), 0, N, dtype=jnp.int32)
    inp["edge_attr"] = jax.random.normal(ks[2], (E, DE), dtype=jnp.float32)
    # layer 0 params (in=D)
    inp["Wn0"] = jax.random.normal(ks[3], (D, H), dtype=jnp.float32) * (1.0 / np.sqrt(D))
    inp["We0"] = jax.random.normal(ks[4], (DE, H), dtype=jnp.float32) * (1.0 / np.sqrt(DE))
    inp["b0"] = jnp.zeros((H,), dtype=jnp.float32)
    inp["g0"] = jnp.ones((H,), dtype=jnp.float32)
    inp["bb0"] = jnp.zeros((H,), dtype=jnp.float32)
    # layer 1 params (in=H)
    inp["Wn1"] = jax.random.normal(ks[5], (H, H), dtype=jnp.float32) * (1.0 / np.sqrt(H))
    inp["We1"] = jax.random.normal(ks[6], (DE, H), dtype=jnp.float32) * (1.0 / np.sqrt(DE))
    inp["b1"] = jnp.zeros((H,), dtype=jnp.float32)
    inp["g1"] = jnp.ones((H,), dtype=jnp.float32)
    inp["bb1"] = jnp.zeros((H,), dtype=jnp.float32)
    return inp

def _gcn_conv(h, edge_index, edge_attr, Wn, We, b):
    src = edge_index[0]
    dst = edge_index[1]
    hp = h @ Wn + b
    e = edge_attr @ We
    ones = jnp.ones((edge_index.shape[1],), dtype=jnp.float32)
    deg = jax.ops.segment_sum(ones, dst, num_segments=N) + 1.0
    dis = jax.lax.rsqrt(deg)
    norm = dis[src] * dis[dst]
    msg = (hp[src] + e) * norm[:, None]
    return jax.ops.segment_sum(msg, dst, num_segments=N)

def _batch_norm(h, g, bb):
    m = jnp.mean(h, axis=0)
    v = jnp.var(h, axis=0)
    return (h - m) * jax.lax.rsqrt(v + 1e-5) * g + bb

def reference(x, edge_index, edge_attr, Wn0, We0, b0, g0, bb0, Wn1, We1, b1, g1, bb1):
    # layer 0
    h = _gcn_conv(x, edge_index, edge_attr, Wn0, We0, b0)
    h = _batch_norm(h, g0, bb0)
    h = jax.nn.relu(h)  # not last layer; dropout=0
    # layer 1 (last): no relu, dropout=0
    h = _gcn_conv(h, edge_index, edge_attr, Wn1, We1, b1)
    h = _batch_norm(h, g1, bb1)
    # JK == 'last'
    return h

if __name__ == "__main__":
    import jax
    _d = setup_inputs()
    print(jax.jit(kernel)(*tuple(_d.values())))

</pallas_src>

<mosaic_0001>
#map = affine_map<(d0, d1) -> (0)>
#map1 = affine_map<(d0, d1) -> (0, 0)>
#map2 = affine_map<(d0, d1) -> (0, 0, 0)>
module attributes {stable_mosaic.version = 14 : i64} {
  func.func @_sa_body(%arg0: i32, %arg1: i32, %arg2: memref<10000xf32, #tpu.memory_space<hbm>>, %arg3: memref<320000x16xf32, #tpu.memory_space<hbm>>, %arg4: memref<625x4x128xi32, #tpu.memory_space<hbm>>, %arg5: memref<625x4x128xi32, #tpu.memory_space<hbm>>, %arg6: memref<640x16xf32, #tpu.memory_space<hbm>>, %arg7: memref<2x10240x16xf32, #tpu.memory_space<hbm>>, %arg8: memref<10240x16xf32, #tpu.memory_space<vmem_shared>>, %arg9: memref<4x128xi32, #tpu.memory_space<vmem>>, %arg10: memref<4x128xi32, #tpu.memory_space<vmem>>, %arg11: memref<512x16xf32, #tpu.memory_space<vmem>>, %arg12: memref<10000xf32, #tpu.memory_space<vmem>>, %arg13: memref<640x16xf32, #tpu.memory_space<vmem>>, %arg14: memref<!tpu.dma_semaphore, #tpu.memory_space<semaphore_mem>>) attributes {dimension_semantics = [#tpu.dimension_semantics<core_parallel>, #tpu.dimension_semantics<subcore_parallel>], iteration_bounds = array<i64: 2, 16>, scalar_prefetch = 0 : i64, scratch_operands = 7 : i64, tpu.core_type = #tpu.core_type<sc_vector_subcore>, window_params = [{transform_indices = #map}, {transform_indices = #map1}, {transform_indices = #map2}, {transform_indices = #map2}, {transform_indices = #map1}, {transform_indices = #map2}]} {
    %mul3A = arith.constant 16 : i32
    %mul3A_0 = arith.muli %arg0, %mul3A : i32
    %add3A = arith.addi %mul3A_0, %arg1 : i32
    "tpu.region"() ({
      %run_scoped3A = tpu.sem_alloc : memref<!tpu.dma_semaphore, #tpu.memory_space<semaphore_mem>>
      tpu.enqueue_dma source(%arg6 : memref<640x16xf32, #tpu.memory_space<hbm>>) target(%arg13 : memref<640x16xf32, #tpu.memory_space<vmem>>) target_semaphore(%run_scoped3A : memref<!tpu.dma_semaphore, #tpu.memory_space<semaphore_mem>>)
      tpu.wait_dma2 semaphore(%run_scoped3A : memref<!tpu.dma_semaphore, #tpu.memory_space<semaphore_mem>>) src(%arg6 : memref<640x16xf32, #tpu.memory_space<hbm>>) dst(%arg13 : memref<640x16xf32, #tpu.memory_space<vmem>>)
      tpu.yield
    }) : () -> ()
    "tpu.region"() ({
      %run_scoped3A = tpu.sem_alloc : memref<!tpu.dma_semaphore, #tpu.memory_space<semaphore_mem>>
      tpu.enqueue_dma source(%arg2 : memref<10000xf32, #tpu.memory_space<hbm>>) target(%arg12 : memref<10000xf32, #tpu.memory_space<vmem>>) target_semaphore(%run_scoped3A : memref<!tpu.dma_semaphore, #tpu.memory_space<semaphore_mem>>)
      tpu.wait_dma2 semaphore(%run_scoped3A : memref<!tpu.dma_semaphore, #tpu.memory_space<semaphore_mem>>) src(%arg2 : memref<10000xf32, #tpu.memory_space<hbm>>) dst(%arg12 : memref<10000xf32, #tpu.memory_space<vmem>>)
      tpu.yield
    }) : () -> ()
    %mul3A_1 = arith.constant 640 : i32
    %mul3A_2 = arith.muli %arg1, %mul3A_1 : i32
    "tpu.region"() ({
      %run_scoped3A = tpu.sem_alloc : memref<!tpu.dma_semaphore, #tpu.memory_space<semaphore_mem>>
      %dma_start3A = arith.constant 0 : i32
      %dma_start3A_12 = tpu.memref_slice %arg8[%mul3A_2, %dma_start3A] : memref<10240x16xf32, #tpu.memory_space<vmem_shared>> -> memref<640x16xf32, #tpu.memory_space<vmem_shared>>
      %dma_start3A_13 = arith.constant 0 : i32
      %dma_start3A_14 = tpu.memref_slice %arg8[%mul3A_2, %dma_start3A_13] : memref<10240x16xf32, #tpu.memory_space<vmem_shared>> -> memref<640x16xf32, #tpu.memory_space<vmem_shared>>
      tpu.enqueue_dma source(%arg13 : memref<640x16xf32, #tpu.memory_space<vmem>>) target(%dma_start3A_14 : memref<640x16xf32, #tpu.memory_space<vmem_shared>>) target_semaphore(%run_scoped3A : memref<!tpu.dma_semaphore, #tpu.memory_space<semaphore_mem>>)
      %dma_wait3A = arith.constant 0 : i32
      %dma_wait3A_15 = tpu.memref_slice %arg8[%mul3A_2, %dma_wait3A] : memref<10240x16xf32, #tpu.memory_space<vmem_shared>> -> memref<640x16xf32, #tpu.memory_space<vmem_shared>>
      %dma_wait3A_16 = arith.constant 0 : i32
      %dma_wait3A_17 = tpu.memref_slice %arg8[%mul3A_2, %dma_wait3A_16] : memref<10240x16xf32, #tpu.memory_space<vmem_shared>> -> memref<640x16xf32, #tpu.memory_space<vmem_shared>>
      tpu.wait_dma2 semaphore(%run_scoped3A : memref<!tpu.dma_semaphore, #tpu.memory_space<semaphore_mem>>) src(%arg13 : memref<640x16xf32, #tpu.memory_space<vmem>>) dst(%dma_wait3A_17 : memref<640x16xf32, #tpu.memory_space<vmem_shared>>)
      tpu.yield
    }) : () -> ()
    %barrier3A = arith.constant 0 : index
    tpu.barrier barrier_id(%barrier3A)
    %scan3A = arith.constant 0 : i32
    %scan3A_3 = arith.constant 20 : i32
    %scan3A_4 = arith.addi %scan3A, %scan3A_3 : i32
    %scan3A_5 = arith.constant 1 : i32
    scf.for %scan3A_12 = %scan3A to %scan3A_4 step %scan3A_5  : i32 {
      %mul3A_13 = arith.constant 32 : i32
      %mul3A_14 = arith.muli %scan3A_12, %mul3A_13 : i32
      %add3A_15 = arith.addi %mul3A_14, %add3A : i32
      %lt3A = arith.constant 625 : i32
      %lt3A_16 = arith.cmpi slt, %add3A_15, %lt3A : i32
      %convert_element_type3A = arith.extui %lt3A_16 : i1 to i32
      %cond3A = arith.constant 0 : i32
      %cond3A_17 = arith.cmpi ne, %convert_element_type3A, %cond3A : i32
      scf.if %cond3A_17 {
        "tpu.region"() ({
          %run_scoped3A_34 = tpu.sem_alloc : memref<!tpu.dma_semaphore, #tpu.memory_space<semaphore_mem>>
          %dma_start3A_35 = arith.constant 0 : i32
          %dma_start3A_36 = arith.constant 0 : i32
          %dma_start3A_37 = tpu.memref_slice %arg4[%add3A_15, %dma_start3A_35, %dma_start3A_36] : memref<625x4x128xi32, #tpu.memory_space<hbm>> -> memref<1x4x128xi32, #tpu.memory_space<hbm>>
          %dma_start3A_38 = tpu.memref_squeeze %dma_start3A_37 : memref<1x4x128xi32, #tpu.memory_space<hbm>> -> memref<4x128xi32, #tpu.memory_space<hbm>>
          %dma_start3A_39 = arith.constant 0 : i32
          %dma_start3A_40 = arith.constant 0 : i32
          %dma_start3A_41 = tpu.memref_slice %arg4[%add3A_15, %dma_start3A_39, %dma_start3A_40] : memref<625x4x128xi32, #tpu.memory_space<hbm>> -> memref<1x4x128xi32, #tpu.memory_space<hbm>>
          %dma_start3A_42 = tpu.memref_squeeze %dma_start3A_41 : memref<1x4x128xi32, #tpu.memory_space<hbm>> -> memref<4x128xi32, #tpu.memory_space<hbm>>
          tpu.enqueue_dma source(%dma_start3A_42 : memref<4x128xi32, #tpu.memory_space<hbm>>) target(%arg9 : memref<4x128xi32, #tpu.memory_space<vmem>>) target_semaphore(%run_scoped3A_34 : memref<!tpu.dma_semaphore, #tpu.memory_space<semaphore_mem>>)
          %dma_wait3A_43 = arith.constant 0 : i32
          %dma_wait3A_44 = arith.constant 0 : i32
          %dma_wait3A_45 = tpu.memref_slice %arg4[%add3A_15, %dma_wait3A_43, %dma_wait3A_44] : memref<625x4x128xi32, #tpu.memory_space<hbm>> -> memref<1x4x128xi32, #tpu.memory_space<hbm>>
          %dma_wait3A_46 = tpu.memref_squeeze %dma_wait3A_45 : memref<1x4x128xi32, #tpu.memory_space<hbm>> -> memref<4x128xi32, #tpu.memory_space<hbm>>
          %dma_wait3A_47 = arith.constant 0 : i32
          %dma_wait3A_48 = arith.constant 0 : i32
          %dma_wait3A_49 = tpu.memref_slice %arg4[%add3A_15, %dma_wait3A_47, %dma_wait3A_48] : memref<625x4x128xi32, #tpu.memory_space<hbm>> -> memref<1x4x128xi32, #tpu.memory_space<hbm>>
          %dma_wait3A_50 = tpu.memref_squeeze %dma_wait3A_49 : memref<1x4x128xi32, #tpu.memory_space<hbm>> -> memref<4x128xi32, #tpu.memory_space<hbm>>
          tpu.wait_dma2 semaphore(%run_scoped3A_34 : memref<!tpu.dma_semaphore, #tpu.memory_space<semaphore_mem>>) src(%dma_wait3A_50 : memref<4x128xi32, #tpu.memory_space<hbm>>) dst(%arg9 : memref<4x128xi32, #tpu.memory_space<vmem>>)
          tpu.yield
        }) : () -> ()
        "tpu.region"() ({
          %run_scoped3A_34 = tpu.sem_alloc : memref<!tpu.dma_semaphore, #tpu.memory_space<semaphore_mem>>
          %dma_start3A_35 = arith.constant 0 : i32
          %dma_start3A_36 = arith.constant 0 : i32
          %dma_start3A_37 = tpu.memref_slice %arg5[%add3A_15, %dma_start3A_35, %dma_start3A_36] : memref<625x4x128xi32, #tpu.memory_space<hbm>> -> memref<1x4x128xi32, #tpu.memory_space<hbm>>
          %dma_start3A_38 = tpu.memref_squeeze %dma_start3A_37 : memref<1x4x128xi32, #tpu.memory_space<hbm>> -> memref<4x128xi32, #tpu.memory_space<hbm>>
          %dma_start3A_39 = arith.constant 0 : i32
          %dma_start3A_40 = arith.constant 0 : i32
          %dma_start3A_41 = tpu.memref_slice %arg5[%add3A_15, %dma_start3A_39, %dma_start3A_40] : memref<625x4x128xi32, #tpu.memory_space<hbm>> -> memref<1x4x128xi32, #tpu.memory_space<hbm>>
          %dma_start3A_42 = tpu.memref_squeeze %dma_start3A_41 : memref<1x4x128xi32, #tpu.memory_space<hbm>> -> memref<4x128xi32, #tpu.memory_space<hbm>>
          tpu.enqueue_dma source(%dma_start3A_42 : memref<4x128xi32, #tpu.memory_space<hbm>>) target(%arg10 : memref<4x128xi32, #tpu.memory_space<vmem>>) target_semaphore(%run_scoped3A_34 : memref<!tpu.dma_semaphore, #tpu.memory_space<semaphore_mem>>)
          %dma_wait3A_43 = arith.constant 0 : i32
          %dma_wait3A_44 = arith.constant 0 : i32
          %dma_wait3A_45 = tpu.memref_slice %arg5[%add3A_15, %dma_wait3A_43, %dma_wait3A_44] : memref<625x4x128xi32, #tpu.memory_space<hbm>> -> memref<1x4x128xi32, #tpu.memory_space<hbm>>
          %dma_wait3A_46 = tpu.memref_squeeze %dma_wait3A_45 : memref<1x4x128xi32, #tpu.memory_space<hbm>> -> memref<4x128xi32, #tpu.memory_space<hbm>>
          %dma_wait3A_47 = arith.constant 0 : i32
          %dma_wait3A_48 = arith.constant 0 : i32
          %dma_wait3A_49 = tpu.memref_slice %arg5[%add3A_15, %dma_wait3A_47, %dma_wait3A_48] : memref<625x4x128xi32, #tpu.memory_space<hbm>> -> memref<1x4x128xi32, #tpu.memory_space<hbm>>
          %dma_wait3A_50 = tpu.memref_squeeze %dma_wait3A_49 : memref<1x4x128xi32, #tpu.memory_space<hbm>> -> memref<4x128xi32, #tpu.memory_space<hbm>>
          tpu.wait_dma2 semaphore(%run_scoped3A_34 : memref<!tpu.dma_semaphore, #tpu.memory_space<semaphore_mem>>) src(%dma_wait3A_50 : memref<4x128xi32, #tpu.memory_space<hbm>>) dst(%arg10 : memref<4x128xi32, #tpu.memory_space<vmem>>)
          tpu.yield
        }) : () -> ()
        %mul3A_18 = arith.constant 512 : i32
        %mul3A_19 = arith.muli %add3A_15, %mul3A_18 : i32
        %dma_start3A = arith.constant 0 : i32
        %dma_start3A_20 = tpu.memref_slice %arg3[%mul3A_19, %dma_start3A] : memref<320000x16xf32, #tpu.memory_space<hbm>> -> memref<512x16xf32, #tpu.memory_space<hbm>>
        %dma_start3A_21 = arith.constant 0 : i32
        %dma_start3A_22 = tpu.memref_slice %arg3[%mul3A_19, %dma_start3A_21] : memref<320000x16xf32, #tpu.memory_space<hbm>> -> memref<512x16xf32, #tpu.memory_space<hbm>>
        tpu.enqueue_dma source(%dma_start3A_22 : memref<512x16xf32, #tpu.memory_space<hbm>>) target(%arg11 : memref<512x16xf32, #tpu.memory_space<vmem>>) target_semaphore(%arg14 : memref<!tpu.dma_semaphore, #tpu.memory_space<semaphore_mem>>)
        %dma_wait3A = arith.constant 0 : i32
        %dma_wait3A_23 = tpu.memref_slice %arg3[%mul3A_19, %dma_wait3A] : memref<320000x16xf32, #tpu.memory_space<hbm>> -> memref<512x16xf32, #tpu.memory_space<hbm>>
        %dma_wait3A_24 = arith.constant 0 : i32
        %dma_wait3A_25 = tpu.memref_slice %arg3[%mul3A_19, %dma_wait3A_24] : memref<320000x16xf32, #tpu.memory_space<hbm>> -> memref<512x16xf32, #tpu.memory_space<hbm>>
        tpu.wait_dma2 semaphore(%arg14 : memref<!tpu.dma_semaphore, #tpu.memory_space<semaphore_mem>>) src(%dma_wait3A_25 : memref<512x16xf32, #tpu.memory_space<hbm>>) dst(%arg11 : memref<512x16xf32, #tpu.memory_space<vmem>>)
        %scan3A_26 = arith.constant 0 : i32
        %scan3A_27 = arith.constant 32 : i32
        %scan3A_28 = arith.addi %scan3A_26, %scan3A_27 : i32
        %scan3A_29 = arith.constant 1 : i32
        scf.for %scan3A_34 = %scan3A_26 to %scan3A_28 step %scan3A_29  : i32 {
          %jit3A = arith.constant 8 : i32
          %div3A = arith.divsi %scan3A_34, %jit3A : i32
          %sign3A = arith.constant 0 : i32
          %sign3A_35 = arith.cmpi sgt, %scan3A_34, %sign3A : i32
          %sign3A_36 = arith.extui %sign3A_35 : i1 to i32
          %sign3A_37 = arith.constant 0 : i32
          %sign3A_38 = arith.cmpi slt, %scan3A_34, %sign3A_37 : i32
          %sign3A_39 = arith.extui %sign3A_38 : i1 to i32
          %sign3A_40 = arith.subi %sign3A_36, %sign3A_39 : i32
          %sign3A_41 = arith.constant 0 : i32
          %sign3A_42 = arith.cmpi sgt, %jit3A, %sign3A_41 : i32
          %sign3A_43 = arith.extui %sign3A_42 : i1 to i32
          %sign3A_44 = arith.constant 0 : i32
          %sign3A_45 = arith.cmpi slt, %jit3A, %sign3A_44 : i32
          %sign3A_46 = arith.extui %sign3A_45 : i1 to i32
          %sign3A_47 = arith.subi %sign3A_43, %sign3A_46 : i32
          %ne3A = arith.cmpi ne, %sign3A_40, %sign3A_47 : i32
          %rem3A = arith.remsi %scan3A_34, %jit3A : i32
          %ne3A_48 = arith.constant 0 : i32
          %ne3A_49 = arith.cmpi ne, %rem3A, %ne3A_48 : i32
          %and3A = arith.andi %ne3A, %ne3A_49 : i1
          %sub3A = arith.constant 1 : i32
          %sub3A_50 = arith.subi %div3A, %sub3A : i32
          %select_n3A = arith.select %and3A, %sub3A_50, %div3A : i32
          %jit3A_51 = arith.constant 8 : i32
          %eq3A = arith.constant 0 : i32
          %eq3A_52 = arith.cmpi eq, %jit3A_51, %eq3A : i32
          %jit3A_53 = arith.constant 1 : i32
          %select_n3A_54 = arith.select %eq3A_52, %jit3A_53, %jit3A_51 : i32
          %rem3A_55 = arith.remsi %scan3A_34, %select_n3A_54 : i32
          %ne3A_56 = arith.constant 0 : i32
          %ne3A_57 = arith.cmpi ne, %rem3A_55, %ne3A_56 : i32
          %lt3A_58 = arith.constant 0 : i32
          %lt3A_59 = arith.cmpi slt, %rem3A_55, %lt3A_58 : i32
          %lt3A_60 = arith.constant 0 : i32
          %lt3A_61 = arith.cmpi slt, %select_n3A_54, %lt3A_60 : i32
          %ne3A_62 = arith.xori %lt3A_59, %lt3A_61 : i1
          %and3A_63 = arith.andi %ne3A_62, %ne3A_57 : i1
          %add3A_64 = arith.addi %rem3A_55, %select_n3A_54 : i32
          %select_n3A_65 = arith.select %and3A_63, %add3A_64, %rem3A_55 : i32
          %mul3A_66 = arith.constant 16 : i32
          %mul3A_67 = arith.muli %select_n3A_65, %mul3A_66 : i32
          %get3A = arith.index_cast %select_n3A : i32 to index
          %get3A_68 = arith.index_cast %mul3A_67 : i32 to index
          %get3A_69 = tpu.vector_load %arg9[%get3A, %get3A_68] {strides = array<i32>} : memref<4x128xi32, #tpu.memory_space<vmem>>, vector<16xi32>,
          %gather3A = tpu.vector_load_idx %arg12[%get3A_69] : memref<10000xf32, #tpu.memory_space<vmem>>[vector<16xi32>], vector<16xf32>,
          %iota3A = tpu.iota {dimensions = array<i32: 0>} : vector<16xi32>
          %mul3A_70 = arith.constant 0 : i32
          %mul3A_71 = vector.broadcast %mul3A_70 : i32 to vector<16xi32>
          %mul3A_72 = arith.muli %iota3A, %mul3A_71 : vector<16xi32>
          %add3A_73 = arith.constant 0 : i32
          %add3A_74 = vector.broadcast %add3A_73 : i32 to vector<16xi32>
          %add3A_75 = arith.addi %mul3A_72, %add3A_74 : vector<16xi32>
          %reshape3A = vector.shape_cast %add3A_75 : vector<16xi32> to vector<16x1xi32>
          %gather3A_76 = vector.shape_cast %reshape3A : vector<16x1xi32> to vector<16xi32>
          %gather3A_77 = tpu.dynamic_gather %gather3A[%gather3A_76] in [0] : vector<16xf32>, vector<16xi32> -> vector<16xf32>
          %mul3A_78 = arith.constant 16 : i32
          %mul3A_79 = arith.muli %scan3A_34, %mul3A_78 : i32
          %add3A_80 = arith.constant 0 : i32
          %add3A_81 = arith.addi %mul3A_79, %add3A_80 : i32
          %get3A_82 = arith.index_cast %add3A_81 : i32 to index
          %get3A_83 = arith.constant 0 : index
          %get3A_84 = tpu.vector_load %arg11[%get3A_82, %get3A_83] {strides = array<i32>} : memref<512x16xf32, #tpu.memory_space<vmem>>, vector<16xf32>,
          %mul3A_85 = arith.mulf %get3A_84, %gather3A_77 : vector<16xf32>
          %mul3A_86 = arith.constant 16 : i32
          %mul3A_87 = arith.muli %scan3A_34, %mul3A_86 : i32
          %add3A_88 = arith.constant 0 : i32
          %add3A_89 = arith.addi %mul3A_87, %add3A_88 : i32
          %swap3A = arith.index_cast %add3A_89 : i32 to index
          %swap3A_90 = arith.constant 0 : index
          %swap3A_91 = tpu.vector_load %arg11[%swap3A, %swap3A_90] {strides = array<i32>} : memref<512x16xf32, #tpu.memory_space<vmem>>, vector<16xf32>,
          tpu.vector_store %arg11[%swap3A, %swap3A_90], %mul3A_85 {strides = array<i32>} : memref<512x16xf32, #tpu.memory_space<vmem>>, vector<16xf32>,
          %add3A_92 = arith.constant 1 : i32
          %add3A_93 = vector.broadcast %add3A_92 : i32 to vector<16xi32>
          %add3A_94 = arith.addi %mul3A_72, %add3A_93 : vector<16xi32>
          %reshape3A_95 = vector.shape_cast %add3A_94 : vector<16xi32> to vector<16x1xi32>
          %gather3A_96 = vector.shape_cast %reshape3A_95 : vector<16x1xi32> to vector<16xi32>
          %gather3A_97 = tpu.dynamic_gather %gather3A[%gather3A_96] in [0] : vector<16xf32>, vector<16xi32> -> vector<16xf32>
          %mul3A_98 = arith.constant 16 : i32
          %mul3A_99 = arith.muli %scan3A_34, %mul3A_98 : i32
          %add3A_100 = arith.constant 1 : i32
          %add3A_101 = arith.addi %mul3A_99, %add3A_100 : i32
          %get3A_102 = arith.index_cast %add3A_101 : i32 to index
          %get3A_103 = arith.constant 0 : index
          %get3A_104 = tpu.vector_load %arg11[%get3A_102, %get3A_103] {strides = array<i32>} : memref<512x16xf32, #tpu.memory_space<vmem>>, vector<16xf32>,
          %mul3A_105 = arith.mulf %get3A_104, %gather3A_97 : vector<16xf32>
          %mul3A_106 = arith.constant 16 : i32
          %mul3A_107 = arith.muli %scan3A_34, %mul3A_106 : i32
          %add3A_108 = arith.constant 1 : i32
          %add3A_109 = arith.addi %mul3A_107, %add3A_108 : i32
          %swap3A_110 = arith.index_cast %add3A_109 : i32 to index
          %swap3A_111 = arith.constant 0 : index
          %swap3A_112 = tpu.vector_load %arg11[%swap3A_110, %swap3A_111] {strides = array<i32>} : memref<512x16xf32, #tpu.memory_space<vmem>>, vector<16xf32>,
          tpu.vector_store %arg11[%swap3A_110, %swap3A_111], %mul3A_105 {strides = array<i32>} : memref<512x16xf32, #tpu.memory_space<vmem>>, vector<16xf32>,
          %add3A_113 = arith.constant 2 : i32
          %add3A_114 = vector.broadcast %add3A_113 : i32 to vector<16xi32>
          %add3A_115 = arith.addi %mul3A_72, %add3A_114 : vector<16xi32>
          %reshape3A_116 = vector.shape_cast %add3A_115 : vector<16xi32> to vector<16x1xi32>
          %gather3A_117 = vector.shape_cast %reshape3A_116 : vector<16x1xi32> to vector<16xi32>
          %gather3A_118 = tpu.dynamic_gather %gather3A[%gather3A_117] in [0] : vector<16xf32>, vector<16xi32> -> vector<16xf32>
          %mul3A_119 = arith.constant 16 : i32
          %mul3A_120 = arith.muli %scan3A_34, %mul3A_119 : i32
          %add3A_121 = arith.constant 2 : i32
          %add3A_122 = arith.addi %mul3A_120, %add3A_121 : i32
          %get3A_123 = arith.index_cast %add3A_122 : i32 to index
          %get3A_124 = arith.constant 0 : index
          %get3A_125 = tpu.vector_load %arg11[%get3A_123, %get3A_124] {strides = array<i32>} : memref<512x16xf32, #tpu.memory_space<vmem>>, vector<16xf32>,
          %mul3A_126 = arith.mulf %get3A_125, %gather3A_118 : vector<16xf32>
          %mul3A_127 = arith.constant 16 : i32
          %mul3A_128 = arith.muli %scan3A_34, %mul3A_127 : i32
          %add3A_129 = arith.constant 2 : i32
          %add3A_130 = arith.addi %mul3A_128, %add3A_129 : i32
          %swap3A_131 = arith.index_cast %add3A_130 : i32 to index
          %swap3A_132 = arith.constant 0 : index
          %swap3A_133 = tpu.vector_load %arg11[%swap3A_131, %swap3A_132] {strides = array<i32>} : memref<512x16xf32, #tpu.memory_space<vmem>>, vector<16xf32>,
          tpu.vector_store %arg11[%swap3A_131, %swap3A_132], %mul3A_126 {strides = array<i32>} : memref<512x16xf32, #tpu.memory_space<vmem>>, vector<16xf32>,
          %add3A_134 = arith.constant 3 : i32
          %add3A_135 = vector.broadcast %add3A_134 : i32 to vector<16xi32>
          %add3A_136 = arith.addi %mul3A_72, %add3A_135 : vector<16xi32>
          %reshape3A_137 = vector.shape_cast %add3A_136 : vector<16xi32> to vector<16x1xi32>
          %gather3A_138 = vector.shape_cast %reshape3A_137 : vector<16x1xi32> to vector<16xi32>
          %gather3A_139 = tpu.dynamic_gather %gather3A[%gather3A_138] in [0] : vector<16xf32>, vector<16xi32> -> vector<16xf32>
          %mul3A_140 = arith.constant 16 : i32
          %mul3A_141 = arith.muli %scan3A_34, %mul3A_140 : i32
          %add3A_142 = arith.constant 3 : i32
          %add3A_143 = arith.addi %mul3A_141, %add3A_142 : i32
          %get3A_144 = arith.index_cast %add3A_143 : i32 to index
          %get3A_145 = arith.constant 0 : index
          %get3A_146 = tpu.vector_load %arg11[%get3A_144, %get3A_145] {strides = array<i32>} : memref<512x16xf32, #tpu.memory_space<vmem>>, vector<16xf32>,
          %mul3A_147 = arith.mulf %get3A_146, %gather3A_139 : vector<16xf32>
          %mul3A_148 = arith.constant 16 : i32
          %mul3A_149 = arith.muli %scan3A_34, %mul3A_148 : i32
          %add3A_150 = arith.constant 3 : i32
          %add3A_151 = arith.addi %mul3A_149, %add3A_150 : i32
          %swap3A_152 = arith.index_cast %add3A_151 : i32 to index
          %swap3A_153 = arith.constant 0 : index
          %swap3A_154 = tpu.vector_load %arg11[%swap3A_152, %swap3A_153] {strides = array<i32>} : memref<512x16xf32, #tpu.memory_space<vmem>>, vector<16xf32>,
          tpu.vector_store %arg11[%swap3A_152, %swap3A_153], %mul3A_147 {strides = array<i32>} : memref<512x16xf32, #tpu.memory_space<vmem>>, vector<16xf32>,
          %add3A_155 = arith.constant 4 : i32
          %add3A_156 = vector.broadcast %add3A_155 : i32 to vector<16xi32>
          %add3A_157 = arith.addi %mul3A_72, %add3A_156 : vector<16xi32>
          %reshape3A_158 = vector.shape_cast %add3A_157 : vector<16xi32> to vector<16x1xi32>
          %gather3A_159 = vector.shape_cast %reshape3A_158 : vector<16x1xi32> to vector<16xi32>
          %gather3A_160 = tpu.dynamic_gather %gather3A[%gather3A_159] in [0] : vector<16xf32>, vector<16xi32> -> vector<16xf32>
          %mul3A_161 = arith.constant 16 : i32
          %mul3A_162 = arith.muli %scan3A_34, %mul3A_161 : i32
          %add3A_163 = arith.constant 4 : i32
          %add3A_164 = arith.addi %mul3A_162, %add3A_163 : i32
          %get3A_165 = arith.index_cast %add3A_164 : i32 to index
          %get3A_166 = arith.constant 0 : index
          %get3A_167 = tpu.vector_load %arg11[%get3A_165, %get3A_166] {strides = array<i32>} : memref<512x16xf32, #tpu.memory_space<vmem>>, vector<16xf32>,
          %mul3A_168 = arith.mulf %get3A_167, %gather3A_160 : vector<16xf32>
          %mul3A_169 = arith.constant 16 : i32
          %mul3A_170 = arith.muli %scan3A_34, %mul3A_169 : i32
          %add3A_171 = arith.constant 4 : i32
          %add3A_172 = arith.addi %mul3A_170, %add3A_171 : i32
          %swap3A_173 = arith.index_cast %add3A_172 : i32 to index
          %swap3A_174 = arith.constant 0 : index
          %swap3A_175 = tpu.vector_load %arg11[%swap3A_173, %swap3A_174] {strides = array<i32>} : memref<512x16xf32, #tpu.memory_space<vmem>>, vector<16xf32>,
          tpu.vector_store %arg11[%swap3A_173, %swap3A_174], %mul3A_168 {strides = array<i32>} : memref<512x16xf32, #tpu.memory_space<vmem>>, vector<16xf32>,
          %add3A_176 = arith.constant 5 : i32
          %add3A_177 = vector.broadcast %add3A_176 : i32 to vector<16xi32>
          %add3A_178 = arith.addi %mul3A_72, %add3A_177 : vector<16xi32>
          %reshape3A_179 = vector.shape_cast %add3A_178 : vector<16xi32> to vector<16x1xi32>
          %gather3A_180 = vector.shape_cast %reshape3A_179 : vector<16x1xi32> to vector<16xi32>
          %gather3A_181 = tpu.dynamic_gather %gather3A[%gather3A_180] in [0] : vector<16xf32>, vector<16xi32> -> vector<16xf32>
          %mul3A_182 = arith.constant 16 : i32
          %mul3A_183 = arith.muli %scan3A_34, %mul3A_182 : i32
          %add3A_184 = arith.constant 5 : i32
          %add3A_185 = arith.addi %mul3A_183, %add3A_184 : i32
          %get3A_186 = arith.index_cast %add3A_185 : i32 to index
          %get3A_187 = arith.constant 0 : index
          %get3A_188 = tpu.vector_load %arg11[%get3A_186, %get3A_187] {strides = array<i32>} : memref<512x16xf32, #tpu.memory_space<vmem>>, vector<16xf32>,
          %mul3A_189 = arith.mulf %get3A_188, %gather3A_181 : vector<16xf32>
          %mul3A_190 = arith.constant 16 : i32
          %mul3A_191 = arith.muli %scan3A_34, %mul3A_190 : i32
          %add3A_192 = arith.constant 5 : i32
          %add3A_193 = arith.addi %mul3A_191, %add3A_192 : i32
          %swap3A_194 = arith.index_cast %add3A_193 : i32 to index
          %swap3A_195 = arith.constant 0 : index
          %swap3A_196 = tpu.vector_load %arg11[%swap3A_194, %swap3A_195] {strides = array<i32>} : memref<512x16xf32, #tpu.memory_space<vmem>>, vector<16xf32>,
          tpu.vector_store %arg11[%swap3A_194, %swap3A_195], %mul3A_189 {strides = array<i32>} : memref<512x16xf32, #tpu.memory_space<vmem>>, vector<16xf32>,
          %add3A_197 = arith.constant 6 : i32
          %add3A_198 = vector.broadcast %add3A_197 : i32 to vector<16xi32>
          %add3A_199 = arith.addi %mul3A_72, %add3A_198 : vector<16xi32>
          %reshape3A_200 = vector.shape_cast %add3A_199 : vector<16xi32> to vector<16x1xi32>
          %gather3A_201 = vector.shape_cast %reshape3A_200 : vector<16x1xi32> to vector<16xi32>
          %gather3A_202 = tpu.dynamic_gather %gather3A[%gather3A_201] in [0] : vector<16xf32>, vector<16xi32> -> vector<16xf32>
          %mul3A_203 = arith.constant 16 : i32
          %mul3A_204 = arith.muli %scan3A_34, %mul3A_203 : i32
          %add3A_205 = arith.constant 6 : i32
          %add3A_206 = arith.addi %mul3A_204, %add3A_205 : i32
          %get3A_207 = arith.index_cast %add3A_206 : i32 to index
          %get3A_208 = arith.constant 0 : index
          %get3A_209 = tpu.vector_load %arg11[%get3A_207, %get3A_208] {strides = array<i32>} : memref<512x16xf32, #tpu.memory_space<vmem>>, vector<16xf32>,
          %mul3A_210 = arith.mulf %get3A_209, %gather3A_202 : vector<16xf32>
          %mul3A_211 = arith.constant 16 : i32
          %mul3A_212 = arith.muli %scan3A_34, %mul3A_211 : i32
          %add3A_213 = arith.constant 6 : i32
          %add3A_214 = arith.addi %mul3A_212, %add3A_213 : i32
          %swap3A_215 = arith.index_cast %add3A_214 : i32 to index
          %swap3A_216 = arith.constant 0 : index
          %swap3A_217 = tpu.vector_load %arg11[%swap3A_215, %swap3A_216] {strides = array<i32>} : memref<512x16xf32, #tpu.memory_space<vmem>>, vector<16xf32>,
          tpu.vector_store %arg11[%swap3A_215, %swap3A_216], %mul3A_210 {strides = array<i32>} : memref<512x16xf32, #tpu.memory_space<vmem>>, vector<16xf32>,
          %add3A_218 = arith.constant 7 : i32
          %add3A_219 = vector.broadcast %add3A_218 : i32 to vector<16xi32>
          %add3A_220 = arith.addi %mul3A_72, %add3A_219 : vector<16xi32>
          %reshape3A_221 = vector.shape_cast %add3A_220 : vector<16xi32> to vector<16x1xi32>
          %gather3A_222 = vector.shape_cast %reshape3A_221 : vector<16x1xi32> to vector<16xi32>
          %gather3A_223 = tpu.dynamic_gather %gather3A[%gather3A_222] in [0] : vector<16xf32>, vector<16xi32> -> vector<16xf32>
          %mul3A_224 = arith.constant 16 : i32
          %mul3A_225 = arith.muli %scan3A_34, %mul3A_224 : i32
          %add3A_226 = arith.constant 7 : i32
          %add3A_227 = arith.addi %mul3A_225, %add3A_226 : i32
          %get3A_228 = arith.index_cast %add3A_227 : i32 to index
          %get3A_229 = arith.constant 0 : index
          %get3A_230 = tpu.vector_load %arg11[%get3A_228, %get3A_229] {strides = array<i32>} : memref<512x16xf32, #tpu.memory_space<vmem>>, vector<16xf32>,
          %mul3A_231 = arith.mulf %get3A_230, %gather3A_223 : vector<16xf32>
          %mul3A_232 = arith.constant 16 : i32
          %mul3A_233 = arith.muli %scan3A_34, %mul3A_232 : i32
          %add3A_234 = arith.constant 7 : i32
          %add3A_235 = arith.addi %mul3A_233, %add3A_234 : i32
          %swap3A_236 = arith.index_cast %add3A_235 : i32 to index
          %swap3A_237 = arith.constant 0 : index
          %swap3A_238 = tpu.vector_load %arg11[%swap3A_236, %swap3A_237] {strides = array<i32>} : memref<512x16xf32, #tpu.memory_space<vmem>>, vector<16xf32>,
          tpu.vector_store %arg11[%swap3A_236, %swap3A_237], %mul3A_231 {strides = array<i32>} : memref<512x16xf32, #tpu.memory_space<vmem>>, vector<16xf32>,
          %add3A_239 = arith.constant 8 : i32
          %add3A_240 = vector.broadcast %add3A_239 : i32 to vector<16xi32>
          %add3A_241 = arith.addi %mul3A_72, %add3A_240 : vector<16xi32>
          %reshape3A_242 = vector.shape_cast %add3A_241 : vector<16xi32> to vector<16x1xi32>
          %gather3A_243 = vector.shape_cast %reshape3A_242 : vector<16x1xi32> to vector<16xi32>
          %gather3A_244 = tpu.dynamic_gather %gather3A[%gather3A_243] in [0] : vector<16xf32>, vector<16xi32> -> vector<16xf32>
          %mul3A_245 = arith.constant 16 : i32
          %mul3A_246 = arith.muli %scan3A_34, %mul3A_245 : i32
          %add3A_247 = arith.constant 8 : i32
          %add3A_248 = arith.addi %mul3A_246, %add3A_247 : i32
          %get3A_249 = arith.index_cast %add3A_248 : i32 to index
          %get3A_250 = arith.constant 0 : index
          %get3A_251 = tpu.vector_load %arg11[%get3A_249, %get3A_250] {strides = array<i32>} : memref<512x16xf32, #tpu.memory_space<vmem>>, vector<16xf32>,
          %mul3A_252 = arith.mulf %get3A_251, %gather3A_244 : vector<16xf32>
          %mul3A_253 = arith.constant 16 : i32
          %mul3A_254 = arith.muli %scan3A_34, %mul3A_253 : i32
          %add3A_255 = arith.constant 8 : i32
          %add3A_256 = arith.addi %mul3A_254, %add3A_255 : i32
          %swap3A_257 = arith.index_cast %add3A_256 : i32 to index
          %swap3A_258 = arith.constant 0 : index
          %swap3A_259 = tpu.vector_load %arg11[%swap3A_257, %swap3A_258] {strides = array<i32>} : memref<512x16xf32, #tpu.memory_space<vmem>>, vector<16xf32>,
          tpu.vector_store %arg11[%swap3A_257, %swap3A_258], %mul3A_252 {strides = array<i32>} : memref<512x16xf32, #tpu.memory_space<vmem>>, vector<16xf32>,
          %add3A_260 = arith.constant 9 : i32
          %add3A_261 = vector.broadcast %add3A_260 : i32 to vector<16xi32>
          %add3A_262 = arith.addi %mul3A_72, %add3A_261 : vector<16xi32>
          %reshape3A_263 = vector.shape_cast %add3A_262 : vector<16xi32> to vector<16x1xi32>
          %gather3A_264 = vector.shape_cast %reshape3A_263 : vector<16x1xi32> to vector<16xi32>
          %gather3A_265 = tpu.dynamic_gather %gather3A[%gather3A_264] in [0] : vector<16xf32>, vector<16xi32> -> vector<16xf32>
          %mul3A_266 = arith.constant 16 : i32
          %mul3A_267 = arith.muli %scan3A_34, %mul3A_266 : i32
          %add3A_268 = arith.constant 9 : i32
          %add3A_269 = arith.addi %mul3A_267, %add3A_268 : i32
          %get3A_270 = arith.index_cast %add3A_269 : i32 to index
          %get3A_271 = arith.constant 0 : index
          %get3A_272 = tpu.vector_load %arg11[%get3A_270, %get3A_271] {strides = array<i32>} : memref<512x16xf32, #tpu.memory_space<vmem>>, vector<16xf32>,
          %mul3A_273 = arith.mulf %get3A_272, %gather3A_265 : vector<16xf32>
          %mul3A_274 = arith.constant 16 : i32
          %mul3A_275 = arith.muli %scan3A_34, %mul3A_274 : i32
          %add3A_276 = arith.constant 9 : i32
          %add3A_277 = arith.addi %mul3A_275, %add3A_276 : i32
          %swap3A_278 = arith.index_cast %add3A_277 : i32 to index
          %swap3A_279 = arith.constant 0 : index
          %swap3A_280 = tpu.vector_load %arg11[%swap3A_278, %swap3A_279] {strides = array<i32>} : memref<512x16xf32, #tpu.memory_space<vmem>>, vector<16xf32>,
          tpu.vector_store %arg11[%swap3A_278, %swap3A_279], %mul3A_273 {strides = array<i32>} : memref<512x16xf32, #tpu.memory_space<vmem>>, vector<16xf32>,
          %add3A_281 = arith.constant 10 : i32
          %add3A_282 = vector.broadcast %add3A_281 : i32 to vector<16xi32>
          %add3A_283 = arith.addi %mul3A_72, %add3A_282 : vector<16xi32>
          %reshape3A_284 = vector.shape_cast %add3A_283 : vector<16xi32> to vector<16x1xi32>
          %gather3A_285 = vector.shape_cast %reshape3A_284 : vector<16x1xi32> to vector<16xi32>
          %gather3A_286 = tpu.dynamic_gather %gather3A[%gather3A_285] in [0] : vector<16xf32>, vector<16xi32> -> vector<16xf32>
          %mul3A_287 = arith.constant 16 : i32
          %mul3A_288 = arith.muli %scan3A_34, %mul3A_287 : i32
          %add3A_289 = arith.constant 10 : i32
          %add3A_290 = arith.addi %mul3A_288, %add3A_289 : i32
          %get3A_291 = arith.index_cast %add3A_290 : i32 to index
          %get3A_292 = arith.constant 0 : index
          %get3A_293 = tpu.vector_load %arg11[%get3A_291, %get3A_292] {strides = array<i32>} : memref<512x16xf32, #tpu.memory_space<vmem>>, vector<16xf32>,
          %mul3A_294 = arith.mulf %get3A_293, %gather3A_286 : vector<16xf32>
          %mul3A_295 = arith.constant 16 : i32
          %mul3A_296 = arith.muli %scan3A_34, %mul3A_295 : i32
          %add3A_297 = arith.constant 10 : i32
          %add3A_298 = arith.addi %mul3A_296, %add3A_297 : i32
          %swap3A_299 = arith.index_cast %add3A_298 : i32 to index
          %swap3A_300 = arith.constant 0 : index
          %swap3A_301 = tpu.vector_load %arg11[%swap3A_299, %swap3A_300] {strides = array<i32>} : memref<512x16xf32, #tpu.memory_space<vmem>>, vector<16xf32>,
          tpu.vector_store %arg11[%swap3A_299, %swap3A_300], %mul3A_294 {strides = array<i32>} : memref<512x16xf32, #tpu.memory_space<vmem>>, vector<16xf32>,
          %add3A_302 = arith.constant 11 : i32
          %add3A_303 = vector.broadcast %add3A_302 : i32 to vector<16xi32>
          %add3A_304 = arith.addi %mul3A_72, %add3A_303 : vector<16xi32>
          %reshape3A_305 = vector.shape_cast %add3A_304 : vector<16xi32> to vector<16x1xi32>
          %gather3A_306 = vector.shape_cast %reshape3A_305 : vector<16x1xi32> to vector<16xi32>
          %gather3A_307 = tpu.dynamic_gather %gather3A[%gather3A_306] in [0] : vector<16xf32>, vector<16xi32> -> vector<16xf32>
          %mul3A_308 = arith.constant 16 : i32
          %mul3A_309 = arith.muli %scan3A_34, %mul3A_308 : i32
          %add3A_310 = arith.constant 11 : i32
          %add3A_311 = arith.addi %mul3A_309, %add3A_310 : i32
          %get3A_312 = arith.index_cast %add3A_311 : i32 to index
          %get3A_313 = arith.constant 0 : index
          %get3A_314 = tpu.vector_load %arg11[%get3A_312, %get3A_313] {strides = array<i32>} : memref<512x16xf32, #tpu.memory_space<vmem>>, vector<16xf32>,
          %mul3A_315 = arith.mulf %get3A_314, %gather3A_307 : vector<16xf32>
          %mul3A_316 = arith.constant 16 : i32
          %mul3A_317 = arith.muli %scan3A_34, %mul3A_316 : i32
          %add3A_318 = arith.constant 11 : i32
          %add3A_319 = arith.addi %mul3A_317, %add3A_318 : i32
          %swap3A_320 = arith.index_cast %add3A_319 : i32 to index
          %swap3A_321 = arith.constant 0 : index
          %swap3A_322 = tpu.vector_load %arg11[%swap3A_320, %swap3A_321] {strides = array<i32>} : memref<512x16xf32, #tpu.memory_space<vmem>>, vector<16xf32>,
          tpu.vector_store %arg11[%swap3A_320, %swap3A_321], %mul3A_315 {strides = array<i32>} : memref<512x16xf32, #tpu.memory_space<vmem>>, vector<16xf32>,
          %add3A_323 = arith.constant 12 : i32
          %add3A_324 = vector.broadcast %add3A_323 : i32 to vector<16xi32>
          %add3A_325 = arith.addi %mul3A_72, %add3A_324 : vector<16xi32>
          %reshape3A_326 = vector.shape_cast %add3A_325 : vector<16xi32> to vector<16x1xi32>
          %gather3A_327 = vector.shape_cast %reshape3A_326 : vector<16x1xi32> to vector<16xi32>
          %gather3A_328 = tpu.dynamic_gather %gather3A[%gather3A_327] in [0] : vector<16xf32>, vector<16xi32> -> vector<16xf32>
          %mul3A_329 = arith.constant 16 : i32
          %mul3A_330 = arith.muli %scan3A_34, %mul3A_329 : i32
          %add3A_331 = arith.constant 12 : i32
          %add3A_332 = arith.addi %mul3A_330, %add3A_331 : i32
          %get3A_333 = arith.index_cast %add3A_332 : i32 to index
          %get3A_334 = arith.constant 0 : index
          %get3A_335 = tpu.vector_load %arg11[%get3A_333, %get3A_334] {strides = array<i32>} : memref<512x16xf32, #tpu.memory_space<vmem>>, vector<16xf32>,
          %mul3A_336 = arith.mulf %get3A_335, %gather3A_328 : vector<16xf32>
          %mul3A_337 = arith.constant 16 : i32
          %mul3A_338 = arith.muli %scan3A_34, %mul3A_337 : i32
          %add3A_339 = arith.constant 12 : i32
          %add3A_340 = arith.addi %mul3A_338, %add3A_339 : i32
          %swap3A_341 = arith.index_cast %add3A_340 : i32 to index
          %swap3A_342 = arith.constant 0 : index
          %swap3A_343 = tpu.vector_load %arg11[%swap3A_341, %swap3A_342] {strides = array<i32>} : memref<512x16xf32, #tpu.memory_space<vmem>>, vector<16xf32>,
          tpu.vector_store %arg11[%swap3A_341, %swap3A_342], %mul3A_336 {strides = array<i32>} : memref<512x16xf32, #tpu.memory_space<vmem>>, vector<16xf32>,
          %add3A_344 = arith.constant 13 : i32
          %add3A_345 = vector.broadcast %add3A_344 : i32 to vector<16xi32>
          %add3A_346 = arith.addi %mul3A_72, %add3A_345 : vector<16xi32>
          %reshape3A_347 = vector.shape_cast %add3A_346 : vector<16xi32> to vector<16x1xi32>
          %gather3A_348 = vector.shape_cast %reshape3A_347 : vector<16x1xi32> to vector<16xi32>
          %gather3A_349 = tpu.dynamic_gather %gather3A[%gather3A_348] in [0] : vector<16xf32>, vector<16xi32> -> vector<16xf32>
          %mul3A_350 = arith.constant 16 : i32
          %mul3A_351 = arith.muli %scan3A_34, %mul3A_350 : i32
          %add3A_352 = arith.constant 13 : i32
          %add3A_353 = arith.addi %mul3A_351, %add3A_352 : i32
          %get3A_354 = arith.index_cast %add3A_353 : i32 to index
          %get3A_355 = arith.constant 0 : index
          %get3A_356 = tpu.vector_load %arg11[%get3A_354, %get3A_355] {strides = array<i32>} : memref<512x16xf32, #tpu.memory_space<vmem>>, vector<16xf32>,
          %mul3A_357 = arith.mulf %get3A_356, %gather3A_349 : vector<16xf32>
          %mul3A_358 = arith.constant 16 : i32
          %mul3A_359 = arith.muli %scan3A_34, %mul3A_358 : i32
          %add3A_360 = arith.constant 13 : i32
          %add3A_361 = arith.addi %mul3A_359, %add3A_360 : i32
          %swap3A_362 = arith.index_cast %add3A_361 : i32 to index
          %swap3A_363 = arith.constant 0 : index
          %swap3A_364 = tpu.vector_load %arg11[%swap3A_362, %swap3A_363] {strides = array<i32>} : memref<512x16xf32, #tpu.memory_space<vmem>>, vector<16xf32>,
          tpu.vector_store %arg11[%swap3A_362, %swap3A_363], %mul3A_357 {strides = array<i32>} : memref<512x16xf32, #tpu.memory_space<vmem>>, vector<16xf32>,
          %add3A_365 = arith.constant 14 : i32
          %add3A_366 = vector.broadcast %add3A_365 : i32 to vector<16xi32>
          %add3A_367 = arith.addi %mul3A_72, %add3A_366 : vector<16xi32>
          %reshape3A_368 = vector.shape_cast %add3A_367 : vector<16xi32> to vector<16x1xi32>
          %gather3A_369 = vector.shape_cast %reshape3A_368 : vector<16x1xi32> to vector<16xi32>
          %gather3A_370 = tpu.dynamic_gather %gather3A[%gather3A_369] in [0] : vector<16xf32>, vector<16xi32> -> vector<16xf32>
          %mul3A_371 = arith.constant 16 : i32
          %mul3A_372 = arith.muli %scan3A_34, %mul3A_371 : i32
          %add3A_373 = arith.constant 14 : i32
          %add3A_374 = arith.addi %mul3A_372, %add3A_373 : i32
          %get3A_375 = arith.index_cast %add3A_374 : i32 to index
          %get3A_376 = arith.constant 0 : index
          %get3A_377 = tpu.vector_load %arg11[%get3A_375, %get3A_376] {strides = array<i32>} : memref<512x16xf32, #tpu.memory_space<vmem>>, vector<16xf32>,
          %mul3A_378 = arith.mulf %get3A_377, %gather3A_370 : vector<16xf32>
          %mul3A_379 = arith.constant 16 : i32
          %mul3A_380 = arith.muli %scan3A_34, %mul3A_379 : i32
          %add3A_381 = arith.constant 14 : i32
          %add3A_382 = arith.addi %mul3A_380, %add3A_381 : i32
          %swap3A_383 = arith.index_cast %add3A_382 : i32 to index
          %swap3A_384 = arith.constant 0 : index
          %swap3A_385 = tpu.vector_load %arg11[%swap3A_383, %swap3A_384] {strides = array<i32>} : memref<512x16xf32, #tpu.memory_space<vmem>>, vector<16xf32>,
          tpu.vector_store %arg11[%swap3A_383, %swap3A_384], %mul3A_378 {strides = array<i32>} : memref<512x16xf32, #tpu.memory_space<vmem>>, vector<16xf32>,
          %add3A_386 = arith.constant 15 : i32
          %add3A_387 = vector.broadcast %add3A_386 : i32 to vector<16xi32>
          %add3A_388 = arith.addi %mul3A_72, %add3A_387 : vector<16xi32>
          %reshape3A_389 = vector.shape_cast %add3A_388 : vector<16xi32> to vector<16x1xi32>
          %gather3A_390 = vector.shape_cast %reshape3A_389 : vector<16x1xi32> to vector<16xi32>
          %gather3A_391 = tpu.dynamic_gather %gather3A[%gather3A_390] in [0] : vector<16xf32>, vector<16xi32> -> vector<16xf32>
          %mul3A_392 = arith.constant 16 : i32
          %mul3A_393 = arith.muli %scan3A_34, %mul3A_392 : i32
          %add3A_394 = arith.constant 15 : i32
          %add3A_395 = arith.addi %mul3A_393, %add3A_394 : i32
          %get3A_396 = arith.index_cast %add3A_395 : i32 to index
          %get3A_397 = arith.constant 0 : index
          %get3A_398 = tpu.vector_load %arg11[%get3A_396, %get3A_397] {strides = array<i32>} : memref<512x16xf32, #tpu.memory_space<vmem>>, vector<16xf32>,
          %mul3A_399 = arith.mulf %get3A_398, %gather3A_391 : vector<16xf32>
          %mul3A_400 = arith.constant 16 : i32
          %mul3A_401 = arith.muli %scan3A_34, %mul3A_400 : i32
          %add3A_402 = arith.constant 15 : i32
          %add3A_403 = arith.addi %mul3A_401, %add3A_402 : i32
          %swap3A_404 = arith.index_cast %add3A_403 : i32 to index
          %swap3A_405 = arith.constant 0 : index
          %swap3A_406 = tpu.vector_load %arg11[%swap3A_404, %swap3A_405] {strides = array<i32>} : memref<512x16xf32, #tpu.memory_space<vmem>>, vector<16xf32>,
          tpu.vector_store %arg11[%swap3A_404, %swap3A_405], %mul3A_399 {strides = array<i32>} : memref<512x16xf32, #tpu.memory_space<vmem>>, vector<16xf32>,
        }
        %scan3A_30 = arith.constant 32 : i32
        %run_scoped3A = arith.constant 0 : i32
        "tpu.region"() ({
          %run_scoped3A_34 = tpu.sem_alloc : memref<!tpu.dma_semaphore, #tpu.memory_space<semaphore_mem>>
          %dma_start3A_35 = arith.constant 0 : i32
          %dma_start3A_36 = arith.constant 0 : i32
          %dma_start3A_37 = tpu.memref_slice %arg11[%dma_start3A_35, %dma_start3A_36] : memref<512x16xf32, #tpu.memory_space<vmem>> -> memref<128x16xf32, #tpu.memory_space<vmem>>
          %dma_start3A_38 = arith.constant 0 : i32
          %dma_start3A_39 = tpu.memref_slice %arg10[%run_scoped3A, %dma_start3A_38] : memref<4x128xi32, #tpu.memory_space<vmem>> -> memref<1x128xi32, #tpu.memory_space<vmem>>
          %dma_start3A_40 = tpu.memref_squeeze %dma_start3A_39 : memref<1x128xi32, #tpu.memory_space<vmem>> -> memref<128xi32, #tpu.memory_space<vmem>>
          %dma_start3A_41 = arith.constant 0 : i32
          %dma_start3A_42 = arith.constant 0 : i32
          %dma_start3A_43 = tpu.memref_slice %arg8[%dma_start3A_41, %dma_start3A_42] : memref<10240x16xf32, #tpu.memory_space<vmem_shared>> -> memref<10240x16xf32, #tpu.memory_space<vmem_shared>>
          tpu.enqueue_indirect_dma source(%dma_start3A_37 : memref<128x16xf32, #tpu.memory_space<vmem>>) target(%dma_start3A_43 : memref<10240x16xf32, #tpu.memory_space<vmem_shared>>) offsets(%dma_start3A_40 : memref<128xi32, #tpu.memory_space<vmem>>) semaphore(%run_scoped3A_34 : memref<!tpu.dma_semaphore, #tpu.memory_space<semaphore_mem>>) {add = true}
          %dma_wait3A_44 = arith.constant 0 : i32
          %dma_wait3A_45 = arith.constant 0 : i32
          %dma_wait3A_46 = tpu.memref_slice %arg11[%dma_wait3A_44, %dma_wait3A_45] : memref<512x16xf32, #tpu.memory_space<vmem>> -> memref<128x16xf32, #tpu.memory_space<vmem>>
          %dma_wait3A_47 = arith.constant 0 : i32
          %dma_wait3A_48 = tpu.memref_slice %arg10[%run_scoped3A, %dma_wait3A_47] : memref<4x128xi32, #tpu.memory_space<vmem>> -> memref<1x128xi32, #tpu.memory_space<vmem>>
          %dma_wait3A_49 = tpu.memref_squeeze %dma_wait3A_48 : memref<1x128xi32, #tpu.memory_space<vmem>> -> memref<128xi32, #tpu.memory_space<vmem>>
          %dma_wait3A_50 = arith.constant 0 : i32
          %dma_wait3A_51 = arith.constant 0 : i32
          %dma_wait3A_52 = tpu.memref_slice %arg8[%dma_wait3A_50, %dma_wait3A_51] : memref<10240x16xf32, #tpu.memory_space<vmem_shared>> -> memref<10240x16xf32, #tpu.memory_space<vmem_shared>>
          tpu.wait_indirect_dma semaphore(%run_scoped3A_34 : memref<!tpu.dma_semaphore, #tpu.memory_space<semaphore_mem>>) src(%dma_wait3A_46 : memref<128x16xf32, #tpu.memory_space<vmem>>) dst(%dma_wait3A_52 : memref<10240x16xf32, #tpu.memory_space<vmem_shared>>)
          tpu.yield
        }) : () -> ()
        %run_scoped3A_31 = arith.constant 1 : i32
        "tpu.region"() ({
          %run_scoped3A_34 = tpu.sem_alloc : memref<!tpu.dma_semaphore, #tpu.memory_space<semaphore_mem>>
          %dma_start3A_35 = arith.constant 128 : i32
          %dma_start3A_36 = arith.constant 0 : i32
          %dma_start3A_37 = tpu.memref_slice %arg11[%dma_start3A_35, %dma_start3A_36] : memref<512x16xf32, #tpu.memory_space<vmem>> -> memref<128x16xf32, #tpu.memory_space<vmem>>
          %dma_start3A_38 = arith.constant 0 : i32
          %dma_start3A_39 = tpu.memref_slice %arg10[%run_scoped3A_31, %dma_start3A_38] : memref<4x128xi32, #tpu.memory_space<vmem>> -> memref<1x128xi32, #tpu.memory_space<vmem>>
          %dma_start3A_40 = tpu.memref_squeeze %dma_start3A_39 : memref<1x128xi32, #tpu.memory_space<vmem>> -> memref<128xi32, #tpu.memory_space<vmem>>
          %dma_start3A_41 = arith.constant 0 : i32
          %dma_start3A_42 = arith.constant 0 : i32
          %dma_start3A_43 = tpu.memref_slice %arg8[%dma_start3A_41, %dma_start3A_42] : memref<10240x16xf32, #tpu.memory_space<vmem_shared>> -> memref<10240x16xf32, #tpu.memory_space<vmem_shared>>
          tpu.enqueue_indirect_dma source(%dma_start3A_37 : memref<128x16xf32, #tpu.memory_space<vmem>>) target(%dma_start3A_43 : memref<10240x16xf32, #tpu.memory_space<vmem_shared>>) offsets(%dma_start3A_40 : memref<128xi32, #tpu.memory_space<vmem>>) semaphore(%run_scoped3A_34 : memref<!tpu.dma_semaphore, #tpu.memory_space<semaphore_mem>>) {add = true}
          %dma_wait3A_44 = arith.constant 128 : i32
          %dma_wait3A_45 = arith.constant 0 : i32
          %dma_wait3A_46 = tpu.memref_slice %arg11[%dma_wait3A_44, %dma_wait3A_45] : memref<512x16xf32, #tpu.memory_space<vmem>> -> memref<128x16xf32, #tpu.memory_space<vmem>>
          %dma_wait3A_47 = arith.constant 0 : i32
          %dma_wait3A_48 = tpu.memref_slice %arg10[%run_scoped3A_31, %dma_wait3A_47] : memref<4x128xi32, #tpu.memory_space<vmem>> -> memref<1x128xi32, #tpu.memory_space<vmem>>
          %dma_wait3A_49 = tpu.memref_squeeze %dma_wait3A_48 : memref<1x128xi32, #tpu.memory_space<vmem>> -> memref<128xi32, #tpu.memory_space<vmem>>
          %dma_wait3A_50 = arith.constant 0 : i32
          %dma_wait3A_51 = arith.constant 0 : i32
          %dma_wait3A_52 = tpu.memref_slice %arg8[%dma_wait3A_50, %dma_wait3A_51] : memref<10240x16xf32, #tpu.memory_space<vmem_shared>> -> memref<10240x16xf32, #tpu.memory_space<vmem_shared>>
          tpu.wait_indirect_dma semaphore(%run_scoped3A_34 : memref<!tpu.dma_semaphore, #tpu.memory_space<semaphore_mem>>) src(%dma_wait3A_46 : memref<128x16xf32, #tpu.memory_space<vmem>>) dst(%dma_wait3A_52 : memref<10240x16xf32, #tpu.memory_space<vmem_shared>>)
          tpu.yield
        }) : () -> ()
        %run_scoped3A_32 = arith.constant 2 : i32
        "tpu.region"() ({
          %run_scoped3A_34 = tpu.sem_alloc : memref<!tpu.dma_semaphore, #tpu.memory_space<semaphore_mem>>
          %dma_start3A_35 = arith.constant 256 : i32
          %dma_start3A_36 = arith.constant 0 : i32
          %dma_start3A_37 = tpu.memref_slice %arg11[%dma_start3A_35, %dma_start3A_36] : memref<512x16xf32, #tpu.memory_space<vmem>> -> memref<128x16xf32, #tpu.memory_space<vmem>>
          %dma_start3A_38 = arith.constant 0 : i32
          %dma_start3A_39 = tpu.memref_slice %arg10[%run_scoped3A_32, %dma_start3A_38] : memref<4x128xi32, #tpu.memory_space<vmem>> -> memref<1x128xi32, #tpu.memory_space<vmem>>
          %dma_start3A_40 = tpu.memref_squeeze %dma_start3A_39 : memref<1x128xi32, #tpu.memory_space<vmem>> -> memref<128xi32, #tpu.memory_space<vmem>>
          %dma_start3A_41 = arith.constant 0 : i32
          %dma_start3A_42 = arith.constant 0 : i32
          %dma_start3A_43 = tpu.memref_slice %arg8[%dma_start3A_41, %dma_start3A_42] : memref<10240x16xf32, #tpu.memory_space<vmem_shared>> -> memref<10240x16xf32, #tpu.memory_space<vmem_shared>>
          tpu.enqueue_indirect_dma source(%dma_start3A_37 : memref<128x16xf32, #tpu.memory_space<vmem>>) target(%dma_start3A_43 : memref<10240x16xf32, #tpu.memory_space<vmem_shared>>) offsets(%dma_start3A_40 : memref<128xi32, #tpu.memory_space<vmem>>) semaphore(%run_scoped3A_34 : memref<!tpu.dma_semaphore, #tpu.memory_space<semaphore_mem>>) {add = true}
          %dma_wait3A_44 = arith.constant 256 : i32
          %dma_wait3A_45 = arith.constant 0 : i32
          %dma_wait3A_46 = tpu.memref_slice %arg11[%dma_wait3A_44, %dma_wait3A_45] : memref<512x16xf32, #tpu.memory_space<vmem>> -> memref<128x16xf32, #tpu.memory_space<vmem>>
          %dma_wait3A_47 = arith.constant 0 : i32
          %dma_wait3A_48 = tpu.memref_slice %arg10[%run_scoped3A_32, %dma_wait3A_47] : memref<4x128xi32, #tpu.memory_space<vmem>> -> memref<1x128xi32, #tpu.memory_space<vmem>>
          %dma_wait3A_49 = tpu.memref_squeeze %dma_wait3A_48 : memref<1x128xi32, #tpu.memory_space<vmem>> -> memref<128xi32, #tpu.memory_space<vmem>>
          %dma_wait3A_50 = arith.constant 0 : i32
          %dma_wait3A_51 = arith.constant 0 : i32
          %dma_wait3A_52 = tpu.memref_slice %arg8[%dma_wait3A_50, %dma_wait3A_51] : memref<10240x16xf32, #tpu.memory_space<vmem_shared>> -> memref<10240x16xf32, #tpu.memory_space<vmem_shared>>
          tpu.wait_indirect_dma semaphore(%run_scoped3A_34 : memref<!tpu.dma_semaphore, #tpu.memory_space<semaphore_mem>>) src(%dma_wait3A_46 : memref<128x16xf32, #tpu.memory_space<vmem>>) dst(%dma_wait3A_52 : memref<10240x16xf32, #tpu.memory_space<vmem_shared>>)
          tpu.yield
        }) : () -> ()
        %run_scoped3A_33 = arith.constant 3 : i32
        "tpu.region"() ({
          %run_scoped3A_34 = tpu.sem_alloc : memref<!tpu.dma_semaphore, #tpu.memory_space<semaphore_mem>>
          %dma_start3A_35 = arith.constant 384 : i32
          %dma_start3A_36 = arith.constant 0 : i32
          %dma_start3A_37 = tpu.memref_slice %arg11[%dma_start3A_35, %dma_start3A_36] : memref<512x16xf32, #tpu.memory_space<vmem>> -> memref<128x16xf32, #tpu.memory_space<vmem>>
          %dma_start3A_38 = arith.constant 0 : i32
          %dma_start3A_39 = tpu.memref_slice %arg10[%run_scoped3A_33, %dma_start3A_38] : memref<4x128xi32, #tpu.memory_space<vmem>> -> memref<1x128xi32, #tpu.memory_space<vmem>>
          %dma_start3A_40 = tpu.memref_squeeze %dma_start3A_39 : memref<1x128xi32, #tpu.memory_space<vmem>> -> memref<128xi32, #tpu.memory_space<vmem>>
          %dma_start3A_41 = arith.constant 0 : i32
          %dma_start3A_42 = arith.constant 0 : i32
          %dma_start3A_43 = tpu.memref_slice %arg8[%dma_start3A_41, %dma_start3A_42] : memref<10240x16xf32, #tpu.memory_space<vmem_shared>> -> memref<10240x16xf32, #tpu.memory_space<vmem_shared>>
          tpu.enqueue_indirect_dma source(%dma_start3A_37 : memref<128x16xf32, #tpu.memory_space<vmem>>) target(%dma_start3A_43 : memref<10240x16xf32, #tpu.memory_space<vmem_shared>>) offsets(%dma_start3A_40 : memref<128xi32, #tpu.memory_space<vmem>>) semaphore(%run_scoped3A_34 : memref<!tpu.dma_semaphore, #tpu.memory_space<semaphore_mem>>) {add = true}
          %dma_wait3A_44 = arith.constant 384 : i32
          %dma_wait3A_45 = arith.constant 0 : i32
          %dma_wait3A_46 = tpu.memref_slice %arg11[%dma_wait3A_44, %dma_wait3A_45] : memref<512x16xf32, #tpu.memory_space<vmem>> -> memref<128x16xf32, #tpu.memory_space<vmem>>
          %dma_wait3A_47 = arith.constant 0 : i32
          %dma_wait3A_48 = tpu.memref_slice %arg10[%run_scoped3A_33, %dma_wait3A_47] : memref<4x128xi32, #tpu.memory_space<vmem>> -> memref<1x128xi32, #tpu.memory_space<vmem>>
          %dma_wait3A_49 = tpu.memref_squeeze %dma_wait3A_48 : memref<1x128xi32, #tpu.memory_space<vmem>> -> memref<128xi32, #tpu.memory_space<vmem>>
          %dma_wait3A_50 = arith.constant 0 : i32
          %dma_wait3A_51 = arith.constant 0 : i32
          %dma_wait3A_52 = tpu.memref_slice %arg8[%dma_wait3A_50, %dma_wait3A_51] : memref<10240x16xf32, #tpu.memory_space<vmem_shared>> -> memref<10240x16xf32, #tpu.memory_space<vmem_shared>>
          tpu.wait_indirect_dma semaphore(%run_scoped3A_34 : memref<!tpu.dma_semaphore, #tpu.memory_space<semaphore_mem>>) src(%dma_wait3A_46 : memref<128x16xf32, #tpu.memory_space<vmem>>) dst(%dma_wait3A_52 : memref<10240x16xf32, #tpu.memory_space<vmem_shared>>)
          tpu.yield
        }) : () -> ()
      } else {
      }
    }
    %scan3A_6 = arith.constant 20 : i32
    %barrier3A_7 = arith.constant 0 : index
    tpu.barrier barrier_id(%barrier3A_7)
    %mul3A_8 = arith.constant 640 : i32
    %mul3A_9 = arith.muli %arg1, %mul3A_8 : i32
    "tpu.region"() ({
      %run_scoped3A = tpu.sem_alloc : memref<!tpu.dma_semaphore, #tpu.memory_space<semaphore_mem>>
      %dma_start3A = arith.constant 0 : i32
      %dma_start3A_12 = tpu.memref_slice %arg8[%mul3A_9, %dma_start3A] : memref<10240x16xf32, #tpu.memory_space<vmem_shared>> -> memref<640x16xf32, #tpu.memory_space<vmem_shared>>
      %dma_start3A_13 = arith.constant 0 : i32
      %dma_start3A_14 = tpu.memref_slice %arg8[%mul3A_9, %dma_start3A_13] : memref<10240x16xf32, #tpu.memory_space<vmem_shared>> -> memref<640x16xf32, #tpu.memory_space<vmem_shared>>
      tpu.enqueue_dma source(%dma_start3A_14 : memref<640x16xf32, #tpu.memory_space<vmem_shared>>) target(%arg13 : memref<640x16xf32, #tpu.memory_space<vmem>>) target_semaphore(%run_scoped3A : memref<!tpu.dma_semaphore, #tpu.memory_space<semaphore_mem>>)
      %dma_wait3A = arith.constant 0 : i32
      %dma_wait3A_15 = tpu.memref_slice %arg8[%mul3A_9, %dma_wait3A] : memref<10240x16xf32, #tpu.memory_space<vmem_shared>> -> memref<640x16xf32, #tpu.memory_space<vmem_shared>>
      %dma_wait3A_16 = arith.constant 0 : i32
      %dma_wait3A_17 = tpu.memref_slice %arg8[%mul3A_9, %dma_wait3A_16] : memref<10240x16xf32, #tpu.memory_space<vmem_shared>> -> memref<640x16xf32, #tpu.memory_space<vmem_shared>>
      tpu.wait_dma2 semaphore(%run_scoped3A : memref<!tpu.dma_semaphore, #tpu.memory_space<semaphore_mem>>) src(%dma_wait3A_17 : memref<640x16xf32, #tpu.memory_space<vmem_shared>>) dst(%arg13 : memref<640x16xf32, #tpu.memory_space<vmem>>)
      tpu.yield
    }) : () -> ()
    %mul3A_10 = arith.constant 640 : i32
    %mul3A_11 = arith.muli %arg1, %mul3A_10 : i32
    "tpu.region"() ({
      %run_scoped3A = tpu.sem_alloc : memref<!tpu.dma_semaphore, #tpu.memory_space<semaphore_mem>>
      %dma_start3A = arith.constant 0 : i32
      %dma_start3A_12 = tpu.memref_slice %arg7[%arg0, %mul3A_11, %dma_start3A] : memref<2x10240x16xf32, #tpu.memory_space<hbm>> -> memref<1x640x16xf32, #tpu.memory_space<hbm>>
      %dma_start3A_13 = tpu.memref_squeeze %dma_start3A_12 : memref<1x640x16xf32, #tpu.memory_space<hbm>> -> memref<640x16xf32, #tpu.memory_space<hbm>>
      %dma_start3A_14 = arith.constant 0 : i32
      %dma_start3A_15 = tpu.memref_slice %arg7[%arg0, %mul3A_11, %dma_start3A_14] : memref<2x10240x16xf32, #tpu.memory_space<hbm>> -> memref<1x640x16xf32, #tpu.memory_space<hbm>>
      %dma_start3A_16 = tpu.memref_squeeze %dma_start3A_15 : memref<1x640x16xf32, #tpu.memory_space<hbm>> -> memref<640x16xf32, #tpu.memory_space<hbm>>
      tpu.enqueue_dma source(%arg13 : memref<640x16xf32, #tpu.memory_space<vmem>>) target(%dma_start3A_16 : memref<640x16xf32, #tpu.memory_space<hbm>>) target_semaphore(%run_scoped3A : memref<!tpu.dma_semaphore, #tpu.memory_space<semaphore_mem>>)
      %dma_wait3A = arith.constant 0 : i32
      %dma_wait3A_17 = tpu.memref_slice %arg7[%arg0, %mul3A_11, %dma_wait3A] : memref<2x10240x16xf32, #tpu.memory_space<hbm>> -> memref<1x640x16xf32, #tpu.memory_space<hbm>>
      %dma_wait3A_18 = tpu.memref_squeeze %dma_wait3A_17 : memref<1x640x16xf32, #tpu.memory_space<hbm>> -> memref<640x16xf32, #tpu.memory_space<hbm>>
      %dma_wait3A_19 = arith.constant 0 : i32
      %dma_wait3A_20 = tpu.memref_slice %arg7[%arg0, %mul3A_11, %dma_wait3A_19] : memref<2x10240x16xf32, #tpu.memory_space<hbm>> -> memref<1x640x16xf32, #tpu.memory_space<hbm>>
      %dma_wait3A_21 = tpu.memref_squeeze %dma_wait3A_20 : memref<1x640x16xf32, #tpu.memory_space<hbm>> -> memref<640x16xf32, #tpu.memory_space<hbm>>
      tpu.wait_dma2 semaphore(%run_scoped3A : memref<!tpu.dma_semaphore, #tpu.memory_space<semaphore_mem>>) src(%arg13 : memref<640x16xf32, #tpu.memory_space<vmem>>) dst(%dma_wait3A_21 : memref<640x16xf32, #tpu.memory_space<hbm>>)
      tpu.yield
    }) : () -> ()
    return
  }
}

#map = affine_map<(d0, d1) -> (0, 0)>
#map1 = affine_map<(d0, d1) -> (0, 0, 0)>
module attributes {stable_mosaic.version = 14 : i64} {
  func.func @_s_body(%arg0: i32, %arg1: i32, %arg2: memref<10000x128xf32, #tpu.memory_space<hbm>>, %arg3: memref<1250x2x128xi32, #tpu.memory_space<hbm>>, %arg4: memref<1250x2x128xi32, #tpu.memory_space<hbm>>, %arg5: memref<128x128xf32, #tpu.memory_space<hbm>>, %arg6: memref<2x10240x128xf32, #tpu.memory_space<hbm>>, %arg7: memref<10240x128xf32, #tpu.memory_space<vmem_shared>>, %arg8: memref<2x128xi32, #tpu.memory_space<vmem>>, %arg9: memref<2x128xi32, #tpu.memory_space<vmem>>, %arg10: memref<256x128xf32, #tpu.memory_space<vmem>>, %arg11: memref<!tpu.dma_semaphore, #tpu.memory_space<semaphore_mem>>) attributes {dimension_semantics = [#tpu.dimension_semantics<core_parallel>, #tpu.dimension_semantics<subcore_parallel>], iteration_bounds = array<i64: 2, 16>, scalar_prefetch = 0 : i64, scratch_operands = 5 : i64, tpu.core_type = #tpu.core_type<sc_vector_subcore>, window_params = [{transform_indices = #map}, {transform_indices = #map1}, {transform_indices = #map1}, {transform_indices = #map}, {transform_indices = #map1}]} {
    %mul3A = arith.constant 16 : i32
    %mul3A_0 = arith.muli %arg0, %mul3A : i32
    %add3A = arith.addi %mul3A_0, %arg1 : i32
    "tpu.region"() ({
      %run_scoped3A = tpu.sem_alloc : memref<!tpu.dma_semaphore, #tpu.memory_space<semaphore_mem>>
      %dma_start3A = arith.constant 0 : i32
      %dma_start3A_66 = arith.constant 0 : i32
      %dma_start3A_67 = tpu.memref_slice %arg10[%dma_start3A, %dma_start3A_66] : memref<256x128xf32, #tpu.memory_space<vmem>> -> memref<128x128xf32, #tpu.memory_space<vmem>>
      %dma_start3A_68 = arith.constant 0 : i32
      %dma_start3A_69 = arith.constant 0 : i32
      %dma_start3A_70 = tpu.memref_slice %arg10[%dma_start3A_68, %dma_start3A_69] : memref<256x128xf32, #tpu.memory_space<vmem>> -> memref<128x128xf32, #tpu.memory_space<vmem>>
      tpu.enqueue_dma source(%arg5 : memref<128x128xf32, #tpu.memory_space<hbm>>) target(%dma_start3A_70 : memref<128x128xf32, #tpu.memory_space<vmem>>) target_semaphore(%run_scoped3A : memref<!tpu.dma_semaphore, #tpu.memory_space<semaphore_mem>>)
      %dma_wait3A = arith.constant 0 : i32
      %dma_wait3A_71 = arith.constant 0 : i32
      %dma_wait3A_72 = tpu.memref_slice %arg10[%dma_wait3A, %dma_wait3A_71] : memref<256x128xf32, #tpu.memory_space<vmem>> -> memref<128x128xf32, #tpu.memory_space<vmem>>
      %dma_wait3A_73 = arith.constant 0 : i32
      %dma_wait3A_74 = arith.constant 0 : i32
      %dma_wait3A_75 = tpu.memref_slice %arg10[%dma_wait3A_73, %dma_wait3A_74] : memref<256x128xf32, #tpu.memory_space<vmem>> -> memref<128x128xf32, #tpu.memory_space<vmem>>
      tpu.wait_dma2 semaphore(%run_scoped3A : memref<!tpu.dma_semaphore, #tpu.memory_space<semaphore_mem>>) src(%arg5 : memref<128x128xf32, #tpu.memory_space<hbm>>) dst(%dma_wait3A_75 : memref<128x128xf32, #tpu.memory_space<vmem>>)
      tpu.yield
    }) : () -> ()
    %mul3A_1 = arith.constant 640 : i32
    %mul3A_2 = arith.muli %arg1, %mul3A_1 : i32
    %add3A_3 = arith.constant 0 : i32
    %add3A_4 = arith.addi %mul3A_2, %add3A_3 : i32
    "tpu.region"() ({
      %run_scoped3A = tpu.sem_alloc : memref<!tpu.dma_semaphore, #tpu.memory_space<semaphore_mem>>
      %dma_start3A = arith.constant 0 : i32
      %dma_start3A_66 = arith.constant 0 : i32
      %dma_start3A_67 = tpu.memref_slice %arg10[%dma_start3A, %dma_start3A_66] : memref<256x128xf32, #tpu.memory_space<vmem>> -> memref<128x128xf32, #tpu.memory_space<vmem>>
      %dma_start3A_68 = arith.constant 0 : i32
      %dma_start3A_69 = tpu.memref_slice %arg7[%add3A_4, %dma_start3A_68] : memref<10240x128xf32, #tpu.memory_space<vmem_shared>> -> memref<128x128xf32, #tpu.memory_space<vmem_shared>>
      %dma_start3A_70 = arith.constant 0 : i32
      %dma_start3A_71 = tpu.memref_slice %arg7[%add3A_4, %dma_start3A_70] : memref<10240x128xf32, #tpu.memory_space<vmem_shared>> -> memref<128x128xf32, #tpu.memory_space<vmem_shared>>
      %dma_start3A_72 = arith.constant 0 : i32
      %dma_start3A_73 = arith.constant 0 : i32
      %dma_start3A_74 = tpu.memref_slice %arg10[%dma_start3A_72, %dma_start3A_73] : memref<256x128xf32, #tpu.memory_space<vmem>> -> memref<128x128xf32, #tpu.memory_space<vmem>>
      tpu.enqueue_dma source(%dma_start3A_74 : memref<128x128xf32, #tpu.memory_space<vmem>>) target(%dma_start3A_71 : memref<128x128xf32, #tpu.memory_space<vmem_shared>>) target_semaphore(%run_scoped3A : memref<!tpu.dma_semaphore, #tpu.memory_space<semaphore_mem>>)
      %dma_wait3A = arith.constant 0 : i32
      %dma_wait3A_75 = arith.constant 0 : i32
      %dma_wait3A_76 = tpu.memref_slice %arg10[%dma_wait3A, %dma_wait3A_75] : memref<256x128xf32, #tpu.memory_space<vmem>> -> memref<128x128xf32, #tpu.memory_space<vmem>>
      %dma_wait3A_77 = arith.constant 0 : i32
      %dma_wait3A_78 = tpu.memref_slice %arg7[%add3A_4, %dma_wait3A_77] : memref<10240x128xf32, #tpu.memory_space<vmem_shared>> -> memref<128x128xf32, #tpu.memory_space<vmem_shared>>
      %dma_wait3A_79 = arith.constant 0 : i32
      %dma_wait3A_80 = tpu.memref_slice %arg7[%add3A_4, %dma_wait3A_79] : memref<10240x128xf32, #tpu.memory_space<vmem_shared>> -> memref<128x128xf32, #tpu.memory_space<vmem_shared>>
      %dma_wait3A_81 = arith.constant 0 : i32
      %dma_wait3A_82 = arith.constant 0 : i32
      %dma_wait3A_83 = tpu.memref_slice %arg10[%dma_wait3A_81, %dma_wait3A_82] : memref<256x128xf32, #tpu.memory_space<vmem>> -> memref<128x128xf32, #tpu.memory_space<vmem>>
      tpu.wait_dma2 semaphore(%run_scoped3A : memref<!tpu.dma_semaphore, #tpu.memory_space<semaphore_mem>>) src(%dma_wait3A_83 : memref<128x128xf32, #tpu.memory_space<vmem>>) dst(%dma_wait3A_80 : memref<128x128xf32, #tpu.memory_space<vmem_shared>>)
      tpu.yield
    }) : () -> ()
    %mul3A_5 = arith.constant 640 : i32
    %mul3A_6 = arith.muli %arg1, %mul3A_5 : i32
    %add3A_7 = arith.constant 128 : i32
    %add3A_8 = arith.addi %mul3A_6, %add3A_7 : i32
    "tpu.region"() ({
      %run_scoped3A = tpu.sem_alloc : memref<!tpu.dma_semaphore, #tpu.memory_space<semaphore_mem>>
      %dma_start3A = arith.constant 0 : i32
      %dma_start3A_66 = arith.constant 0 : i32
      %dma_start3A_67 = tpu.memref_slice %arg10[%dma_start3A, %dma_start3A_66] : memref<256x128xf32, #tpu.memory_space<vmem>> -> memref<128x128xf32, #tpu.memory_space<vmem>>
      %dma_start3A_68 = arith.constant 0 : i32
      %dma_start3A_69 = tpu.memref_slice %arg7[%add3A_8, %dma_start3A_68] : memref<10240x128xf32, #tpu.memory_space<vmem_shared>> -> memref<128x128xf32, #tpu.memory_space<vmem_shared>>
      %dma_start3A_70 = arith.constant 0 : i32
      %dma_start3A_71 = tpu.memref_slice %arg7[%add3A_8, %dma_start3A_70] : memref<10240x128xf32, #tpu.memory_space<vmem_shared>> -> memref<128x128xf32, #tpu.memory_space<vmem_shared>>
      %dma_start3A_72 = arith.constant 0 : i32
      %dma_start3A_73 = arith.constant 0 : i32
      %dma_start3A_74 = tpu.memref_slice %arg10[%dma_start3A_72, %dma_start3A_73] : memref<256x128xf32, #tpu.memory_space<vmem>> -> memref<128x128xf32, #tpu.memory_space<vmem>>
      tpu.enqueue_dma source(%dma_start3A_74 : memref<128x128xf32, #tpu.memory_space<vmem>>) target(%dma_start3A_71 : memref<128x128xf32, #tpu.memory_space<vmem_shared>>) target_semaphore(%run_scoped3A : memref<!tpu.dma_semaphore, #tpu.memory_space<semaphore_mem>>)
      %dma_wait3A = arith.constant 0 : i32
      %dma_wait3A_75 = arith.constant 0 : i32
      %dma_wait3A_76 = tpu.memref_slice %arg10[%dma_wait3A, %dma_wait3A_75] : memref<256x128xf32, #tpu.memory_space<vmem>> -> memref<128x128xf32, #tpu.memory_space<vmem>>
      %dma_wait3A_77 = arith.constant 0 : i32
      %dma_wait3A_78 = tpu.memref_slice %arg7[%add3A_8, %dma_wait3A_77] : memref<10240x128xf32, #tpu.memory_space<vmem_shared>> -> memref<128x128xf32, #tpu.memory_space<vmem_shared>>
      %dma_wait3A_79 = arith.constant 0 : i32
      %dma_wait3A_80 = tpu.memref_slice %arg7[%add3A_8, %dma_wait3A_79] : memref<10240x128xf32, #tpu.memory_space<vmem_shared>> -> memref<128x128xf32, #tpu.memory_space<vmem_shared>>
      %dma_wait3A_81 = arith.constant 0 : i32
      %dma_wait3A_82 = arith.constant 0 : i32
      %dma_wait3A_83 = tpu.memref_slice %arg10[%dma_wait3A_81, %dma_wait3A_82] : memref<256x128xf32, #tpu.memory_space<vmem>> -> memref<128x128xf32, #tpu.memory_space<vmem>>
      tpu.wait_dma2 semaphore(%run_scoped3A : memref<!tpu.dma_semaphore, #tpu.memory_space<semaphore_mem>>) src(%dma_wait3A_83 : memref<128x128xf32, #tpu.memory_space<vmem>>) dst(%dma_wait3A_80 : memref<128x128xf32, #tpu.memory_space<vmem_shared>>)
      tpu.yield
    }) : () -> ()
    %mul3A_9 = arith.constant 640 : i32
    %mul3A_10 = arith.muli %arg1, %mul3A_9 : i32
    %add3A_11 = arith.constant 256 : i32
    %add3A_12 = arith.addi %mul3A_10, %add3A_11 : i32
    "tpu.region"() ({
      %run_scoped3A = tpu.sem_alloc : memref<!tpu.dma_semaphore, #tpu.memory_space<semaphore_mem>>
      %dma_start3A = arith.constant 0 : i32
      %dma_start3A_66 = arith.constant 0 : i32
      %dma_start3A_67 = tpu.memref_slice %arg10[%dma_start3A, %dma_start3A_66] : memref<256x128xf32, #tpu.memory_space<vmem>> -> memref<128x128xf32, #tpu.memory_space<vmem>>
      %dma_start3A_68 = arith.constant 0 : i32
      %dma_start3A_69 = tpu.memref_slice %arg7[%add3A_12, %dma_start3A_68] : memref<10240x128xf32, #tpu.memory_space<vmem_shared>> -> memref<128x128xf32, #tpu.memory_space<vmem_shared>>
      %dma_start3A_70 = arith.constant 0 : i32
      %dma_start3A_71 = tpu.memref_slice %arg7[%add3A_12, %dma_start3A_70] : memref<10240x128xf32, #tpu.memory_space<vmem_shared>> -> memref<128x128xf32, #tpu.memory_space<vmem_shared>>
      %dma_start3A_72 = arith.constant 0 : i32
      %dma_start3A_73 = arith.constant 0 : i32
      %dma_start3A_74 = tpu.memref_slice %arg10[%dma_start3A_72, %dma_start3A_73] : memref<256x128xf32, #tpu.memory_space<vmem>> -> memref<128x128xf32, #tpu.memory_space<vmem>>
      tpu.enqueue_dma source(%dma_start3A_74 : memref<128x128xf32, #tpu.memory_space<vmem>>) target(%dma_start3A_71 : memref<128x128xf32, #tpu.memory_space<vmem_shared>>) target_semaphore(%run_scoped3A : memref<!tpu.dma_semaphore, #tpu.memory_space<semaphore_mem>>)
      %dma_wait3A = arith.constant 0 : i32
      %dma_wait3A_75 = arith.constant 0 : i32
      %dma_wait3A_76 = tpu.memref_slice %arg10[%dma_wait3A, %dma_wait3A_75] : memref<256x128xf32, #tpu.memory_space<vmem>> -> memref<128x128xf32, #tpu.memory_space<vmem>>
      %dma_wait3A_77 = arith.constant 0 : i32
      %dma_wait3A_78 = tpu.memref_slice %arg7[%add3A_12, %dma_wait3A_77] : memref<10240x128xf32, #tpu.memory_space<vmem_shared>> -> memref<128x128xf32, #tpu.memory_space<vmem_shared>>
      %dma_wait3A_79 = arith.constant 0 : i32
      %dma_wait3A_80 = tpu.memref_slice %arg7[%add3A_12, %dma_wait3A_79] : memref<10240x128xf32, #tpu.memory_space<vmem_shared>> -> memref<128x128xf32, #tpu.memory_space<vmem_shared>>
      %dma_wait3A_81 = arith.constant 0 : i32
      %dma_wait3A_82 = arith.constant 0 : i32
      %dma_wait3A_83 = tpu.memref_slice %arg10[%dma_wait3A_81, %dma_wait3A_82] : memref<256x128xf32, #tpu.memory_space<vmem>> -> memref<128x128xf32, #tpu.memory_space<vmem>>
      tpu.wait_dma2 semaphore(%run_scoped3A : memref<!tpu.dma_semaphore, #tpu.memory_space<semaphore_mem>>) src(%dma_wait3A_83 : memref<128x128xf32, #tpu.memory_space<vmem>>) dst(%dma_wait3A_80 : memref<128x128xf32, #tpu.memory_space<vmem_shared>>)
      tpu.yield
    }) : () -> ()
    %mul3A_13 = arith.constant 640 : i32
    %mul3A_14 = arith.muli %arg1, %mul3A_13 : i32
    %add3A_15 = arith.constant 384 : i32
    %add3A_16 = arith.addi %mul3A_14, %add3A_15 : i32
    "tpu.region"() ({
      %run_scoped3A = tpu.sem_alloc : memref<!tpu.dma_semaphore, #tpu.memory_space<semaphore_mem>>
      %dma_start3A = arith.constant 0 : i32
      %dma_start3A_66 = arith.constant 0 : i32
      %dma_start3A_67 = tpu.memref_slice %arg10[%dma_start3A, %dma_start3A_66] : memref<256x128xf32, #tpu.memory_space<vmem>> -> memref<128x128xf32, #tpu.memory_space<vmem>>
      %dma_start3A_68 = arith.constant 0 : i32
      %dma_start3A_69 = tpu.memref_slice %arg7[%add3A_16, %dma_start3A_68] : memref<10240x128xf32, #tpu.memory_space<vmem_shared>> -> memref<128x128xf32, #tpu.memory_space<vmem_shared>>
      %dma_start3A_70 = arith.constant 0 : i32
      %dma_start3A_71 = tpu.memref_slice %arg7[%add3A_16, %dma_start3A_70] : memref<10240x128xf32, #tpu.memory_space<vmem_shared>> -> memref<128x128xf32, #tpu.memory_space<vmem_shared>>
      %dma_start3A_72 = arith.constant 0 : i32
      %dma_start3A_73 = arith.constant 0 : i32
      %dma_start3A_74 = tpu.memref_slice %arg10[%dma_start3A_72, %dma_start3A_73] : memref<256x128xf32, #tpu.memory_space<vmem>> -> memref<128x128xf32, #tpu.memory_space<vmem>>
      tpu.enqueue_dma source(%dma_start3A_74 : memref<128x128xf32, #tpu.memory_space<vmem>>) target(%dma_start3A_71 : memref<128x128xf32, #tpu.memory_space<vmem_shared>>) target_semaphore(%run_scoped3A : memref<!tpu.dma_semaphore, #tpu.memory_space<semaphore_mem>>)
      %dma_wait3A = arith.constant 0 : i32
      %dma_wait3A_75 = arith.constant 0 : i32
      %dma_wait3A_76 = tpu.memref_slice %arg10[%dma_wait3A, %dma_wait3A_75] : memref<256x128xf32, #tpu.memory_space<vmem>> -> memref<128x128xf32, #tpu.memory_space<vmem>>
      %dma_wait3A_77 = arith.constant 0 : i32
      %dma_wait3A_78 = tpu.memref_slice %arg7[%add3A_16, %dma_wait3A_77] : memref<10240x128xf32, #tpu.memory_space<vmem_shared>> -> memref<128x128xf32, #tpu.memory_space<vmem_shared>>
      %dma_wait3A_79 = arith.constant 0 : i32
      %dma_wait3A_80 = tpu.memref_slice %arg7[%add3A_16, %dma_wait3A_79] : memref<10240x128xf32, #tpu.memory_space<vmem_shared>> -> memref<128x128xf32, #tpu.memory_space<vmem_shared>>
      %dma_wait3A_81 = arith.constant 0 : i32
      %dma_wait3A_82 = arith.constant 0 : i32
      %dma_wait3A_83 = tpu.memref_slice %arg10[%dma_wait3A_81, %dma_wait3A_82] : memref<256x128xf32, #tpu.memory_space<vmem>> -> memref<128x128xf32, #tpu.memory_space<vmem>>
      tpu.wait_dma2 semaphore(%run_scoped3A : memref<!tpu.dma_semaphore, #tpu.memory_space<semaphore_mem>>) src(%dma_wait3A_83 : memref<128x128xf32, #tpu.memory_space<vmem>>) dst(%dma_wait3A_80 : memref<128x128xf32, #tpu.memory_space<vmem_shared>>)
      tpu.yield
    }) : () -> ()
    %mul3A_17 = arith.constant 640 : i32
    %mul3A_18 = arith.muli %arg1, %mul3A_17 : i32
    %add3A_19 = arith.constant 512 : i32
    %add3A_20 = arith.addi %mul3A_18, %add3A_19 : i32
    "tpu.region"() ({
      %run_scoped3A = tpu.sem_alloc : memref<!tpu.dma_semaphore, #tpu.memory_space<semaphore_mem>>
      %dma_start3A = arith.constant 0 : i32
      %dma_start3A_66 = arith.constant 0 : i32
      %dma_start3A_67 = tpu.memref_slice %arg10[%dma_start3A, %dma_start3A_66] : memref<256x128xf32, #tpu.memory_space<vmem>> -> memref<128x128xf32, #tpu.memory_space<vmem>>
      %dma_start3A_68 = arith.constant 0 : i32
      %dma_start3A_69 = tpu.memref_slice %arg7[%add3A_20, %dma_start3A_68] : memref<10240x128xf32, #tpu.memory_space<vmem_shared>> -> memref<128x128xf32, #tpu.memory_space<vmem_shared>>
      %dma_start3A_70 = arith.constant 0 : i32
      %dma_start3A_71 = tpu.memref_slice %arg7[%add3A_20, %dma_start3A_70] : memref<10240x128xf32, #tpu.memory_space<vmem_shared>> -> memref<128x128xf32, #tpu.memory_space<vmem_shared>>
      %dma_start3A_72 = arith.constant 0 : i32
      %dma_start3A_73 = arith.constant 0 : i32
      %dma_start3A_74 = tpu.memref_slice %arg10[%dma_start3A_72, %dma_start3A_73] : memref<256x128xf32, #tpu.memory_space<vmem>> -> memref<128x128xf32, #tpu.memory_space<vmem>>
      tpu.enqueue_dma source(%dma_start3A_74 : memref<128x128xf32, #tpu.memory_space<vmem>>) target(%dma_start3A_71 : memref<128x128xf32, #tpu.memory_space<vmem_shared>>) target_semaphore(%run_scoped3A : memref<!tpu.dma_semaphore, #tpu.memory_space<semaphore_mem>>)
      %dma_wait3A = arith.constant 0 : i32
      %dma_wait3A_75 = arith.constant 0 : i32
      %dma_wait3A_76 = tpu.memref_slice %arg10[%dma_wait3A, %dma_wait3A_75] : memref<256x128xf32, #tpu.memory_space<vmem>> -> memref<128x128xf32, #tpu.memory_space<vmem>>
      %dma_wait3A_77 = arith.constant 0 : i32
      %dma_wait3A_78 = tpu.memref_slice %arg7[%add3A_20, %dma_wait3A_77] : memref<10240x128xf32, #tpu.memory_space<vmem_shared>> -> memref<128x128xf32, #tpu.memory_space<vmem_shared>>
      %dma_wait3A_79 = arith.constant 0 : i32
      %dma_wait3A_80 = tpu.memref_slice %arg7[%add3A_20, %dma_wait3A_79] : memref<10240x128xf32, #tpu.memory_space<vmem_shared>> -> memref<128x128xf32, #tpu.memory_space<vmem_shared>>
      %dma_wait3A_81 = arith.constant 0 : i32
      %dma_wait3A_82 = arith.constant 0 : i32
      %dma_wait3A_83 = tpu.memref_slice %arg10[%dma_wait3A_81, %dma_wait3A_82] : memref<256x128xf32, #tpu.memory_space<vmem>> -> memref<128x128xf32, #tpu.memory_space<vmem>>
      tpu.wait_dma2 semaphore(%run_scoped3A : memref<!tpu.dma_semaphore, #tpu.memory_space<semaphore_mem>>) src(%dma_wait3A_83 : memref<128x128xf32, #tpu.memory_space<vmem>>) dst(%dma_wait3A_80 : memref<128x128xf32, #tpu.memory_space<vmem_shared>>)
      tpu.yield
    }) : () -> ()
    %barrier3A = arith.constant 0 : index
    tpu.barrier barrier_id(%barrier3A)
    %scan3A = arith.constant 0 : i32
    %scan3A_21 = arith.constant 40 : i32
    %scan3A_22 = arith.addi %scan3A, %scan3A_21 : i32
    %scan3A_23 = arith.constant 1 : i32
    scf.for %scan3A_66 = %scan3A to %scan3A_22 step %scan3A_23  : i32 {
      %mul3A_67 = arith.constant 32 : i32
      %mul3A_68 = arith.muli %scan3A_66, %mul3A_67 : i32
      %add3A_69 = arith.addi %mul3A_68, %add3A : i32
      %lt3A = arith.constant 1250 : i32
      %lt3A_70 = arith.cmpi slt, %add3A_69, %lt3A : i32
      %convert_element_type3A = arith.extui %lt3A_70 : i1 to i32
      %cond3A = arith.constant 0 : i32
      %cond3A_71 = arith.cmpi ne, %convert_element_type3A, %cond3A : i32
      scf.if %cond3A_71 {
        "tpu.region"() ({
          %run_scoped3A_111 = tpu.sem_alloc : memref<!tpu.dma_semaphore, #tpu.memory_space<semaphore_mem>>
          %dma_start3A_112 = arith.constant 0 : i32
          %dma_start3A_113 = arith.constant 0 : i32
          %dma_start3A_114 = tpu.memref_slice %arg3[%add3A_69, %dma_start3A_112, %dma_start3A_113] : memref<1250x2x128xi32, #tpu.memory_space<hbm>> -> memref<1x2x128xi32, #tpu.memory_space<hbm>>
          %dma_start3A_115 = tpu.memref_squeeze %dma_start3A_114 : memref<1x2x128xi32, #tpu.memory_space<hbm>> -> memref<2x128xi32, #tpu.memory_space<hbm>>
          %dma_start3A_116 = arith.constant 0 : i32
          %dma_start3A_117 = arith.constant 0 : i32
          %dma_start3A_118 = tpu.memref_slice %arg3[%add3A_69, %dma_start3A_116, %dma_start3A_117] : memref<1250x2x128xi32, #tpu.memory_space<hbm>> -> memref<1x2x128xi32, #tpu.memory_space<hbm>>
          %dma_start3A_119 = tpu.memref_squeeze %dma_start3A_118 : memref<1x2x128xi32, #tpu.memory_space<hbm>> -> memref<2x128xi32, #tpu.memory_space<hbm>>
          tpu.enqueue_dma source(%dma_start3A_119 : memref<2x128xi32, #tpu.memory_space<hbm>>) target(%arg8 : memref<2x128xi32, #tpu.memory_space<vmem>>) target_semaphore(%run_scoped3A_111 : memref<!tpu.dma_semaphore, #tpu.memory_space<semaphore_mem>>)
          %dma_wait3A_120 = arith.constant 0 : i32
          %dma_wait3A_121 = arith.constant 0 : i32
          %dma_wait3A_122 = tpu.memref_slice %arg3[%add3A_69, %dma_wait3A_120, %dma_wait3A_121] : memref<1250x2x128xi32, #tpu.memory_space<hbm>> -> memref<1x2x128xi32, #tpu.memory_space<hbm>>
          %dma_wait3A_123 = tpu.memref_squeeze %dma_wait3A_122 : memref<1x2x128xi32, #tpu.memory_space<hbm>> -> memref<2x128xi32, #tpu.memory_space<hbm>>
          %dma_wait3A_124 = arith.constant 0 : i32
          %dma_wait3A_125 = arith.constant 0 : i32
          %dma_wait3A_126 = tpu.memref_slice %arg3[%add3A_69, %dma_wait3A_124, %dma_wait3A_125] : memref<1250x2x128xi32, #tpu.memory_space<hbm>> -> memref<1x2x128xi32, #tpu.memory_space<hbm>>
          %dma_wait3A_127 = tpu.memref_squeeze %dma_wait3A_126 : memref<1x2x128xi32, #tpu.memory_space<hbm>> -> memref<2x128xi32, #tpu.memory_space<hbm>>
          tpu.wait_dma2 semaphore(%run_scoped3A_111 : memref<!tpu.dma_semaphore, #tpu.memory_space<semaphore_mem>>) src(%dma_wait3A_127 : memref<2x128xi32, #tpu.memory_space<hbm>>) dst(%arg8 : memref<2x128xi32, #tpu.memory_space<vmem>>)
          tpu.yield
        }) : () -> ()
        "tpu.region"() ({
          %run_scoped3A_111 = tpu.sem_alloc : memref<!tpu.dma_semaphore, #tpu.memory_space<semaphore_mem>>
          %dma_start3A_112 = arith.constant 0 : i32
          %dma_start3A_113 = arith.constant 0 : i32
          %dma_start3A_114 = tpu.memref_slice %arg4[%add3A_69, %dma_start3A_112, %dma_start3A_113] : memref<1250x2x128xi32, #tpu.memory_space<hbm>> -> memref<1x2x128xi32, #tpu.memory_space<hbm>>
          %dma_start3A_115 = tpu.memref_squeeze %dma_start3A_114 : memref<1x2x128xi32, #tpu.memory_space<hbm>> -> memref<2x128xi32, #tpu.memory_space<hbm>>
          %dma_start3A_116 = arith.constant 0 : i32
          %dma_start3A_117 = arith.constant 0 : i32
          %dma_start3A_118 = tpu.memref_slice %arg4[%add3A_69, %dma_start3A_116, %dma_start3A_117] : memref<1250x2x128xi32, #tpu.memory_space<hbm>> -> memref<1x2x128xi32, #tpu.memory_space<hbm>>
          %dma_start3A_119 = tpu.memref_squeeze %dma_start3A_118 : memref<1x2x128xi32, #tpu.memory_space<hbm>> -> memref<2x128xi32, #tpu.memory_space<hbm>>
          tpu.enqueue_dma source(%dma_start3A_119 : memref<2x128xi32, #tpu.memory_space<hbm>>) target(%arg9 : memref<2x128xi32, #tpu.memory_space<vmem>>) target_semaphore(%run_scoped3A_111 : memref<!tpu.dma_semaphore, #tpu.memory_space<semaphore_mem>>)
          %dma_wait3A_120 = arith.constant 0 : i32
          %dma_wait3A_121 = arith.constant 0 : i32
          %dma_wait3A_122 = tpu.memref_slice %arg4[%add3A_69, %dma_wait3A_120, %dma_wait3A_121] : memref<1250x2x128xi32, #tpu.memory_space<hbm>> -> memref<1x2x128xi32, #tpu.memory_space<hbm>>
          %dma_wait3A_123 = tpu.memref_squeeze %dma_wait3A_122 : memref<1x2x128xi32, #tpu.memory_space<hbm>> -> memref<2x128xi32, #tpu.memory_space<hbm>>
          %dma_wait3A_124 = arith.constant 0 : i32
          %dma_wait3A_125 = arith.constant 0 : i32
          %dma_wait3A_126 = tpu.memref_slice %arg4[%add3A_69, %dma_wait3A_124, %dma_wait3A_125] : memref<1250x2x128xi32, #tpu.memory_space<hbm>> -> memref<1x2x128xi32, #tpu.memory_space<hbm>>
          %dma_wait3A_127 = tpu.memref_squeeze %dma_wait3A_126 : memref<1x2x128xi32, #tpu.memory_space<hbm>> -> memref<2x128xi32, #tpu.memory_space<hbm>>
          tpu.wait_dma2 semaphore(%run_scoped3A_111 : memref<!tpu.dma_semaphore, #tpu.memory_space<semaphore_mem>>) src(%dma_wait3A_127 : memref<2x128xi32, #tpu.memory_space<hbm>>) dst(%arg9 : memref<2x128xi32, #tpu.memory_space<vmem>>)
          tpu.yield
        }) : () -> ()
        %dma_start3A = arith.constant 0 : i32
        %dma_start3A_72 = arith.constant 0 : i32
        %dma_start3A_73 = arith.constant 0 : i32
        %dma_start3A_74 = tpu.memref_slice %arg10[%dma_start3A_72, %dma_start3A_73] : memref<256x128xf32, #tpu.memory_space<vmem>> -> memref<128x128xf32, #tpu.memory_space<vmem>>
        %dma_start3A_75 = arith.constant 0 : i32
        %dma_start3A_76 = tpu.memref_slice %arg8[%dma_start3A, %dma_start3A_75] : memref<2x128xi32, #tpu.memory_space<vmem>> -> memref<1x128xi32, #tpu.memory_space<vmem>>
        %dma_start3A_77 = tpu.memref_squeeze %dma_start3A_76 : memref<1x128xi32, #tpu.memory_space<vmem>> -> memref<128xi32, #tpu.memory_space<vmem>>
        %dma_start3A_78 = arith.constant 0 : i32
        %dma_start3A_79 = arith.constant 0 : i32
        %dma_start3A_80 = tpu.memref_slice %arg2[%dma_start3A_78, %dma_start3A_79] : memref<10000x128xf32, #tpu.memory_space<hbm>> -> memref<10000x128xf32, #tpu.memory_space<hbm>>
        tpu.enqueue_indirect_dma source(%dma_start3A_80 : memref<10000x128xf32, #tpu.memory_space<hbm>>) target(%dma_start3A_74 : memref<128x128xf32, #tpu.memory_space<vmem>>) offsets(%dma_start3A_77 : memref<128xi32, #tpu.memory_space<vmem>>) semaphore(%arg11 : memref<!tpu.dma_semaphore, #tpu.memory_space<semaphore_mem>>)
        %dma_start3A_81 = arith.constant 1 : i32
        %dma_start3A_82 = arith.constant 128 : i32
        %dma_start3A_83 = arith.constant 0 : i32
        %dma_start3A_84 = tpu.memref_slice %arg10[%dma_start3A_82, %dma_start3A_83] : memref<256x128xf32, #tpu.memory_space<vmem>> -> memref<128x128xf32, #tpu.memory_space<vmem>>
        %dma_start3A_85 = arith.constant 0 : i32
        %dma_start3A_86 = tpu.memref_slice %arg8[%dma_start3A_81, %dma_start3A_85] : memref<2x128xi32, #tpu.memory_space<vmem>> -> memref<1x128xi32, #tpu.memory_space<vmem>>
        %dma_start3A_87 = tpu.memref_squeeze %dma_start3A_86 : memref<1x128xi32, #tpu.memory_space<vmem>> -> memref<128xi32, #tpu.memory_space<vmem>>
        %dma_start3A_88 = arith.constant 0 : i32
        %dma_start3A_89 = arith.constant 0 : i32
        %dma_start3A_90 = tpu.memref_slice %arg2[%dma_start3A_88, %dma_start3A_89] : memref<10000x128xf32, #tpu.memory_space<hbm>> -> memref<10000x128xf32, #tpu.memory_space<hbm>>
        tpu.enqueue_indirect_dma source(%dma_start3A_90 : memref<10000x128xf32, #tpu.memory_space<hbm>>) target(%dma_start3A_84 : memref<128x128xf32, #tpu.memory_space<vmem>>) offsets(%dma_start3A_87 : memref<128xi32, #tpu.memory_space<vmem>>) semaphore(%arg11 : memref<!tpu.dma_semaphore, #tpu.memory_space<semaphore_mem>>)
        %dma_wait3A = arith.constant 0 : i32
        %dma_wait3A_91 = arith.constant 0 : i32
        %dma_wait3A_92 = arith.constant 0 : i32
        %dma_wait3A_93 = tpu.memref_slice %arg10[%dma_wait3A_91, %dma_wait3A_92] : memref<256x128xf32, #tpu.memory_space<vmem>> -> memref<128x128xf32, #tpu.memory_space<vmem>>
        %dma_wait3A_94 = arith.constant 0 : i32
        %dma_wait3A_95 = tpu.memref_slice %arg8[%dma_wait3A, %dma_wait3A_94] : memref<2x128xi32, #tpu.memory_space<vmem>> -> memref<1x128xi32, #tpu.memory_space<vmem>>
        %dma_wait3A_96 = tpu.memref_squeeze %dma_wait3A_95 : memref<1x128xi32, #tpu.memory_space<vmem>> -> memref<128xi32, #tpu.memory_space<vmem>>
        %dma_wait3A_97 = arith.constant 0 : i32
        %dma_wait3A_98 = arith.constant 0 : i32
        %dma_wait3A_99 = tpu.memref_slice %arg2[%dma_wait3A_97, %dma_wait3A_98] : memref<10000x128xf32, #tpu.memory_space<hbm>> -> memref<10000x128xf32, #tpu.memory_space<hbm>>
        tpu.wait_indirect_dma semaphore(%arg11 : memref<!tpu.dma_semaphore, #tpu.memory_space<semaphore_mem>>) src(%dma_wait3A_99 : memref<10000x128xf32, #tpu.memory_space<hbm>>) dst(%dma_wait3A_93 : memref<128x128xf32, #tpu.memory_space<vmem>>)
        %run_scoped3A = arith.constant 0 : i32
        "tpu.region"() ({
          %run_scoped3A_111 = tpu.sem_alloc : memref<!tpu.dma_semaphore, #tpu.memory_space<semaphore_mem>>
          %dma_start3A_112 = arith.constant 0 : i32
          %dma_start3A_113 = arith.constant 0 : i32
          %dma_start3A_114 = tpu.memref_slice %arg10[%dma_start3A_112, %dma_start3A_113] : memref<256x128xf32, #tpu.memory_space<vmem>> -> memref<128x128xf32, #tpu.memory_space<vmem>>
          %dma_start3A_115 = arith.constant 0 : i32
          %dma_start3A_116 = tpu.memref_slice %arg9[%run_scoped3A, %dma_start3A_115] : memref<2x128xi32, #tpu.memory_space<vmem>> -> memref<1x128xi32, #tpu.memory_space<vmem>>
          %dma_start3A_117 = tpu.memref_squeeze %dma_start3A_116 : memref<1x128xi32, #tpu.memory_space<vmem>> -> memref<128xi32, #tpu.memory_space<vmem>>
          %dma_start3A_118 = arith.constant 0 : i32
          %dma_start3A_119 = arith.constant 0 : i32
          %dma_start3A_120 = tpu.memref_slice %arg7[%dma_start3A_118, %dma_start3A_119] : memref<10240x128xf32, #tpu.memory_space<vmem_shared>> -> memref<10240x128xf32, #tpu.memory_space<vmem_shared>>
          tpu.enqueue_indirect_dma source(%dma_start3A_114 : memref<128x128xf32, #tpu.memory_space<vmem>>) target(%dma_start3A_120 : memref<10240x128xf32, #tpu.memory_space<vmem_shared>>) offsets(%dma_start3A_117 : memref<128xi32, #tpu.memory_space<vmem>>) semaphore(%run_scoped3A_111 : memref<!tpu.dma_semaphore, #tpu.memory_space<semaphore_mem>>) {add = true}
          %dma_wait3A_121 = arith.constant 0 : i32
          %dma_wait3A_122 = arith.constant 0 : i32
          %dma_wait3A_123 = tpu.memref_slice %arg10[%dma_wait3A_121, %dma_wait3A_122] : memref<256x128xf32, #tpu.memory_space<vmem>> -> memref<128x128xf32, #tpu.memory_space<vmem>>
          %dma_wait3A_124 = arith.constant 0 : i32
          %dma_wait3A_125 = tpu.memref_slice %arg9[%run_scoped3A, %dma_wait3A_124] : memref<2x128xi32, #tpu.memory_space<vmem>> -> memref<1x128xi32, #tpu.memory_space<vmem>>
          %dma_wait3A_126 = tpu.memref_squeeze %dma_wait3A_125 : memref<1x128xi32, #tpu.memory_space<vmem>> -> memref<128xi32, #tpu.memory_space<vmem>>
          %dma_wait3A_127 = arith.constant 0 : i32
          %dma_wait3A_128 = arith.constant 0 : i32
          %dma_wait3A_129 = tpu.memref_slice %arg7[%dma_wait3A_127, %dma_wait3A_128] : memref<10240x128xf32, #tpu.memory_space<vmem_shared>> -> memref<10240x128xf32, #tpu.memory_space<vmem_shared>>
          tpu.wait_indirect_dma semaphore(%run_scoped3A_111 : memref<!tpu.dma_semaphore, #tpu.memory_space<semaphore_mem>>) src(%dma_wait3A_123 : memref<128x128xf32, #tpu.memory_space<vmem>>) dst(%dma_wait3A_129 : memref<10240x128xf32, #tpu.memory_space<vmem_shared>>)
          tpu.yield
        }) : () -> ()
        %dma_wait3A_100 = arith.constant 1 : i32
        %dma_wait3A_101 = arith.constant 128 : i32
        %dma_wait3A_102 = arith.constant 0 : i32
        %dma_wait3A_103 = tpu.memref_slice %arg10[%dma_wait3A_101, %dma_wait3A_102] : memref<256x128xf32, #tpu.memory_space<vmem>> -> memref<128x128xf32, #tpu.memory_space<vmem>>
        %dma_wait3A_104 = arith.constant 0 : i32
        %dma_wait3A_105 = tpu.memref_slice %arg8[%dma_wait3A_100, %dma_wait3A_104] : memref<2x128xi32, #tpu.memory_space<vmem>> -> memref<1x128xi32, #tpu.memory_space<vmem>>
        %dma_wait3A_106 = tpu.memref_squeeze %dma_wait3A_105 : memref<1x128xi32, #tpu.memory_space<vmem>> -> memref<128xi32, #tpu.memory_space<vmem>>
        %dma_wait3A_107 = arith.constant 0 : i32
        %dma_wait3A_108 = arith.constant 0 : i32
        %dma_wait3A_109 = tpu.memref_slice %arg2[%dma_wait3A_107, %dma_wait3A_108] : memref<10000x128xf32, #tpu.memory_space<hbm>> -> memref<10000x128xf32, #tpu.memory_space<hbm>>
        tpu.wait_indirect_dma semaphore(%arg11 : memref<!tpu.dma_semaphore, #tpu.memory_space<semaphore_mem>>) src(%dma_wait3A_109 : memref<10000x128xf32, #tpu.memory_space<hbm>>) dst(%dma_wait3A_103 : memref<128x128xf32, #tpu.memory_space<vmem>>)
        %run_scoped3A_110 = arith.constant 1 : i32
        "tpu.region"() ({
          %run_scoped3A_111 = tpu.sem_alloc : memref<!tpu.dma_semaphore, #tpu.memory_space<semaphore_mem>>
          %dma_start3A_112 = arith.constant 128 : i32
          %dma_start3A_113 = arith.constant 0 : i32
          %dma_start3A_114 = tpu.memref_slice %arg10[%dma_start3A_112, %dma_start3A_113] : memref<256x128xf32, #tpu.memory_space<vmem>> -> memref<128x128xf32, #tpu.memory_space<vmem>>
          %dma_start3A_115 = arith.constant 0 : i32
          %dma_start3A_116 = tpu.memref_slice %arg9[%run_scoped3A_110, %dma_start3A_115] : memref<2x128xi32, #tpu.memory_space<vmem>> -> memref<1x128xi32, #tpu.memory_space<vmem>>
          %dma_start3A_117 = tpu.memref_squeeze %dma_start3A_116 : memref<1x128xi32, #tpu.memory_space<vmem>> -> memref<128xi32, #tpu.memory_space<vmem>>
          %dma_start3A_118 = arith.constant 0 : i32
          %dma_start3A_119 = arith.constant 0 : i32
          %dma_start3A_120 = tpu.memref_slice %arg7[%dma_start3A_118, %dma_start3A_119] : memref<10240x128xf32, #tpu.memory_space<vmem_shared>> -> memref<10240x128xf32, #tpu.memory_space<vmem_shared>>
          tpu.enqueue_indirect_dma source(%dma_start3A_114 : memref<128x128xf32, #tpu.memory_space<vmem>>) target(%dma_start3A_120 : memref<10240x128xf32, #tpu.memory_space<vmem_shared>>) offsets(%dma_start3A_117 : memref<128xi32, #tpu.memory_space<vmem>>) semaphore(%run_scoped3A_111 : memref<!tpu.dma_semaphore, #tpu.memory_space<semaphore_mem>>) {add = true}
          %dma_wait3A_121 = arith.constant 128 : i32
          %dma_wait3A_122 = arith.constant 0 : i32
          %dma_wait3A_123 = tpu.memref_slice %arg10[%dma_wait3A_121, %dma_wait3A_122] : memref<256x128xf32, #tpu.memory_space<vmem>> -> memref<128x128xf32, #tpu.memory_space<vmem>>
          %dma_wait3A_124 = arith.constant 0 : i32
          %dma_wait3A_125 = tpu.memref_slice %arg9[%run_scoped3A_110, %dma_wait3A_124] : memref<2x128xi32, #tpu.memory_space<vmem>> -> memref<1x128xi32, #tpu.memory_space<vmem>>
          %dma_wait3A_126 = tpu.memref_squeeze %dma_wait3A_125 : memref<1x128xi32, #tpu.memory_space<vmem>> -> memref<128xi32, #tpu.memory_space<vmem>>
          %dma_wait3A_127 = arith.constant 0 : i32
          %dma_wait3A_128 = arith.constant 0 : i32
          %dma_wait3A_129 = tpu.memref_slice %arg7[%dma_wait3A_127, %dma_wait3A_128] : memref<10240x128xf32, #tpu.memory_space<vmem_shared>> -> memref<10240x128xf32, #tpu.memory_space<vmem_shared>>
          tpu.wait_indirect_dma semaphore(%run_scoped3A_111 : memref<!tpu.dma_semaphore, #tpu.memory_space<semaphore_mem>>) src(%dma_wait3A_123 : memref<128x128xf32, #tpu.memory_space<vmem>>) dst(%dma_wait3A_129 : memref<10240x128xf32, #tpu.memory_space<vmem_shared>>)
          tpu.yield
        }) : () -> ()
      } else {
      }
    }
    %scan3A_24 = arith.constant 40 : i32
    %barrier3A_25 = arith.constant 0 : index
    tpu.barrier barrier_id(%barrier3A_25)
    %mul3A_26 = arith.constant 640 : i32
    %mul3A_27 = arith.muli %arg1, %mul3A_26 : i32
    %add3A_28 = arith.constant 0 : i32
    %add3A_29 = arith.addi %mul3A_27, %add3A_28 : i32
    "tpu.region"() ({
      %run_scoped3A = tpu.sem_alloc : memref<!tpu.dma_semaphore, #tpu.memory_space<semaphore_mem>>
      %dma_start3A = arith.constant 0 : i32
      %dma_start3A_66 = arith.constant 0 : i32
      %dma_start3A_67 = tpu.memref_slice %arg10[%dma_start3A, %dma_start3A_66] : memref<256x128xf32, #tpu.memory_space<vmem>> -> memref<128x128xf32, #tpu.memory_space<vmem>>
      %dma_start3A_68 = arith.constant 0 : i32
      %dma_start3A_69 = tpu.memref_slice %arg7[%add3A_29, %dma_start3A_68] : memref<10240x128xf32, #tpu.memory_space<vmem_shared>> -> memref<128x128xf32, #tpu.memory_space<vmem_shared>>
      %dma_start3A_70 = arith.constant 0 : i32
      %dma_start3A_71 = arith.constant 0 : i32
      %dma_start3A_72 = tpu.memref_slice %arg10[%dma_start3A_70, %dma_start3A_71] : memref<256x128xf32, #tpu.memory_space<vmem>> -> memref<128x128xf32, #tpu.memory_space<vmem>>
      %dma_start3A_73 = arith.constant 0 : i32
      %dma_start3A_74 = tpu.memref_slice %arg7[%add3A_29, %dma_start3A_73] : memref<10240x128xf32, #tpu.memory_space<vmem_shared>> -> memref<128x128xf32, #tpu.memory_space<vmem_shared>>
      tpu.enqueue_dma source(%dma_start3A_74 : memref<128x128xf32, #tpu.memory_space<vmem_shared>>) target(%dma_start3A_72 : memref<128x128xf32, #tpu.memory_space<vmem>>) target_semaphore(%run_scoped3A : memref<!tpu.dma_semaphore, #tpu.memory_space<semaphore_mem>>)
      %dma_wait3A = arith.constant 0 : i32
      %dma_wait3A_75 = arith.constant 0 : i32
      %dma_wait3A_76 = tpu.memref_slice %arg10[%dma_wait3A, %dma_wait3A_75] : memref<256x128xf32, #tpu.memory_space<vmem>> -> memref<128x128xf32, #tpu.memory_space<vmem>>
      %dma_wait3A_77 = arith.constant 0 : i32
      %dma_wait3A_78 = tpu.memref_slice %arg7[%add3A_29, %dma_wait3A_77] : memref<10240x128xf32, #tpu.memory_space<vmem_shared>> -> memref<128x128xf32, #tpu.memory_space<vmem_shared>>
      %dma_wait3A_79 = arith.constant 0 : i32
      %dma_wait3A_80 = arith.constant 0 : i32
      %dma_wait3A_81 = tpu.memref_slice %arg10[%dma_wait3A_79, %dma_wait3A_80] : memref<256x128xf32, #tpu.memory_space<vmem>> -> memref<128x128xf32, #tpu.memory_space<vmem>>
      %dma_wait3A_82 = arith.constant 0 : i32
      %dma_wait3A_83 = tpu.memref_slice %arg7[%add3A_29, %dma_wait3A_82] : memref<10240x128xf32, #tpu.memory_space<vmem_shared>> -> memref<128x128xf32, #tpu.memory_space<vmem_shared>>
      tpu.wait_dma2 semaphore(%run_scoped3A : memref<!tpu.dma_semaphore, #tpu.memory_space<semaphore_mem>>) src(%dma_wait3A_83 : memref<128x128xf32, #tpu.memory_space<vmem_shared>>) dst(%dma_wait3A_81 : memref<128x128xf32, #tpu.memory_space<vmem>>)
      tpu.yield
    }) : () -> ()
    %mul3A_30 = arith.constant 640 : i32
    %mul3A_31 = arith.muli %arg1, %mul3A_30 : i32
    %add3A_32 = arith.constant 0 : i32
    %add3A_33 = arith.addi %mul3A_31, %add3A_32 : i32
    "tpu.region"() ({
      %run_scoped3A = tpu.sem_alloc : memref<!tpu.dma_semaphore, #tpu.memory_space<semaphore_mem>>
      %dma_start3A = arith.constant 0 : i32
      %dma_start3A_66 = arith.constant 0 : i32
      %dma_start3A_67 = tpu.memref_slice %arg10[%dma_start3A, %dma_start3A_66] : memref<256x128xf32, #tpu.memory_space<vmem>> -> memref<128x128xf32, #tpu.memory_space<vmem>>
      %dma_start3A_68 = arith.constant 0 : i32
      %dma_start3A_69 = tpu.memref_slice %arg6[%arg0, %add3A_33, %dma_start3A_68] : memref<2x10240x128xf32, #tpu.memory_space<hbm>> -> memref<1x128x128xf32, #tpu.memory_space<hbm>>
      %dma_start3A_70 = tpu.memref_squeeze %dma_start3A_69 : memref<1x128x128xf32, #tpu.memory_space<hbm>> -> memref<128x128xf32, #tpu.memory_space<hbm>>
      %dma_start3A_71 = arith.constant 0 : i32
      %dma_start3A_72 = tpu.memref_slice %arg6[%arg0, %add3A_33, %dma_start3A_71] : memref<2x10240x128xf32, #tpu.memory_space<hbm>> -> memref<1x128x128xf32, #tpu.memory_space<hbm>>
      %dma_start3A_73 = tpu.memref_squeeze %dma_start3A_72 : memref<1x128x128xf32, #tpu.memory_space<hbm>> -> memref<128x128xf32, #tpu.memory_space<hbm>>
      %dma_start3A_74 = arith.constant 0 : i32
      %dma_start3A_75 = arith.constant 0 : i32
      %dma_start3A_76 = tpu.memref_slice %arg10[%dma_start3A_74, %dma_start3A_75] : memref<256x128xf32, #tpu.memory_space<vmem>> -> memref<128x128xf32, #tpu.memory_space<vmem>>
      tpu.enqueue_dma source(%dma_start3A_76 : memref<128x128xf32, #tpu.memory_space<vmem>>) target(%dma_start3A_73 : memref<128x128xf32, #tpu.memory_space<hbm>>) target_semaphore(%run_scoped3A : memref<!tpu.dma_semaphore, #tpu.memory_space<semaphore_mem>>)
      %dma_wait3A = arith.constant 0 : i32
      %dma_wait3A_77 = arith.constant 0 : i32
      %dma_wait3A_78 = tpu.memref_slice %arg10[%dma_wait3A, %dma_wait3A_77] : memref<256x128xf32, #tpu.memory_space<vmem>> -> memref<128x128xf32, #tpu.memory_space<vmem>>
      %dma_wait3A_79 = arith.constant 0 : i32
      %dma_wait3A_80 = tpu.memref_slice %arg6[%arg0, %add3A_33, %dma_wait3A_79] : memref<2x10240x128xf32, #tpu.memory_space<hbm>> -> memref<1x128x128xf32, #tpu.memory_space<hbm>>
      %dma_wait3A_81 = tpu.memref_squeeze %dma_wait3A_80 : memref<1x128x128xf32, #tpu.memory_space<hbm>> -> memref<128x128xf32, #tpu.memory_space<hbm>>
      %dma_wait3A_82 = arith.constant 0 : i32
      %dma_wait3A_83 = tpu.memref_slice %arg6[%arg0, %add3A_33, %dma_wait3A_82] : memref<2x10240x128xf32, #tpu.memory_space<hbm>> -> memref<1x128x128xf32, #tpu.memory_space<hbm>>
      %dma_wait3A_84 = tpu.memref_squeeze %dma_wait3A_83 : memref<1x128x128xf32, #tpu.memory_space<hbm>> -> memref<128x128xf32, #tpu.memory_space<hbm>>
      %dma_wait3A_85 = arith.constant 0 : i32
      %dma_wait3A_86 = arith.constant 0 : i32
      %dma_wait3A_87 = tpu.memref_slice %arg10[%dma_wait3A_85, %dma_wait3A_86] : memref<256x128xf32, #tpu.memory_space<vmem>> -> memref<128x128xf32, #tpu.memory_space<vmem>>
      tpu.wait_dma2 semaphore(%run_scoped3A : memref<!tpu.dma_semaphore, #tpu.memory_space<semaphore_mem>>) src(%dma_wait3A_87 : memref<128x128xf32, #tpu.memory_space<vmem>>) dst(%dma_wait3A_84 : memref<128x128xf32, #tpu.memory_space<hbm>>)
      tpu.yield
    }) : () -> ()
    %mul3A_34 = arith.constant 640 : i32
    %mul3A_35 = arith.muli %arg1, %mul3A_34 : i32
    %add3A_36 = arith.constant 128 : i32
    %add3A_37 = arith.addi %mul3A_35, %add3A_36 : i32
    "tpu.region"() ({
      %run_scoped3A = tpu.sem_alloc : memref<!tpu.dma_semaphore, #tpu.memory_space<semaphore_mem>>
      %dma_start3A = arith.constant 0 : i32
      %dma_start3A_66 = arith.constant 0 : i32
      %dma_start3A_67 = tpu.memref_slice %arg10[%dma_start3A, %dma_start3A_66] : memref<256x128xf32, #tpu.memory_space<vmem>> -> memref<128x128xf32, #tpu.memory_space<vmem>>
      %dma_start3A_68 = arith.constant 0 : i32
      %dma_start3A_69 = tpu.memref_slice %arg7[%add3A_37, %dma_start3A_68] : memref<10240x128xf32, #tpu.memory_space<vmem_shared>> -> memref<128x128xf32, #tpu.memory_space<vmem_shared>>
      %dma_start3A_70 = arith.constant 0 : i32
      %dma_start3A_71 = arith.constant 0 : i32
      %dma_start3A_72 = tpu.memref_slice %arg10[%dma_start3A_70, %dma_start3A_71] : memref<256x128xf32, #tpu.memory_space<vmem>> -> memref<128x128xf32, #tpu.memory_space<vmem>>
      %dma_start3A_73 = arith.constant 0 : i32
      %dma_start3A_74 = tpu.memref_slice %arg7[%add3A_37, %dma_start3A_73] : memref<10240x128xf32, #tpu.memory_space<vmem_shared>> -> memref<128x128xf32, #tpu.memory_space<vmem_shared>>
      tpu.enqueue_dma source(%dma_start3A_74 : memref<128x128xf32, #tpu.memory_space<vmem_shared>>) target(%dma_start3A_72 : memref<128x128xf32, #tpu.memory_space<vmem>>) target_semaphore(%run_scoped3A : memref<!tpu.dma_semaphore, #tpu.memory_space<semaphore_mem>>)
      %dma_wait3A = arith.constant 0 : i32
      %dma_wait3A_75 = arith.constant 0 : i32
      %dma_wait3A_76 = tpu.memref_slice %arg10[%dma_wait3A, %dma_wait3A_75] : memref<256x128xf32, #tpu.memory_space<vmem>> -> memref<128x128xf32, #tpu.memory_space<vmem>>
      %dma_wait3A_77 = arith.constant 0 : i32
      %dma_wait3A_78 = tpu.memref_slice %arg7[%add3A_37, %dma_wait3A_77] : memref<10240x128xf32, #tpu.memory_space<vmem_shared>> -> memref<128x128xf32, #tpu.memory_space<vmem_shared>>
      %dma_wait3A_79 = arith.constant 0 : i32
      %dma_wait3A_80 = arith.constant 0 : i32
      %dma_wait3A_81 = tpu.memref_slice %arg10[%dma_wait3A_79, %dma_wait3A_80] : memref<256x128xf32, #tpu.memory_space<vmem>> -> memref<128x128xf32, #tpu.memory_space<vmem>>
      %dma_wait3A_82 = arith.constant 0 : i32
      %dma_wait3A_83 = tpu.memref_slice %arg7[%add3A_37, %dma_wait3A_82] : memref<10240x128xf32, #tpu.memory_space<vmem_shared>> -> memref<128x128xf32, #tpu.memory_space<vmem_shared>>
      tpu.wait_dma2 semaphore(%run_scoped3A : memref<!tpu.dma_semaphore, #tpu.memory_space<semaphore_mem>>) src(%dma_wait3A_83 : memref<128x128xf32, #tpu.memory_space<vmem_shared>>) dst(%dma_wait3A_81 : memref<128x128xf32, #tpu.memory_space<vmem>>)
      tpu.yield
    }) : () -> ()
    %mul3A_38 = arith.constant 640 : i32
    %mul3A_39 = arith.muli %arg1, %mul3A_38 : i32
    %add3A_40 = arith.constant 128 : i32
    %add3A_41 = arith.addi %mul3A_39, %add3A_40 : i32
    "tpu.region"() ({
      %run_scoped3A = tpu.sem_alloc : memref<!tpu.dma_semaphore, #tpu.memory_space<semaphore_mem>>
      %dma_start3A = arith.constant 0 : i32
      %dma_start3A_66 = arith.constant 0 : i32
      %dma_start3A_67 = tpu.memref_slice %arg10[%dma_start3A, %dma_start3A_66] : memref<256x128xf32, #tpu.memory_space<vmem>> -> memref<128x128xf32, #tpu.memory_space<vmem>>
      %dma_start3A_68 = arith.constant 0 : i32
      %dma_start3A_69 = tpu.memref_slice %arg6[%arg0, %add3A_41, %dma_start3A_68] : memref<2x10240x128xf32, #tpu.memory_space<hbm>> -> memref<1x128x128xf32, #tpu.memory_space<hbm>>
      %dma_start3A_70 = tpu.memref_squeeze %dma_start3A_69 : memref<1x128x128xf32, #tpu.memory_space<hbm>> -> memref<128x128xf32, #tpu.memory_space<hbm>>
      %dma_start3A_71 = arith.constant 0 : i32
      %dma_start3A_72 = tpu.memref_slice %arg6[%arg0, %add3A_41, %dma_start3A_71] : memref<2x10240x128xf32, #tpu.memory_space<hbm>> -> memref<1x128x128xf32, #tpu.memory_space<hbm>>
      %dma_start3A_73 = tpu.memref_squeeze %dma_start3A_72 : memref<1x128x128xf32, #tpu.memory_space<hbm>> -> memref<128x128xf32, #tpu.memory_space<hbm>>
      %dma_start3A_74 = arith.constant 0 : i32
      %dma_start3A_75 = arith.constant 0 : i32
      %dma_start3A_76 = tpu.memref_slice %arg10[%dma_start3A_74, %dma_start3A_75] : memref<256x128xf32, #tpu.memory_space<vmem>> -> memref<128x128xf32, #tpu.memory_space<vmem>>
      tpu.enqueue_dma source(%dma_start3A_76 : memref<128x128xf32, #tpu.memory_space<vmem>>) target(%dma_start3A_73 : memref<128x128xf32, #tpu.memory_space<hbm>>) target_semaphore(%run_scoped3A : memref<!tpu.dma_semaphore, #tpu.memory_space<semaphore_mem>>)
      %dma_wait3A = arith.constant 0 : i32
      %dma_wait3A_77 = arith.constant 0 : i32
      %dma_wait3A_78 = tpu.memref_slice %arg10[%dma_wait3A, %dma_wait3A_77] : memref<256x128xf32, #tpu.memory_space<vmem>> -> memref<128x128xf32, #tpu.memory_space<vmem>>
      %dma_wait3A_79 = arith.constant 0 : i32
      %dma_wait3A_80 = tpu.memref_slice %arg6[%arg0, %add3A_41, %dma_wait3A_79] : memref<2x10240x128xf32, #tpu.memory_space<hbm>> -> memref<1x128x128xf32, #tpu.memory_space<hbm>>
      %dma_wait3A_81 = tpu.memref_squeeze %dma_wait3A_80 : memref<1x128x128xf32, #tpu.memory_space<hbm>> -> memref<128x128xf32, #tpu.memory_space<hbm>>
      %dma_wait3A_82 = arith.constant 0 : i32
      %dma_wait3A_83 = tpu.memref_slice %arg6[%arg0, %add3A_41, %dma_wait3A_82] : memref<2x10240x128xf32, #tpu.memory_space<hbm>> -> memref<1x128x128xf32, #tpu.memory_space<hbm>>
      %dma_wait3A_84 = tpu.memref_squeeze %dma_wait3A_83 : memref<1x128x128xf32, #tpu.memory_space<hbm>> -> memref<128x128xf32, #tpu.memory_space<hbm>>
      %dma_wait3A_85 = arith.constant 0 : i32
      %dma_wait3A_86 = arith.constant 0 : i32
      %dma_wait3A_87 = tpu.memref_slice %arg10[%dma_wait3A_85, %dma_wait3A_86] : memref<256x128xf32, #tpu.memory_space<vmem>> -> memref<128x128xf32, #tpu.memory_space<vmem>>
      tpu.wait_dma2 semaphore(%run_scoped3A : memref<!tpu.dma_semaphore, #tpu.memory_space<semaphore_mem>>) src(%dma_wait3A_87 : memref<128x128xf32, #tpu.memory_space<vmem>>) dst(%dma_wait3A_84 : memref<128x128xf32, #tpu.memory_space<hbm>>)
      tpu.yield
    }) : () -> ()
    %mul3A_42 = arith.constant 640 : i32
    %mul3A_43 = arith.muli %arg1, %mul3A_42 : i32
    %add3A_44 = arith.constant 256 : i32
    %add3A_45 = arith.addi %mul3A_43, %add3A_44 : i32
    "tpu.region"() ({
      %run_scoped3A = tpu.sem_alloc : memref<!tpu.dma_semaphore, #tpu.memory_space<semaphore_mem>>
      %dma_start3A = arith.constant 0 : i32
      %dma_start3A_66 = arith.constant 0 : i32
      %dma_start3A_67 = tpu.memref_slice %arg10[%dma_start3A, %dma_start3A_66] : memref<256x128xf32, #tpu.memory_space<vmem>> -> memref<128x128xf32, #tpu.memory_space<vmem>>
      %dma_start3A_68 = arith.constant 0 : i32
      %dma_start3A_69 = tpu.memref_slice %arg7[%add3A_45, %dma_start3A_68] : memref<10240x128xf32, #tpu.memory_space<vmem_shared>> -> memref<128x128xf32, #tpu.memory_space<vmem_shared>>
      %dma_start3A_70 = arith.constant 0 : i32
      %dma_start3A_71 = arith.constant 0 : i32
      %dma_start3A_72 = tpu.memref_slice %arg10[%dma_start3A_70, %dma_start3A_71] : memref<256x128xf32, #tpu.memory_space<vmem>> -> memref<128x128xf32, #tpu.memory_space<vmem>>
      %dma_start3A_73 = arith.constant 0 : i32
      %dma_start3A_74 = tpu.memref_slice %arg7[%add3A_45, %dma_start3A_73] : memref<10240x128xf32, #tpu.memory_space<vmem_shared>> -> memref<128x128xf32, #tpu.memory_space<vmem_shared>>
      tpu.enqueue_dma source(%dma_start3A_74 : memref<128x128xf32, #tpu.memory_space<vmem_shared>>) target(%dma_start3A_72 : memref<128x128xf32, #tpu.memory_space<vmem>>) target_semaphore(%run_scoped3A : memref<!tpu.dma_semaphore, #tpu.memory_space<semaphore_mem>>)
      %dma_wait3A = arith.constant 0 : i32
      %dma_wait3A_75 = arith.constant 0 : i32
      %dma_wait3A_76 = tpu.memref_slice %arg10[%dma_wait3A, %dma_wait3A_75] : memref<256x128xf32, #tpu.memory_space<vmem>> -> memref<128x128xf32, #tpu.memory_space<vmem>>
      %dma_wait3A_77 = arith.constant 0 : i32
      %dma_wait3A_78 = tpu.memref_slice %arg7[%add3A_45, %dma_wait3A_77] : memref<10240x128xf32, #tpu.memory_space<vmem_shared>> -> memref<128x128xf32, #tpu.memory_space<vmem_shared>>
      %dma_wait3A_79 = arith.constant 0 : i32
      %dma_wait3A_80 = arith.constant 0 : i32
      %dma_wait3A_81 = tpu.memref_slice %arg10[%dma_wait3A_79, %dma_wait3A_80] : memref<256x128xf32, #tpu.memory_space<vmem>> -> memref<128x128xf32, #tpu.memory_space<vmem>>
      %dma_wait3A_82 = arith.constant 0 : i32
      %dma_wait3A_83 = tpu.memref_slice %arg7[%add3A_45, %dma_wait3A_82] : memref<10240x128xf32, #tpu.memory_space<vmem_shared>> -> memref<128x128xf32, #tpu.memory_space<vmem_shared>>
      tpu.wait_dma2 semaphore(%run_scoped3A : memref<!tpu.dma_semaphore, #tpu.memory_space<semaphore_mem>>) src(%dma_wait3A_83 : memref<128x128xf32, #tpu.memory_space<vmem_shared>>) dst(%dma_wait3A_81 : memref<128x128xf32, #tpu.memory_space<vmem>>)
      tpu.yield
    }) : () -> ()
    %mul3A_46 = arith.constant 640 : i32
    %mul3A_47 = arith.muli %arg1, %mul3A_46 : i32
    %add3A_48 = arith.constant 256 : i32
    %add3A_49 = arith.addi %mul3A_47, %add3A_48 : i32
    "tpu.region"() ({
      %run_scoped3A = tpu.sem_alloc : memref<!tpu.dma_semaphore, #tpu.memory_space<semaphore_mem>>
      %dma_start3A = arith.constant 0 : i32
      %dma_start3A_66 = arith.constant 0 : i32
      %dma_start3A_67 = tpu.memref_slice %arg10[%dma_start3A, %dma_start3A_66] : memref<256x128xf32, #tpu.memory_space<vmem>> -> memref<128x128xf32, #tpu.memory_space<vmem>>
      %dma_start3A_68 = arith.constant 0 : i32
      %dma_start3A_69 = tpu.memref_slice %arg6[%arg0, %add3A_49, %dma_start3A_68] : memref<2x10240x128xf32, #tpu.memory_space<hbm>> -> memref<1x128x128xf32, #tpu.memory_space<hbm>>
      %dma_start3A_70 = tpu.memref_squeeze %dma_start3A_69 : memref<1x128x128xf32, #tpu.memory_space<hbm>> -> memref<128x128xf32, #tpu.memory_space<hbm>>
      %dma_start3A_71 = arith.constant 0 : i32
      %dma_start3A_72 = tpu.memref_slice %arg6[%arg0, %add3A_49, %dma_start3A_71] : memref<2x10240x128xf32, #tpu.memory_space<hbm>> -> memref<1x128x128xf32, #tpu.memory_space<hbm>>
      %dma_start3A_73 = tpu.memref_squeeze %dma_start3A_72 : memref<1x128x128xf32, #tpu.memory_space<hbm>> -> memref<128x128xf32, #tpu.memory_space<hbm>>
      %dma_start3A_74 = arith.constant 0 : i32
      %dma_start3A_75 = arith.constant 0 : i32
      %dma_start3A_76 = tpu.memref_slice %arg10[%dma_start3A_74, %dma_start3A_75] : memref<256x128xf32, #tpu.memory_space<vmem>> -> memref<128x128xf32, #tpu.memory_space<vmem>>
      tpu.enqueue_dma source(%dma_start3A_76 : memref<128x128xf32, #tpu.memory_space<vmem>>) target(%dma_start3A_73 : memref<128x128xf32, #tpu.memory_space<hbm>>) target_semaphore(%run_scoped3A : memref<!tpu.dma_semaphore, #tpu.memory_space<semaphore_mem>>)
      %dma_wait3A = arith.constant 0 : i32
      %dma_wait3A_77 = arith.constant 0 : i32
      %dma_wait3A_78 = tpu.memref_slice %arg10[%dma_wait3A, %dma_wait3A_77] : memref<256x128xf32, #tpu.memory_space<vmem>> -> memref<128x128xf32, #tpu.memory_space<vmem>>
      %dma_wait3A_79 = arith.constant 0 : i32
      %dma_wait3A_80 = tpu.memref_slice %arg6[%arg0, %add3A_49, %dma_wait3A_79] : memref<2x10240x128xf32, #tpu.memory_space<hbm>> -> memref<1x128x128xf32, #tpu.memory_space<hbm>>
      %dma_wait3A_81 = tpu.memref_squeeze %dma_wait3A_80 : memref<1x128x128xf32, #tpu.memory_space<hbm>> -> memref<128x128xf32, #tpu.memory_space<hbm>>
      %dma_wait3A_82 = arith.constant 0 : i32
      %dma_wait3A_83 = tpu.memref_slice %arg6[%arg0, %add3A_49, %dma_wait3A_82] : memref<2x10240x128xf32, #tpu.memory_space<hbm>> -> memref<1x128x128xf32, #tpu.memory_space<hbm>>
      %dma_wait3A_84 = tpu.memref_squeeze %dma_wait3A_83 : memref<1x128x128xf32, #tpu.memory_space<hbm>> -> memref<128x128xf32, #tpu.memory_space<hbm>>
      %dma_wait3A_85 = arith.constant 0 : i32
      %dma_wait3A_86 = arith.constant 0 : i32
      %dma_wait3A_87 = tpu.memref_slice %arg10[%dma_wait3A_85, %dma_wait3A_86] : memref<256x128xf32, #tpu.memory_space<vmem>> -> memref<128x128xf32, #tpu.memory_space<vmem>>
      tpu.wait_dma2 semaphore(%run_scoped3A : memref<!tpu.dma_semaphore, #tpu.memory_space<semaphore_mem>>) src(%dma_wait3A_87 : memref<128x128xf32, #tpu.memory_space<vmem>>) dst(%dma_wait3A_84 : memref<128x128xf32, #tpu.memory_space<hbm>>)
      tpu.yield
    }) : () -> ()
    %mul3A_50 = arith.constant 640 : i32
    %mul3A_51 = arith.muli %arg1, %mul3A_50 : i32
    %add3A_52 = arith.constant 384 : i32
    %add3A_53 = arith.addi %mul3A_51, %add3A_52 : i32
    "tpu.region"() ({
      %run_scoped3A = tpu.sem_alloc : memref<!tpu.dma_semaphore, #tpu.memory_space<semaphore_mem>>
      %dma_start3A = arith.constant 0 : i32
      %dma_start3A_66 = arith.constant 0 : i32
      %dma_start3A_67 = tpu.memref_slice %arg10[%dma_start3A, %dma_start3A_66] : memref<256x128xf32, #tpu.memory_space<vmem>> -> memref<128x128xf32, #tpu.memory_space<vmem>>
      %dma_start3A_68 = arith.constant 0 : i32
      %dma_start3A_69 = tpu.memref_slice %arg7[%add3A_53, %dma_start3A_68] : memref<10240x128xf32, #tpu.memory_space<vmem_shared>> -> memref<128x128xf32, #tpu.memory_space<vmem_shared>>
      %dma_start3A_70 = arith.constant 0 : i32
      %dma_start3A_71 = arith.constant 0 : i32
      %dma_start3A_72 = tpu.memref_slice %arg10[%dma_start3A_70, %dma_start3A_71] : memref<256x128xf32, #tpu.memory_space<vmem>> -> memref<128x128xf32, #tpu.memory_space<vmem>>
      %dma_start3A_73 = arith.constant 0 : i32
      %dma_start3A_74 = tpu.memref_slice %arg7[%add3A_53, %dma_start3A_73] : memref<10240x128xf32, #tpu.memory_space<vmem_shared>> -> memref<128x128xf32, #tpu.memory_space<vmem_shared>>
      tpu.enqueue_dma source(%dma_start3A_74 : memref<128x128xf32, #tpu.memory_space<vmem_shared>>) target(%dma_start3A_72 : memref<128x128xf32, #tpu.memory_space<vmem>>) target_semaphore(%run_scoped3A : memref<!tpu.dma_semaphore, #tpu.memory_space<semaphore_mem>>)
      %dma_wait3A = arith.constant 0 : i32
      %dma_wait3A_75 = arith.constant 0 : i32
      %dma_wait3A_76 = tpu.memref_slice %arg10[%dma_wait3A, %dma_wait3A_75] : memref<256x128xf32, #tpu.memory_space<vmem>> -> memref<128x128xf32, #tpu.memory_space<vmem>>
      %dma_wait3A_77 = arith.constant 0 : i32
      %dma_wait3A_78 = tpu.memref_slice %arg7[%add3A_53, %dma_wait3A_77] : memref<10240x128xf32, #tpu.memory_space<vmem_shared>> -> memref<128x128xf32, #tpu.memory_space<vmem_shared>>
      %dma_wait3A_79 = arith.constant 0 : i32
      %dma_wait3A_80 = arith.constant 0 : i32
      %dma_wait3A_81 = tpu.memref_slice %arg10[%dma_wait3A_79, %dma_wait3A_80] : memref<256x128xf32, #tpu.memory_space<vmem>> -> memref<128x128xf32, #tpu.memory_space<vmem>>
      %dma_wait3A_82 = arith.constant 0 : i32
      %dma_wait3A_83 = tpu.memref_slice %arg7[%add3A_53, %dma_wait3A_82] : memref<10240x128xf32, #tpu.memory_space<vmem_shared>> -> memref<128x128xf32, #tpu.memory_space<vmem_shared>>
      tpu.wait_dma2 semaphore(%run_scoped3A : memref<!tpu.dma_semaphore, #tpu.memory_space<semaphore_mem>>) src(%dma_wait3A_83 : memref<128x128xf32, #tpu.memory_space<vmem_shared>>) dst(%dma_wait3A_81 : memref<128x128xf32, #tpu.memory_space<vmem>>)
      tpu.yield
    }) : () -> ()
    %mul3A_54 = arith.constant 640 : i32
    %mul3A_55 = arith.muli %arg1, %mul3A_54 : i32
    %add3A_56 = arith.constant 384 : i32
    %add3A_57 = arith.addi %mul3A_55, %add3A_56 : i32
    "tpu.region"() ({
      %run_scoped3A = tpu.sem_alloc : memref<!tpu.dma_semaphore, #tpu.memory_space<semaphore_mem>>
      %dma_start3A = arith.constant 0 : i32
      %dma_start3A_66 = arith.constant 0 : i32
      %dma_start3A_67 = tpu.memref_slice %arg10[%dma_start3A, %dma_start3A_66] : memref<256x128xf32, #tpu.memory_space<vmem>> -> memref<128x128xf32, #tpu.memory_space<vmem>>
      %dma_start3A_68 = arith.constant 0 : i32
      %dma_start3A_69 = tpu.memref_slice %arg6[%arg0, %add3A_57, %dma_start3A_68] : memref<2x10240x128xf32, #tpu.memory_space<hbm>> -> memref<1x128x128xf32, #tpu.memory_space<hbm>>
      %dma_start3A_70 = tpu.memref_squeeze %dma_start3A_69 : memref<1x128x128xf32, #tpu.memory_space<hbm>> -> memref<128x128xf32, #tpu.memory_space<hbm>>
      %dma_start3A_71 = arith.constant 0 : i32
      %dma_start3A_72 = tpu.memref_slice %arg6[%arg0, %add3A_57, %dma_start3A_71] : memref<2x10240x128xf32, #tpu.memory_space<hbm>> -> memref<1x128x128xf32, #tpu.memory_space<hbm>>
      %dma_start3A_73 = tpu.memref_squeeze %dma_start3A_72 : memref<1x128x128xf32, #tpu.memory_space<hbm>> -> memref<128x128xf32, #tpu.memory_space<hbm>>
      %dma_start3A_74 = arith.constant 0 : i32
      %dma_start3A_75 = arith.constant 0 : i32
      %dma_start3A_76 = tpu.memref_slice %arg10[%dma_start3A_74, %dma_start3A_75] : memref<256x128xf32, #tpu.memory_space<vmem>> -> memref<128x128xf32, #tpu.memory_space<vmem>>
      tpu.enqueue_dma source(%dma_start3A_76 : memref<128x128xf32, #tpu.memory_space<vmem>>) target(%dma_start3A_73 : memref<128x128xf32, #tpu.memory_space<hbm>>) target_semaphore(%run_scoped3A : memref<!tpu.dma_semaphore, #tpu.memory_space<semaphore_mem>>)
      %dma_wait3A = arith.constant 0 : i32
      %dma_wait3A_77 = arith.constant 0 : i32
      %dma_wait3A_78 = tpu.memref_slice %arg10[%dma_wait3A, %dma_wait3A_77] : memref<256x128xf32, #tpu.memory_space<vmem>> -> memref<128x128xf32, #tpu.memory_space<vmem>>
      %dma_wait3A_79 = arith.constant 0 : i32
      %dma_wait3A_80 = tpu.memref_slice %arg6[%arg0, %add3A_57, %dma_wait3A_79] : memref<2x10240x128xf32, #tpu.memory_space<hbm>> -> memref<1x128x128xf32, #tpu.memory_space<hbm>>
      %dma_wait3A_81 = tpu.memref_squeeze %dma_wait3A_80 : memref<1x128x128xf32, #tpu.memory_space<hbm>> -> memref<128x128xf32, #tpu.memory_space<hbm>>
      %dma_wait3A_82 = arith.constant 0 : i32
      %dma_wait3A_83 = tpu.memref_slice %arg6[%arg0, %add3A_57, %dma_wait3A_82] : memref<2x10240x128xf32, #tpu.memory_space<hbm>> -> memref<1x128x128xf32, #tpu.memory_space<hbm>>
      %dma_wait3A_84 = tpu.memref_squeeze %dma_wait3A_83 : memref<1x128x128xf32, #tpu.memory_space<hbm>> -> memref<128x128xf32, #tpu.memory_space<hbm>>
      %dma_wait3A_85 = arith.constant 0 : i32
      %dma_wait3A_86 = arith.constant 0 : i32
      %dma_wait3A_87 = tpu.memref_slice %arg10[%dma_wait3A_85, %dma_wait3A_86] : memref<256x128xf32, #tpu.memory_space<vmem>> -> memref<128x128xf32, #tpu.memory_space<vmem>>
      tpu.wait_dma2 semaphore(%run_scoped3A : memref<!tpu.dma_semaphore, #tpu.memory_space<semaphore_mem>>) src(%dma_wait3A_87 : memref<128x128xf32, #tpu.memory_space<vmem>>) dst(%dma_wait3A_84 : memref<128x128xf32, #tpu.memory_space<hbm>>)
      tpu.yield
    }) : () -> ()
    %mul3A_58 = arith.constant 640 : i32
    %mul3A_59 = arith.muli %arg1, %mul3A_58 : i32
    %add3A_60 = arith.constant 512 : i32
    %add3A_61 = arith.addi %mul3A_59, %add3A_60 : i32
    "tpu.region"() ({
      %run_scoped3A = tpu.sem_alloc : memref<!tpu.dma_semaphore, #tpu.memory_space<semaphore_mem>>
      %dma_start3A = arith.constant 0 : i32
      %dma_start3A_66 = arith.constant 0 : i32
      %dma_start3A_67 = tpu.memref_slice %arg10[%dma_start3A, %dma_start3A_66] : memref<256x128xf32, #tpu.memory_space<vmem>> -> memref<128x128xf32, #tpu.memory_space<vmem>>
      %dma_start3A_68 = arith.constant 0 : i32
      %dma_start3A_69 = tpu.memref_slice %arg7[%add3A_61, %dma_start3A_68] : memref<10240x128xf32, #tpu.memory_space<vmem_shared>> -> memref<128x128xf32, #tpu.memory_space<vmem_shared>>
      %dma_start3A_70 = arith.constant 0 : i32
      %dma_start3A_71 = arith.constant 0 : i32
      %dma_start3A_72 = tpu.memref_slice %arg10[%dma_start3A_70, %dma_start3A_71] : memref<256x128xf32, #tpu.memory_space<vmem>> -> memref<128x128xf32, #tpu.memory_space<vmem>>
      %dma_start3A_73 = arith.constant 0 : i32
      %dma_start3A_74 = tpu.memref_slice %arg7[%add3A_61, %dma_start3A_73] : memref<10240x128xf32, #tpu.memory_space<vmem_shared>> -> memref<128x128xf32, #tpu.memory_space<vmem_shared>>
      tpu.enqueue_dma source(%dma_start3A_74 : memref<128x128xf32, #tpu.memory_space<vmem_shared>>) target(%dma_start3A_72 : memref<128x128xf32, #tpu.memory_space<vmem>>) target_semaphore(%run_scoped3A : memref<!tpu.dma_semaphore, #tpu.memory_space<semaphore_mem>>)
      %dma_wait3A = arith.constant 0 : i32
      %dma_wait3A_75 = arith.constant 0 : i32
      %dma_wait3A_76 = tpu.memref_slice %arg10[%dma_wait3A, %dma_wait3A_75] : memref<256x128xf32, #tpu.memory_space<vmem>> -> memref<128x128xf32, #tpu.memory_space<vmem>>
      %dma_wait3A_77 = arith.constant 0 : i32
      %dma_wait3A_78 = tpu.memref_slice %arg7[%add3A_61, %dma_wait3A_77] : memref<10240x128xf32, #tpu.memory_space<vmem_shared>> -> memref<128x128xf32, #tpu.memory_space<vmem_shared>>
      %dma_wait3A_79 = arith.constant 0 : i32
      %dma_wait3A_80 = arith.constant 0 : i32
      %dma_wait3A_81 = tpu.memref_slice %arg10[%dma_wait3A_79, %dma_wait3A_80] : memref<256x128xf32, #tpu.memory_space<vmem>> -> memref<128x128xf32, #tpu.memory_space<vmem>>
      %dma_wait3A_82 = arith.constant 0 : i32
      %dma_wait3A_83 = tpu.memref_slice %arg7[%add3A_61, %dma_wait3A_82] : memref<10240x128xf32, #tpu.memory_space<vmem_shared>> -> memref<128x128xf32, #tpu.memory_space<vmem_shared>>
      tpu.wait_dma2 semaphore(%run_scoped3A : memref<!tpu.dma_semaphore, #tpu.memory_space<semaphore_mem>>) src(%dma_wait3A_83 : memref<128x128xf32, #tpu.memory_space<vmem_shared>>) dst(%dma_wait3A_81 : memref<128x128xf32, #tpu.memory_space<vmem>>)
      tpu.yield
    }) : () -> ()
    %mul3A_62 = arith.constant 640 : i32
    %mul3A_63 = arith.muli %arg1, %mul3A_62 : i32
    %add3A_64 = arith.constant 512 : i32
    %add3A_65 = arith.addi %mul3A_63, %add3A_64 : i32
    "tpu.region"() ({
      %run_scoped3A = tpu.sem_alloc : memref<!tpu.dma_semaphore, #tpu.memory_space<semaphore_mem>>
      %dma_start3A = arith.constant 0 : i32
      %dma_start3A_66 = arith.constant 0 : i32
      %dma_start3A_67 = tpu.memref_slice %arg10[%dma_start3A, %dma_start3A_66] : memref<256x128xf32, #tpu.memory_space<vmem>> -> memref<128x128xf32, #tpu.memory_space<vmem>>
      %dma_start3A_68 = arith.constant 0 : i32
      %dma_start3A_69 = tpu.memref_slice %arg6[%arg0, %add3A_65, %dma_start3A_68] : memref<2x10240x128xf32, #tpu.memory_space<hbm>> -> memref<1x128x128xf32, #tpu.memory_space<hbm>>
      %dma_start3A_70 = tpu.memref_squeeze %dma_start3A_69 : memref<1x128x128xf32, #tpu.memory_space<hbm>> -> memref<128x128xf32, #tpu.memory_space<hbm>>
      %dma_start3A_71 = arith.constant 0 : i32
      %dma_start3A_72 = tpu.memref_slice %arg6[%arg0, %add3A_65, %dma_start3A_71] : memref<2x10240x128xf32, #tpu.memory_space<hbm>> -> memref<1x128x128xf32, #tpu.memory_space<hbm>>
      %dma_start3A_73 = tpu.memref_squeeze %dma_start3A_72 : memref<1x128x128xf32, #tpu.memory_space<hbm>> -> memref<128x128xf32, #tpu.memory_space<hbm>>
      %dma_start3A_74 = arith.constant 0 : i32
      %dma_start3A_75 = arith.constant 0 : i32
      %dma_start3A_76 = tpu.memref_slice %arg10[%dma_start3A_74, %dma_start3A_75] : memref<256x128xf32, #tpu.memory_space<vmem>> -> memref<128x128xf32, #tpu.memory_space<vmem>>
      tpu.enqueue_dma source(%dma_start3A_76 : memref<128x128xf32, #tpu.memory_space<vmem>>) target(%dma_start3A_73 : memref<128x128xf32, #tpu.memory_space<hbm>>) target_semaphore(%run_scoped3A : memref<!tpu.dma_semaphore, #tpu.memory_space<semaphore_mem>>)
      %dma_wait3A = arith.constant 0 : i32
      %dma_wait3A_77 = arith.constant 0 : i32
      %dma_wait3A_78 = tpu.memref_slice %arg10[%dma_wait3A, %dma_wait3A_77] : memref<256x128xf32, #tpu.memory_space<vmem>> -> memref<128x128xf32, #tpu.memory_space<vmem>>
      %dma_wait3A_79 = arith.constant 0 : i32
      %dma_wait3A_80 = tpu.memref_slice %arg6[%arg0, %add3A_65, %dma_wait3A_79] : memref<2x10240x128xf32, #tpu.memory_space<hbm>> -> memref<1x128x128xf32, #tpu.memory_space<hbm>>
      %dma_wait3A_81 = tpu.memref_squeeze %dma_wait3A_80 : memref<1x128x128xf32, #tpu.memory_space<hbm>> -> memref<128x128xf32, #tpu.memory_space<hbm>>
      %dma_wait3A_82 = arith.constant 0 : i32
      %dma_wait3A_83 = tpu.memref_slice %arg6[%arg0, %add3A_65, %dma_wait3A_82] : memref<2x10240x128xf32, #tpu.memory_space<hbm>> -> memref<1x128x128xf32, #tpu.memory_space<hbm>>
      %dma_wait3A_84 = tpu.memref_squeeze %dma_wait3A_83 : memref<1x128x128xf32, #tpu.memory_space<hbm>> -> memref<128x128xf32, #tpu.memory_space<hbm>>
      %dma_wait3A_85 = arith.constant 0 : i32
      %dma_wait3A_86 = arith.constant 0 : i32
      %dma_wait3A_87 = tpu.memref_slice %arg10[%dma_wait3A_85, %dma_wait3A_86] : memref<256x128xf32, #tpu.memory_space<vmem>> -> memref<128x128xf32, #tpu.memory_space<vmem>>
      tpu.wait_dma2 semaphore(%run_scoped3A : memref<!tpu.dma_semaphore, #tpu.memory_space<semaphore_mem>>) src(%dma_wait3A_87 : memref<128x128xf32, #tpu.memory_space<vmem>>) dst(%dma_wait3A_84 : memref<128x128xf32, #tpu.memory_space<hbm>>)
      tpu.yield
    }) : () -> ()
    return
  }
}

#map = affine_map<(d0, d1) -> (0, 0, 0)>
#map1 = affine_map<(d0, d1) -> (0, 0)>
module attributes {stable_mosaic.version = 14 : i64} {
  func.func @_deg_body(%arg0: i32, %arg1: i32, %arg2: memref<625x4x128xi32, #tpu.memory_space<hbm>>, %arg3: memref<128x16xf32, #tpu.memory_space<hbm>>, %arg4: memref<640x16xf32, #tpu.memory_space<hbm>>, %arg5: memref<2x10240x16xf32, #tpu.memory_space<hbm>>, %arg6: memref<10240x16xf32, #tpu.memory_space<vmem_shared>>, %arg7: memref<4x128xi32, #tpu.memory_space<vmem>>, %arg8: memref<128x16xf32, #tpu.memory_space<vmem>>, %arg9: memref<640x16xf32, #tpu.memory_space<vmem>>, %arg10: memref<!tpu.dma_semaphore, #tpu.memory_space<semaphore_mem>>) attributes {dimension_semantics = [#tpu.dimension_semantics<core_parallel>, #tpu.dimension_semantics<subcore_parallel>], iteration_bounds = array<i64: 2, 16>, scalar_prefetch = 0 : i64, scratch_operands = 5 : i64, tpu.core_type = #tpu.core_type<sc_vector_subcore>, window_params = [{transform_indices = #map}, {transform_indices = #map1}, {transform_indices = #map1}, {transform_indices = #map}]} {
    %mul3A = arith.constant 16 : i32
    %mul3A_0 = arith.muli %arg0, %mul3A : i32
    %add3A = arith.addi %mul3A_0, %arg1 : i32
    "tpu.region"() ({
      %run_scoped3A = tpu.sem_alloc : memref<!tpu.dma_semaphore, #tpu.memory_space<semaphore_mem>>
      tpu.enqueue_dma source(%arg4 : memref<640x16xf32, #tpu.memory_space<hbm>>) target(%arg9 : memref<640x16xf32, #tpu.memory_space<vmem>>) target_semaphore(%run_scoped3A : memref<!tpu.dma_semaphore, #tpu.memory_space<semaphore_mem>>)
      tpu.wait_dma2 semaphore(%run_scoped3A : memref<!tpu.dma_semaphore, #tpu.memory_space<semaphore_mem>>) src(%arg4 : memref<640x16xf32, #tpu.memory_space<hbm>>) dst(%arg9 : memref<640x16xf32, #tpu.memory_space<vmem>>)
      tpu.yield
    }) : () -> ()
    "tpu.region"() ({
      %run_scoped3A = tpu.sem_alloc : memref<!tpu.dma_semaphore, #tpu.memory_space<semaphore_mem>>
      tpu.enqueue_dma source(%arg3 : memref<128x16xf32, #tpu.memory_space<hbm>>) target(%arg8 : memref<128x16xf32, #tpu.memory_space<vmem>>) target_semaphore(%run_scoped3A : memref<!tpu.dma_semaphore, #tpu.memory_space<semaphore_mem>>)
      tpu.wait_dma2 semaphore(%run_scoped3A : memref<!tpu.dma_semaphore, #tpu.memory_space<semaphore_mem>>) src(%arg3 : memref<128x16xf32, #tpu.memory_space<hbm>>) dst(%arg8 : memref<128x16xf32, #tpu.memory_space<vmem>>)
      tpu.yield
    }) : () -> ()
    %mul3A_1 = arith.constant 640 : i32
    %mul3A_2 = arith.muli %arg1, %mul3A_1 : i32
    "tpu.region"() ({
      %run_scoped3A = tpu.sem_alloc : memref<!tpu.dma_semaphore, #tpu.memory_space<semaphore_mem>>
      %dma_start3A = arith.constant 0 : i32
      %dma_start3A_12 = tpu.memref_slice %arg6[%mul3A_2, %dma_start3A] : memref<10240x16xf32, #tpu.memory_space<vmem_shared>> -> memref<640x16xf32, #tpu.memory_space<vmem_shared>>
      %dma_start3A_13 = arith.constant 0 : i32
      %dma_start3A_14 = tpu.memref_slice %arg6[%mul3A_2, %dma_start3A_13] : memref<10240x16xf32, #tpu.memory_space<vmem_shared>> -> memref<640x16xf32, #tpu.memory_space<vmem_shared>>
      tpu.enqueue_dma source(%arg9 : memref<640x16xf32, #tpu.memory_space<vmem>>) target(%dma_start3A_14 : memref<640x16xf32, #tpu.memory_space<vmem_shared>>) target_semaphore(%run_scoped3A : memref<!tpu.dma_semaphore, #tpu.memory_space<semaphore_mem>>)
      %dma_wait3A = arith.constant 0 : i32
      %dma_wait3A_15 = tpu.memref_slice %arg6[%mul3A_2, %dma_wait3A] : memref<10240x16xf32, #tpu.memory_space<vmem_shared>> -> memref<640x16xf32, #tpu.memory_space<vmem_shared>>
      %dma_wait3A_16 = arith.constant 0 : i32
      %dma_wait3A_17 = tpu.memref_slice %arg6[%mul3A_2, %dma_wait3A_16] : memref<10240x16xf32, #tpu.memory_space<vmem_shared>> -> memref<640x16xf32, #tpu.memory_space<vmem_shared>>
      tpu.wait_dma2 semaphore(%run_scoped3A : memref<!tpu.dma_semaphore, #tpu.memory_space<semaphore_mem>>) src(%arg9 : memref<640x16xf32, #tpu.memory_space<vmem>>) dst(%dma_wait3A_17 : memref<640x16xf32, #tpu.memory_space<vmem_shared>>)
      tpu.yield
    }) : () -> ()
    %barrier3A = arith.constant 0 : index
    tpu.barrier barrier_id(%barrier3A)
    %scan3A = arith.constant 0 : i32
    %scan3A_3 = arith.constant 20 : i32
    %scan3A_4 = arith.addi %scan3A, %scan3A_3 : i32
    %scan3A_5 = arith.constant 1 : i32
    scf.for %scan3A_12 = %scan3A to %scan3A_4 step %scan3A_5  : i32 {
      %mul3A_13 = arith.constant 32 : i32
      %mul3A_14 = arith.muli %scan3A_12, %mul3A_13 : i32
      %add3A_15 = arith.addi %mul3A_14, %add3A : i32
      %lt3A = arith.constant 625 : i32
      %lt3A_16 = arith.cmpi slt, %add3A_15, %lt3A : i32
      %convert_element_type3A = arith.extui %lt3A_16 : i1 to i32
      %cond3A = arith.constant 0 : i32
      %cond3A_17 = arith.cmpi ne, %convert_element_type3A, %cond3A : i32
      scf.if %cond3A_17 {
        "tpu.region"() ({
          %run_scoped3A_21 = tpu.sem_alloc : memref<!tpu.dma_semaphore, #tpu.memory_space<semaphore_mem>>
          %dma_start3A = arith.constant 0 : i32
          %dma_start3A_22 = arith.constant 0 : i32
          %dma_start3A_23 = tpu.memref_slice %arg2[%add3A_15, %dma_start3A, %dma_start3A_22] : memref<625x4x128xi32, #tpu.memory_space<hbm>> -> memref<1x4x128xi32, #tpu.memory_space<hbm>>
          %dma_start3A_24 = tpu.memref_squeeze %dma_start3A_23 : memref<1x4x128xi32, #tpu.memory_space<hbm>> -> memref<4x128xi32, #tpu.memory_space<hbm>>
          %dma_start3A_25 = arith.constant 0 : i32
          %dma_start3A_26 = arith.constant 0 : i32
          %dma_start3A_27 = tpu.memref_slice %arg2[%add3A_15, %dma_start3A_25, %dma_start3A_26] : memref<625x4x128xi32, #tpu.memory_space<hbm>> -> memref<1x4x128xi32, #tpu.memory_space<hbm>>
          %dma_start3A_28 = tpu.memref_squeeze %dma_start3A_27 : memref<1x4x128xi32, #tpu.memory_space<hbm>> -> memref<4x128xi32, #tpu.memory_space<hbm>>
          tpu.enqueue_dma source(%dma_start3A_28 : memref<4x128xi32, #tpu.memory_space<hbm>>) target(%arg7 : memref<4x128xi32, #tpu.memory_space<vmem>>) target_semaphore(%run_scoped3A_21 : memref<!tpu.dma_semaphore, #tpu.memory_space<semaphore_mem>>)
          %dma_wait3A = arith.constant 0 : i32
          %dma_wait3A_29 = arith.constant 0 : i32
          %dma_wait3A_30 = tpu.memref_slice %arg2[%add3A_15, %dma_wait3A, %dma_wait3A_29] : memref<625x4x128xi32, #tpu.memory_space<hbm>> -> memref<1x4x128xi32, #tpu.memory_space<hbm>>
          %dma_wait3A_31 = tpu.memref_squeeze %dma_wait3A_30 : memref<1x4x128xi32, #tpu.memory_space<hbm>> -> memref<4x128xi32, #tpu.memory_space<hbm>>
          %dma_wait3A_32 = arith.constant 0 : i32
          %dma_wait3A_33 = arith.constant 0 : i32
          %dma_wait3A_34 = tpu.memref_slice %arg2[%add3A_15, %dma_wait3A_32, %dma_wait3A_33] : memref<625x4x128xi32, #tpu.memory_space<hbm>> -> memref<1x4x128xi32, #tpu.memory_space<hbm>>
          %dma_wait3A_35 = tpu.memref_squeeze %dma_wait3A_34 : memref<1x4x128xi32, #tpu.memory_space<hbm>> -> memref<4x128xi32, #tpu.memory_space<hbm>>
          tpu.wait_dma2 semaphore(%run_scoped3A_21 : memref<!tpu.dma_semaphore, #tpu.memory_space<semaphore_mem>>) src(%dma_wait3A_35 : memref<4x128xi32, #tpu.memory_space<hbm>>) dst(%arg7 : memref<4x128xi32, #tpu.memory_space<vmem>>)
          tpu.yield
        }) : () -> ()
        %run_scoped3A = arith.constant 0 : i32
        "tpu.region"() ({
          %run_scoped3A_21 = tpu.sem_alloc : memref<!tpu.dma_semaphore, #tpu.memory_space<semaphore_mem>>
          %dma_start3A = arith.constant 0 : i32
          %dma_start3A_22 = tpu.memref_slice %arg7[%run_scoped3A, %dma_start3A] : memref<4x128xi32, #tpu.memory_space<vmem>> -> memref<1x128xi32, #tpu.memory_space<vmem>>
          %dma_start3A_23 = tpu.memref_squeeze %dma_start3A_22 : memref<1x128xi32, #tpu.memory_space<vmem>> -> memref<128xi32, #tpu.memory_space<vmem>>
          %dma_start3A_24 = arith.constant 0 : i32
          %dma_start3A_25 = arith.constant 0 : i32
          %dma_start3A_26 = tpu.memref_slice %arg6[%dma_start3A_24, %dma_start3A_25] : memref<10240x16xf32, #tpu.memory_space<vmem_shared>> -> memref<10240x16xf32, #tpu.memory_space<vmem_shared>>
          tpu.enqueue_indirect_dma source(%arg8 : memref<128x16xf32, #tpu.memory_space<vmem>>) target(%dma_start3A_26 : memref<10240x16xf32, #tpu.memory_space<vmem_shared>>) offsets(%dma_start3A_23 : memref<128xi32, #tpu.memory_space<vmem>>) semaphore(%run_scoped3A_21 : memref<!tpu.dma_semaphore, #tpu.memory_space<semaphore_mem>>) {add = true}
          %dma_wait3A = arith.constant 0 : i32
          %dma_wait3A_27 = tpu.memref_slice %arg7[%run_scoped3A, %dma_wait3A] : memref<4x128xi32, #tpu.memory_space<vmem>> -> memref<1x128xi32, #tpu.memory_space<vmem>>
          %dma_wait3A_28 = tpu.memref_squeeze %dma_wait3A_27 : memref<1x128xi32, #tpu.memory_space<vmem>> -> memref<128xi32, #tpu.memory_space<vmem>>
          %dma_wait3A_29 = arith.constant 0 : i32
          %dma_wait3A_30 = arith.constant 0 : i32
          %dma_wait3A_31 = tpu.memref_slice %arg6[%dma_wait3A_29, %dma_wait3A_30] : memref<10240x16xf32, #tpu.memory_space<vmem_shared>> -> memref<10240x16xf32, #tpu.memory_space<vmem_shared>>
          tpu.wait_indirect_dma semaphore(%run_scoped3A_21 : memref<!tpu.dma_semaphore, #tpu.memory_space<semaphore_mem>>) src(%arg8 : memref<128x16xf32, #tpu.memory_space<vmem>>) dst(%dma_wait3A_31 : memref<10240x16xf32, #tpu.memory_space<vmem_shared>>)
          tpu.yield
        }) : () -> ()
        %run_scoped3A_18 = arith.constant 1 : i32
        "tpu.region"() ({
          %run_scoped3A_21 = tpu.sem_alloc : memref<!tpu.dma_semaphore, #tpu.memory_space<semaphore_mem>>
          %dma_start3A = arith.constant 0 : i32
          %dma_start3A_22 = tpu.memref_slice %arg7[%run_scoped3A_18, %dma_start3A] : memref<4x128xi32, #tpu.memory_space<vmem>> -> memref<1x128xi32, #tpu.memory_space<vmem>>
          %dma_start3A_23 = tpu.memref_squeeze %dma_start3A_22 : memref<1x128xi32, #tpu.memory_space<vmem>> -> memref<128xi32, #tpu.memory_space<vmem>>
          %dma_start3A_24 = arith.constant 0 : i32
          %dma_start3A_25 = arith.constant 0 : i32
          %dma_start3A_26 = tpu.memref_slice %arg6[%dma_start3A_24, %dma_start3A_25] : memref<10240x16xf32, #tpu.memory_space<vmem_shared>> -> memref<10240x16xf32, #tpu.memory_space<vmem_shared>>
          tpu.enqueue_indirect_dma source(%arg8 : memref<128x16xf32, #tpu.memory_space<vmem>>) target(%dma_start3A_26 : memref<10240x16xf32, #tpu.memory_space<vmem_shared>>) offsets(%dma_start3A_23 : memref<128xi32, #tpu.memory_space<vmem>>) semaphore(%run_scoped3A_21 : memref<!tpu.dma_semaphore, #tpu.memory_space<semaphore_mem>>) {add = true}
          %dma_wait3A = arith.constant 0 : i32
          %dma_wait3A_27 = tpu.memref_slice %arg7[%run_scoped3A_18, %dma_wait3A] : memref<4x128xi32, #tpu.memory_space<vmem>> -> memref<1x128xi32, #tpu.memory_space<vmem>>
          %dma_wait3A_28 = tpu.memref_squeeze %dma_wait3A_27 : memref<1x128xi32, #tpu.memory_space<vmem>> -> memref<128xi32, #tpu.memory_space<vmem>>
          %dma_wait3A_29 = arith.constant 0 : i32
          %dma_wait3A_30 = arith.constant 0 : i32
          %dma_wait3A_31 = tpu.memref_slice %arg6[%dma_wait3A_29, %dma_wait3A_30] : memref<10240x16xf32, #tpu.memory_space<vmem_shared>> -> memref<10240x16xf32, #tpu.memory_space<vmem_shared>>
          tpu.wait_indirect_dma semaphore(%run_scoped3A_21 : memref<!tpu.dma_semaphore, #tpu.memory_space<semaphore_mem>>) src(%arg8 : memref<128x16xf32, #tpu.memory_space<vmem>>) dst(%dma_wait3A_31 : memref<10240x16xf32, #tpu.memory_space<vmem_shared>>)
          tpu.yield
        }) : () -> ()
        %run_scoped3A_19 = arith.constant 2 : i32
        "tpu.region"() ({
          %run_scoped3A_21 = tpu.sem_alloc : memref<!tpu.dma_semaphore, #tpu.memory_space<semaphore_mem>>
          %dma_start3A = arith.constant 0 : i32
          %dma_start3A_22 = tpu.memref_slice %arg7[%run_scoped3A_19, %dma_start3A] : memref<4x128xi32, #tpu.memory_space<vmem>> -> memref<1x128xi32, #tpu.memory_space<vmem>>
          %dma_start3A_23 = tpu.memref_squeeze %dma_start3A_22 : memref<1x128xi32, #tpu.memory_space<vmem>> -> memref<128xi32, #tpu.memory_space<vmem>>
          %dma_start3A_24 = arith.constant 0 : i32
          %dma_start3A_25 = arith.constant 0 : i32
          %dma_start3A_26 = tpu.memref_slice %arg6[%dma_start3A_24, %dma_start3A_25] : memref<10240x16xf32, #tpu.memory_space<vmem_shared>> -> memref<10240x16xf32, #tpu.memory_space<vmem_shared>>
          tpu.enqueue_indirect_dma source(%arg8 : memref<128x16xf32, #tpu.memory_space<vmem>>) target(%dma_start3A_26 : memref<10240x16xf32, #tpu.memory_space<vmem_shared>>) offsets(%dma_start3A_23 : memref<128xi32, #tpu.memory_space<vmem>>) semaphore(%run_scoped3A_21 : memref<!tpu.dma_semaphore, #tpu.memory_space<semaphore_mem>>) {add = true}
          %dma_wait3A = arith.constant 0 : i32
          %dma_wait3A_27 = tpu.memref_slice %arg7[%run_scoped3A_19, %dma_wait3A] : memref<4x128xi32, #tpu.memory_space<vmem>> -> memref<1x128xi32, #tpu.memory_space<vmem>>
          %dma_wait3A_28 = tpu.memref_squeeze %dma_wait3A_27 : memref<1x128xi32, #tpu.memory_space<vmem>> -> memref<128xi32, #tpu.memory_space<vmem>>
          %dma_wait3A_29 = arith.constant 0 : i32
          %dma_wait3A_30 = arith.constant 0 : i32
          %dma_wait3A_31 = tpu.memref_slice %arg6[%dma_wait3A_29, %dma_wait3A_30] : memref<10240x16xf32, #tpu.memory_space<vmem_shared>> -> memref<10240x16xf32, #tpu.memory_space<vmem_shared>>
          tpu.wait_indirect_dma semaphore(%run_scoped3A_21 : memref<!tpu.dma_semaphore, #tpu.memory_space<semaphore_mem>>) src(%arg8 : memref<128x16xf32, #tpu.memory_space<vmem>>) dst(%dma_wait3A_31 : memref<10240x16xf32, #tpu.memory_space<vmem_shared>>)
          tpu.yield
        }) : () -> ()
        %run_scoped3A_20 = arith.constant 3 : i32
        "tpu.region"() ({
          %run_scoped3A_21 = tpu.sem_alloc : memref<!tpu.dma_semaphore, #tpu.memory_space<semaphore_mem>>
          %dma_start3A = arith.constant 0 : i32
          %dma_start3A_22 = tpu.memref_slice %arg7[%run_scoped3A_20, %dma_start3A] : memref<4x128xi32, #tpu.memory_space<vmem>> -> memref<1x128xi32, #tpu.memory_space<vmem>>
          %dma_start3A_23 = tpu.memref_squeeze %dma_start3A_22 : memref<1x128xi32, #tpu.memory_space<vmem>> -> memref<128xi32, #tpu.memory_space<vmem>>
          %dma_start3A_24 = arith.constant 0 : i32
          %dma_start3A_25 = arith.constant 0 : i32
          %dma_start3A_26 = tpu.memref_slice %arg6[%dma_start3A_24, %dma_start3A_25] : memref<10240x16xf32, #tpu.memory_space<vmem_shared>> -> memref<10240x16xf32, #tpu.memory_space<vmem_shared>>
          tpu.enqueue_indirect_dma source(%arg8 : memref<128x16xf32, #tpu.memory_space<vmem>>) target(%dma_start3A_26 : memref<10240x16xf32, #tpu.memory_space<vmem_shared>>) offsets(%dma_start3A_23 : memref<128xi32, #tpu.memory_space<vmem>>) semaphore(%run_scoped3A_21 : memref<!tpu.dma_semaphore, #tpu.memory_space<semaphore_mem>>) {add = true}
          %dma_wait3A = arith.constant 0 : i32
          %dma_wait3A_27 = tpu.memref_slice %arg7[%run_scoped3A_20, %dma_wait3A] : memref<4x128xi32, #tpu.memory_space<vmem>> -> memref<1x128xi32, #tpu.memory_space<vmem>>
          %dma_wait3A_28 = tpu.memref_squeeze %dma_wait3A_27 : memref<1x128xi32, #tpu.memory_space<vmem>> -> memref<128xi32, #tpu.memory_space<vmem>>
          %dma_wait3A_29 = arith.constant 0 : i32
          %dma_wait3A_30 = arith.constant 0 : i32
          %dma_wait3A_31 = tpu.memref_slice %arg6[%dma_wait3A_29, %dma_wait3A_30] : memref<10240x16xf32, #tpu.memory_space<vmem_shared>> -> memref<10240x16xf32, #tpu.memory_space<vmem_shared>>
          tpu.wait_indirect_dma semaphore(%run_scoped3A_21 : memref<!tpu.dma_semaphore, #tpu.memory_space<semaphore_mem>>) src(%arg8 : memref<128x16xf32, #tpu.memory_space<vmem>>) dst(%dma_wait3A_31 : memref<10240x16xf32, #tpu.memory_space<vmem_shared>>)
          tpu.yield
        }) : () -> ()
      } else {
      }
    }
    %scan3A_6 = arith.constant 20 : i32
    %barrier3A_7 = arith.constant 0 : index
    tpu.barrier barrier_id(%barrier3A_7)
    %mul3A_8 = arith.constant 640 : i32
    %mul3A_9 = arith.muli %arg1, %mul3A_8 : i32
    "tpu.region"() ({
      %run_scoped3A = tpu.sem_alloc : memref<!tpu.dma_semaphore, #tpu.memory_space<semaphore_mem>>
      %dma_start3A = arith.constant 0 : i32
      %dma_start3A_12 = tpu.memref_slice %arg6[%mul3A_9, %dma_start3A] : memref<10240x16xf32, #tpu.memory_space<vmem_shared>> -> memref<640x16xf32, #tpu.memory_space<vmem_shared>>
      %dma_start3A_13 = arith.constant 0 : i32
      %dma_start3A_14 = tpu.memref_slice %arg6[%mul3A_9, %dma_start3A_13] : memref<10240x16xf32, #tpu.memory_space<vmem_shared>> -> memref<640x16xf32, #tpu.memory_space<vmem_shared>>
      tpu.enqueue_dma source(%dma_start3A_14 : memref<640x16xf32, #tpu.memory_space<vmem_shared>>) target(%arg9 : memref<640x16xf32, #tpu.memory_space<vmem>>) target_semaphore(%run_scoped3A : memref<!tpu.dma_semaphore, #tpu.memory_space<semaphore_mem>>)
      %dma_wait3A = arith.constant 0 : i32
      %dma_wait3A_15 = tpu.memref_slice %arg6[%mul3A_9, %dma_wait3A] : memref<10240x16xf32, #tpu.memory_space<vmem_shared>> -> memref<640x16xf32, #tpu.memory_space<vmem_shared>>
      %dma_wait3A_16 = arith.constant 0 : i32
      %dma_wait3A_17 = tpu.memref_slice %arg6[%mul3A_9, %dma_wait3A_16] : memref<10240x16xf32, #tpu.memory_space<vmem_shared>> -> memref<640x16xf32, #tpu.memory_space<vmem_shared>>
      tpu.wait_dma2 semaphore(%run_scoped3A : memref<!tpu.dma_semaphore, #tpu.memory_space<semaphore_mem>>) src(%dma_wait3A_17 : memref<640x16xf32, #tpu.memory_space<vmem_shared>>) dst(%arg9 : memref<640x16xf32, #tpu.memory_space<vmem>>)
      tpu.yield
    }) : () -> ()
    %mul3A_10 = arith.constant 640 : i32
    %mul3A_11 = arith.muli %arg1, %mul3A_10 : i32
    "tpu.region"() ({
      %run_scoped3A = tpu.sem_alloc : memref<!tpu.dma_semaphore, #tpu.memory_space<semaphore_mem>>
      %dma_start3A = arith.constant 0 : i32
      %dma_start3A_12 = tpu.memref_slice %arg5[%arg0, %mul3A_11, %dma_start3A] : memref<2x10240x16xf32, #tpu.memory_space<hbm>> -> memref<1x640x16xf32, #tpu.memory_space<hbm>>
      %dma_start3A_13 = tpu.memref_squeeze %dma_start3A_12 : memref<1x640x16xf32, #tpu.memory_space<hbm>> -> memref<640x16xf32, #tpu.memory_space<hbm>>
      %dma_start3A_14 = arith.constant 0 : i32
      %dma_start3A_15 = tpu.memref_slice %arg5[%arg0, %mul3A_11, %dma_start3A_14] : memref<2x10240x16xf32, #tpu.memory_space<hbm>> -> memref<1x640x16xf32, #tpu.memory_space<hbm>>
      %dma_start3A_16 = tpu.memref_squeeze %dma_start3A_15 : memref<1x640x16xf32, #tpu.memory_space<hbm>> -> memref<640x16xf32, #tpu.memory_space<hbm>>
      tpu.enqueue_dma source(%arg9 : memref<640x16xf32, #tpu.memory_space<vmem>>) target(%dma_start3A_16 : memref<640x16xf32, #tpu.memory_space<hbm>>) target_semaphore(%run_scoped3A : memref<!tpu.dma_semaphore, #tpu.memory_space<semaphore_mem>>)
      %dma_wait3A = arith.constant 0 : i32
      %dma_wait3A_17 = tpu.memref_slice %arg5[%arg0, %mul3A_11, %dma_wait3A] : memref<2x10240x16xf32, #tpu.memory_space<hbm>> -> memref<1x640x16xf32, #tpu.memory_space<hbm>>
      %dma_wait3A_18 = tpu.memref_squeeze %dma_wait3A_17 : memref<1x640x16xf32, #tpu.memory_space<hbm>> -> memref<640x16xf32, #tpu.memory_space<hbm>>
      %dma_wait3A_19 = arith.constant 0 : i32
      %dma_wait3A_20 = tpu.memref_slice %arg5[%arg0, %mul3A_11, %dma_wait3A_19] : memref<2x10240x16xf32, #tpu.memory_space<hbm>> -> memref<1x640x16xf32, #tpu.memory_space<hbm>>
      %dma_wait3A_21 = tpu.memref_squeeze %dma_wait3A_20 : memref<1x640x16xf32, #tpu.memory_space<hbm>> -> memref<640x16xf32, #tpu.memory_space<hbm>>
      tpu.wait_dma2 semaphore(%run_scoped3A : memref<!tpu.dma_semaphore, #tpu.memory_space<semaphore_mem>>) src(%arg9 : memref<640x16xf32, #tpu.memory_space<vmem>>) dst(%dma_wait3A_21 : memref<640x16xf32, #tpu.memory_space<hbm>>)
      tpu.yield
    }) : () -> ()
    return
  }
}

#map = affine_map<(d0, d1) -> (0, 0)>
#map1 = affine_map<(d0, d1) -> (0, 0, 0)>
module attributes {stable_mosaic.version = 14 : i64} {
  func.func @_s_body(%arg0: i32, %arg1: i32, %arg2: memref<10000x128xf32, #tpu.memory_space<hbm>>, %arg3: memref<1250x2x128xi32, #tpu.memory_space<hbm>>, %arg4: memref<1250x2x128xi32, #tpu.memory_space<hbm>>, %arg5: memref<128x128xf32, #tpu.memory_space<hbm>>, %arg6: memref<2x10240x128xf32, #tpu.memory_space<hbm>>, %arg7: memref<10240x128xf32, #tpu.memory_space<vmem_shared>>, %arg8: memref<2x128xi32, #tpu.memory_space<vmem>>, %arg9: memref<2x128xi32, #tpu.memory_space<vmem>>, %arg10: memref<256x128xf32, #tpu.memory_space<vmem>>, %arg11: memref<!tpu.dma_semaphore, #tpu.memory_space<semaphore_mem>>) attributes {dimension_semantics = [#tpu.dimension_semantics<core_parallel>, #tpu.dimension_semantics<subcore_parallel>], iteration_bounds = array<i64: 2, 16>, scalar_prefetch = 0 : i64, scratch_operands = 5 : i64, tpu.core_type = #tpu.core_type<sc_vector_subcore>, window_params = [{transform_indices = #map}, {transform_indices = #map1}, {transform_indices = #map1}, {transform_indices = #map}, {transform_indices = #map1}]} {
    %mul3A = arith.constant 16 : i32
    %mul3A_0 = arith.muli %arg0, %mul3A : i32
    %add3A = arith.addi %mul3A_0, %arg1 : i32
    "tpu.region"() ({
      %run_scoped3A = tpu.sem_alloc : memref<!tpu.dma_semaphore, #tpu.memory_space<semaphore_mem>>
      %dma_start3A = arith.constant 0 : i32
      %dma_start3A_66 = arith.constant 0 : i32
      %dma_start3A_67 = tpu.memref_slice %arg10[%dma_start3A, %dma_start3A_66] : memref<256x128xf32, #tpu.memory_space<vmem>> -> memref<128x128xf32, #tpu.memory_space<vmem>>
      %dma_start3A_68 = arith.constant 0 : i32
      %dma_start3A_69 = arith.constant 0 : i32
      %dma_start3A_70 = tpu.memref_slice %arg10[%dma_start3A_68, %dma_start3A_69] : memref<256x128xf32, #tpu.memory_space<vmem>> -> memref<128x128xf32, #tpu.memory_space<vmem>>
      tpu.enqueue_dma source(%arg5 : memref<128x128xf32, #tpu.memory_space<hbm>>) target(%dma_start3A_70 : memref<128x128xf32, #tpu.memory_space<vmem>>) target_semaphore(%run_scoped3A : memref<!tpu.dma_semaphore, #tpu.memory_space<semaphore_mem>>)
      %dma_wait3A = arith.constant 0 : i32
      %dma_wait3A_71 = arith.constant 0 : i32
      %dma_wait3A_72 = tpu.memref_slice %arg10[%dma_wait3A, %dma_wait3A_71] : memref<256x128xf32, #tpu.memory_space<vmem>> -> memref<128x128xf32, #tpu.memory_space<vmem>>
      %dma_wait3A_73 = arith.constant 0 : i32
      %dma_wait3A_74 = arith.constant 0 : i32
      %dma_wait3A_75 = tpu.memref_slice %arg10[%dma_wait3A_73, %dma_wait3A_74] : memref<256x128xf32, #tpu.memory_space<vmem>> -> memref<128x128xf32, #tpu.memory_space<vmem>>
      tpu.wait_dma2 semaphore(%run_scoped3A : memref<!tpu.dma_semaphore, #tpu.memory_space<semaphore_mem>>) src(%arg5 : memref<128x128xf32, #tpu.memory_space<hbm>>) dst(%dma_wait3A_75 : memref<128x128xf32, #tpu.memory_space<vmem>>)
      tpu.yield
    }) : () -> ()
    %mul3A_1 = arith.constant 640 : i32
    %mul3A_2 = arith.muli %arg1, %mul3A_1 : i32
    %add3A_3 = arith.constant 0 : i32
    %add3A_4 = arith.addi %mul3A_2, %add3A_3 : i32
    "tpu.region"() ({
      %run_scoped3A = tpu.sem_alloc : memref<!tpu.dma_semaphore, #tpu.memory_space<semaphore_mem>>
      %dma_start3A = arith.constant 0 : i32
      %dma_start3A_66 = arith.constant 0 : i32
      %dma_start3A_67 = tpu.memref_slice %arg10[%dma_start3A, %dma_start3A_66] : memref<256x128xf32, #tpu.memory_space<vmem>> -> memref<128x128xf32, #tpu.memory_space<vmem>>
      %dma_start3A_68 = arith.constant 0 : i32
      %dma_start3A_69 = tpu.memref_slice %arg7[%add3A_4, %dma_start3A_68] : memref<10240x128xf32, #tpu.memory_space<vmem_shared>> -> memref<128x128xf32, #tpu.memory_space<vmem_shared>>
      %dma_start3A_70 = arith.constant 0 : i32
      %dma_start3A_71 = tpu.memref_slice %arg7[%add3A_4, %dma_start3A_70] : memref<10240x128xf32, #tpu.memory_space<vmem_shared>> -> memref<128x128xf32, #tpu.memory_space<vmem_shared>>
      %dma_start3A_72 = arith.constant 0 : i32
      %dma_start3A_73 = arith.constant 0 : i32
      %dma_start3A_74 = tpu.memref_slice %arg10[%dma_start3A_72, %dma_start3A_73] : memref<256x128xf32, #tpu.memory_space<vmem>> -> memref<128x128xf32, #tpu.memory_space<vmem>>
      tpu.enqueue_dma source(%dma_start3A_74 : memref<128x128xf32, #tpu.memory_space<vmem>>) target(%dma_start3A_71 : memref<128x128xf32, #tpu.memory_space<vmem_shared>>) target_semaphore(%run_scoped3A : memref<!tpu.dma_semaphore, #tpu.memory_space<semaphore_mem>>)
      %dma_wait3A = arith.constant 0 : i32
      %dma_wait3A_75 = arith.constant 0 : i32
      %dma_wait3A_76 = tpu.memref_slice %arg10[%dma_wait3A, %dma_wait3A_75] : memref<256x128xf32, #tpu.memory_space<vmem>> -> memref<128x128xf32, #tpu.memory_space<vmem>>
      %dma_wait3A_77 = arith.constant 0 : i32
      %dma_wait3A_78 = tpu.memref_slice %arg7[%add3A_4, %dma_wait3A_77] : memref<10240x128xf32, #tpu.memory_space<vmem_shared>> -> memref<128x128xf32, #tpu.memory_space<vmem_shared>>
      %dma_wait3A_79 = arith.constant 0 : i32
      %dma_wait3A_80 = tpu.memref_slice %arg7[%add3A_4, %dma_wait3A_79] : memref<10240x128xf32, #tpu.memory_space<vmem_shared>> -> memref<128x128xf32, #tpu.memory_space<vmem_shared>>
      %dma_wait3A_81 = arith.constant 0 : i32
      %dma_wait3A_82 = arith.constant 0 : i32
      %dma_wait3A_83 = tpu.memref_slice %arg10[%dma_wait3A_81, %dma_wait3A_82] : memref<256x128xf32, #tpu.memory_space<vmem>> -> memref<128x128xf32, #tpu.memory_space<vmem>>
      tpu.wait_dma2 semaphore(%run_scoped3A : memref<!tpu.dma_semaphore, #tpu.memory_space<semaphore_mem>>) src(%dma_wait3A_83 : memref<128x128xf32, #tpu.memory_space<vmem>>) dst(%dma_wait3A_80 : memref<128x128xf32, #tpu.memory_space<vmem_shared>>)
      tpu.yield
    }) : () -> ()
    %mul3A_5 = arith.constant 640 : i32
    %mul3A_6 = arith.muli %arg1, %mul3A_5 : i32
    %add3A_7 = arith.constant 128 : i32
    %add3A_8 = arith.addi %mul3A_6, %add3A_7 : i32
    "tpu.region"() ({
      %run_scoped3A = tpu.sem_alloc : memref<!tpu.dma_semaphore, #tpu.memory_space<semaphore_mem>>
      %dma_start3A = arith.constant 0 : i32
      %dma_start3A_66 = arith.constant 0 : i32
      %dma_start3A_67 = tpu.memref_slice %arg10[%dma_start3A, %dma_start3A_66] : memref<256x128xf32, #tpu.memory_space<vmem>> -> memref<128x128xf32, #tpu.memory_space<vmem>>
      %dma_start3A_68 = arith.constant 0 : i32
      %dma_start3A_69 = tpu.memref_slice %arg7[%add3A_8, %dma_start3A_68] : memref<10240x128xf32, #tpu.memory_space<vmem_shared>> -> memref<128x128xf32, #tpu.memory_space<vmem_shared>>
      %dma_start3A_70 = arith.constant 0 : i32
      %dma_start3A_71 = tpu.memref_slice %arg7[%add3A_8, %dma_start3A_70] : memref<10240x128xf32, #tpu.memory_space<vmem_shared>> -> memref<128x128xf32, #tpu.memory_space<vmem_shared>>
      %dma_start3A_72 = arith.constant 0 : i32
      %dma_start3A_73 = arith.constant 0 : i32
      %dma_start3A_74 = tpu.memref_slice %arg10[%dma_start3A_72, %dma_start3A_73] : memref<256x128xf32, #tpu.memory_space<vmem>> -> memref<128x128xf32, #tpu.memory_space<vmem>>
      tpu.enqueue_dma source(%dma_start3A_74 : memref<128x128xf32, #tpu.memory_space<vmem>>) target(%dma_start3A_71 : memref<128x128xf32, #tpu.memory_space<vmem_shared>>) target_semaphore(%run_scoped3A : memref<!tpu.dma_semaphore, #tpu.memory_space<semaphore_mem>>)
      %dma_wait3A = arith.constant 0 : i32
      %dma_wait3A_75 = arith.constant 0 : i32
      %dma_wait3A_76 = tpu.memref_slice %arg10[%dma_wait3A, %dma_wait3A_75] : memref<256x128xf32, #tpu.memory_space<vmem>> -> memref<128x128xf32, #tpu.memory_space<vmem>>
      %dma_wait3A_77 = arith.constant 0 : i32
      %dma_wait3A_78 = tpu.memref_slice %arg7[%add3A_8, %dma_wait3A_77] : memref<10240x128xf32, #tpu.memory_space<vmem_shared>> -> memref<128x128xf32, #tpu.memory_space<vmem_shared>>
      %dma_wait3A_79 = arith.constant 0 : i32
      %dma_wait3A_80 = tpu.memref_slice %arg7[%add3A_8, %dma_wait3A_79] : memref<10240x128xf32, #tpu.memory_space<vmem_shared>> -> memref<128x128xf32, #tpu.memory_space<vmem_shared>>
      %dma_wait3A_81 = arith.constant 0 : i32
      %dma_wait3A_82 = arith.constant 0 : i32
      %dma_wait3A_83 = tpu.memref_slice %arg10[%dma_wait3A_81, %dma_wait3A_82] : memref<256x128xf32, #tpu.memory_space<vmem>> -> memref<128x128xf32, #tpu.memory_space<vmem>>
      tpu.wait_dma2 semaphore(%run_scoped3A : memref<!tpu.dma_semaphore, #tpu.memory_space<semaphore_mem>>) src(%dma_wait3A_83 : memref<128x128xf32, #tpu.memory_space<vmem>>) dst(%dma_wait3A_80 : memref<128x128xf32, #tpu.memory_space<vmem_shared>>)
      tpu.yield
    }) : () -> ()
    %mul3A_9 = arith.constant 640 : i32
    %mul3A_10 = arith.muli %arg1, %mul3A_9 : i32
    %add3A_11 = arith.constant 256 : i32
    %add3A_12 = arith.addi %mul3A_10, %add3A_11 : i32
    "tpu.region"() ({
      %run_scoped3A = tpu.sem_alloc : memref<!tpu.dma_semaphore, #tpu.memory_space<semaphore_mem>>
      %dma_start3A = arith.constant 0 : i32
      %dma_start3A_66 = arith.constant 0 : i32
      %dma_start3A_67 = tpu.memref_slice %arg10[%dma_start3A, %dma_start3A_66] : memref<256x128xf32, #tpu.memory_space<vmem>> -> memref<128x128xf32, #tpu.memory_space<vmem>>
      %dma_start3A_68 = arith.constant 0 : i32
      %dma_start3A_69 = tpu.memref_slice %arg7[%add3A_12, %dma_start3A_68] : memref<10240x128xf32, #tpu.memory_space<vmem_shared>> -> memref<128x128xf32, #tpu.memory_space<vmem_shared>>
      %dma_start3A_70 = arith.constant 0 : i32
      %dma_start3A_71 = tpu.memref_slice %arg7[%add3A_12, %dma_start3A_70] : memref<10240x128xf32, #tpu.memory_space<vmem_shared>> -> memref<128x128xf32, #tpu.memory_space<vmem_shared>>
      %dma_start3A_72 = arith.constant 0 : i32
      %dma_start3A_73 = arith.constant 0 : i32
      %dma_start3A_74 = tpu.memref_slice %arg10[%dma_start3A_72, %dma_start3A_73] : memref<256x128xf32, #tpu.memory_space<vmem>> -> memref<128x128xf32, #tpu.memory_space<vmem>>
      tpu.enqueue_dma source(%dma_start3A_74 : memref<128x128xf32, #tpu.memory_space<vmem>>) target(%dma_start3A_71 : memref<128x128xf32, #tpu.memory_space<vmem_shared>>) target_semaphore(%run_scoped3A : memref<!tpu.dma_semaphore, #tpu.memory_space<semaphore_mem>>)
      %dma_wait3A = arith.constant 0 : i32
      %dma_wait3A_75 = arith.constant 0 : i32
      %dma_wait3A_76 = tpu.memref_slice %arg10[%dma_wait3A, %dma_wait3A_75] : memref<256x128xf32, #tpu.memory_space<vmem>> -> memref<128x128xf32, #tpu.memory_space<vmem>>
      %dma_wait3A_77 = arith.constant 0 : i32
      %dma_wait3A_78 = tpu.memref_slice %arg7[%add3A_12, %dma_wait3A_77] : memref<10240x128xf32, #tpu.memory_space<vmem_shared>> -> memref<128x128xf32, #tpu.memory_space<vmem_shared>>
      %dma_wait3A_79 = arith.constant 0 : i32
      %dma_wait3A_80 = tpu.memref_slice %arg7[%add3A_12, %dma_wait3A_79] : memref<10240x128xf32, #tpu.memory_space<vmem_shared>> -> memref<128x128xf32, #tpu.memory_space<vmem_shared>>
      %dma_wait3A_81 = arith.constant 0 : i32
      %dma_wait3A_82 = arith.constant 0 : i32
      %dma_wait3A_83 = tpu.memref_slice %arg10[%dma_wait3A_81, %dma_wait3A_82] : memref<256x128xf32, #tpu.memory_space<vmem>> -> memref<128x128xf32, #tpu.memory_space<vmem>>
      tpu.wait_dma2 semaphore(%run_scoped3A : memref<!tpu.dma_semaphore, #tpu.memory_space<semaphore_mem>>) src(%dma_wait3A_83 : memref<128x128xf32, #tpu.memory_space<vmem>>) dst(%dma_wait3A_80 : memref<128x128xf32, #tpu.memory_space<vmem_shared>>)
      tpu.yield
    }) : () -> ()
    %mul3A_13 = arith.constant 640 : i32
    %mul3A_14 = arith.muli %arg1, %mul3A_13 : i32
    %add3A_15 = arith.constant 384 : i32
    %add3A_16 = arith.addi %mul3A_14, %add3A_15 : i32
    "tpu.region"() ({
      %run_scoped3A = tpu.sem_alloc : memref<!tpu.dma_semaphore, #tpu.memory_space<semaphore_mem>>
      %dma_start3A = arith.constant 0 : i32
      %dma_start3A_66 = arith.constant 0 : i32
      %dma_start3A_67 = tpu.memref_slice %arg10[%dma_start3A, %dma_start3A_66] : memref<256x128xf32, #tpu.memory_space<vmem>> -> memref<128x128xf32, #tpu.memory_space<vmem>>
      %dma_start3A_68 = arith.constant 0 : i32
      %dma_start3A_69 = tpu.memref_slice %arg7[%add3A_16, %dma_start3A_68] : memref<10240x128xf32, #tpu.memory_space<vmem_shared>> -> memref<128x128xf32, #tpu.memory_space<vmem_shared>>
      %dma_start3A_70 = arith.constant 0 : i32
      %dma_start3A_71 = tpu.memref_slice %arg7[%add3A_16, %dma_start3A_70] : memref<10240x128xf32, #tpu.memory_space<vmem_shared>> -> memref<128x128xf32, #tpu.memory_space<vmem_shared>>
      %dma_start3A_72 = arith.constant 0 : i32
      %dma_start3A_73 = arith.constant 0 : i32
      %dma_start3A_74 = tpu.memref_slice %arg10[%dma_start3A_72, %dma_start3A_73] : memref<256x128xf32, #tpu.memory_space<vmem>> -> memref<128x128xf32, #tpu.memory_space<vmem>>
      tpu.enqueue_dma source(%dma_start3A_74 : memref<128x128xf32, #tpu.memory_space<vmem>>) target(%dma_start3A_71 : memref<128x128xf32, #tpu.memory_space<vmem_shared>>) target_semaphore(%run_scoped3A : memref<!tpu.dma_semaphore, #tpu.memory_space<semaphore_mem>>)
      %dma_wait3A = arith.constant 0 : i32
      %dma_wait3A_75 = arith.constant 0 : i32
      %dma_wait3A_76 = tpu.memref_slice %arg10[%dma_wait3A, %dma_wait3A_75] : memref<256x128xf32, #tpu.memory_space<vmem>> -> memref<128x128xf32, #tpu.memory_space<vmem>>
      %dma_wait3A_77 = arith.constant 0 : i32
      %dma_wait3A_78 = tpu.memref_slice %arg7[%add3A_16, %dma_wait3A_77] : memref<10240x128xf32, #tpu.memory_space<vmem_shared>> -> memref<128x128xf32, #tpu.memory_space<vmem_shared>>
      %dma_wait3A_79 = arith.constant 0 : i32
      %dma_wait3A_80 = tpu.memref_slice %arg7[%add3A_16, %dma_wait3A_79] : memref<10240x128xf32, #tpu.memory_space<vmem_shared>> -> memref<128x128xf32, #tpu.memory_space<vmem_shared>>
      %dma_wait3A_81 = arith.constant 0 : i32
      %dma_wait3A_82 = arith.constant 0 : i32
      %dma_wait3A_83 = tpu.memref_slice %arg10[%dma_wait3A_81, %dma_wait3A_82] : memref<256x128xf32, #tpu.memory_space<vmem>> -> memref<128x128xf32, #tpu.memory_space<vmem>>
      tpu.wait_dma2 semaphore(%run_scoped3A : memref<!tpu.dma_semaphore, #tpu.memory_space<semaphore_mem>>) src(%dma_wait3A_83 : memref<128x128xf32, #tpu.memory_space<vmem>>) dst(%dma_wait3A_80 : memref<128x128xf32, #tpu.memory_space<vmem_shared>>)
      tpu.yield
    }) : () -> ()
    %mul3A_17 = arith.constant 640 : i32
    %mul3A_18 = arith.muli %arg1, %mul3A_17 : i32
    %add3A_19 = arith.constant 512 : i32
    %add3A_20 = arith.addi %mul3A_18, %add3A_19 : i32
    "tpu.region"() ({
      %run_scoped3A = tpu.sem_alloc : memref<!tpu.dma_semaphore, #tpu.memory_space<semaphore_mem>>
      %dma_start3A = arith.constant 0 : i32
      %dma_start3A_66 = arith.constant 0 : i32
      %dma_start3A_67 = tpu.memref_slice %arg10[%dma_start3A, %dma_start3A_66] : memref<256x128xf32, #tpu.memory_space<vmem>> -> memref<128x128xf32, #tpu.memory_space<vmem>>
      %dma_start3A_68 = arith.constant 0 : i32
      %dma_start3A_69 = tpu.memref_slice %arg7[%add3A_20, %dma_start3A_68] : memref<10240x128xf32, #tpu.memory_space<vmem_shared>> -> memref<128x128xf32, #tpu.memory_space<vmem_shared>>
      %dma_start3A_70 = arith.constant 0 : i32
      %dma_start3A_71 = tpu.memref_slice %arg7[%add3A_20, %dma_start3A_70] : memref<10240x128xf32, #tpu.memory_space<vmem_shared>> -> memref<128x128xf32, #tpu.memory_space<vmem_shared>>
      %dma_start3A_72 = arith.constant 0 : i32
      %dma_start3A_73 = arith.constant 0 : i32
      %dma_start3A_74 = tpu.memref_slice %arg10[%dma_start3A_72, %dma_start3A_73] : memref<256x128xf32, #tpu.memory_space<vmem>> -> memref<128x128xf32, #tpu.memory_space<vmem>>
      tpu.enqueue_dma source(%dma_start3A_74 : memref<128x128xf32, #tpu.memory_space<vmem>>) target(%dma_start3A_71 : memref<128x128xf32, #tpu.memory_space<vmem_shared>>) target_semaphore(%run_scoped3A : memref<!tpu.dma_semaphore, #tpu.memory_space<semaphore_mem>>)
      %dma_wait3A = arith.constant 0 : i32
      %dma_wait3A_75 = arith.constant 0 : i32
      %dma_wait3A_76 = tpu.memref_slice %arg10[%dma_wait3A, %dma_wait3A_75] : memref<256x128xf32, #tpu.memory_space<vmem>> -> memref<128x128xf32, #tpu.memory_space<vmem>>
      %dma_wait3A_77 = arith.constant 0 : i32
      %dma_wait3A_78 = tpu.memref_slice %arg7[%add3A_20, %dma_wait3A_77] : memref<10240x128xf32, #tpu.memory_space<vmem_shared>> -> memref<128x128xf32, #tpu.memory_space<vmem_shared>>
      %dma_wait3A_79 = arith.constant 0 : i32
      %dma_wait3A_80 = tpu.memref_slice %arg7[%add3A_20, %dma_wait3A_79] : memref<10240x128xf32, #tpu.memory_space<vmem_shared>> -> memref<128x128xf32, #tpu.memory_space<vmem_shared>>
      %dma_wait3A_81 = arith.constant 0 : i32
      %dma_wait3A_82 = arith.constant 0 : i32
      %dma_wait3A_83 = tpu.memref_slice %arg10[%dma_wait3A_81, %dma_wait3A_82] : memref<256x128xf32, #tpu.memory_space<vmem>> -> memref<128x128xf32, #tpu.memory_space<vmem>>
      tpu.wait_dma2 semaphore(%run_scoped3A : memref<!tpu.dma_semaphore, #tpu.memory_space<semaphore_mem>>) src(%dma_wait3A_83 : memref<128x128xf32, #tpu.memory_space<vmem>>) dst(%dma_wait3A_80 : memref<128x128xf32, #tpu.memory_space<vmem_shared>>)
      tpu.yield
    }) : () -> ()
    %barrier3A = arith.constant 0 : index
    tpu.barrier barrier_id(%barrier3A)
    %scan3A = arith.constant 0 : i32
    %scan3A_21 = arith.constant 40 : i32
    %scan3A_22 = arith.addi %scan3A, %scan3A_21 : i32
    %scan3A_23 = arith.constant 1 : i32
    scf.for %scan3A_66 = %scan3A to %scan3A_22 step %scan3A_23  : i32 {
      %mul3A_67 = arith.constant 32 : i32
      %mul3A_68 = arith.muli %scan3A_66, %mul3A_67 : i32
      %add3A_69 = arith.addi %mul3A_68, %add3A : i32
      %lt3A = arith.constant 1250 : i32
      %lt3A_70 = arith.cmpi slt, %add3A_69, %lt3A : i32
      %convert_element_type3A = arith.extui %lt3A_70 : i1 to i32
      %cond3A = arith.constant 0 : i32
      %cond3A_71 = arith.cmpi ne, %convert_element_type3A, %cond3A : i32
      scf.if %cond3A_71 {
        "tpu.region"() ({
          %run_scoped3A_111 = tpu.sem_alloc : memref<!tpu.dma_semaphore, #tpu.memory_space<semaphore_mem>>
          %dma_start3A_112 = arith.constant 0 : i32
          %dma_start3A_113 = arith.constant 0 : i32
          %dma_start3A_114 = tpu.memref_slice %arg3[%add3A_69, %dma_start3A_112, %dma_start3A_113] : memref<1250x2x128xi32, #tpu.memory_space<hbm>> -> memref<1x2x128xi32, #tpu.memory_space<hbm>>
          %dma_start3A_115 = tpu.memref_squeeze %dma_start3A_114 : memref<1x2x128xi32, #tpu.memory_space<hbm>> -> memref<2x128xi32, #tpu.memory_space<hbm>>
          %dma_start3A_116 = arith.constant 0 : i32
          %dma_start3A_117 = arith.constant 0 : i32
          %dma_start3A_118 = tpu.memref_slice %arg3[%add3A_69, %dma_start3A_116, %dma_start3A_117] : memref<1250x2x128xi32, #tpu.memory_space<hbm>> -> memref<1x2x128xi32, #tpu.memory_space<hbm>>
          %dma_start3A_119 = tpu.memref_squeeze %dma_start3A_118 : memref<1x2x128xi32, #tpu.memory_space<hbm>> -> memref<2x128xi32, #tpu.memory_space<hbm>>
          tpu.enqueue_dma source(%dma_start3A_119 : memref<2x128xi32, #tpu.memory_space<hbm>>) target(%arg8 : memref<2x128xi32, #tpu.memory_space<vmem>>) target_semaphore(%run_scoped3A_111 : memref<!tpu.dma_semaphore, #tpu.memory_space<semaphore_mem>>)
          %dma_wait3A_120 = arith.constant 0 : i32
          %dma_wait3A_121 = arith.constant 0 : i32
          %dma_wait3A_122 = tpu.memref_slice %arg3[%add3A_69, %dma_wait3A_120, %dma_wait3A_121] : memref<1250x2x128xi32, #tpu.memory_space<hbm>> -> memref<1x2x128xi32, #tpu.memory_space<hbm>>
          %dma_wait3A_123 = tpu.memref_squeeze %dma_wait3A_122 : memref<1x2x128xi32, #tpu.memory_space<hbm>> -> memref<2x128xi32, #tpu.memory_space<hbm>>
          %dma_wait3A_124 = arith.constant 0 : i32
          %dma_wait3A_125 = arith.constant 0 : i32
          %dma_wait3A_126 = tpu.memref_slice %arg3[%add3A_69, %dma_wait3A_124, %dma_wait3A_125] : memref<1250x2x128xi32, #tpu.memory_space<hbm>> -> memref<1x2x128xi32, #tpu.memory_space<hbm>>
          %dma_wait3A_127 = tpu.memref_squeeze %dma_wait3A_126 : memref<1x2x128xi32, #tpu.memory_space<hbm>> -> memref<2x128xi32, #tpu.memory_space<hbm>>
          tpu.wait_dma2 semaphore(%run_scoped3A_111 : memref<!tpu.dma_semaphore, #tpu.memory_space<semaphore_mem>>) src(%dma_wait3A_127 : memref<2x128xi32, #tpu.memory_space<hbm>>) dst(%arg8 : memref<2x128xi32, #tpu.memory_space<vmem>>)
          tpu.yield
        }) : () -> ()
        "tpu.region"() ({
          %run_scoped3A_111 = tpu.sem_alloc : memref<!tpu.dma_semaphore, #tpu.memory_space<semaphore_mem>>
          %dma_start3A_112 = arith.constant 0 : i32
          %dma_start3A_113 = arith.constant 0 : i32
          %dma_start3A_114 = tpu.memref_slice %arg4[%add3A_69, %dma_start3A_112, %dma_start3A_113] : memref<1250x2x128xi32, #tpu.memory_space<hbm>> -> memref<1x2x128xi32, #tpu.memory_space<hbm>>
          %dma_start3A_115 = tpu.memref_squeeze %dma_start3A_114 : memref<1x2x128xi32, #tpu.memory_space<hbm>> -> memref<2x128xi32, #tpu.memory_space<hbm>>
          %dma_start3A_116 = arith.constant 0 : i32
          %dma_start3A_117 = arith.constant 0 : i32
          %dma_start3A_118 = tpu.memref_slice %arg4[%add3A_69, %dma_start3A_116, %dma_start3A_117] : memref<1250x2x128xi32, #tpu.memory_space<hbm>> -> memref<1x2x128xi32, #tpu.memory_space<hbm>>
          %dma_start3A_119 = tpu.memref_squeeze %dma_start3A_118 : memref<1x2x128xi32, #tpu.memory_space<hbm>> -> memref<2x128xi32, #tpu.memory_space<hbm>>
          tpu.enqueue_dma source(%dma_start3A_119 : memref<2x128xi32, #tpu.memory_space<hbm>>) target(%arg9 : memref<2x128xi32, #tpu.memory_space<vmem>>) target_semaphore(%run_scoped3A_111 : memref<!tpu.dma_semaphore, #tpu.memory_space<semaphore_mem>>)
          %dma_wait3A_120 = arith.constant 0 : i32
          %dma_wait3A_121 = arith.constant 0 : i32
          %dma_wait3A_122 = tpu.memref_slice %arg4[%add3A_69, %dma_wait3A_120, %dma_wait3A_121] : memref<1250x2x128xi32, #tpu.memory_space<hbm>> -> memref<1x2x128xi32, #tpu.memory_space<hbm>>
          %dma_wait3A_123 = tpu.memref_squeeze %dma_wait3A_122 : memref<1x2x128xi32, #tpu.memory_space<hbm>> -> memref<2x128xi32, #tpu.memory_space<hbm>>
          %dma_wait3A_124 = arith.constant 0 : i32
          %dma_wait3A_125 = arith.constant 0 : i32
          %dma_wait3A_126 = tpu.memref_slice %arg4[%add3A_69, %dma_wait3A_124, %dma_wait3A_125] : memref<1250x2x128xi32, #tpu.memory_space<hbm>> -> memref<1x2x128xi32, #tpu.memory_space<hbm>>
          %dma_wait3A_127 = tpu.memref_squeeze %dma_wait3A_126 : memref<1x2x128xi32, #tpu.memory_space<hbm>> -> memref<2x128xi32, #tpu.memory_space<hbm>>
          tpu.wait_dma2 semaphore(%run_scoped3A_111 : memref<!tpu.dma_semaphore, #tpu.memory_space<semaphore_mem>>) src(%dma_wait3A_127 : memref<2x128xi32, #tpu.memory_space<hbm>>) dst(%arg9 : memref<2x128xi32, #tpu.memory_space<vmem>>)
          tpu.yield
        }) : () -> ()
        %dma_start3A = arith.constant 0 : i32
        %dma_start3A_72 = arith.constant 0 : i32
        %dma_start3A_73 = arith.constant 0 : i32
        %dma_start3A_74 = tpu.memref_slice %arg10[%dma_start3A_72, %dma_start3A_73] : memref<256x128xf32, #tpu.memory_space<vmem>> -> memref<128x128xf32, #tpu.memory_space<vmem>>
        %dma_start3A_75 = arith.constant 0 : i32
        %dma_start3A_76 = tpu.memref_slice %arg8[%dma_start3A, %dma_start3A_75] : memref<2x128xi32, #tpu.memory_space<vmem>> -> memref<1x128xi32, #tpu.memory_space<vmem>>
        %dma_start3A_77 = tpu.memref_squeeze %dma_start3A_76 : memref<1x128xi32, #tpu.memory_space<vmem>> -> memref<128xi32, #tpu.memory_space<vmem>>
        %dma_start3A_78 = arith.constant 0 : i32
        %dma_start3A_79 = arith.constant 0 : i32
        %dma_start3A_80 = tpu.memref_slice %arg2[%dma_start3A_78, %dma_start3A_79] : memref<10000x128xf32, #tpu.memory_space<hbm>> -> memref<10000x128xf32, #tpu.memory_space<hbm>>
        tpu.enqueue_indirect_dma source(%dma_start3A_80 : memref<10000x128xf32, #tpu.memory_space<hbm>>) target(%dma_start3A_74 : memref<128x128xf32, #tpu.memory_space<vmem>>) offsets(%dma_start3A_77 : memref<128xi32, #tpu.memory_space<vmem>>) semaphore(%arg11 : memref<!tpu.dma_semaphore, #tpu.memory_space<semaphore_mem>>)
        %dma_start3A_81 = arith.constant 1 : i32
        %dma_start3A_82 = arith.constant 128 : i32
        %dma_start3A_83 = arith.constant 0 : i32
        %dma_start3A_84 = tpu.memref_slice %arg10[%dma_start3A_82, %dma_start3A_83] : memref<256x128xf32, #tpu.memory_space<vmem>> -> memref<128x128xf32, #tpu.memory_space<vmem>>
        %dma_start3A_85 = arith.constant 0 : i32
        %dma_start3A_86 = tpu.memref_slice %arg8[%dma_start3A_81, %dma_start3A_85] : memref<2x128xi32, #tpu.memory_space<vmem>> -> memref<1x128xi32, #tpu.memory_space<vmem>>
        %dma_start3A_87 = tpu.memref_squeeze %dma_start3A_86 : memref<1x128xi32, #tpu.memory_space<vmem>> -> memref<128xi32, #tpu.memory_space<vmem>>
        %dma_start3A_88 = arith.constant 0 : i32
        %dma_start3A_89 = arith.constant 0 : i32
        %dma_start3A_90 = tpu.memref_slice %arg2[%dma_start3A_88, %dma_start3A_89] : memref<10000x128xf32, #tpu.memory_space<hbm>> -> memref<10000x128xf32, #tpu.memory_space<hbm>>
        tpu.enqueue_indirect_dma source(%dma_start3A_90 : memref<10000x128xf32, #tpu.memory_space<hbm>>) target(%dma_start3A_84 : memref<128x128xf32, #tpu.memory_space<vmem>>) offsets(%dma_start3A_87 : memref<128xi32, #tpu.memory_space<vmem>>) semaphore(%arg11 : memref<!tpu.dma_semaphore, #tpu.memory_space<semaphore_mem>>)
        %dma_wait3A = arith.constant 0 : i32
        %dma_wait3A_91 = arith.constant 0 : i32
        %dma_wait3A_92 = arith.constant 0 : i32
        %dma_wait3A_93 = tpu.memref_slice %arg10[%dma_wait3A_91, %dma_wait3A_92] : memref<256x128xf32, #tpu.memory_space<vmem>> -> memref<128x128xf32, #tpu.memory_space<vmem>>
        %dma_wait3A_94 = arith.constant 0 : i32
        %dma_wait3A_95 = tpu.memref_slice %arg8[%dma_wait3A, %dma_wait3A_94] : memref<2x128xi32, #tpu.memory_space<vmem>> -> memref<1x128xi32, #tpu.memory_space<vmem>>
        %dma_wait3A_96 = tpu.memref_squeeze %dma_wait3A_95 : memref<1x128xi32, #tpu.memory_space<vmem>> -> memref<128xi32, #tpu.memory_space<vmem>>
        %dma_wait3A_97 = arith.constant 0 : i32
        %dma_wait3A_98 = arith.constant 0 : i32
        %dma_wait3A_99 = tpu.memref_slice %arg2[%dma_wait3A_97, %dma_wait3A_98] : memref<10000x128xf32, #tpu.memory_space<hbm>> -> memref<10000x128xf32, #tpu.memory_space<hbm>>
        tpu.wait_indirect_dma semaphore(%arg11 : memref<!tpu.dma_semaphore, #tpu.memory_space<semaphore_mem>>) src(%dma_wait3A_99 : memref<10000x128xf32, #tpu.memory_space<hbm>>) dst(%dma_wait3A_93 : memref<128x128xf32, #tpu.memory_space<vmem>>)
        %run_scoped3A = arith.constant 0 : i32
        "tpu.region"() ({
          %run_scoped3A_111 = tpu.sem_alloc : memref<!tpu.dma_semaphore, #tpu.memory_space<semaphore_mem>>
          %dma_start3A_112 = arith.constant 0 : i32
          %dma_start3A_113 = arith.constant 0 : i32
          %dma_start3A_114 = tpu.memref_slice %arg10[%dma_start3A_112, %dma_start3A_113] : memref<256x128xf32, #tpu.memory_space<vmem>> -> memref<128x128xf32, #tpu.memory_space<vmem>>
          %dma_start3A_115 = arith.constant 0 : i32
          %dma_start3A_116 = tpu.memref_slice %arg9[%run_scoped3A, %dma_start3A_115] : memref<2x128xi32, #tpu.memory_space<vmem>> -> memref<1x128xi32, #tpu.memory_space<vmem>>
          %dma_start3A_117 = tpu.memref_squeeze %dma_start3A_116 : memref<1x128xi32, #tpu.memory_space<vmem>> -> memref<128xi32, #tpu.memory_space<vmem>>
          %dma_start3A_118 = arith.constant 0 : i32
          %dma_start3A_119 = arith.constant 0 : i32
          %dma_start3A_120 = tpu.memref_slice %arg7[%dma_start3A_118, %dma_start3A_119] : memref<10240x128xf32, #tpu.memory_space<vmem_shared>> -> memref<10240x128xf32, #tpu.memory_space<vmem_shared>>
          tpu.enqueue_indirect_dma source(%dma_start3A_114 : memref<128x128xf32, #tpu.memory_space<vmem>>) target(%dma_start3A_120 : memref<10240x128xf32, #tpu.memory_space<vmem_shared>>) offsets(%dma_start3A_117 : memref<128xi32, #tpu.memory_space<vmem>>) semaphore(%run_scoped3A_111 : memref<!tpu.dma_semaphore, #tpu.memory_space<semaphore_mem>>) {add = true}
          %dma_wait3A_121 = arith.constant 0 : i32
          %dma_wait3A_122 = arith.constant 0 : i32
          %dma_wait3A_123 = tpu.memref_slice %arg10[%dma_wait3A_121, %dma_wait3A_122] : memref<256x128xf32, #tpu.memory_space<vmem>> -> memref<128x128xf32, #tpu.memory_space<vmem>>
          %dma_wait3A_124 = arith.constant 0 : i32
          %dma_wait3A_125 = tpu.memref_slice %arg9[%run_scoped3A, %dma_wait3A_124] : memref<2x128xi32, #tpu.memory_space<vmem>> -> memref<1x128xi32, #tpu.memory_space<vmem>>
          %dma_wait3A_126 = tpu.memref_squeeze %dma_wait3A_125 : memref<1x128xi32, #tpu.memory_space<vmem>> -> memref<128xi32, #tpu.memory_space<vmem>>
          %dma_wait3A_127 = arith.constant 0 : i32
          %dma_wait3A_128 = arith.constant 0 : i32
          %dma_wait3A_129 = tpu.memref_slice %arg7[%dma_wait3A_127, %dma_wait3A_128] : memref<10240x128xf32, #tpu.memory_space<vmem_shared>> -> memref<10240x128xf32, #tpu.memory_space<vmem_shared>>
          tpu.wait_indirect_dma semaphore(%run_scoped3A_111 : memref<!tpu.dma_semaphore, #tpu.memory_space<semaphore_mem>>) src(%dma_wait3A_123 : memref<128x128xf32, #tpu.memory_space<vmem>>) dst(%dma_wait3A_129 : memref<10240x128xf32, #tpu.memory_space<vmem_shared>>)
          tpu.yield
        }) : () -> ()
        %dma_wait3A_100 = arith.constant 1 : i32
        %dma_wait3A_101 = arith.constant 128 : i32
        %dma_wait3A_102 = arith.constant 0 : i32
        %dma_wait3A_103 = tpu.memref_slice %arg10[%dma_wait3A_101, %dma_wait3A_102] : memref<256x128xf32, #tpu.memory_space<vmem>> -> memref<128x128xf32, #tpu.memory_space<vmem>>
        %dma_wait3A_104 = arith.constant 0 : i32
        %dma_wait3A_105 = tpu.memref_slice %arg8[%dma_wait3A_100, %dma_wait3A_104] : memref<2x128xi32, #tpu.memory_space<vmem>> -> memref<1x128xi32, #tpu.memory_space<vmem>>
        %dma_wait3A_106 = tpu.memref_squeeze %dma_wait3A_105 : memref<1x128xi32, #tpu.memory_space<vmem>> -> memref<128xi32, #tpu.memory_space<vmem>>
        %dma_wait3A_107 = arith.constant 0 : i32
        %dma_wait3A_108 = arith.constant 0 : i32
        %dma_wait3A_109 = tpu.memref_slice %arg2[%dma_wait3A_107, %dma_wait3A_108] : memref<10000x128xf32, #tpu.memory_space<hbm>> -> memref<10000x128xf32, #tpu.memory_space<hbm>>
        tpu.wait_indirect_dma semaphore(%arg11 : memref<!tpu.dma_semaphore, #tpu.memory_space<semaphore_mem>>) src(%dma_wait3A_109 : memref<10000x128xf32, #tpu.memory_space<hbm>>) dst(%dma_wait3A_103 : memref<128x128xf32, #tpu.memory_space<vmem>>)
        %run_scoped3A_110 = arith.constant 1 : i32
        "tpu.region"() ({
          %run_scoped3A_111 = tpu.sem_alloc : memref<!tpu.dma_semaphore, #tpu.memory_space<semaphore_mem>>
          %dma_start3A_112 = arith.constant 128 : i32
          %dma_start3A_113 = arith.constant 0 : i32
          %dma_start3A_114 = tpu.memref_slice %arg10[%dma_start3A_112, %dma_start3A_113] : memref<256x128xf32, #tpu.memory_space<vmem>> -> memref<128x128xf32, #tpu.memory_space<vmem>>
          %dma_start3A_115 = arith.constant 0 : i32
          %dma_start3A_116 = tpu.memref_slice %arg9[%run_scoped3A_110, %dma_start3A_115] : memref<2x128xi32, #tpu.memory_space<vmem>> -> memref<1x128xi32, #tpu.memory_space<vmem>>
          %dma_start3A_117 = tpu.memref_squeeze %dma_start3A_116 : memref<1x128xi32, #tpu.memory_space<vmem>> -> memref<128xi32, #tpu.memory_space<vmem>>
          %dma_start3A_118 = arith.constant 0 : i32
          %dma_start3A_119 = arith.constant 0 : i32
          %dma_start3A_120 = tpu.memref_slice %arg7[%dma_start3A_118, %dma_start3A_119] : memref<10240x128xf32, #tpu.memory_space<vmem_shared>> -> memref<10240x128xf32, #tpu.memory_space<vmem_shared>>
          tpu.enqueue_indirect_dma source(%dma_start3A_114 : memref<128x128xf32, #tpu.memory_space<vmem>>) target(%dma_start3A_120 : memref<10240x128xf32, #tpu.memory_space<vmem_shared>>) offsets(%dma_start3A_117 : memref<128xi32, #tpu.memory_space<vmem>>) semaphore(%run_scoped3A_111 : memref<!tpu.dma_semaphore, #tpu.memory_space<semaphore_mem>>) {add = true}
          %dma_wait3A_121 = arith.constant 128 : i32
          %dma_wait3A_122 = arith.constant 0 : i32
          %dma_wait3A_123 = tpu.memref_slice %arg10[%dma_wait3A_121, %dma_wait3A_122] : memref<256x128xf32, #tpu.memory_space<vmem>> -> memref<128x128xf32, #tpu.memory_space<vmem>>
          %dma_wait3A_124 = arith.constant 0 : i32
          %dma_wait3A_125 = tpu.memref_slice %arg9[%run_scoped3A_110, %dma_wait3A_124] : memref<2x128xi32, #tpu.memory_space<vmem>> -> memref<1x128xi32, #tpu.memory_space<vmem>>
          %dma_wait3A_126 = tpu.memref_squeeze %dma_wait3A_125 : memref<1x128xi32, #tpu.memory_space<vmem>> -> memref<128xi32, #tpu.memory_space<vmem>>
          %dma_wait3A_127 = arith.constant 0 : i32
          %dma_wait3A_128 = arith.constant 0 : i32
          %dma_wait3A_129 = tpu.memref_slice %arg7[%dma_wait3A_127, %dma_wait3A_128] : memref<10240x128xf32, #tpu.memory_space<vmem_shared>> -> memref<10240x128xf32, #tpu.memory_space<vmem_shared>>
          tpu.wait_indirect_dma semaphore(%run_scoped3A_111 : memref<!tpu.dma_semaphore, #tpu.memory_space<semaphore_mem>>) src(%dma_wait3A_123 : memref<128x128xf32, #tpu.memory_space<vmem>>) dst(%dma_wait3A_129 : memref<10240x128xf32, #tpu.memory_space<vmem_shared>>)
          tpu.yield
        }) : () -> ()
      } else {
      }
    }
    %scan3A_24 = arith.constant 40 : i32
    %barrier3A_25 = arith.constant 0 : index
    tpu.barrier barrier_id(%barrier3A_25)
    %mul3A_26 = arith.constant 640 : i32
    %mul3A_27 = arith.muli %arg1, %mul3A_26 : i32
    %add3A_28 = arith.constant 0 : i32
    %add3A_29 = arith.addi %mul3A_27, %add3A_28 : i32
    "tpu.region"() ({
      %run_scoped3A = tpu.sem_alloc : memref<!tpu.dma_semaphore, #tpu.memory_space<semaphore_mem>>
      %dma_start3A = arith.constant 0 : i32
      %dma_start3A_66 = arith.constant 0 : i32
      %dma_start3A_67 = tpu.memref_slice %arg10[%dma_start3A, %dma_start3A_66] : memref<256x128xf32, #tpu.memory_space<vmem>> -> memref<128x128xf32, #tpu.memory_space<vmem>>
      %dma_start3A_68 = arith.constant 0 : i32
      %dma_start3A_69 = tpu.memref_slice %arg7[%add3A_29, %dma_start3A_68] : memref<10240x128xf32, #tpu.memory_space<vmem_shared>> -> memref<128x128xf32, #tpu.memory_space<vmem_shared>>
      %dma_start3A_70 = arith.constant 0 : i32
      %dma_start3A_71 = arith.constant 0 : i32
      %dma_start3A_72 = tpu.memref_slice %arg10[%dma_start3A_70, %dma_start3A_71] : memref<256x128xf32, #tpu.memory_space<vmem>> -> memref<128x128xf32, #tpu.memory_space<vmem>>
      %dma_start3A_73 = arith.constant 0 : i32
      %dma_start3A_74 = tpu.memref_slice %arg7[%add3A_29, %dma_start3A_73] : memref<10240x128xf32, #tpu.memory_space<vmem_shared>> -> memref<128x128xf32, #tpu.memory_space<vmem_shared>>
      tpu.enqueue_dma source(%dma_start3A_74 : memref<128x128xf32, #tpu.memory_space<vmem_shared>>) target(%dma_start3A_72 : memref<128x128xf32, #tpu.memory_space<vmem>>) target_semaphore(%run_scoped3A : memref<!tpu.dma_semaphore, #tpu.memory_space<semaphore_mem>>)
      %dma_wait3A = arith.constant 0 : i32
      %dma_wait3A_75 = arith.constant 0 : i32
      %dma_wait3A_76 = tpu.memref_slice %arg10[%dma_wait3A, %dma_wait3A_75] : memref<256x128xf32, #tpu.memory_space<vmem>> -> memref<128x128xf32, #tpu.memory_space<vmem>>
      %dma_wait3A_77 = arith.constant 0 : i32
      %dma_wait3A_78 = tpu.memref_slice %arg7[%add3A_29, %dma_wait3A_77] : memref<10240x128xf32, #tpu.memory_space<vmem_shared>> -> memref<128x128xf32, #tpu.memory_space<vmem_shared>>
      %dma_wait3A_79 = arith.constant 0 : i32
      %dma_wait3A_80 = arith.constant 0 : i32
      %dma_wait3A_81 = tpu.memref_slice %arg10[%dma_wait3A_79, %dma_wait3A_80] : memref<256x128xf32, #tpu.memory_space<vmem>> -> memref<128x128xf32, #tpu.memory_space<vmem>>
      %dma_wait3A_82 = arith.constant 0 : i32
      %dma_wait3A_83 = tpu.memref_slice %arg7[%add3A_29, %dma_wait3A_82] : memref<10240x128xf32, #tpu.memory_space<vmem_shared>> -> memref<128x128xf32, #tpu.memory_space<vmem_shared>>
      tpu.wait_dma2 semaphore(%run_scoped3A : memref<!tpu.dma_semaphore, #tpu.memory_space<semaphore_mem>>) src(%dma_wait3A_83 : memref<128x128xf32, #tpu.memory_space<vmem_shared>>) dst(%dma_wait3A_81 : memref<128x128xf32, #tpu.memory_space<vmem>>)
      tpu.yield
    }) : () -> ()
    %mul3A_30 = arith.constant 640 : i32
    %mul3A_31 = arith.muli %arg1, %mul3A_30 : i32
    %add3A_32 = arith.constant 0 : i32
    %add3A_33 = arith.addi %mul3A_31, %add3A_32 : i32
    "tpu.region"() ({
      %run_scoped3A = tpu.sem_alloc : memref<!tpu.dma_semaphore, #tpu.memory_space<semaphore_mem>>
      %dma_start3A = arith.constant 0 : i32
      %dma_start3A_66 = arith.constant 0 : i32
      %dma_start3A_67 = tpu.memref_slice %arg10[%dma_start3A, %dma_start3A_66] : memref<256x128xf32, #tpu.memory_space<vmem>> -> memref<128x128xf32, #tpu.memory_space<vmem>>
      %dma_start3A_68 = arith.constant 0 : i32
      %dma_start3A_69 = tpu.memref_slice %arg6[%arg0, %add3A_33, %dma_start3A_68] : memref<2x10240x128xf32, #tpu.memory_space<hbm>> -> memref<1x128x128xf32, #tpu.memory_space<hbm>>
      %dma_start3A_70 = tpu.memref_squeeze %dma_start3A_69 : memref<1x128x128xf32, #tpu.memory_space<hbm>> -> memref<128x128xf32, #tpu.memory_space<hbm>>
      %dma_start3A_71 = arith.constant 0 : i32
      %dma_start3A_72 = tpu.memref_slice %arg6[%arg0, %add3A_33, %dma_start3A_71] : memref<2x10240x128xf32, #tpu.memory_space<hbm>> -> memref<1x128x128xf32, #tpu.memory_space<hbm>>
      %dma_start3A_73 = tpu.memref_squeeze %dma_start3A_72 : memref<1x128x128xf32, #tpu.memory_space<hbm>> -> memref<128x128xf32, #tpu.memory_space<hbm>>
      %dma_start3A_74 = arith.constant 0 : i32
      %dma_start3A_75 = arith.constant 0 : i32
      %dma_start3A_76 = tpu.memref_slice %arg10[%dma_start3A_74, %dma_start3A_75] : memref<256x128xf32, #tpu.memory_space<vmem>> -> memref<128x128xf32, #tpu.memory_space<vmem>>
      tpu.enqueue_dma source(%dma_start3A_76 : memref<128x128xf32, #tpu.memory_space<vmem>>) target(%dma_start3A_73 : memref<128x128xf32, #tpu.memory_space<hbm>>) target_semaphore(%run_scoped3A : memref<!tpu.dma_semaphore, #tpu.memory_space<semaphore_mem>>)
      %dma_wait3A = arith.constant 0 : i32
      %dma_wait3A_77 = arith.constant 0 : i32
      %dma_wait3A_78 = tpu.memref_slice %arg10[%dma_wait3A, %dma_wait3A_77] : memref<256x128xf32, #tpu.memory_space<vmem>> -> memref<128x128xf32, #tpu.memory_space<vmem>>
      %dma_wait3A_79 = arith.constant 0 : i32
      %dma_wait3A_80 = tpu.memref_slice %arg6[%arg0, %add3A_33, %dma_wait3A_79] : memref<2x10240x128xf32, #tpu.memory_space<hbm>> -> memref<1x128x128xf32, #tpu.memory_space<hbm>>
      %dma_wait3A_81 = tpu.memref_squeeze %dma_wait3A_80 : memref<1x128x128xf32, #tpu.memory_space<hbm>> -> memref<128x128xf32, #tpu.memory_space<hbm>>
      %dma_wait3A_82 = arith.constant 0 : i32
      %dma_wait3A_83 = tpu.memref_slice %arg6[%arg0, %add3A_33, %dma_wait3A_82] : memref<2x10240x128xf32, #tpu.memory_space<hbm>> -> memref<1x128x128xf32, #tpu.memory_space<hbm>>
      %dma_wait3A_84 = tpu.memref_squeeze %dma_wait3A_83 : memref<1x128x128xf32, #tpu.memory_space<hbm>> -> memref<128x128xf32, #tpu.memory_space<hbm>>
      %dma_wait3A_85 = arith.constant 0 : i32
      %dma_wait3A_86 = arith.constant 0 : i32
      %dma_wait3A_87 = tpu.memref_slice %arg10[%dma_wait3A_85, %dma_wait3A_86] : memref<256x128xf32, #tpu.memory_space<vmem>> -> memref<128x128xf32, #tpu.memory_space<vmem>>
      tpu.wait_dma2 semaphore(%run_scoped3A : memref<!tpu.dma_semaphore, #tpu.memory_space<semaphore_mem>>) src(%dma_wait3A_87 : memref<128x128xf32, #tpu.memory_space<vmem>>) dst(%dma_wait3A_84 : memref<128x128xf32, #tpu.memory_space<hbm>>)
      tpu.yield
    }) : () -> ()
    %mul3A_34 = arith.constant 640 : i32
    %mul3A_35 = arith.muli %arg1, %mul3A_34 : i32
    %add3A_36 = arith.constant 128 : i32
    %add3A_37 = arith.addi %mul3A_35, %add3A_36 : i32
    "tpu.region"() ({
      %run_scoped3A = tpu.sem_alloc : memref<!tpu.dma_semaphore, #tpu.memory_space<semaphore_mem>>
      %dma_start3A = arith.constant 0 : i32
      %dma_start3A_66 = arith.constant 0 : i32
      %dma_start3A_67 = tpu.memref_slice %arg10[%dma_start3A, %dma_start3A_66] : memref<256x128xf32, #tpu.memory_space<vmem>> -> memref<128x128xf32, #tpu.memory_space<vmem>>
      %dma_start3A_68 = arith.constant 0 : i32
      %dma_start3A_69 = tpu.memref_slice %arg7[%add3A_37, %dma_start3A_68] : memref<10240x128xf32, #tpu.memory_space<vmem_shared>> -> memref<128x128xf32, #tpu.memory_space<vmem_shared>>
      %dma_start3A_70 = arith.constant 0 : i32
      %dma_start3A_71 = arith.constant 0 : i32
      %dma_start3A_72 = tpu.memref_slice %arg10[%dma_start3A_70, %dma_start3A_71] : memref<256x128xf32, #tpu.memory_space<vmem>> -> memref<128x128xf32, #tpu.memory_space<vmem>>
      %dma_start3A_73 = arith.constant 0 : i32
      %dma_start3A_74 = tpu.memref_slice %arg7[%add3A_37, %dma_start3A_73] : memref<10240x128xf32, #tpu.memory_space<vmem_shared>> -> memref<128x128xf32, #tpu.memory_space<vmem_shared>>
      tpu.enqueue_dma source(%dma_start3A_74 : memref<128x128xf32, #tpu.memory_space<vmem_shared>>) target(%dma_start3A_72 : memref<128x128xf32, #tpu.memory_space<vmem>>) target_semaphore(%run_scoped3A : memref<!tpu.dma_semaphore, #tpu.memory_space<semaphore_mem>>)
      %dma_wait3A = arith.constant 0 : i32
      %dma_wait3A_75 = arith.constant 0 : i32
      %dma_wait3A_76 = tpu.memref_slice %arg10[%dma_wait3A, %dma_wait3A_75] : memref<256x128xf32, #tpu.memory_space<vmem>> -> memref<128x128xf32, #tpu.memory_space<vmem>>
      %dma_wait3A_77 = arith.constant 0 : i32
      %dma_wait3A_78 = tpu.memref_slice %arg7[%add3A_37, %dma_wait3A_77] : memref<10240x128xf32, #tpu.memory_space<vmem_shared>> -> memref<128x128xf32, #tpu.memory_space<vmem_shared>>
      %dma_wait3A_79 = arith.constant 0 : i32
      %dma_wait3A_80 = arith.constant 0 : i32
      %dma_wait3A_81 = tpu.memref_slice %arg10[%dma_wait3A_79, %dma_wait3A_80] : memref<256x128xf32, #tpu.memory_space<vmem>> -> memref<128x128xf32, #tpu.memory_space<vmem>>
      %dma_wait3A_82 = arith.constant 0 : i32
      %dma_wait3A_83 = tpu.memref_slice %arg7[%add3A_37, %dma_wait3A_82] : memref<10240x128xf32, #tpu.memory_space<vmem_shared>> -> memref<128x128xf32, #tpu.memory_space<vmem_shared>>
      tpu.wait_dma2 semaphore(%run_scoped3A : memref<!tpu.dma_semaphore, #tpu.memory_space<semaphore_mem>>) src(%dma_wait3A_83 : memref<128x128xf32, #tpu.memory_space<vmem_shared>>) dst(%dma_wait3A_81 : memref<128x128xf32, #tpu.memory_space<vmem>>)
      tpu.yield
    }) : () -> ()
    %mul3A_38 = arith.constant 640 : i32
    %mul3A_39 = arith.muli %arg1, %mul3A_38 : i32
    %add3A_40 = arith.constant 128 : i32
    %add3A_41 = arith.addi %mul3A_39, %add3A_40 : i32
    "tpu.region"() ({
      %run_scoped3A = tpu.sem_alloc : memref<!tpu.dma_semaphore, #tpu.memory_space<semaphore_mem>>
      %dma_start3A = arith.constant 0 : i32
      %dma_start3A_66 = arith.constant 0 : i32
      %dma_start3A_67 = tpu.memref_slice %arg10[%dma_start3A, %dma_start3A_66] : memref<256x128xf32, #tpu.memory_space<vmem>> -> memref<128x128xf32, #tpu.memory_space<vmem>>
      %dma_start3A_68 = arith.constant 0 : i32
      %dma_start3A_69 = tpu.memref_slice %arg6[%arg0, %add3A_41, %dma_start3A_68] : memref<2x10240x128xf32, #tpu.memory_space<hbm>> -> memref<1x128x128xf32, #tpu.memory_space<hbm>>
      %dma_start3A_70 = tpu.memref_squeeze %dma_start3A_69 : memref<1x128x128xf32, #tpu.memory_space<hbm>> -> memref<128x128xf32, #tpu.memory_space<hbm>>
      %dma_start3A_71 = arith.constant 0 : i32
      %dma_start3A_72 = tpu.memref_slice %arg6[%arg0, %add3A_41, %dma_start3A_71] : memref<2x10240x128xf32, #tpu.memory_space<hbm>> -> memref<1x128x128xf32, #tpu.memory_space<hbm>>
      %dma_start3A_73 = tpu.memref_squeeze %dma_start3A_72 : memref<1x128x128xf32, #tpu.memory_space<hbm>> -> memref<128x128xf32, #tpu.memory_space<hbm>>
      %dma_start3A_74 = arith.constant 0 : i32
      %dma_start3A_75 = arith.constant 0 : i32
      %dma_start3A_76 = tpu.memref_slice %arg10[%dma_start3A_74, %dma_start3A_75] : memref<256x128xf32, #tpu.memory_space<vmem>> -> memref<128x128xf32, #tpu.memory_space<vmem>>
      tpu.enqueue_dma source(%dma_start3A_76 : memref<128x128xf32, #tpu.memory_space<vmem>>) target(%dma_start3A_73 : memref<128x128xf32, #tpu.memory_space<hbm>>) target_semaphore(%run_scoped3A : memref<!tpu.dma_semaphore, #tpu.memory_space<semaphore_mem>>)
      %dma_wait3A = arith.constant 0 : i32
      %dma_wait3A_77 = arith.constant 0 : i32
      %dma_wait3A_78 = tpu.memref_slice %arg10[%dma_wait3A, %dma_wait3A_77] : memref<256x128xf32, #tpu.memory_space<vmem>> -> memref<128x128xf32, #tpu.memory_space<vmem>>
      %dma_wait3A_79 = arith.constant 0 : i32
      %dma_wait3A_80 = tpu.memref_slice %arg6[%arg0, %add3A_41, %dma_wait3A_79] : memref<2x10240x128xf32, #tpu.memory_space<hbm>> -> memref<1x128x128xf32, #tpu.memory_space<hbm>>
      %dma_wait3A_81 = tpu.memref_squeeze %dma_wait3A_80 : memref<1x128x128xf32, #tpu.memory_space<hbm>> -> memref<128x128xf32, #tpu.memory_space<hbm>>
      %dma_wait3A_82 = arith.constant 0 : i32
      %dma_wait3A_83 = tpu.memref_slice %arg6[%arg0, %add3A_41, %dma_wait3A_82] : memref<2x10240x128xf32, #tpu.memory_space<hbm>> -> memref<1x128x128xf32, #tpu.memory_space<hbm>>
      %dma_wait3A_84 = tpu.memref_squeeze %dma_wait3A_83 : memref<1x128x128xf32, #tpu.memory_space<hbm>> -> memref<128x128xf32, #tpu.memory_space<hbm>>
      %dma_wait3A_85 = arith.constant 0 : i32
      %dma_wait3A_86 = arith.constant 0 : i32
      %dma_wait3A_87 = tpu.memref_slice %arg10[%dma_wait3A_85, %dma_wait3A_86] : memref<256x128xf32, #tpu.memory_space<vmem>> -> memref<128x128xf32, #tpu.memory_space<vmem>>
      tpu.wait_dma2 semaphore(%run_scoped3A : memref<!tpu.dma_semaphore, #tpu.memory_space<semaphore_mem>>) src(%dma_wait3A_87 : memref<128x128xf32, #tpu.memory_space<vmem>>) dst(%dma_wait3A_84 : memref<128x128xf32, #tpu.memory_space<hbm>>)
      tpu.yield
    }) : () -> ()
    %mul3A_42 = arith.constant 640 : i32
    %mul3A_43 = arith.muli %arg1, %mul3A_42 : i32
    %add3A_44 = arith.constant 256 : i32
    %add3A_45 = arith.addi %mul3A_43, %add3A_44 : i32
    "tpu.region"() ({
      %run_scoped3A = tpu.sem_alloc : memref<!tpu.dma_semaphore, #tpu.memory_space<semaphore_mem>>
      %dma_start3A = arith.constant 0 : i32
      %dma_start3A_66 = arith.constant 0 : i32
      %dma_start3A_67 = tpu.memref_slice %arg10[%dma_start3A, %dma_start3A_66] : memref<256x128xf32, #tpu.memory_space<vmem>> -> memref<128x128xf32, #tpu.memory_space<vmem>>
      %dma_start3A_68 = arith.constant 0 : i32
      %dma_start3A_69 = tpu.memref_slice %arg7[%add3A_45, %dma_start3A_68] : memref<10240x128xf32, #tpu.memory_space<vmem_shared>> -> memref<128x128xf32, #tpu.memory_space<vmem_shared>>
      %dma_start3A_70 = arith.constant 0 : i32
      %dma_start3A_71 = arith.constant 0 : i32
      %dma_start3A_72 = tpu.memref_slice %arg10[%dma_start3A_70, %dma_start3A_71] : memref<256x128xf32, #tpu.memory_space<vmem>> -> memref<128x128xf32, #tpu.memory_space<vmem>>
      %dma_start3A_73 = arith.constant 0 : i32
      %dma_start3A_74 = tpu.memref_slice %arg7[%add3A_45, %dma_start3A_73] : memref<10240x128xf32, #tpu.memory_space<vmem_shared>> -> memref<128x128xf32, #tpu.memory_space<vmem_shared>>
      tpu.enqueue_dma source(%dma_start3A_74 : memref<128x128xf32, #tpu.memory_space<vmem_shared>>) target(%dma_start3A_72 : memref<128x128xf32, #tpu.memory_space<vmem>>) target_semaphore(%run_scoped3A : memref<!tpu.dma_semaphore, #tpu.memory_space<semaphore_mem>>)
      %dma_wait3A = arith.constant 0 : i32
      %dma_wait3A_75 = arith.constant 0 : i32
      %dma_wait3A_76 = tpu.memref_slice %arg10[%dma_wait3A, %dma_wait3A_75] : memref<256x128xf32, #tpu.memory_space<vmem>> -> memref<128x128xf32, #tpu.memory_space<vmem>>
      %dma_wait3A_77 = arith.constant 0 : i32
      %dma_wait3A_78 = tpu.memref_slice %arg7[%add3A_45, %dma_wait3A_77] : memref<10240x128xf32, #tpu.memory_space<vmem_shared>> -> memref<128x128xf32, #tpu.memory_space<vmem_shared>>
      %dma_wait3A_79 = arith.constant 0 : i32
      %dma_wait3A_80 = arith.constant 0 : i32
      %dma_wait3A_81 = tpu.memref_slice %arg10[%dma_wait3A_79, %dma_wait3A_80] : memref<256x128xf32, #tpu.memory_space<vmem>> -> memref<128x128xf32, #tpu.memory_space<vmem>>
      %dma_wait3A_82 = arith.constant 0 : i32
      %dma_wait3A_83 = tpu.memref_slice %arg7[%add3A_45, %dma_wait3A_82] : memref<10240x128xf32, #tpu.memory_space<vmem_shared>> -> memref<128x128xf32, #tpu.memory_space<vmem_shared>>
      tpu.wait_dma2 semaphore(%run_scoped3A : memref<!tpu.dma_semaphore, #tpu.memory_space<semaphore_mem>>) src(%dma_wait3A_83 : memref<128x128xf32, #tpu.memory_space<vmem_shared>>) dst(%dma_wait3A_81 : memref<128x128xf32, #tpu.memory_space<vmem>>)
      tpu.yield
    }) : () -> ()
    %mul3A_46 = arith.constant 640 : i32
    %mul3A_47 = arith.muli %arg1, %mul3A_46 : i32
    %add3A_48 = arith.constant 256 : i32
    %add3A_49 = arith.addi %mul3A_47, %add3A_48 : i32
    "tpu.region"() ({
      %run_scoped3A = tpu.sem_alloc : memref<!tpu.dma_semaphore, #tpu.memory_space<semaphore_mem>>
      %dma_start3A = arith.constant 0 : i32
      %dma_start3A_66 = arith.constant 0 : i32
      %dma_start3A_67 = tpu.memref_slice %arg10[%dma_start3A, %dma_start3A_66] : memref<256x128xf32, #tpu.memory_space<vmem>> -> memref<128x128xf32, #tpu.memory_space<vmem>>
      %dma_start3A_68 = arith.constant 0 : i32
      %dma_start3A_69 = tpu.memref_slice %arg6[%arg0, %add3A_49, %dma_start3A_68] : memref<2x10240x128xf32, #tpu.memory_space<hbm>> -> memref<1x128x128xf32, #tpu.memory_space<hbm>>
      %dma_start3A_70 = tpu.memref_squeeze %dma_start3A_69 : memref<1x128x128xf32, #tpu.memory_space<hbm>> -> memref<128x128xf32, #tpu.memory_space<hbm>>
      %dma_start3A_71 = arith.constant 0 : i32
      %dma_start3A_72 = tpu.memref_slice %arg6[%arg0, %add3A_49, %dma_start3A_71] : memref<2x10240x128xf32, #tpu.memory_space<hbm>> -> memref<1x128x128xf32, #tpu.memory_space<hbm>>
      %dma_start3A_73 = tpu.memref_squeeze %dma_start3A_72 : memref<1x128x128xf32, #tpu.memory_space<hbm>> -> memref<128x128xf32, #tpu.memory_space<hbm>>
      %dma_start3A_74 = arith.constant 0 : i32
      %dma_start3A_75 = arith.constant 0 : i32
      %dma_start3A_76 = tpu.memref_slice %arg10[%dma_start3A_74, %dma_start3A_75] : memref<256x128xf32, #tpu.memory_space<vmem>> -> memref<128x128xf32, #tpu.memory_space<vmem>>
      tpu.enqueue_dma source(%dma_start3A_76 : memref<128x128xf32, #tpu.memory_space<vmem>>) target(%dma_start3A_73 : memref<128x128xf32, #tpu.memory_space<hbm>>) target_semaphore(%run_scoped3A : memref<!tpu.dma_semaphore, #tpu.memory_space<semaphore_mem>>)
      %dma_wait3A = arith.constant 0 : i32
      %dma_wait3A_77 = arith.constant 0 : i32
      %dma_wait3A_78 = tpu.memref_slice %arg10[%dma_wait3A, %dma_wait3A_77] : memref<256x128xf32, #tpu.memory_space<vmem>> -> memref<128x128xf32, #tpu.memory_space<vmem>>
      %dma_wait3A_79 = arith.constant 0 : i32
      %dma_wait3A_80 = tpu.memref_slice %arg6[%arg0, %add3A_49, %dma_wait3A_79] : memref<2x10240x128xf32, #tpu.memory_space<hbm>> -> memref<1x128x128xf32, #tpu.memory_space<hbm>>
      %dma_wait3A_81 = tpu.memref_squeeze %dma_wait3A_80 : memref<1x128x128xf32, #tpu.memory_space<hbm>> -> memref<128x128xf32, #tpu.memory_space<hbm>>
      %dma_wait3A_82 = arith.constant 0 : i32
      %dma_wait3A_83 = tpu.memref_slice %arg6[%arg0, %add3A_49, %dma_wait3A_82] : memref<2x10240x128xf32, #tpu.memory_space<hbm>> -> memref<1x128x128xf32, #tpu.memory_space<hbm>>
      %dma_wait3A_84 = tpu.memref_squeeze %dma_wait3A_83 : memref<1x128x128xf32, #tpu.memory_space<hbm>> -> memref<128x128xf32, #tpu.memory_space<hbm>>
      %dma_wait3A_85 = arith.constant 0 : i32
      %dma_wait3A_86 = arith.constant 0 : i32
      %dma_wait3A_87 = tpu.memref_slice %arg10[%dma_wait3A_85, %dma_wait3A_86] : memref<256x128xf32, #tpu.memory_space<vmem>> -> memref<128x128xf32, #tpu.memory_space<vmem>>
      tpu.wait_dma2 semaphore(%run_scoped3A : memref<!tpu.dma_semaphore, #tpu.memory_space<semaphore_mem>>) src(%dma_wait3A_87 : memref<128x128xf32, #tpu.memory_space<vmem>>) dst(%dma_wait3A_84 : memref<128x128xf32, #tpu.memory_space<hbm>>)
      tpu.yield
    }) : () -> ()
    %mul3A_50 = arith.constant 640 : i32
    %mul3A_51 = arith.muli %arg1, %mul3A_50 : i32
    %add3A_52 = arith.constant 384 : i32
    %add3A_53 = arith.addi %mul3A_51, %add3A_52 : i32
    "tpu.region"() ({
      %run_scoped3A = tpu.sem_alloc : memref<!tpu.dma_semaphore, #tpu.memory_space<semaphore_mem>>
      %dma_start3A = arith.constant 0 : i32
      %dma_start3A_66 = arith.constant 0 : i32
      %dma_start3A_67 = tpu.memref_slice %arg10[%dma_start3A, %dma_start3A_66] : memref<256x128xf32, #tpu.memory_space<vmem>> -> memref<128x128xf32, #tpu.memory_space<vmem>>
      %dma_start3A_68 = arith.constant 0 : i32
      %dma_start3A_69 = tpu.memref_slice %arg7[%add3A_53, %dma_start3A_68] : memref<10240x128xf32, #tpu.memory_space<vmem_shared>> -> memref<128x128xf32, #tpu.memory_space<vmem_shared>>
      %dma_start3A_70 = arith.constant 0 : i32
      %dma_start3A_71 = arith.constant 0 : i32
      %dma_start3A_72 = tpu.memref_slice %arg10[%dma_start3A_70, %dma_start3A_71] : memref<256x128xf32, #tpu.memory_space<vmem>> -> memref<128x128xf32, #tpu.memory_space<vmem>>
      %dma_start3A_73 = arith.constant 0 : i32
      %dma_start3A_74 = tpu.memref_slice %arg7[%add3A_53, %dma_start3A_73] : memref<10240x128xf32, #tpu.memory_space<vmem_shared>> -> memref<128x128xf32, #tpu.memory_space<vmem_shared>>
      tpu.enqueue_dma source(%dma_start3A_74 : memref<128x128xf32, #tpu.memory_space<vmem_shared>>) target(%dma_start3A_72 : memref<128x128xf32, #tpu.memory_space<vmem>>) target_semaphore(%run_scoped3A : memref<!tpu.dma_semaphore, #tpu.memory_space<semaphore_mem>>)
      %dma_wait3A = arith.constant 0 : i32
      %dma_wait3A_75 = arith.constant 0 : i32
      %dma_wait3A_76 = tpu.memref_slice %arg10[%dma_wait3A, %dma_wait3A_75] : memref<256x128xf32, #tpu.memory_space<vmem>> -> memref<128x128xf32, #tpu.memory_space<vmem>>
      %dma_wait3A_77 = arith.constant 0 : i32
      %dma_wait3A_78 = tpu.memref_slice %arg7[%add3A_53, %dma_wait3A_77] : memref<10240x128xf32, #tpu.memory_space<vmem_shared>> -> memref<128x128xf32, #tpu.memory_space<vmem_shared>>
      %dma_wait3A_79 = arith.constant 0 : i32
      %dma_wait3A_80 = arith.constant 0 : i32
      %dma_wait3A_81 = tpu.memref_slice %arg10[%dma_wait3A_79, %dma_wait3A_80] : memref<256x128xf32, #tpu.memory_space<vmem>> -> memref<128x128xf32, #tpu.memory_space<vmem>>
      %dma_wait3A_82 = arith.constant 0 : i32
      %dma_wait3A_83 = tpu.memref_slice %arg7[%add3A_53, %dma_wait3A_82] : memref<10240x128xf32, #tpu.memory_space<vmem_shared>> -> memref<128x128xf32, #tpu.memory_space<vmem_shared>>
      tpu.wait_dma2 semaphore(%run_scoped3A : memref<!tpu.dma_semaphore, #tpu.memory_space<semaphore_mem>>) src(%dma_wait3A_83 : memref<128x128xf32, #tpu.memory_space<vmem_shared>>) dst(%dma_wait3A_81 : memref<128x128xf32, #tpu.memory_space<vmem>>)
      tpu.yield
    }) : () -> ()
    %mul3A_54 = arith.constant 640 : i32
    %mul3A_55 = arith.muli %arg1, %mul3A_54 : i32
    %add3A_56 = arith.constant 384 : i32
    %add3A_57 = arith.addi %mul3A_55, %add3A_56 : i32
    "tpu.region"() ({
      %run_scoped3A = tpu.sem_alloc : memref<!tpu.dma_semaphore, #tpu.memory_space<semaphore_mem>>
      %dma_start3A = arith.constant 0 : i32
      %dma_start3A_66 = arith.constant 0 : i32
      %dma_start3A_67 = tpu.memref_slice %arg10[%dma_start3A, %dma_start3A_66] : memref<256x128xf32, #tpu.memory_space<vmem>> -> memref<128x128xf32, #tpu.memory_space<vmem>>
      %dma_start3A_68 = arith.constant 0 : i32
      %dma_start3A_69 = tpu.memref_slice %arg6[%arg0, %add3A_57, %dma_start3A_68] : memref<2x10240x128xf32, #tpu.memory_space<hbm>> -> memref<1x128x128xf32, #tpu.memory_space<hbm>>
      %dma_start3A_70 = tpu.memref_squeeze %dma_start3A_69 : memref<1x128x128xf32, #tpu.memory_space<hbm>> -> memref<128x128xf32, #tpu.memory_space<hbm>>
      %dma_start3A_71 = arith.constant 0 : i32
      %dma_start3A_72 = tpu.memref_slice %arg6[%arg0, %add3A_57, %dma_start3A_71] : memref<2x10240x128xf32, #tpu.memory_space<hbm>> -> memref<1x128x128xf32, #tpu.memory_space<hbm>>
      %dma_start3A_73 = tpu.memref_squeeze %dma_start3A_72 : memref<1x128x128xf32, #tpu.memory_space<hbm>> -> memref<128x128xf32, #tpu.memory_space<hbm>>
      %dma_start3A_74 = arith.constant 0 : i32
      %dma_start3A_75 = arith.constant 0 : i32
      %dma_start3A_76 = tpu.memref_slice %arg10[%dma_start3A_74, %dma_start3A_75] : memref<256x128xf32, #tpu.memory_space<vmem>> -> memref<128x128xf32, #tpu.memory_space<vmem>>
      tpu.enqueue_dma source(%dma_start3A_76 : memref<128x128xf32, #tpu.memory_space<vmem>>) target(%dma_start3A_73 : memref<128x128xf32, #tpu.memory_space<hbm>>) target_semaphore(%run_scoped3A : memref<!tpu.dma_semaphore, #tpu.memory_space<semaphore_mem>>)
      %dma_wait3A = arith.constant 0 : i32
      %dma_wait3A_77 = arith.constant 0 : i32
      %dma_wait3A_78 = tpu.memref_slice %arg10[%dma_wait3A, %dma_wait3A_77] : memref<256x128xf32, #tpu.memory_space<vmem>> -> memref<128x128xf32, #tpu.memory_space<vmem>>
      %dma_wait3A_79 = arith.constant 0 : i32
      %dma_wait3A_80 = tpu.memref_slice %arg6[%arg0, %add3A_57, %dma_wait3A_79] : memref<2x10240x128xf32, #tpu.memory_space<hbm>> -> memref<1x128x128xf32, #tpu.memory_space<hbm>>
      %dma_wait3A_81 = tpu.memref_squeeze %dma_wait3A_80 : memref<1x128x128xf32, #tpu.memory_space<hbm>> -> memref<128x128xf32, #tpu.memory_space<hbm>>
      %dma_wait3A_82 = arith.constant 0 : i32
      %dma_wait3A_83 = tpu.memref_slice %arg6[%arg0, %add3A_57, %dma_wait3A_82] : memref<2x10240x128xf32, #tpu.memory_space<hbm>> -> memref<1x128x128xf32, #tpu.memory_space<hbm>>
      %dma_wait3A_84 = tpu.memref_squeeze %dma_wait3A_83 : memref<1x128x128xf32, #tpu.memory_space<hbm>> -> memref<128x128xf32, #tpu.memory_space<hbm>>
      %dma_wait3A_85 = arith.constant 0 : i32
      %dma_wait3A_86 = arith.constant 0 : i32
      %dma_wait3A_87 = tpu.memref_slice %arg10[%dma_wait3A_85, %dma_wait3A_86] : memref<256x128xf32, #tpu.memory_space<vmem>> -> memref<128x128xf32, #tpu.memory_space<vmem>>
      tpu.wait_dma2 semaphore(%run_scoped3A : memref<!tpu.dma_semaphore, #tpu.memory_space<semaphore_mem>>) src(%dma_wait3A_87 : memref<128x128xf32, #tpu.memory_space<vmem>>) dst(%dma_wait3A_84 : memref<128x128xf32, #tpu.memory_space<hbm>>)
      tpu.yield
    }) : () -> ()
    %mul3A_58 = arith.constant 640 : i32
    %mul3A_59 = arith.muli %arg1, %mul3A_58 : i32
    %add3A_60 = arith.constant 512 : i32
    %add3A_61 = arith.addi %mul3A_59, %add3A_60 : i32
    "tpu.region"() ({
      %run_scoped3A = tpu.sem_alloc : memref<!tpu.dma_semaphore, #tpu.memory_space<semaphore_mem>>
      %dma_start3A = arith.constant 0 : i32
      %dma_start3A_66 = arith.constant 0 : i32
      %dma_start3A_67 = tpu.memref_slice %arg10[%dma_start3A, %dma_start3A_66] : memref<256x128xf32, #tpu.memory_space<vmem>> -> memref<128x128xf32, #tpu.memory_space<vmem>>
      %dma_start3A_68 = arith.constant 0 : i32
      %dma_start3A_69 = tpu.memref_slice %arg7[%add3A_61, %dma_start3A_68] : memref<10240x128xf32, #tpu.memory_space<vmem_shared>> -> memref<128x128xf32, #tpu.memory_space<vmem_shared>>
      %dma_start3A_70 = arith.constant 0 : i32
      %dma_start3A_71 = arith.constant 0 : i32
      %dma_start3A_72 = tpu.memref_slice %arg10[%dma_start3A_70, %dma_start3A_71] : memref<256x128xf32, #tpu.memory_space<vmem>> -> memref<128x128xf32, #tpu.memory_space<vmem>>
      %dma_start3A_73 = arith.constant 0 : i32
      %dma_start3A_74 = tpu.memref_slice %arg7[%add3A_61, %dma_start3A_73] : memref<10240x128xf32, #tpu.memory_space<vmem_shared>> -> memref<128x128xf32, #tpu.memory_space<vmem_shared>>
      tpu.enqueue_dma source(%dma_start3A_74 : memref<128x128xf32, #tpu.memory_space<vmem_shared>>) target(%dma_start3A_72 : memref<128x128xf32, #tpu.memory_space<vmem>>) target_semaphore(%run_scoped3A : memref<!tpu.dma_semaphore, #tpu.memory_space<semaphore_mem>>)
      %dma_wait3A = arith.constant 0 : i32
      %dma_wait3A_75 = arith.constant 0 : i32
      %dma_wait3A_76 = tpu.memref_slice %arg10[%dma_wait3A, %dma_wait3A_75] : memref<256x128xf32, #tpu.memory_space<vmem>> -> memref<128x128xf32, #tpu.memory_space<vmem>>
      %dma_wait3A_77 = arith.constant 0 : i32
      %dma_wait3A_78 = tpu.memref_slice %arg7[%add3A_61, %dma_wait3A_77] : memref<10240x128xf32, #tpu.memory_space<vmem_shared>> -> memref<128x128xf32, #tpu.memory_space<vmem_shared>>
      %dma_wait3A_79 = arith.constant 0 : i32
      %dma_wait3A_80 = arith.constant 0 : i32
      %dma_wait3A_81 = tpu.memref_slice %arg10[%dma_wait3A_79, %dma_wait3A_80] : memref<256x128xf32, #tpu.memory_space<vmem>> -> memref<128x128xf32, #tpu.memory_space<vmem>>
      %dma_wait3A_82 = arith.constant 0 : i32
      %dma_wait3A_83 = tpu.memref_slice %arg7[%add3A_61, %dma_wait3A_82] : memref<10240x128xf32, #tpu.memory_space<vmem_shared>> -> memref<128x128xf32, #tpu.memory_space<vmem_shared>>
      tpu.wait_dma2 semaphore(%run_scoped3A : memref<!tpu.dma_semaphore, #tpu.memory_space<semaphore_mem>>) src(%dma_wait3A_83 : memref<128x128xf32, #tpu.memory_space<vmem_shared>>) dst(%dma_wait3A_81 : memref<128x128xf32, #tpu.memory_space<vmem>>)
      tpu.yield
    }) : () -> ()
    %mul3A_62 = arith.constant 640 : i32
    %mul3A_63 = arith.muli %arg1, %mul3A_62 : i32
    %add3A_64 = arith.constant 512 : i32
    %add3A_65 = arith.addi %mul3A_63, %add3A_64 : i32
    "tpu.region"() ({
      %run_scoped3A = tpu.sem_alloc : memref<!tpu.dma_semaphore, #tpu.memory_space<semaphore_mem>>
      %dma_start3A = arith.constant 0 : i32
      %dma_start3A_66 = arith.constant 0 : i32
      %dma_start3A_67 = tpu.memref_slice %arg10[%dma_start3A, %dma_start3A_66] : memref<256x128xf32, #tpu.memory_space<vmem>> -> memref<128x128xf32, #tpu.memory_space<vmem>>
      %dma_start3A_68 = arith.constant 0 : i32
      %dma_start3A_69 = tpu.memref_slice %arg6[%arg0, %add3A_65, %dma_start3A_68] : memref<2x10240x128xf32, #tpu.memory_space<hbm>> -> memref<1x128x128xf32, #tpu.memory_space<hbm>>
      %dma_start3A_70 = tpu.memref_squeeze %dma_start3A_69 : memref<1x128x128xf32, #tpu.memory_space<hbm>> -> memref<128x128xf32, #tpu.memory_space<hbm>>
      %dma_start3A_71 = arith.constant 0 : i32
      %dma_start3A_72 = tpu.memref_slice %arg6[%arg0, %add3A_65, %dma_start3A_71] : memref<2x10240x128xf32, #tpu.memory_space<hbm>> -> memref<1x128x128xf32, #tpu.memory_space<hbm>>
      %dma_start3A_73 = tpu.memref_squeeze %dma_start3A_72 : memref<1x128x128xf32, #tpu.memory_space<hbm>> -> memref<128x128xf32, #tpu.memory_space<hbm>>
      %dma_start3A_74 = arith.constant 0 : i32
      %dma_start3A_75 = arith.constant 0 : i32
      %dma_start3A_76 = tpu.memref_slice %arg10[%dma_start3A_74, %dma_start3A_75] : memref<256x128xf32, #tpu.memory_space<vmem>> -> memref<128x128xf32, #tpu.memory_space<vmem>>
      tpu.enqueue_dma source(%dma_start3A_76 : memref<128x128xf32, #tpu.memory_space<vmem>>) target(%dma_start3A_73 : memref<128x128xf32, #tpu.memory_space<hbm>>) target_semaphore(%run_scoped3A : memref<!tpu.dma_semaphore, #tpu.memory_space<semaphore_mem>>)
      %dma_wait3A = arith.constant 0 : i32
      %dma_wait3A_77 = arith.constant 0 : i32
      %dma_wait3A_78 = tpu.memref_slice %arg10[%dma_wait3A, %dma_wait3A_77] : memref<256x128xf32, #tpu.memory_space<vmem>> -> memref<128x128xf32, #tpu.memory_space<vmem>>
      %dma_wait3A_79 = arith.constant 0 : i32
      %dma_wait3A_80 = tpu.memref_slice %arg6[%arg0, %add3A_65, %dma_wait3A_79] : memref<2x10240x128xf32, #tpu.memory_space<hbm>> -> memref<1x128x128xf32, #tpu.memory_space<hbm>>
      %dma_wait3A_81 = tpu.memref_squeeze %dma_wait3A_80 : memref<1x128x128xf32, #tpu.memory_space<hbm>> -> memref<128x128xf32, #tpu.memory_space<hbm>>
      %dma_wait3A_82 = arith.constant 0 : i32
      %dma_wait3A_83 = tpu.memref_slice %arg6[%arg0, %add3A_65, %dma_wait3A_82] : memref<2x10240x128xf32, #tpu.memory_space<hbm>> -> memref<1x128x128xf32, #tpu.memory_space<hbm>>
      %dma_wait3A_84 = tpu.memref_squeeze %dma_wait3A_83 : memref<1x128x128xf32, #tpu.memory_space<hbm>> -> memref<128x128xf32, #tpu.memory_space<hbm>>
      %dma_wait3A_85 = arith.constant 0 : i32
      %dma_wait3A_86 = arith.constant 0 : i32
      %dma_wait3A_87 = tpu.memref_slice %arg10[%dma_wait3A_85, %dma_wait3A_86] : memref<256x128xf32, #tpu.memory_space<vmem>> -> memref<128x128xf32, #tpu.memory_space<vmem>>
      tpu.wait_dma2 semaphore(%run_scoped3A : memref<!tpu.dma_semaphore, #tpu.memory_space<semaphore_mem>>) src(%dma_wait3A_87 : memref<128x128xf32, #tpu.memory_space<vmem>>) dst(%dma_wait3A_84 : memref<128x128xf32, #tpu.memory_space<hbm>>)
      tpu.yield
    }) : () -> ()
    return
  }
}

module attributes {stable_mosaic.version = 14 : i64} {
  func.func @_tc1_body(%arg0: i32, %arg1: memref<2x400x16xf32, #tpu.memory_space<vmem>>, %arg2: memref<400x128xf32, #tpu.memory_space<vmem>>, %arg3: memref<128x128xf32, #tpu.memory_space<vmem>>, %arg4: memref<1x128xf32, #tpu.memory_space<vmem>>, %arg5: memref<400x128xf32, #tpu.memory_space<vmem>>, %arg6: memref<400x16xf32, #tpu.memory_space<vmem>>) attributes {dimension_semantics = [#tpu.dimension_semantics<arbitrary>], iteration_bounds = array<i64: 25>, scalar_prefetch = 0 : i64, scratch_operands = 0 : i64, tpu.core_type = #tpu.core_type<tc>, window_params = [{transform_indices = @transform_0, window_bounds = array<i64: 2, 400, 16>}, {transform_indices = @transform_1, window_bounds = array<i64: 400, 128>}, {pipeline_mode = #tpu.pipeline_mode<synchronous>, transform_indices = @transform_2, window_bounds = array<i64: 128, 128>}, {pipeline_mode = #tpu.pipeline_mode<synchronous>, transform_indices = @transform_3, window_bounds = array<i64: 1, 128>}, {transform_indices = @transform_4, window_bounds = array<i64: 400, 128>}, {transform_indices = @transform_5, window_bounds = array<i64: 400, 16>}]} {
    %get3A = arith.constant 0 : index
    %get3A_0 = arith.constant 0 : index
    %get3A_1 = arith.constant 0 : index
    %get3A_2 = vector.load %arg1[%get3A, %get3A_0, %get3A_1] : memref<2x400x16xf32, #tpu.memory_space<vmem>>, vector<1x400x16xf32>
    %get3A_3 = vector.shape_cast %get3A_2 : vector<1x400x16xf32> to vector<400x16xf32>
    %get3A_4 = arith.constant 1 : index
    %get3A_5 = arith.constant 0 : index
    %get3A_6 = arith.constant 0 : index
    %get3A_7 = vector.load %arg1[%get3A_4, %get3A_5, %get3A_6] : memref<2x400x16xf32, #tpu.memory_space<vmem>>, vector<1x400x16xf32>
    %get3A_8 = vector.shape_cast %get3A_7 : vector<1x400x16xf32> to vector<400x16xf32>
    %add3A = arith.addf %get3A_3, %get3A_8 : vector<400x16xf32>
    %add3A_9 = arith.constant 1.000000e+00 : f32
    %add3A_10 = vector.broadcast %add3A_9 : f32 to vector<400x16xf32>
    %add3A_11 = arith.addf %add3A, %add3A_10 : vector<400x16xf32>
    %rsqrt3A = math.rsqrt %add3A_11 : vector<400x16xf32>
    %get3A_12 = arith.constant 0 : index
    %get3A_13 = arith.constant 0 : index
    %get3A_14 = vector.load %arg2[%get3A_12, %get3A_13] : memref<400x128xf32, #tpu.memory_space<vmem>>, vector<400x128xf32>
    %get3A_15 = arith.constant 0 : index
    %get3A_16 = arith.constant 0 : index
    %get3A_17 = vector.load %arg3[%get3A_15, %get3A_16] : memref<128x128xf32, #tpu.memory_space<vmem>>, vector<128x128xf32>
    %dot_general3A = arith.constant dense<0.000000e+00> : vector<400x128xf32>
    %dot_general3A_18 = tpu.matmul %get3A_14, %get3A_17, %dot_general3A {dimension_numbers = #tpu.dot_dimension_numbers<[1], [0], [0], [1], [0, 0, 1, 1], [], []>, transpose_lhs_hint = false} : vector<400x128xf32>, vector<128x128xf32>, vector<400x128xf32> -> vector<400x128xf32>
    %get3A_19 = arith.constant 0 : index
    %get3A_20 = arith.constant 0 : index
    %get3A_21 = vector.load %arg4[%get3A_19, %get3A_20] : memref<1x128xf32, #tpu.memory_space<vmem>>, vector<1x128xf32>
    %add3A_22 = vector.broadcast %get3A_21 : vector<1x128xf32> to vector<400x128xf32>
    %add3A_23 = arith.addf %dot_general3A_18, %add3A_22 : vector<400x128xf32>
    %slice3A = vector.extract_strided_slice %rsqrt3A {offsets = [0, 0], sizes = [400, 1], strides = [1, 1]} : vector<400x16xf32> to vector<400x1xf32>
    %mul3A = vector.broadcast %slice3A : vector<400x1xf32> to vector<400x128xf32>
    %mul3A_24 = arith.mulf %add3A_23, %mul3A : vector<400x128xf32>
    %swap3A = arith.constant 0 : index
    %swap3A_25 = arith.constant 0 : index
    %swap3A_26 = vector.load %arg5[%swap3A, %swap3A_25] : memref<400x128xf32, #tpu.memory_space<vmem>>, vector<400x128xf32>
    tpu.vector_store %arg5[%swap3A, %swap3A_25], %mul3A_24 {strides = array<i32>} : memref<400x128xf32, #tpu.memory_space<vmem>>, vector<400x128xf32>,
    %swap3A_27 = arith.constant 0 : index
    %swap3A_28 = arith.constant 0 : index
    %swap3A_29 = vector.load %arg6[%swap3A_27, %swap3A_28] : memref<400x16xf32, #tpu.memory_space<vmem>>, vector<400x16xf32>
    tpu.vector_store %arg6[%swap3A_27, %swap3A_28], %rsqrt3A {strides = array<i32>} : memref<400x16xf32, #tpu.memory_space<vmem>>, vector<400x16xf32>,
    return
  }
  func.func @transform_0(%arg0: i32) -> (i32, i32, i32) {
    %c0_i32 = arith.constant 0 : i32
    %c0_i32_0 = arith.constant 0 : i32
    %c0_i32_1 = arith.constant 0 : i32
    return %c0_i32, %arg0, %c0_i32_0 : i32, i32, i32
  }
  func.func @transform_1(%arg0: i32) -> (i32, i32) {
    %c0_i32 = arith.constant 0 : i32
    %c0_i32_0 = arith.constant 0 : i32
    return %arg0, %c0_i32 : i32, i32
  }
  func.func @transform_2(%arg0: i32) -> (i32, i32) {
    %c0_i32 = arith.constant 0 : i32
    %c0_i32_0 = arith.constant 0 : i32
    %c0_i32_1 = arith.constant 0 : i32
    return %c0_i32, %c0_i32_0 : i32, i32
  }
  func.func @transform_3(%arg0: i32) -> (i32, i32) {
    %c0_i32 = arith.constant 0 : i32
    %c0_i32_0 = arith.constant 0 : i32
    %c0_i32_1 = arith.constant 0 : i32
    return %c0_i32, %c0_i32_0 : i32, i32
  }
  func.func @transform_4(%arg0: i32) -> (i32, i32) {
    %c0_i32 = arith.constant 0 : i32
    %c0_i32_0 = arith.constant 0 : i32
    return %arg0, %c0_i32 : i32, i32
  }
  func.func @transform_5(%arg0: i32) -> (i32, i32) {
    %c0_i32 = arith.constant 0 : i32
    %c0_i32_0 = arith.constant 0 : i32
    return %arg0, %c0_i32 : i32, i32
  }
}

module attributes {stable_mosaic.version = 14 : i64} {
  func.func @_tca_body(%arg0: i32, %arg1: memref<2x400x128xf32, #tpu.memory_space<vmem>>, %arg2: memref<2x400x16xf32, #tpu.memory_space<vmem>>, %arg3: memref<16x128xf32, #tpu.memory_space<vmem>>, %arg4: memref<400x16xf32, #tpu.memory_space<vmem>>, %arg5: memref<400x128xf32, #tpu.memory_space<vmem>>, %arg6: memref<400x16xf32, #tpu.memory_space<vmem>>, %arg7: memref<8x128xf32, #tpu.memory_space<vmem>>) attributes {dimension_semantics = [#tpu.dimension_semantics<arbitrary>], iteration_bounds = array<i64: 25>, scalar_prefetch = 0 : i64, scratch_operands = 0 : i64, tpu.core_type = #tpu.core_type<tc>, window_params = [{transform_indices = @transform_0, window_bounds = array<i64: 2, 400, 128>}, {transform_indices = @transform_1, window_bounds = array<i64: 2, 400, 16>}, {pipeline_mode = #tpu.pipeline_mode<synchronous>, transform_indices = @transform_2, window_bounds = array<i64: 16, 128>}, {transform_indices = @transform_3, window_bounds = array<i64: 400, 16>}, {transform_indices = @transform_4, window_bounds = array<i64: 400, 128>}, {transform_indices = @transform_5, window_bounds = array<i64: 400, 16>}, {pipeline_mode = #tpu.pipeline_mode<synchronous>, transform_indices = @transform_6, window_bounds = array<i64: 8, 128>}]} {
    %get3A = arith.constant 0 : index
    %get3A_0 = arith.constant 0 : index
    %get3A_1 = arith.constant 0 : index
    %get3A_2 = vector.load %arg2[%get3A, %get3A_0, %get3A_1] : memref<2x400x16xf32, #tpu.memory_space<vmem>>, vector<1x400x16xf32>
    %get3A_3 = vector.shape_cast %get3A_2 : vector<1x400x16xf32> to vector<400x16xf32>
    %get3A_4 = arith.constant 1 : index
    %get3A_5 = arith.constant 0 : index
    %get3A_6 = arith.constant 0 : index
    %get3A_7 = vector.load %arg2[%get3A_4, %get3A_5, %get3A_6] : memref<2x400x16xf32, #tpu.memory_space<vmem>>, vector<1x400x16xf32>
    %get3A_8 = vector.shape_cast %get3A_7 : vector<1x400x16xf32> to vector<400x16xf32>
    %add3A = arith.addf %get3A_3, %get3A_8 : vector<400x16xf32>
    %get3A_9 = arith.constant 0 : index
    %get3A_10 = arith.constant 0 : index
    %get3A_11 = arith.constant 0 : index
    %get3A_12 = vector.load %arg1[%get3A_9, %get3A_10, %get3A_11] : memref<2x400x128xf32, #tpu.memory_space<vmem>>, vector<1x400x128xf32>
    %get3A_13 = vector.shape_cast %get3A_12 : vector<1x400x128xf32> to vector<400x128xf32>
    %get3A_14 = arith.constant 1 : index
    %get3A_15 = arith.constant 0 : index
    %get3A_16 = arith.constant 0 : index
    %get3A_17 = vector.load %arg1[%get3A_14, %get3A_15, %get3A_16] : memref<2x400x128xf32, #tpu.memory_space<vmem>>, vector<1x400x128xf32>
    %get3A_18 = vector.shape_cast %get3A_17 : vector<1x400x128xf32> to vector<400x128xf32>
    %add3A_19 = arith.addf %get3A_13, %get3A_18 : vector<400x128xf32>
    %get3A_20 = arith.constant 0 : index
    %get3A_21 = arith.constant 0 : index
    %get3A_22 = vector.load %arg3[%get3A_20, %get3A_21] : memref<16x128xf32, #tpu.memory_space<vmem>>, vector<16x128xf32>
    %dot_general3A = arith.constant dense<0.000000e+00> : vector<400x128xf32>
    %dot_general3A_23 = tpu.matmul %add3A, %get3A_22, %dot_general3A {dimension_numbers = #tpu.dot_dimension_numbers<[1], [0], [0], [1], [0, 0, 1, 1], [], []>, transpose_lhs_hint = false} : vector<400x16xf32>, vector<16x128xf32>, vector<400x128xf32> -> vector<400x128xf32>
    %add3A_24 = arith.addf %add3A_19, %dot_general3A_23 : vector<400x128xf32>
    %get3A_25 = arith.constant 0 : index
    %get3A_26 = arith.constant 0 : index
    %get3A_27 = vector.load %arg4[%get3A_25, %get3A_26] : memref<400x16xf32, #tpu.memory_space<vmem>>, vector<400x1xf32>
    %mul3A = vector.broadcast %get3A_27 : vector<400x1xf32> to vector<400x128xf32>
    %mul3A_28 = arith.mulf %add3A_24, %mul3A : vector<400x128xf32>
    %swap3A = arith.constant 0 : index
    %swap3A_29 = arith.constant 0 : index
    %swap3A_30 = vector.load %arg5[%swap3A, %swap3A_29] : memref<400x128xf32, #tpu.memory_space<vmem>>, vector<400x128xf32>
    tpu.vector_store %arg5[%swap3A, %swap3A_29], %mul3A_28 {strides = array<i32>} : memref<400x128xf32, #tpu.memory_space<vmem>>, vector<400x128xf32>,
    %swap3A_31 = arith.constant 0 : index
    %swap3A_32 = arith.constant 0 : index
    %swap3A_33 = vector.load %arg6[%swap3A_31, %swap3A_32] : memref<400x16xf32, #tpu.memory_space<vmem>>, vector<400x16xf32>
    tpu.vector_store %arg6[%swap3A_31, %swap3A_32], %add3A {strides = array<i32>} : memref<400x16xf32, #tpu.memory_space<vmem>>, vector<400x16xf32>,
    %eq3A = arith.constant 0 : i32
    %eq3A_34 = arith.cmpi eq, %arg0, %eq3A : i32
    %convert_element_type3A = arith.extui %eq3A_34 : i1 to i32
    %cond3A = arith.constant 0 : i32
    %cond3A_35 = arith.cmpi ne, %convert_element_type3A, %cond3A : i32
    scf.if %cond3A_35 {
      %broadcast_in_dim3A_55 = arith.constant 0.000000e+00 : f32
      %broadcast_in_dim3A_56 = vector.broadcast %broadcast_in_dim3A_55 : f32 to vector<8x128xf32>
      %swap3A_57 = arith.constant 0 : index
      %swap3A_58 = arith.constant 0 : index
      %swap3A_59 = vector.load %arg7[%swap3A_57, %swap3A_58] : memref<8x128xf32, #tpu.memory_space<vmem>>, vector<8x128xf32>
      tpu.vector_store %arg7[%swap3A_57, %swap3A_58], %broadcast_in_dim3A_56 {strides = array<i32>} : memref<8x128xf32, #tpu.memory_space<vmem>>, vector<8x128xf32>,
    } else {
    }
    %get3A_36 = arith.constant 0 : index
    %get3A_37 = arith.constant 0 : index
    %get3A_38 = vector.load %arg7[%get3A_36, %get3A_37] : memref<8x128xf32, #tpu.memory_space<vmem>>, vector<1x128xf32>
    %reduce_sum3A = arith.constant dense<0.000000e+00> : vector<128xf32>
    %reduce_sum3A_39 = vector.multi_reduction <add>, %mul3A_28, %reduce_sum3A [0] : vector<400x128xf32> to vector<128xf32>
    %broadcast_in_dim3A = vector.shape_cast %reduce_sum3A_39 : vector<128xf32> to vector<1x128xf32>
    %add3A_40 = arith.addf %get3A_38, %broadcast_in_dim3A : vector<1x128xf32>
    %swap3A_41 = arith.constant 0 : index
    %swap3A_42 = arith.constant 0 : index
    %swap3A_43 = vector.load %arg7[%swap3A_41, %swap3A_42] : memref<8x128xf32, #tpu.memory_space<vmem>>, vector<1x128xf32>
    tpu.vector_store %arg7[%swap3A_41, %swap3A_42], %add3A_40 {strides = array<i32>} : memref<8x128xf32, #tpu.memory_space<vmem>>, vector<1x128xf32>,
    %get3A_44 = arith.constant 1 : index
    %get3A_45 = arith.constant 0 : index
    %get3A_46 = vector.load %arg7[%get3A_44, %get3A_45] : memref<8x128xf32, #tpu.memory_space<vmem>>, vector<1x128xf32>
    %mul3A_47 = arith.mulf %mul3A_28, %mul3A_28 : vector<400x128xf32>
    %reduce_sum3A_48 = arith.constant dense<0.000000e+00> : vector<128xf32>
    %reduce_sum3A_49 = vector.multi_reduction <add>, %mul3A_47, %reduce_sum3A_48 [0] : vector<400x128xf32> to vector<128xf32>
    %broadcast_in_dim3A_50 = vector.shape_cast %reduce_sum3A_49 : vector<128xf32> to vector<1x128xf32>
    %add3A_51 = arith.addf %get3A_46, %broadcast_in_dim3A_50 : vector<1x128xf32>
    %swap3A_52 = arith.constant 1 : index
    %swap3A_53 = arith.constant 0 : index
    %swap3A_54 = vector.load %arg7[%swap3A_52, %swap3A_53] : memref<8x128xf32, #tpu.memory_space<vmem>>, vector<1x128xf32>
    tpu.vector_store %arg7[%swap3A_52, %swap3A_53], %add3A_51 {strides = array<i32>} : memref<8x128xf32, #tpu.memory_space<vmem>>, vector<1x128xf32>,
    return
  }
  func.func @transform_0(%arg0: i32) -> (i32, i32, i32) {
    %c0_i32 = arith.constant 0 : i32
    %c0_i32_0 = arith.constant 0 : i32
    %c0_i32_1 = arith.constant 0 : i32
    return %c0_i32, %arg0, %c0_i32_0 : i32, i32, i32
  }
  func.func @transform_1(%arg0: i32) -> (i32, i32, i32) {
    %c0_i32 = arith.constant 0 : i32
    %c0_i32_0 = arith.constant 0 : i32
    %c0_i32_1 = arith.constant 0 : i32
    return %c0_i32, %arg0, %c0_i32_0 : i32, i32, i32
  }
  func.func @transform_2(%arg0: i32) -> (i32, i32) {
    %c0_i32 = arith.constant 0 : i32
    %c0_i32_0 = arith.constant 0 : i32
    %c0_i32_1 = arith.constant 0 : i32
    return %c0_i32, %c0_i32_0 : i32, i32
  }
  func.func @transform_3(%arg0: i32) -> (i32, i32) {
    %c0_i32 = arith.constant 0 : i32
    %c0_i32_0 = arith.constant 0 : i32
    return %arg0, %c0_i32 : i32, i32
  }
  func.func @transform_4(%arg0: i32) -> (i32, i32) {
    %c0_i32 = arith.constant 0 : i32
    %c0_i32_0 = arith.constant 0 : i32
    return %arg0, %c0_i32 : i32, i32
  }
  func.func @transform_5(%arg0: i32) -> (i32, i32) {
    %c0_i32 = arith.constant 0 : i32
    %c0_i32_0 = arith.constant 0 : i32
    return %arg0, %c0_i32 : i32, i32
  }
  func.func @transform_6(%arg0: i32) -> (i32, i32) {
    %c0_i32 = arith.constant 0 : i32
    %c0_i32_0 = arith.constant 0 : i32
    %c0_i32_1 = arith.constant 0 : i32
    return %c0_i32, %c0_i32_0 : i32, i32
  }
}

module attributes {stable_mosaic.version = 14 : i64} {
  func.func @_tc2b_body(%arg0: i32, %arg1: memref<400x128xf32, #tpu.memory_space<vmem>>, %arg2: memref<8x128xf32, #tpu.memory_space<vmem>>, %arg3: memref<1x128xf32, #tpu.memory_space<vmem>>, %arg4: memref<1x128xf32, #tpu.memory_space<vmem>>, %arg5: memref<128x128xf32, #tpu.memory_space<vmem>>, %arg6: memref<1x128xf32, #tpu.memory_space<vmem>>, %arg7: memref<400x16xf32, #tpu.memory_space<vmem>>, %arg8: memref<400x128xf32, #tpu.memory_space<vmem>>) attributes {dimension_semantics = [#tpu.dimension_semantics<arbitrary>], iteration_bounds = array<i64: 25>, scalar_prefetch = 0 : i64, scratch_operands = 0 : i64, tpu.core_type = #tpu.core_type<tc>, window_params = [{transform_indices = @transform_0, window_bounds = array<i64: 400, 128>}, {pipeline_mode = #tpu.pipeline_mode<synchronous>, transform_indices = @transform_1, window_bounds = array<i64: 8, 128>}, {pipeline_mode = #tpu.pipeline_mode<synchronous>, transform_indices = @transform_2, window_bounds = array<i64: 1, 128>}, {pipeline_mode = #tpu.pipeline_mode<synchronous>, transform_indices = @transform_3, window_bounds = array<i64: 1, 128>}, {pipeline_mode = #tpu.pipeline_mode<synchronous>, transform_indices = @transform_4, window_bounds = array<i64: 128, 128>}, {pipeline_mode = #tpu.pipeline_mode<synchronous>, transform_indices = @transform_5, window_bounds = array<i64: 1, 128>}, {transform_indices = @transform_6, window_bounds = array<i64: 400, 16>}, {transform_indices = @transform_7, window_bounds = array<i64: 400, 128>}]} {
    %get3A = arith.constant 0 : index
    %get3A_0 = arith.constant 0 : index
    %get3A_1 = vector.load %arg2[%get3A, %get3A_0] : memref<8x128xf32, #tpu.memory_space<vmem>>, vector<1x128xf32>
    %mul3A = arith.constant 9.99999974E-5 : f32
    %mul3A_2 = vector.broadcast %mul3A : f32 to vector<1x128xf32>
    %mul3A_3 = arith.mulf %get3A_1, %mul3A_2 : vector<1x128xf32>
    %get3A_4 = arith.constant 1 : index
    %get3A_5 = arith.constant 0 : index
    %get3A_6 = vector.load %arg2[%get3A_4, %get3A_5] : memref<8x128xf32, #tpu.memory_space<vmem>>, vector<1x128xf32>
    %mul3A_7 = arith.constant 9.99999974E-5 : f32
    %mul3A_8 = vector.broadcast %mul3A_7 : f32 to vector<1x128xf32>
    %mul3A_9 = arith.mulf %get3A_6, %mul3A_8 : vector<1x128xf32>
    %mul3A_10 = arith.mulf %mul3A_3, %mul3A_3 : vector<1x128xf32>
    %sub3A = arith.subf %mul3A_9, %mul3A_10 : vector<1x128xf32>
    %add3A = arith.constant 9.99999974E-6 : f32
    %add3A_11 = vector.broadcast %add3A : f32 to vector<1x128xf32>
    %add3A_12 = arith.addf %sub3A, %add3A_11 : vector<1x128xf32>
    %rsqrt3A = math.rsqrt %add3A_12 : vector<1x128xf32>
    %get3A_13 = arith.constant 0 : index
    %get3A_14 = arith.constant 0 : index
    %get3A_15 = vector.load %arg3[%get3A_13, %get3A_14] : memref<1x128xf32, #tpu.memory_space<vmem>>, vector<1x128xf32>
    %mul3A_16 = arith.mulf %rsqrt3A, %get3A_15 : vector<1x128xf32>
    %get3A_17 = arith.constant 0 : index
    %get3A_18 = arith.constant 0 : index
    %get3A_19 = vector.load %arg1[%get3A_17, %get3A_18] : memref<400x128xf32, #tpu.memory_space<vmem>>, vector<400x128xf32>
    %sub3A_20 = vector.broadcast %mul3A_3 : vector<1x128xf32> to vector<400x128xf32>
    %sub3A_21 = arith.subf %get3A_19, %sub3A_20 : vector<400x128xf32>
    %mul3A_22 = vector.broadcast %mul3A_16 : vector<1x128xf32> to vector<400x128xf32>
    %mul3A_23 = arith.mulf %sub3A_21, %mul3A_22 : vector<400x128xf32>
    %get3A_24 = arith.constant 0 : index
    %get3A_25 = arith.constant 0 : index
    %get3A_26 = vector.load %arg4[%get3A_24, %get3A_25] : memref<1x128xf32, #tpu.memory_space<vmem>>, vector<1x128xf32>
    %add3A_27 = vector.broadcast %get3A_26 : vector<1x128xf32> to vector<400x128xf32>
    %add3A_28 = arith.addf %mul3A_23, %add3A_27 : vector<400x128xf32>
    %max3A = arith.constant 0.000000e+00 : f32
    %max3A_29 = vector.broadcast %max3A : f32 to vector<400x128xf32>
    %max3A_30 = arith.maximumf %add3A_28, %max3A_29 : vector<400x128xf32>
    %get3A_31 = arith.constant 0 : index
    %get3A_32 = arith.constant 0 : index
    %get3A_33 = vector.load %arg5[%get3A_31, %get3A_32] : memref<128x128xf32, #tpu.memory_space<vmem>>, vector<128x128xf32>
    %dot_general3A = arith.constant dense<0.000000e+00> : vector<400x128xf32>
    %dot_general3A_34 = tpu.matmul %max3A_30, %get3A_33, %dot_general3A {dimension_numbers = #tpu.dot_dimension_numbers<[1], [0], [0], [1], [0, 0, 1, 1], [], []>, transpose_lhs_hint = false} : vector<400x128xf32>, vector<128x128xf32>, vector<400x128xf32> -> vector<400x128xf32>
    %get3A_35 = arith.constant 0 : index
    %get3A_36 = arith.constant 0 : index
    %get3A_37 = vector.load %arg6[%get3A_35, %get3A_36] : memref<1x128xf32, #tpu.memory_space<vmem>>, vector<1x128xf32>
    %add3A_38 = vector.broadcast %get3A_37 : vector<1x128xf32> to vector<400x128xf32>
    %add3A_39 = arith.addf %dot_general3A_34, %add3A_38 : vector<400x128xf32>
    %get3A_40 = arith.constant 0 : index
    %get3A_41 = arith.constant 0 : index
    %get3A_42 = vector.load %arg7[%get3A_40, %get3A_41] : memref<400x16xf32, #tpu.memory_space<vmem>>, vector<400x1xf32>
    %mul3A_43 = vector.broadcast %get3A_42 : vector<400x1xf32> to vector<400x128xf32>
    %mul3A_44 = arith.mulf %add3A_39, %mul3A_43 : vector<400x128xf32>
    %swap3A = arith.constant 0 : index
    %swap3A_45 = arith.constant 0 : index
    %swap3A_46 = vector.load %arg8[%swap3A, %swap3A_45] : memref<400x128xf32, #tpu.memory_space<vmem>>, vector<400x128xf32>
    tpu.vector_store %arg8[%swap3A, %swap3A_45], %mul3A_44 {strides = array<i32>} : memref<400x128xf32, #tpu.memory_space<vmem>>, vector<400x128xf32>,
    return
  }
  func.func @transform_0(%arg0: i32) -> (i32, i32) {
    %c0_i32 = arith.constant 0 : i32
    %c0_i32_0 = arith.constant 0 : i32
    return %arg0, %c0_i32 : i32, i32
  }
  func.func @transform_1(%arg0: i32) -> (i32, i32) {
    %c0_i32 = arith.constant 0 : i32
    %c0_i32_0 = arith.constant 0 : i32
    %c0_i32_1 = arith.constant 0 : i32
    return %c0_i32, %c0_i32_0 : i32, i32
  }
  func.func @transform_2(%arg0: i32) -> (i32, i32) {
    %c0_i32 = arith.constant 0 : i32
    %c0_i32_0 = arith.constant 0 : i32
    %c0_i32_1 = arith.constant 0 : i32
    return %c0_i32, %c0_i32_0 : i32, i32
  }
  func.func @transform_3(%arg0: i32) -> (i32, i32) {
    %c0_i32 = arith.constant 0 : i32
    %c0_i32_0 = arith.constant 0 : i32
    %c0_i32_1 = arith.constant 0 : i32
    return %c0_i32, %c0_i32_0 : i32, i32
  }
  func.func @transform_4(%arg0: i32) -> (i32, i32) {
    %c0_i32 = arith.constant 0 : i32
    %c0_i32_0 = arith.constant 0 : i32
    %c0_i32_1 = arith.constant 0 : i32
    return %c0_i32, %c0_i32_0 : i32, i32
  }
  func.func @transform_5(%arg0: i32) -> (i32, i32) {
    %c0_i32 = arith.constant 0 : i32
    %c0_i32_0 = arith.constant 0 : i32
    %c0_i32_1 = arith.constant 0 : i32
    return %c0_i32, %c0_i32_0 : i32, i32
  }
  func.func @transform_6(%arg0: i32) -> (i32, i32) {
    %c0_i32 = arith.constant 0 : i32
    %c0_i32_0 = arith.constant 0 : i32
    return %arg0, %c0_i32 : i32, i32
  }
  func.func @transform_7(%arg0: i32) -> (i32, i32) {
    %c0_i32 = arith.constant 0 : i32
    %c0_i32_0 = arith.constant 0 : i32
    return %arg0, %c0_i32 : i32, i32
  }
}

module attributes {stable_mosaic.version = 14 : i64} {
  func.func @_tc3a_body(%arg0: i32, %arg1: memref<2x400x128xf32, #tpu.memory_space<vmem>>, %arg2: memref<400x16xf32, #tpu.memory_space<vmem>>, %arg3: memref<16x128xf32, #tpu.memory_space<vmem>>, %arg4: memref<400x16xf32, #tpu.memory_space<vmem>>, %arg5: memref<400x128xf32, #tpu.memory_space<vmem>>, %arg6: memref<8x128xf32, #tpu.memory_space<vmem>>) attributes {dimension_semantics = [#tpu.dimension_semantics<arbitrary>], iteration_bounds = array<i64: 25>, scalar_prefetch = 0 : i64, scratch_operands = 0 : i64, tpu.core_type = #tpu.core_type<tc>, window_params = [{transform_indices = @transform_0, window_bounds = array<i64: 2, 400, 128>}, {transform_indices = @transform_1, window_bounds = array<i64: 400, 16>}, {pipeline_mode = #tpu.pipeline_mode<synchronous>, transform_indices = @transform_2, window_bounds = array<i64: 16, 128>}, {transform_indices = @transform_3, window_bounds = array<i64: 400, 16>}, {transform_indices = @transform_4, window_bounds = array<i64: 400, 128>}, {pipeline_mode = #tpu.pipeline_mode<synchronous>, transform_indices = @transform_5, window_bounds = array<i64: 8, 128>}]} {
    %get3A = arith.constant 0 : index
    %get3A_0 = arith.constant 0 : index
    %get3A_1 = arith.constant 0 : index
    %get3A_2 = vector.load %arg1[%get3A, %get3A_0, %get3A_1] : memref<2x400x128xf32, #tpu.memory_space<vmem>>, vector<1x400x128xf32>
    %get3A_3 = vector.shape_cast %get3A_2 : vector<1x400x128xf32> to vector<400x128xf32>
    %get3A_4 = arith.constant 1 : index
    %get3A_5 = arith.constant 0 : index
    %get3A_6 = arith.constant 0 : index
    %get3A_7 = vector.load %arg1[%get3A_4, %get3A_5, %get3A_6] : memref<2x400x128xf32, #tpu.memory_space<vmem>>, vector<1x400x128xf32>
    %get3A_8 = vector.shape_cast %get3A_7 : vector<1x400x128xf32> to vector<400x128xf32>
    %add3A = arith.addf %get3A_3, %get3A_8 : vector<400x128xf32>
    %get3A_9 = arith.constant 0 : index
    %get3A_10 = arith.constant 0 : index
    %get3A_11 = vector.load %arg2[%get3A_9, %get3A_10] : memref<400x16xf32, #tpu.memory_space<vmem>>, vector<400x16xf32>
    %get3A_12 = arith.constant 0 : index
    %get3A_13 = arith.constant 0 : index
    %get3A_14 = vector.load %arg3[%get3A_12, %get3A_13] : memref<16x128xf32, #tpu.memory_space<vmem>>, vector<16x128xf32>
    %dot_general3A = arith.constant dense<0.000000e+00> : vector<400x128xf32>
    %dot_general3A_15 = tpu.matmul %get3A_11, %get3A_14, %dot_general3A {dimension_numbers = #tpu.dot_dimension_numbers<[1], [0], [0], [1], [0, 0, 1, 1], [], []>, transpose_lhs_hint = false} : vector<400x16xf32>, vector<16x128xf32>, vector<400x128xf32> -> vector<400x128xf32>
    %add3A_16 = arith.addf %add3A, %dot_general3A_15 : vector<400x128xf32>
    %get3A_17 = arith.constant 0 : index
    %get3A_18 = arith.constant 0 : index
    %get3A_19 = vector.load %arg4[%get3A_17, %get3A_18] : memref<400x16xf32, #tpu.memory_space<vmem>>, vector<400x1xf32>
    %mul3A = vector.broadcast %get3A_19 : vector<400x1xf32> to vector<400x128xf32>
    %mul3A_20 = arith.mulf %add3A_16, %mul3A : vector<400x128xf32>
    %swap3A = arith.constant 0 : index
    %swap3A_21 = arith.constant 0 : index
    %swap3A_22 = vector.load %arg5[%swap3A, %swap3A_21] : memref<400x128xf32, #tpu.memory_space<vmem>>, vector<400x128xf32>
    tpu.vector_store %arg5[%swap3A, %swap3A_21], %mul3A_20 {strides = array<i32>} : memref<400x128xf32, #tpu.memory_space<vmem>>, vector<400x128xf32>,
    %eq3A = arith.constant 0 : i32
    %eq3A_23 = arith.cmpi eq, %arg0, %eq3A : i32
    %convert_element_type3A = arith.extui %eq3A_23 : i1 to i32
    %cond3A = arith.constant 0 : i32
    %cond3A_24 = arith.cmpi ne, %convert_element_type3A, %cond3A : i32
    scf.if %cond3A_24 {
      %broadcast_in_dim3A_44 = arith.constant 0.000000e+00 : f32
      %broadcast_in_dim3A_45 = vector.broadcast %broadcast_in_dim3A_44 : f32 to vector<8x128xf32>
      %swap3A_46 = arith.constant 0 : index
      %swap3A_47 = arith.constant 0 : index
      %swap3A_48 = vector.load %arg6[%swap3A_46, %swap3A_47] : memref<8x128xf32, #tpu.memory_space<vmem>>, vector<8x128xf32>
      tpu.vector_store %arg6[%swap3A_46, %swap3A_47], %broadcast_in_dim3A_45 {strides = array<i32>} : memref<8x128xf32, #tpu.memory_space<vmem>>, vector<8x128xf32>,
    } else {
    }
    %get3A_25 = arith.constant 0 : index
    %get3A_26 = arith.constant 0 : index
    %get3A_27 = vector.load %arg6[%get3A_25, %get3A_26] : memref<8x128xf32, #tpu.memory_space<vmem>>, vector<1x128xf32>
    %reduce_sum3A = arith.constant dense<0.000000e+00> : vector<128xf32>
    %reduce_sum3A_28 = vector.multi_reduction <add>, %mul3A_20, %reduce_sum3A [0] : vector<400x128xf32> to vector<128xf32>
    %broadcast_in_dim3A = vector.shape_cast %reduce_sum3A_28 : vector<128xf32> to vector<1x128xf32>
    %add3A_29 = arith.addf %get3A_27, %broadcast_in_dim3A : vector<1x128xf32>
    %swap3A_30 = arith.constant 0 : index
    %swap3A_31 = arith.constant 0 : index
    %swap3A_32 = vector.load %arg6[%swap3A_30, %swap3A_31] : memref<8x128xf32, #tpu.memory_space<vmem>>, vector<1x128xf32>
    tpu.vector_store %arg6[%swap3A_30, %swap3A_31], %add3A_29 {strides = array<i32>} : memref<8x128xf32, #tpu.memory_space<vmem>>, vector<1x128xf32>,
    %get3A_33 = arith.constant 1 : index
    %get3A_34 = arith.constant 0 : index
    %get3A_35 = vector.load %arg6[%get3A_33, %get3A_34] : memref<8x128xf32, #tpu.memory_space<vmem>>, vector<1x128xf32>
    %mul3A_36 = arith.mulf %mul3A_20, %mul3A_20 : vector<400x128xf32>
    %reduce_sum3A_37 = arith.constant dense<0.000000e+00> : vector<128xf32>
    %reduce_sum3A_38 = vector.multi_reduction <add>, %mul3A_36, %reduce_sum3A_37 [0] : vector<400x128xf32> to vector<128xf32>
    %broadcast_in_dim3A_39 = vector.shape_cast %reduce_sum3A_38 : vector<128xf32> to vector<1x128xf32>
    %add3A_40 = arith.addf %get3A_35, %broadcast_in_dim3A_39 : vector<1x128xf32>
    %swap3A_41 = arith.constant 1 : index
    %swap3A_42 = arith.constant 0 : index
    %swap3A_43 = vector.load %arg6[%swap3A_41, %swap3A_42] : memref<8x128xf32, #tpu.memory_space<vmem>>, vector<1x128xf32>
    tpu.vector_store %arg6[%swap3A_41, %swap3A_42], %add3A_40 {strides = array<i32>} : memref<8x128xf32, #tpu.memory_space<vmem>>, vector<1x128xf32>,
    return
  }
  func.func @transform_0(%arg0: i32) -> (i32, i32, i32) {
    %c0_i32 = arith.constant 0 : i32
    %c0_i32_0 = arith.constant 0 : i32
    %c0_i32_1 = arith.constant 0 : i32
    return %c0_i32, %arg0, %c0_i32_0 : i32, i32, i32
  }
  func.func @transform_1(%arg0: i32) -> (i32, i32) {
    %c0_i32 = arith.constant 0 : i32
    %c0_i32_0 = arith.constant 0 : i32
    return %arg0, %c0_i32 : i32, i32
  }
  func.func @transform_2(%arg0: i32) -> (i32, i32) {
    %c0_i32 = arith.constant 0 : i32
    %c0_i32_0 = arith.constant 0 : i32
    %c0_i32_1 = arith.constant 0 : i32
    return %c0_i32, %c0_i32_0 : i32, i32
  }
  func.func @transform_3(%arg0: i32) -> (i32, i32) {
    %c0_i32 = arith.constant 0 : i32
    %c0_i32_0 = arith.constant 0 : i32
    return %arg0, %c0_i32 : i32, i32
  }
  func.func @transform_4(%arg0: i32) -> (i32, i32) {
    %c0_i32 = arith.constant 0 : i32
    %c0_i32_0 = arith.constant 0 : i32
    return %arg0, %c0_i32 : i32, i32
  }
  func.func @transform_5(%arg0: i32) -> (i32, i32) {
    %c0_i32 = arith.constant 0 : i32
    %c0_i32_0 = arith.constant 0 : i32
    %c0_i32_1 = arith.constant 0 : i32
    return %c0_i32, %c0_i32_0 : i32, i32
  }
}

module attributes {stable_mosaic.version = 14 : i64} {
  func.func @_tc3b_body(%arg0: i32, %arg1: memref<400x128xf32, #tpu.memory_space<vmem>>, %arg2: memref<8x128xf32, #tpu.memory_space<vmem>>, %arg3: memref<1x128xf32, #tpu.memory_space<vmem>>, %arg4: memref<1x128xf32, #tpu.memory_space<vmem>>, %arg5: memref<400x128xf32, #tpu.memory_space<vmem>>) attributes {dimension_semantics = [#tpu.dimension_semantics<arbitrary>], iteration_bounds = array<i64: 25>, scalar_prefetch = 0 : i64, scratch_operands = 0 : i64, tpu.core_type = #tpu.core_type<tc>, window_params = [{transform_indices = @transform_0, window_bounds = array<i64: 400, 128>}, {pipeline_mode = #tpu.pipeline_mode<synchronous>, transform_indices = @transform_1, window_bounds = array<i64: 8, 128>}, {pipeline_mode = #tpu.pipeline_mode<synchronous>, transform_indices = @transform_2, window_bounds = array<i64: 1, 128>}, {pipeline_mode = #tpu.pipeline_mode<synchronous>, transform_indices = @transform_3, window_bounds = array<i64: 1, 128>}, {transform_indices = @transform_4, window_bounds = array<i64: 400, 128>}]} {
    %get3A = arith.constant 0 : index
    %get3A_0 = arith.constant 0 : index
    %get3A_1 = vector.load %arg2[%get3A, %get3A_0] : memref<8x128xf32, #tpu.memory_space<vmem>>, vector<1x128xf32>
    %mul3A = arith.constant 9.99999974E-5 : f32
    %mul3A_2 = vector.broadcast %mul3A : f32 to vector<1x128xf32>
    %mul3A_3 = arith.mulf %get3A_1, %mul3A_2 : vector<1x128xf32>
    %get3A_4 = arith.constant 1 : index
    %get3A_5 = arith.constant 0 : index
    %get3A_6 = vector.load %arg2[%get3A_4, %get3A_5] : memref<8x128xf32, #tpu.memory_space<vmem>>, vector<1x128xf32>
    %mul3A_7 = arith.constant 9.99999974E-5 : f32
    %mul3A_8 = vector.broadcast %mul3A_7 : f32 to vector<1x128xf32>
    %mul3A_9 = arith.mulf %get3A_6, %mul3A_8 : vector<1x128xf32>
    %mul3A_10 = arith.mulf %mul3A_3, %mul3A_3 : vector<1x128xf32>
    %sub3A = arith.subf %mul3A_9, %mul3A_10 : vector<1x128xf32>
    %add3A = arith.constant 9.99999974E-6 : f32
    %add3A_11 = vector.broadcast %add3A : f32 to vector<1x128xf32>
    %add3A_12 = arith.addf %sub3A, %add3A_11 : vector<1x128xf32>
    %rsqrt3A = math.rsqrt %add3A_12 : vector<1x128xf32>
    %get3A_13 = arith.constant 0 : index
    %get3A_14 = arith.constant 0 : index
    %get3A_15 = vector.load %arg3[%get3A_13, %get3A_14] : memref<1x128xf32, #tpu.memory_space<vmem>>, vector<1x128xf32>
    %mul3A_16 = arith.mulf %rsqrt3A, %get3A_15 : vector<1x128xf32>
    %get3A_17 = arith.constant 0 : index
    %get3A_18 = arith.constant 0 : index
    %get3A_19 = vector.load %arg1[%get3A_17, %get3A_18] : memref<400x128xf32, #tpu.memory_space<vmem>>, vector<400x128xf32>
    %sub3A_20 = vector.broadcast %mul3A_3 : vector<1x128xf32> to vector<400x128xf32>
    %sub3A_21 = arith.subf %get3A_19, %sub3A_20 : vector<400x128xf32>
    %mul3A_22 = vector.broadcast %mul3A_16 : vector<1x128xf32> to vector<400x128xf32>
    %mul3A_23 = arith.mulf %sub3A_21, %mul3A_22 : vector<400x128xf32>
    %get3A_24 = arith.constant 0 : index
    %get3A_25 = arith.constant 0 : index
    %get3A_26 = vector.load %arg4[%get3A_24, %get3A_25] : memref<1x128xf32, #tpu.memory_space<vmem>>, vector<1x128xf32>
    %add3A_27 = vector.broadcast %get3A_26 : vector<1x128xf32> to vector<400x128xf32>
    %add3A_28 = arith.addf %mul3A_23, %add3A_27 : vector<400x128xf32>
    %swap3A = arith.constant 0 : index
    %swap3A_29 = arith.constant 0 : index
    %swap3A_30 = vector.load %arg5[%swap3A, %swap3A_29] : memref<400x128xf32, #tpu.memory_space<vmem>>, vector<400x128xf32>
    tpu.vector_store %arg5[%swap3A, %swap3A_29], %add3A_28 {strides = array<i32>} : memref<400x128xf32, #tpu.memory_space<vmem>>, vector<400x128xf32>,
    return
  }
  func.func @transform_0(%arg0: i32) -> (i32, i32) {
    %c0_i32 = arith.constant 0 : i32
    %c0_i32_0 = arith.constant 0 : i32
    return %arg0, %c0_i32 : i32, i32
  }
  func.func @transform_1(%arg0: i32) -> (i32, i32) {
    %c0_i32 = arith.constant 0 : i32
    %c0_i32_0 = arith.constant 0 : i32
    %c0_i32_1 = arith.constant 0 : i32
    return %c0_i32, %c0_i32_0 : i32, i32
  }
  func.func @transform_2(%arg0: i32) -> (i32, i32) {
    %c0_i32 = arith.constant 0 : i32
    %c0_i32_0 = arith.constant 0 : i32
    %c0_i32_1 = arith.constant 0 : i32
    return %c0_i32, %c0_i32_0 : i32, i32
  }
  func.func @transform_3(%arg0: i32) -> (i32, i32) {
    %c0_i32 = arith.constant 0 : i32
    %c0_i32_0 = arith.constant 0 : i32
    %c0_i32_1 = arith.constant 0 : i32
    return %c0_i32, %c0_i32_0 : i32, i32
  }
  func.func @transform_4(%arg0: i32) -> (i32, i32) {
    %c0_i32 = arith.constant 0 : i32
    %c0_i32_0 = arith.constant 0 : i32
    return %arg0, %c0_i32 : i32, i32
  }
}

</mosaic_0001>

<sc_bundles>
// kernel: kernel.11.cloned.1.call-start
scs
__scs_entry_jumppad:
0x0: {  	(pc) =	sbr.rel $0x88, $3  }
0x1: {  	(tag) =	ssettag $0x0;
	lr =	simm.s32 $0x1  }
0x2: {  	[smem:$0x3F94] =	sst lr;
	_ =	strace $0xD0000000  }
0x3: {  	_ = 	snop  }
0x4: {  	_ = 	snop  }
0x5: {  	_ = 	snop  }
0x6: {  	_ = 	snop  }
0x7: {  	_ = 	snop  }
__scs_overlays_trampoline_lowered:
0x8: {  	[smem:$0x3FA3] =	sst s0  }
0x9: {  	[smem:$0x3FA4] =	sst s1  }
0xa: {  	[smem:$0x3FA5] =	sst s2  }
0xb: {  	[smem:$0x3FA6] =	sst s3  }
0xc: {  	[smem:$0x3FA7] =	sst s4  }
0xd: {  	[smem:$0x3FA8] =	sst s5  }
0xe: {  	[smem:$0x3FA9] =	sst s6  }
0xf: {  	[smem:$0x3FAA] =	sst s7  }
0x10: {  	[smem:$0x3FAB] =	sst s8  }
0x11: {  	[smem:$0x3FAC] =	sst s9;
	s0 =	simm.s32 @!p0 $0x0  }
0x12: {  	s1 =	sld [smem:$0x3F92];
	s0 =	simm.s32 @p0 $0x1  }
0x13: {  	[smem:$0x3FAD] =	sst s0;
	s0 =	simm.s32 @!p1 $0x0  }
0x14: {  	s2 =	sld [smem:$0x3F91];
	s0 =	simm.s32 @p1 $0x1  }
0x15: {  	[smem:$0x3FAE] =	sst s0;
	s0 =	simm.s32 @!p2 $0x0  }
0x16: {  	s3 =	sld [smem:$0x3FDB];
	s0 =	simm.s32 @p2 $0x1  }
0x17: {  	s4 =	simm.s32 $0x1BF5;
	[smem:$0x3FB0] =	sst s0  }
0x18: {  	s0 =	sld [smem:$0x3F93];
	_ =	swait.ge [sflag:s4], $0x0  }
0x19: {  	s7 =	sld [smem:$0x3F94]  }
0x1a: {  	s8 =	sadd.s32 $0xFFFFE003, lr  }
0x1b: {  	s9 =	sadd.s32 $0xFFFFFEF7, lr;
	s5 =	simm.s32 $0xFFFFFFFF;
	p2 =	slt.u32 s8, $0xFFFFF086  }
0x1c: {  	p1 =	slt.u32 s9, $0xF7A;
	s5 =	simm.s32 @!p2 $0x0  }
0x1d: {  	s5 =	simm.s32 @p1 $0x1;
	p0 =	seq.s32 s7, s2  }
0x1e: {  	s7 =	smul.u32 @!p0 $0xF7A, s2;
	p2 =	seq.s32 @!p0 s5, $0x0  }
0x1f: {  	s9 =	smul.u32 $0xF7A, s1;
	s8 =	simm.s32 @!p0 $0x1BF5;
	p2 =	por !p2, p0  }
0x20: {  	[sflag:s8] =	ssyncset.s32 @!p0 $0xFFFFF086;
	s6 =	sadd.s32 @!p0 s3, s7;
	s7 =	simm.s32 @!p0 $0x108  }
0x21: {  	s3 =	sadd.s32 s3, s9;
	s6 =	sadd.s32 @!p0 $0x88, s6;
	s7 =	simm.s32 @p2 $0x1082  }
0x22: {  	[simem:s7], [sflag:s8] =	dma.local @!p0 [hbm:s6], $0xF7A  }
0x23: {  	s9 =	sor.u32 $0xD0000000, s2;
	s6 =	simm.s32 $0x108;
	_ =	swait.ge @!p0 [sflag:s8], $0x0  }
0x24: {  	s3 =	sadd.s32 $0x88, s3;
	s6 =	simm.s32 @!p1 $0x1082;
	[sflag:s4] =	ssyncset.s32 $0xFFFFF086  }
0x25: {  	[simem:s6], [sflag:s4] =	dma.local [hbm:s3], $0xF7A  }
0x26: {  	[smem:$0x3F94] =	sst s1;
	(tag) =	ssettag s2;
	_ =	strace s9  }
0x27: {  	s1 =	sld [smem:$0x3FA4]  }
0x28: {  	s2 =	sld [smem:$0x3FA5]  }
0x29: {  	s4 =	sld [smem:$0x3FA7]  }
0x2a: {  	p0 =	seq.s32 s5, $0x0;
	s5 =	sld [smem:$0x3FA8]  }
0x2b: {  	s6 =	sld [smem:$0x3FA9]  }
0x2c: {  	s7 =	sld [smem:$0x3FAA]  }
0x2d: {  	s3 =	simm.s32 $0x108;
	s8 =	sld [smem:$0x3FAB]  }
0x2e: {  	s3 =	simm.s32 @!p0 $0x1082;
	s9 =	sld [smem:$0x3FAC]  }
0x2f: {  	lr =	sadd.s32 s0, s3;
	s0 =	sld [smem:$0x3FA3]  }
0x30: {  	s3 =	sld [smem:$0x3FA6]  }
0x31: {  	[smem:$0x3FAF] =	sst s10  }
0x32: {  	s10 =	sld [smem:$0x3FAD];
	_ =	sdelay $0x3  }
0x33: {  	p0 =	seq.s32 s10, $0x1;
	s10 =	sld [smem:$0x3FAF];
	_ =	sdelay $0x3  }
0x34: {  	[smem:$0x3FAF] =	sst s10  }
0x35: {  	s10 =	sld [smem:$0x3FAE];
	_ =	sdelay $0x3  }
0x36: {  	p1 =	seq.s32 s10, $0x1;
	s10 =	sld [smem:$0x3FAF];
	_ =	sdelay $0x3  }
0x37: {  	[smem:$0x3FAF] =	sst s10  }
0x38: {  	s10 =	sld [smem:$0x3FB0]  }
0x39: {  	_ = 	snop;
	(pc) =	sbr.ind lr, $3  }
0x3a: {  	_ = 	snop  }
0x3b: {  	_ = 	snop  }
0x3c: {  	p2 =	seq.s32 s10, $0x1;
	s10 =	sld [smem:$0x3FAF]  }
0x3d: {  	_ =	shalt  }
0x3e: {  	_ =	shalt  }
0x3f: {  	_ =	shalt  }
0x40: {  	_ =	shalt  }
0x41: {  	_ =	shalt  }
0x42: {  	_ =	shalt  }
0x43: {  	_ =	shalt  }
0x44: {  	_ =	shalt  }
0x45: {  	_ =	shalt  }
0x46: {  	_ =	shalt  }
0x47: {  	_ =	shalt  }
0x48: {  	_ =	shalt  }
0x49: {  	_ =	shalt  }
0x4a: {  	_ =	shalt  }
0x4b: {  	_ =	shalt  }
0x4c: {  	_ =	shalt  }
0x4d: {  	_ =	shalt  }
0x4e: {  	_ =	shalt  }
0x4f: {  	_ =	shalt  }
0x50: {  	_ =	shalt  }
0x51: {  	_ =	shalt  }
0x52: {  	_ =	shalt  }
0x53: {  	_ =	shalt  }
0x54: {  	_ =	shalt  }
0x55: {  	_ =	shalt  }
0x56: {  	_ =	shalt  }
0x57: {  	_ =	shalt  }
0x58: {  	_ =	shalt  }
0x59: {  	_ =	shalt  }
0x5a: {  	_ =	shalt  }
0x5b: {  	_ =	shalt  }
0x5c: {  	_ =	shalt  }
0x5d: {  	_ =	shalt  }
0x5e: {  	_ =	shalt  }
0x5f: {  	_ =	shalt  }
0x60: {  	_ =	shalt  }
0x61: {  	_ =	shalt  }
0x62: {  	_ =	shalt  }
0x63: {  	_ =	shalt  }
0x64: {  	_ =	shalt  }
0x65: {  	_ =	shalt  }
0x66: {  	_ =	shalt  }
0x67: {  	_ =	shalt  }
0x68: {  	_ =	shalt  }
0x69: {  	_ =	shalt  }
0x6a: {  	_ =	shalt  }
0x6b: {  	_ =	shalt  }
0x6c: {  	_ =	shalt  }
0x6d: {  	_ =	shalt  }
0x6e: {  	_ =	shalt  }
0x6f: {  	_ =	shalt  }
0x70: {  	_ =	shalt  }
0x71: {  	_ =	shalt  }
0x72: {  	_ =	shalt  }
0x73: {  	_ =	shalt  }
0x74: {  	_ =	shalt  }
0x75: {  	_ =	shalt  }
0x76: {  	_ =	shalt  }
0x77: {  	_ =	shalt  }
0x78: {  	_ =	shalt  }
0x79: {  	_ =	shalt  }
0x7a: {  	_ =	shalt  }
0x7b: {  	_ =	shalt  }
0x7c: {  	_ =	shalt  }
0x7d: {  	_ =	shalt  }
0x7e: {  	_ =	shalt  }
0x7f: {  	_ =	shalt  }
0x80: {  	_ =	shalt  }
0x81: {  	_ =	shalt  }
0x82: {  	_ =	shalt  }
0x83: {  	_ =	shalt  }
0x84: {  	_ =	shalt  }
0x85: {  	_ =	shalt  }
0x86: {  	_ =	shalt  }
0x87: {  	_ =	shalt  }
.Lfunc_end0:
.L_simem_size_0:
called_computation_lowered:
.L_overlay_start_0:
0x88: {  	s2 =	sld [smem:$0x3FD9]  }
0x89: {  	s3 =	sld [smem:$0x3FFE];
	_ =	sdelay $0x1  }
0x8a: {  	s1 =	srdreg.scid  }
0x8b: {  	s0 =	sand.u32 $0x1, s1  }
0x8c: {  	s17 =	sshll.u32 s0, $0xA;
	s2 =	sadd.s32 s3, s2  }
0x8d: {  	s2 =	sadd.s32 s2, s17  }
0x8e: {  	[smem:$0x3FBB] =	sst s2  }
0x8f: {  	_ = 	snop  }
0x90: {  	s2 =	sld [smem:$0x3FD0];
	(tm) =	ssettm $0x1  }
0x91: {  	s18 =	sld [smem:$0x3FFB];
	_ =	sdelay $0x3  }
0x92: {  	_ =	strace s18  }
0x93: {  	s3 =	sld [smem:$0x3FFC];
	_ =	sdelay $0x3  }
0x94: {  	_ =	strace s3  }
0x95: {  	s3 =	sld [smem:$0x3FFD];
	_ =	sdelay $0x3  }
0x96: {  	_ =	strace s3  }
0x97: {  	_ =	strace $0x8FFFFFFF  }
0x98: {  	s19 =	sld [smem:$0x3FDB];
	_ =	sdelay $0x1  }
0x99: {  	s4 =	simm.s32 $_scs_section_size  }
0x9a: {  	s5 =	simm.s32 $_size__tile_overlayer_lowered;
	s6 =	simm.s32 $_tile_overlayer_lowered  }
0x9b: {  	s22 =	simm.s32 $0x1BFF;
	s21 =	sshll.u32 s6, $0x1;
	s3 =	sadd.s32 s4, s19  }
0x9c: {  	s7 =	simm.s32 $0x0;
	s20 =	sshll.u32 s5, $0x1;
	s5 =	sadd.s32 s21, s3  }
0x9d: {  	[timem:s7], [sflag:s22] =	dma.local [hbm:s5], s20  }
0x9e: {  	_ =	swait.ge [sflag:s22], s20  }
0x9f: {  	s4 =	ssub.s32 $0x0, s20;
	[sflag:s22] =	ssyncset.done $0x0  }
0xa0: {  	[sflag:s22] =	ssyncadd.s32 s4;
	_ =	sdelay $0x1  }
0xa1: {  	s23 =	simm.s32 $0x1B8B  }
0xa2: {  	_ =	swait.ge [sflag:s23], $0x1  }
0xa3: {  	[sflag:s23] =	ssyncset.done $0x0  }
0xa4: {  	s25 =	simm.s32 $0x1B8E;
	s24 =	sld [smem:$0x3FFE];
	[sflag:s23] =	ssyncadd.s32 $0xFFFFFFFF  }
0xa5: {  	s26 =	simm.s32 $execute0_lowered;
	[smem:$0x3FD2] =	sst s25  }
0xa6: {  	s5 =	sshll.u32 s26, $0x1;
	_ =	strace $0x80000046;
	[dreg:$0x1] =	wrdreg $0xFFFFFFFF  }
0xa7: {  	s28 =	simm.s32 $_size_execute0_lowered;
	s3 =	sadd.s32 s3, s5;
	[dreg:$0x0] =	wrdreg $0x0  }
0xa8: {  	s5 =	sshll.u32 s28, $0x1;
	[dreg:$0x2] =	wrdreg s3  }
0xa9: {  	[dreg:$0x3] =	wrdreg s5  }
0xaa: {  	[dreg:$0x4] =	wrdreg $0xC0  }
0xab: {  	_ =	task [dreg:s7], $0x5FFFF  }
0xac: {  	[dreg:$0x1] =	wrdreg $0xFFFFFFFF  }
0xad: {  	[dreg:$0x0] =	wrdreg $0x60  }
0xae: {  	[dreg:$0x2] =	wrdreg s24  }
0xaf: {  	[dreg:$0x3] =	wrdreg s2  }
0xb0: {  	[dreg:$0x4] =	wrdreg $0x0  }
0xb1: {  	[dreg:$0x5] =	wrdreg $0x9  }
0xb2: {  	_ =	task.clear_ibuf [dreg:s7], $0x6FFFF;
	_ =	strace $0x90000046  }
0xb3: {  	s29 =	simm.s32 $0x9;
	_ =	strace $0x80000048  }
0xb4: {  	_ =	swait.ge [sflag:s29], $0x1  }
0xb5: {  	[sflag:s29] =	ssyncadd.s32 $0xFFFFFFFF  }
0xb6: {  	_ =	strace $0x90000048  }
0xb7: {  	_ =	sfence  }
0xb8: {  	s30 =	sld [smem:$0x0];
	_ =	sdelay $0x2  }
0xb9: {  	s31 =	sshll.u32 s1, $0xD;
	s1 =	sshrl.u32 s1, $0x2  }
0xba: {  	s3 =	sand.u32 $0x4000, s31;
	s1 =	sadd.s32 s1, s30  }
0xbb: {  	s0 =	sor.u32 s3, s0;
	s1 =	sshll.u32 s1, $0x11  }
0xbc: {  	s0 =	sor.u32 s1, s0  }
0xbd: {  	s0 =	sadd.s32 $0x8F2B, s0  }
0xbe: {  	[sflag:s0] =	ssyncadd.remote.s32 $0x1  }
0xbf: {  	_ =	sfence.sel $0xFFFF  }
0xc0: {  	[dreg:$0x0] =	wrdreg $0xFFFFFFFF;
	(pc) =	sbr.abs _section_cstart, $3  }
0xc1: {  	[dreg:$0x1] =	wrdreg $0xFFFFFFFF  }
0xc2: {  	_ =	task.clear_ibuf [dreg:s7], $0x2FFFF;
	_ =	strace $0x9FFFFFFF  }
0xc3: {  	(tm) =	ssettm $0x7FFFFFFF  }
tec
execute0_lowered:
.L_overlay_start_1:
0x0: {  	(tag) =	ssettag $0x1  }
0x1: {  	s5 =	rddreg [dreg:$0x0]  }
0x2: {  	s7 =	rddreg [dreg:$0x1]  }
0x3: {  	s1 =	rddreg [dreg:$0x2]  }
0x4: {  	s0 =	rddreg [dreg:$0x3];
	s3 =	simm.s32 $0x0;
	s2 =	srdreg.scid  }
0x5: {  	s13 =	simm.s32 $0x2A00;
	s14 =	simm.s32 $0x0;
	[smem:$0x7FF] =	sst s3  }
0x6: {  	s6 =	sand.u32 $0x1, s2;
	s2 =	stileid.u32;
	_ =	strace $0x80000047  }
0x7: {  	s4 =	sshll.u32 s6, $0xA;
	s8 =	smul.u32 $0x2800, s2;
	s10 =	ssub.s32 $0x2, s6  }
0x8: {  	s11 =	smul.u32 $0x28000, s6;
	s29 =	sshll.u32 s6, $0x4;
	s31 =	sshll.u32 s2, $0x6  }
0x9: {  	s9 =	sadd.s32 s4, s5;
	s4 =	sadd.s32 $0x21800, s5;
	s12 =	sshrl.u32 s10, $0x1  }
0xa: {  	s5 =	sadd.s32 $0x21200, s5;
	s10 =	ssub.s32 s10, s12;
	s11 =	sadd.s32 s8, s11  }
0xb: {  	s6 =	sadd.s32 s8, s1;
	s9 =	sadd.s32 s31, s9;
	s12 =	simm.s32 $0x1  }
0xc: {  	s30 =	sshrl.u32 s11, $0x3;
	s8 =	smax.u32 s10, $0x1;
	s9 =	sadd.s32 $0x17400, s9  }
0xd: {  	s10 =	sor.u32 s29, s2;
	s11 =	simm.s32 $0x3200;
	s7 =	sadd.s32 s7, s30  }
.LBB2_1:
0xe: {  	[tilespmem:s11], [sflag:$0x1] =	stream.linear.gather [hbm4b:s5+s3], $0x2800, $0x38;
	[tilespmem:$0x5A00] =	vst v63  }
0xf: {  	_ =	swait.ge [sflag:s12], $0x2800  }
0x10: {  	[sflag:s12] =	ssyncset.done $0x0  }
0x11: {  	[sflag:s12] =	ssyncadd.s32 $0xFFFFD800  }
0x12: {  	[tilespmem:s13], [sflag:$0x1] =	stream.linear.gather [hbm4b:s4+s3], $0x800, $0x38;
	[tilespmem:$0x5A00] =	vst v63  }
0x13: {  	_ =	swait.ge [sflag:s12], $0x800  }
0x14: {  	[sflag:s12] =	ssyncset.done $0x0  }
0x15: {  	[sflag:s12] =	ssyncadd.s32 $0xFFFFF800  }
0x16: {  	[spmem:s6] =	stream.linear.scatter [tilespmem:s11], [sflag:$0x1], $0x2800, $0x38;
	[tilespmem:$0x5A00] =	vst v63  }
0x17: {  	s15 =	sadd.s32 $0x0, s10;
	_ =	swait.ge [sflag:s12], $0x2800  }
0x18: {  	p0 =	sgt.u32 s15, $0x270;
	[sflag:s12] =	ssyncset.done $0x0  }
0x19: {  	s15 =	simm.s32 @!p0 $0x0;
	[sflag:s12] =	ssyncadd.s32 $0xFFFFD800  }
0x1a: {  	s16 =	simm.s32 @!p0 $0x2800;
	s17 =	simm.s32 @!p0 $0x2;
	[bflag:$0x0] =	sbarrier.arrive $0xFFFF  }
0x1b: {  	[tilespmem:s16], [sflag:$0x2] =	stream.linear.gather @!p0 [hbm4b:s9+s15], $0x200, $0x38;
	[tilespmem:$0x5A00] =	vst v63  }
0x1c: {  	_ =	swait.ge @!p0 [sflag:s17], $0x200;
	p0 =	por p0, p0  }
0x1d: {  	[sflag:s17] =	ssyncset.done @!p0 $0x0  }
0x1e: {  	s15 =	simm.s32 @!p0 $0x80;
	s18 =	simm.s32 @!p0 $0x2A00;
	[sflag:s17] =	ssyncadd.s32 @!p0 $0xFFFFFE00  }
0x1f: {  	[spmem:s1] =	stream.indirect.scatter.add.f32 @!p0 [tilespmem:s18], [sflag:$0x2], $0x10, s16, s15, $0xb8;
	[tilespmem:$0x5A00] =	vst v63  }
0x20: {  	_ =	swait.ge @!p0 [sflag:s17], $0x800  }
0x21: {  	[sflag:s17] =	ssyncset.done @!p0 $0x0  }
0x22: {  	s16 =	simm.s32 @!p0 $0x2880;
	[sflag:s17] =	ssyncadd.s32 @!p0 $0xFFFFF800  }
0x23: {  	[spmem:s1] =	stream.indirect.scatter.add.f32 @!p0 [tilespmem:s18], [sflag:$0x2], $0x10, s16, s15, $0xb8;
	[tilespmem:$0x5A00] =	vst v63  }
0x24: {  	_ =	swait.ge @!p0 [sflag:s17], $0x800  }
0x25: {  	[sflag:s17] =	ssyncset.done @!p0 $0x0  }
0x26: {  	s16 =	simm.s32 @!p0 $0x2900;
	[sflag:s17] =	ssyncadd.s32 @!p0 $0xFFFFF800  }
0x27: {  	[spmem:s1] =	stream.indirect.scatter.add.f32 @!p0 [tilespmem:s18], [sflag:$0x2], $0x10, s16, s15, $0xb8;
	[tilespmem:$0x5A00] =	vst v63  }
0x28: {  	s31 =	sadd.s32 $0x20, s10;
	_ =	swait.ge @!p0 [sflag:s17], $0x800  }
0x29: {  	p2 =	sgt.u32 s31, $0x270;
	[sflag:s17] =	ssyncset.done @!p0 $0x0  }
0x2a: {  	s16 =	simm.s32 @!p0 $0x2980;
	[sflag:s17] =	ssyncadd.s32 @!p0 $0xFFFFF800;
	s17 =	simm.s32 @!p0 $0x1  }
0x2b: {  	[spmem:s1] =	stream.indirect.scatter.add.f32 @!p0 [tilespmem:s18], [sflag:$0x1], $0x10, s16, s15, $0xb8;
	[tilespmem:$0x5A00] =	vst v63  }
0x2c: {  	s16 =	simm.s32 $0x40;
	s15 =	sadd.s32 $0x800, s9;
	_ =	swait.ge @!p0 [sflag:s17], $0x800  }
.LBB2_2:
0x2d: {  	s18 =	simm.s32 @!p2 $0x0  }
0x2e: {  	s19 =	simm.s32 @!p2 $0x2800;
	[sflag:s17] =	ssyncset.done @!p0 $0x0;
	s20 =	smov.u32 s16  }
0x2f: {  	s16 =	sadd.s32 $0x20, s16;
	s21 =	simm.s32 @!p2 $0x2;
	[sflag:s17] =	ssyncadd.s32 @!p0 $0xFFFFF800  }
0x30: {  	[tilespmem:s19], [sflag:$0x2] =	stream.linear.gather @!p2 [hbm4b:s15+s18], $0x200, $0x38;
	[tilespmem:$0x5A00] =	vst v63  }
0x31: {  	p1 =	sne.s32 s16, $0x280;
	p0 =	por p2, p2;
	_ =	swait.ge @!p2 [sflag:s21], $0x200  }
0x32: {  	[sflag:s21] =	ssyncset.done @!p0 $0x0  }
0x33: {  	s18 =	simm.s32 @!p0 $0x80;
	s22 =	simm.s32 @!p0 $0x2A00;
	[sflag:s21] =	ssyncadd.s32 @!p0 $0xFFFFFE00  }
0x34: {  	[spmem:s1] =	stream.indirect.scatter.add.f32 @!p0 [tilespmem:s22], [sflag:$0x2], $0x10, s19, s18, $0xb8;
	[tilespmem:$0x5A00] =	vst v63  }
0x35: {  	_ =	swait.ge @!p0 [sflag:s21], $0x800  }
0x36: {  	[sflag:s21] =	ssyncset.done @!p0 $0x0  }
0x37: {  	s17 =	simm.s32 @!p0 $0x2880;
	[sflag:s21] =	ssyncadd.s32 @!p0 $0xFFFFF800  }
0x38: {  	[spmem:s1] =	stream.indirect.scatter.add.f32 @!p0 [tilespmem:s22], [sflag:$0x2], $0x10, s17, s18, $0xb8;
	[tilespmem:$0x5A00] =	vst v63  }
0x39: {  	_ =	swait.ge @!p0 [sflag:s21], $0x800  }
0x3a: {  	[sflag:s21] =	ssyncset.done @!p0 $0x0  }
0x3b: {  	s17 =	simm.s32 @!p0 $0x2900;
	[sflag:s21] =	ssyncadd.s32 @!p0 $0xFFFFF800  }
0x3c: {  	[spmem:s1] =	stream.indirect.scatter.add.f32 @!p0 [tilespmem:s22], [sflag:$0x2], $0x10, s17, s18, $0xb8;
	[tilespmem:$0x5A00] =	vst v63  }
.Ltmp0:
0x3d: {  	_ =	swait.ge @!p0 [sflag:s21], $0x800;
	(pc) =	sbr.rel @p1 .LBB2_2-.Ltmp0, $4  }
0x3e: {  	s17 =	simm.s32 @!p0 $0x1;
	[sflag:s21] =	ssyncset.done @!p0 $0x0  }
0x3f: {  	s19 =	sadd.s32 s20, s10;
	s20 =	simm.s32 @!p0 $0x2980;
	[sflag:s21] =	ssyncadd.s32 @!p0 $0xFFFFF800  }
0x40: {  	[spmem:s1] =	stream.indirect.scatter.add.f32 @!p0 [tilespmem:s22], [sflag:$0x1], $0x10, s20, s18, $0xb8;
	[tilespmem:$0x5A00] =	vst v63  }
0x41: {  	s15 =	sadd.s32 $0x800, s15;
	p2 =	sgt.u32 s19, $0x270;
	_ =	swait.ge @!p0 [sflag:s17], $0x800  }
0x42: {  	s16 =	simm.s32 @!p2 $0x0;
	[sflag:s17] =	ssyncset.done @!p0 $0x0  }
0x43: {  	s18 =	simm.s32 @!p2 $0x2800;
	s19 =	simm.s32 @!p2 $0x2;
	[sflag:s17] =	ssyncadd.s32 @!p0 $0xFFFFF800  }
0x44: {  	[tilespmem:s18], [sflag:$0x2] =	stream.linear.gather @!p2 [hbm4b:s15+s16], $0x200, $0x38;
	[tilespmem:$0x5A00] =	vst v63  }
0x45: {  	p0 =	por p2, p2;
	_ =	swait.ge @!p2 [sflag:s19], $0x200  }
0x46: {  	[sflag:s19] =	ssyncset.done @!p0 $0x0  }
0x47: {  	s15 =	simm.s32 @!p0 $0x80;
	s16 =	simm.s32 @!p0 $0x2A00;
	[sflag:s19] =	ssyncadd.s32 @!p0 $0xFFFFFE00  }
0x48: {  	[spmem:s1] =	stream.indirect.scatter.add.f32 @!p0 [tilespmem:s16], [sflag:$0x2], $0x10, s18, s15, $0xb8;
	[tilespmem:$0x5A00] =	vst v63  }
0x49: {  	_ =	swait.ge @!p0 [sflag:s19], $0x800  }
0x4a: {  	[sflag:s19] =	ssyncset.done @!p0 $0x0  }
0x4b: {  	s17 =	simm.s32 @!p0 $0x2880;
	[sflag:s19] =	ssyncadd.s32 @!p0 $0xFFFFF800  }
0x4c: {  	[spmem:s1] =	stream.indirect.scatter.add.f32 @!p0 [tilespmem:s16], [sflag:$0x2], $0x10, s17, s15, $0xb8;
	[tilespmem:$0x5A00] =	vst v63  }
0x4d: {  	_ =	swait.ge @!p0 [sflag:s19], $0x800  }
0x4e: {  	[sflag:s19] =	ssyncset.done @!p0 $0x0  }
0x4f: {  	s17 =	simm.s32 @!p0 $0x2900;
	[sflag:s19] =	ssyncadd.s32 @!p0 $0xFFFFF800  }
0x50: {  	[spmem:s1] =	stream.indirect.scatter.add.f32 @!p0 [tilespmem:s16], [sflag:$0x2], $0x10, s17, s15, $0xb8;
	[tilespmem:$0x5A00] =	vst v63  }
0x51: {  	_ =	swait.ge @!p0 [sflag:s19], $0x800  }
0x52: {  	[sflag:s19] =	ssyncset.done @!p0 $0x0  }
0x53: {  	s18 =	simm.s32 @!p0 $0x2980;
	s17 =	simm.s32 @!p0 $0x1;
	[sflag:s19] =	ssyncadd.s32 @!p0 $0xFFFFF800  }
0x54: {  	[spmem:s1] =	stream.indirect.scatter.add.f32 @!p0 [tilespmem:s16], [sflag:$0x1], $0x10, s18, s15, $0xb8;
	[tilespmem:$0x5A00] =	vst v63  }
0x55: {  	_ =	swait.ge @!p0 [sflag:s17], $0x800  }
0x56: {  	[sflag:s17] =	ssyncset.done @!p0 $0x0  }
0x57: {  	[sflag:s17] =	ssyncadd.s32 @!p0 $0xFFFFF800  }
0x58: {  	[bflag:$0x0] =	sbarrier.arrive $0xFFFF  }
0x59: {  	[tilespmem:s11], [sflag:$0x1] =	stream.linear.gather [spmem:s6], $0x2800, $0x38;
	[tilespmem:$0x5A00] =	vst v63  }
0x5a: {  	s14 =	sadd.s32 $0x1, s14;
	_ =	swait.ge [sflag:s12], $0x2800  }
0x5b: {  	p0 =	sne.s32 s14, s8;
	[sflag:s12] =	ssyncset.done $0x0  }
.Ltmp1:
0x5c: {  	[sflag:s12] =	ssyncadd.s32 $0xFFFFD800;
	(pc) =	sbr.rel @p0 .LBB2_1-.Ltmp1, $4  }
0x5d: {  	[hbm4b:s7+s3] =	stream.linear.scatter [tilespmem:s11], [sflag:$0x1], $0x2800, $0x38;
	[tilespmem:$0x5A00] =	vst v63  }
0x5e: {  	_ =	swait.ge [sflag:s12], $0x2800  }
0x5f: {  	[sflag:s12] =	ssyncset.done $0x0  }
0x60: {  	[sflag:s12] =	ssyncadd.s32 $0xFFFFD800  }
0x61: {  	_ =	sfence.sel $0x180000  }
0x62: {  	[bflag:$0x0] =	sbarrier.arrive $0xFFFF  }
0x63: {  	p0 =	sne.s32 s2, $0x0;
	_ =	strace $0x90000047  }
0x64: {  	s0 =	sadd.s32 @!p0 $0x100000, s0;
	[bflag:$0x2] =	sbarrier.arrive $0xFFFF  }
0x65: {  	[sflag:s0] =	ssyncadd.tile.s32 @!p0 $0x1;
	_ =	shalt  }
.Lfunc_end2:
_tile_overlayer_lowered:
.L_overlay_start_2:
0x66: {  	(tag) =	ssettag $0x2  }
0x67: {  	s0 =	rddreg [dreg:$0x0];
	s2 =	stileid.u32  }
0x68: {  	s1 =	rddreg [dreg:$0x1];
	p0 =	sne.s32 s2, $0x0  }
0x69: {  	s3 =	rddreg [dreg:$0x2];
	[bflag:$0x3] =	sbarrier.arrive $0xFFFF;
	s2 =	simm.s32 @!p0 $0x1C01  }
0x6a: {  	[timem:s3], [sflag:s2] =	dma.local @!p0 [hbm:s0], s1  }
0x6b: {  	s0 =	simm.s32 @!p0 $0x1  }
0x6c: {  	_ =	swait.ge @!p0 [sflag:s0], s1  }
0x6d: {  	s1 =	ssub.s32 @!p0 $0x0, s1;
	[sflag:s0] =	ssyncset.done @!p0 $0x0  }
0x6e: {  	[sflag:s0] =	ssyncadd.s32 @!p0 s1  }
0x6f: {  	[bflag:$0x3] =	sbarrier.arrive $0xFFFF  }
0x70: {  	_ =	shalt  }

// kernel: kernel.14.cloned.1.call-start
scs
__scs_entry_jumppad:
0x0: {  	(pc) =	sbr.rel $0x88, $3  }
0x1: {  	(tag) =	ssettag $0x0;
	lr =	simm.s32 $0x1  }
0x2: {  	[smem:$0x3F94] =	sst lr;
	_ =	strace $0xD0000000  }
0x3: {  	_ = 	snop  }
0x4: {  	_ = 	snop  }
0x5: {  	_ = 	snop  }
0x6: {  	_ = 	snop  }
0x7: {  	_ = 	snop  }
__scs_overlays_trampoline_lowered:
0x8: {  	[smem:$0x3FA3] =	sst s0  }
0x9: {  	[smem:$0x3FA4] =	sst s1  }
0xa: {  	[smem:$0x3FA5] =	sst s2  }
0xb: {  	[smem:$0x3FA6] =	sst s3  }
0xc: {  	[smem:$0x3FA7] =	sst s4  }
0xd: {  	[smem:$0x3FA8] =	sst s5  }
0xe: {  	[smem:$0x3FA9] =	sst s6  }
0xf: {  	[smem:$0x3FAA] =	sst s7  }
0x10: {  	[smem:$0x3FAB] =	sst s8  }
0x11: {  	[smem:$0x3FAC] =	sst s9;
	s0 =	simm.s32 @!p0 $0x0  }
0x12: {  	s1 =	sld [smem:$0x3F92];
	s0 =	simm.s32 @p0 $0x1  }
0x13: {  	[smem:$0x3FAD] =	sst s0;
	s0 =	simm.s32 @!p1 $0x0  }
0x14: {  	s2 =	sld [smem:$0x3F91];
	s0 =	simm.s32 @p1 $0x1  }
0x15: {  	[smem:$0x3FAE] =	sst s0;
	s0 =	simm.s32 @!p2 $0x0  }
0x16: {  	s3 =	sld [smem:$0x3FDB];
	s0 =	simm.s32 @p2 $0x1  }
0x17: {  	s4 =	simm.s32 $0x1BF5;
	[smem:$0x3FB0] =	sst s0  }
0x18: {  	s0 =	sld [smem:$0x3F93];
	_ =	swait.ge [sflag:s4], $0x0  }
0x19: {  	s7 =	sld [smem:$0x3F94]  }
0x1a: {  	s8 =	sadd.s32 $0xFFFFE003, lr  }
0x1b: {  	s9 =	sadd.s32 $0xFFFFFEF7, lr;
	s5 =	simm.s32 $0xFFFFFFFF;
	p2 =	slt.u32 s8, $0xFFFFF086  }
0x1c: {  	p1 =	slt.u32 s9, $0xF7A;
	s5 =	simm.s32 @!p2 $0x0  }
0x1d: {  	s5 =	simm.s32 @p1 $0x1;
	p0 =	seq.s32 s7, s2  }
0x1e: {  	s7 =	smul.u32 @!p0 $0xF7A, s2;
	p2 =	seq.s32 @!p0 s5, $0x0  }
0x1f: {  	s9 =	smul.u32 $0xF7A, s1;
	s8 =	simm.s32 @!p0 $0x1BF5;
	p2 =	por !p2, p0  }
0x20: {  	[sflag:s8] =	ssyncset.s32 @!p0 $0xFFFFF086;
	s6 =	sadd.s32 @!p0 s3, s7;
	s7 =	simm.s32 @!p0 $0x108  }
0x21: {  	s3 =	sadd.s32 s3, s9;
	s6 =	sadd.s32 @!p0 $0x88, s6;
	s7 =	simm.s32 @p2 $0x1082  }
0x22: {  	[simem:s7], [sflag:s8] =	dma.local @!p0 [hbm:s6], $0xF7A  }
0x23: {  	s9 =	sor.u32 $0xD0000000, s2;
	s6 =	simm.s32 $0x108;
	_ =	swait.ge @!p0 [sflag:s8], $0x0  }
0x24: {  	s3 =	sadd.s32 $0x88, s3;
	s6 =	simm.s32 @!p1 $0x1082;
	[sflag:s4] =	ssyncset.s32 $0xFFFFF086  }
0x25: {  	[simem:s6], [sflag:s4] =	dma.local [hbm:s3], $0xF7A  }
0x26: {  	[smem:$0x3F94] =	sst s1;
	(tag) =	ssettag s2;
	_ =	strace s9  }
0x27: {  	s1 =	sld [smem:$0x3FA4]  }
0x28: {  	s2 =	sld [smem:$0x3FA5]  }
0x29: {  	s4 =	sld [smem:$0x3FA7]  }
0x2a: {  	p0 =	seq.s32 s5, $0x0;
	s5 =	sld [smem:$0x3FA8]  }
0x2b: {  	s6 =	sld [smem:$0x3FA9]  }
0x2c: {  	s7 =	sld [smem:$0x3FAA]  }
0x2d: {  	s3 =	simm.s32 $0x108;
	s8 =	sld [smem:$0x3FAB]  }
0x2e: {  	s3 =	simm.s32 @!p0 $0x1082;
	s9 =	sld [smem:$0x3FAC]  }
0x2f: {  	lr =	sadd.s32 s0, s3;
	s0 =	sld [smem:$0x3FA3]  }
0x30: {  	s3 =	sld [smem:$0x3FA6]  }
0x31: {  	[smem:$0x3FAF] =	sst s10  }
0x32: {  	s10 =	sld [smem:$0x3FAD];
	_ =	sdelay $0x3  }
0x33: {  	p0 =	seq.s32 s10, $0x1;
	s10 =	sld [smem:$0x3FAF];
	_ =	sdelay $0x3  }
0x34: {  	[smem:$0x3FAF] =	sst s10  }
0x35: {  	s10 =	sld [smem:$0x3FAE];
	_ =	sdelay $0x3  }
0x36: {  	p1 =	seq.s32 s10, $0x1;
	s10 =	sld [smem:$0x3FAF];
	_ =	sdelay $0x3  }
0x37: {  	[smem:$0x3FAF] =	sst s10  }
0x38: {  	s10 =	sld [smem:$0x3FB0]  }
0x39: {  	_ = 	snop;
	(pc) =	sbr.ind lr, $3  }
0x3a: {  	_ = 	snop  }
0x3b: {  	_ = 	snop  }
0x3c: {  	p2 =	seq.s32 s10, $0x1;
	s10 =	sld [smem:$0x3FAF]  }
0x3d: {  	_ =	shalt  }
0x3e: {  	_ =	shalt  }
0x3f: {  	_ =	shalt  }
0x40: {  	_ =	shalt  }
0x41: {  	_ =	shalt  }
0x42: {  	_ =	shalt  }
0x43: {  	_ =	shalt  }
0x44: {  	_ =	shalt  }
0x45: {  	_ =	shalt  }
0x46: {  	_ =	shalt  }
0x47: {  	_ =	shalt  }
0x48: {  	_ =	shalt  }
0x49: {  	_ =	shalt  }
0x4a: {  	_ =	shalt  }
0x4b: {  	_ =	shalt  }
0x4c: {  	_ =	shalt  }
0x4d: {  	_ =	shalt  }
0x4e: {  	_ =	shalt  }
0x4f: {  	_ =	shalt  }
0x50: {  	_ =	shalt  }
0x51: {  	_ =	shalt  }
0x52: {  	_ =	shalt  }
0x53: {  	_ =	shalt  }
0x54: {  	_ =	shalt  }
0x55: {  	_ =	shalt  }
0x56: {  	_ =	shalt  }
0x57: {  	_ =	shalt  }
0x58: {  	_ =	shalt  }
0x59: {  	_ =	shalt  }
0x5a: {  	_ =	shalt  }
0x5b: {  	_ =	shalt  }
0x5c: {  	_ =	shalt  }
0x5d: {  	_ =	shalt  }
0x5e: {  	_ =	shalt  }
0x5f: {  	_ =	shalt  }
0x60: {  	_ =	shalt  }
0x61: {  	_ =	shalt  }
0x62: {  	_ =	shalt  }
0x63: {  	_ =	shalt  }
0x64: {  	_ =	shalt  }
0x65: {  	_ =	shalt  }
0x66: {  	_ =	shalt  }
0x67: {  	_ =	shalt  }
0x68: {  	_ =	shalt  }
0x69: {  	_ =	shalt  }
0x6a: {  	_ =	shalt  }
0x6b: {  	_ =	shalt  }
0x6c: {  	_ =	shalt  }
0x6d: {  	_ =	shalt  }
0x6e: {  	_ =	shalt  }
0x6f: {  	_ =	shalt  }
0x70: {  	_ =	shalt  }
0x71: {  	_ =	shalt  }
0x72: {  	_ =	shalt  }
0x73: {  	_ =	shalt  }
0x74: {  	_ =	shalt  }
0x75: {  	_ =	shalt  }
0x76: {  	_ =	shalt  }
0x77: {  	_ =	shalt  }
0x78: {  	_ =	shalt  }
0x79: {  	_ =	shalt  }
0x7a: {  	_ =	shalt  }
0x7b: {  	_ =	shalt  }
0x7c: {  	_ =	shalt  }
0x7d: {  	_ =	shalt  }
0x7e: {  	_ =	shalt  }
0x7f: {  	_ =	shalt  }
0x80: {  	_ =	shalt  }
0x81: {  	_ =	shalt  }
0x82: {  	_ =	shalt  }
0x83: {  	_ =	shalt  }
0x84: {  	_ =	shalt  }
0x85: {  	_ =	shalt  }
0x86: {  	_ =	shalt  }
0x87: {  	_ =	shalt  }
.Lfunc_end0:
.L_simem_size_0:
called_computation.1_lowered:
.L_overlay_start_0:
0x88: {  	s2 =	sld [smem:$0x3FD9]  }
0x89: {  	s3 =	sld [smem:$0x3FFE];
	_ =	sdelay $0x1  }
0x8a: {  	s1 =	srdreg.scid  }
0x8b: {  	s0 =	sand.u32 $0x1, s1  }
0x8c: {  	s16 =	sshll.u32 s0, $0xA;
	s2 =	sadd.s32 s3, s2  }
0x8d: {  	s2 =	sadd.s32 s2, s16  }
0x8e: {  	[smem:$0x3FBB] =	sst s2  }
0x8f: {  	_ = 	snop  }
0x90: {  	(tm) =	ssettm $0x1  }
0x91: {  	s17 =	sld [smem:$0x3FFB];
	_ =	sdelay $0x3  }
0x92: {  	_ =	strace s17  }
0x93: {  	s2 =	sld [smem:$0x3FFC];
	_ =	sdelay $0x3  }
0x94: {  	_ =	strace s2  }
0x95: {  	s2 =	sld [smem:$0x3FFD];
	_ =	sdelay $0x3  }
0x96: {  	_ =	strace s2  }
0x97: {  	_ =	strace $0x8FFFFFFF  }
0x98: {  	s18 =	sld [smem:$0x3FDB];
	_ =	sdelay $0x1  }
0x99: {  	s19 =	simm.s32 $_scs_section_size  }
0x9a: {  	s4 =	simm.s32 $_size__tile_overlayer_lowered;
	s5 =	simm.s32 $_tile_overlayer_lowered  }
0x9b: {  	s22 =	simm.s32 $0x1BFF;
	s21 =	sshll.u32 s5, $0x1;
	s2 =	sadd.s32 s19, s18  }
0x9c: {  	s6 =	simm.s32 $0x0;
	s20 =	sshll.u32 s4, $0x1;
	s4 =	sadd.s32 s21, s2  }
0x9d: {  	[timem:s6], [sflag:s22] =	dma.local [hbm:s4], s20  }
0x9e: {  	_ =	swait.ge [sflag:s22], s20  }
0x9f: {  	s3 =	ssub.s32 $0x0, s20;
	[sflag:s22] =	ssyncset.done $0x0  }
0xa0: {  	[sflag:s22] =	ssyncadd.s32 s3;
	_ =	sdelay $0x1  }
0xa1: {  	s23 =	simm.s32 $0x1B8B  }
0xa2: {  	_ =	swait.ge [sflag:s23], $0x1  }
0xa3: {  	[sflag:s23] =	ssyncset.done $0x0  }
0xa4: {  	s25 =	simm.s32 $0x1B8E;
	s24 =	sld [smem:$0x3FFE];
	[sflag:s23] =	ssyncadd.s32 $0xFFFFFFFF  }
0xa5: {  	s26 =	simm.s32 $execute0_lowered;
	[smem:$0x3FD2] =	sst s25  }
0xa6: {  	s4 =	sshll.u32 s26, $0x1;
	_ =	strace $0x80000049;
	[dreg:$0x1] =	wrdreg $0xFFFFFFFF  }
0xa7: {  	s28 =	simm.s32 $_size_execute0_lowered;
	s2 =	sadd.s32 s2, s4;
	[dreg:$0x0] =	wrdreg $0x0  }
0xa8: {  	s4 =	sshll.u32 s28, $0x1;
	[dreg:$0x2] =	wrdreg s2  }
0xa9: {  	[dreg:$0x3] =	wrdreg s4  }
0xaa: {  	[dreg:$0x4] =	wrdreg $0xC0  }
0xab: {  	_ =	task [dreg:s6], $0x5FFFF  }
0xac: {  	[dreg:$0x1] =	wrdreg $0xFFFFFFFF  }
0xad: {  	[dreg:$0x0] =	wrdreg $0x60  }
0xae: {  	[dreg:$0x2] =	wrdreg s24  }
0xaf: {  	[dreg:$0x3] =	wrdreg $0x0  }
0xb0: {  	[dreg:$0x4] =	wrdreg $0x9  }
0xb1: {  	_ =	task.clear_ibuf [dreg:s6], $0x5FFFF;
	_ =	strace $0x90000049  }
0xb2: {  	s29 =	simm.s32 $0x9;
	_ =	strace $0x8000004B  }
0xb3: {  	_ =	swait.ge [sflag:s29], $0x1  }
0xb4: {  	[sflag:s29] =	ssyncadd.s32 $0xFFFFFFFF  }
0xb5: {  	_ =	strace $0x9000004B  }
0xb6: {  	_ =	sfence  }
0xb7: {  	s30 =	sld [smem:$0x0];
	_ =	sdelay $0x2  }
0xb8: {  	s31 =	sshll.u32 s1, $0xD;
	s1 =	sshrl.u32 s1, $0x2  }
0xb9: {  	s3 =	sand.u32 $0x4000, s31;
	s1 =	sadd.s32 s1, s30  }
0xba: {  	s0 =	sor.u32 s3, s0;
	s1 =	sshll.u32 s1, $0x11  }
0xbb: {  	s0 =	sor.u32 s1, s0  }
0xbc: {  	s0 =	sadd.s32 $0x8F2B, s0  }
0xbd: {  	[sflag:s0] =	ssyncadd.remote.s32 $0x1  }
0xbe: {  	_ =	sfence.sel $0xFFFF  }
0xbf: {  	[dreg:$0x0] =	wrdreg $0xFFFFFFFF;
	(pc) =	sbr.abs _section_cstart, $3  }
0xc0: {  	[dreg:$0x1] =	wrdreg $0xFFFFFFFF  }
0xc1: {  	_ =	task.clear_ibuf [dreg:s6], $0x2FFFF;
	_ =	strace $0x9FFFFFFF  }
0xc2: {  	(tm) =	ssettm $0x7FFFFFFF  }
0xc3: {  	_ =	shalt  }
tec
execute0_lowered:
.L_overlay_start_1:
0x0: {  	(tag) =	ssettag $0x1  }
0x1: {  	s0 =	rddreg [dreg:$0x0]  }
0x2: {  	s2 =	rddreg [dreg:$0x1];
	s4 =	srdreg.scid  }
0x3: {  	s1 =	stileid.u32;
	s3 =	simm.s32 $0x0;
	s13 =	simm.s32 $0x7310  }
0x4: {  	s14 =	simm.s32 $0x2;
	s15 =	simm.s32 $0x4C00;
	s16 =	simm.s32 $0x2800  }
0x5: {  	s17 =	simm.s32 $0x3;
	s18 =	simm.s32 $0x2A00;
	s19 =	simm.s32 $0x2C00  }
0x6: {  	s20 =	simm.s32 $0x1;
	s21 =	simm.s32 $0x80;
	s22 =	simm.s32 $0x2A80  }
0x7: {  	s23 =	simm.s32 $0x3400;
	s24 =	simm.s32 $0x2B00;
	s25 =	simm.s32 $0x3C00  }
0x8: {  	s26 =	simm.s32 $0x2B80;
	s28 =	simm.s32 $0x4400;
	s29 =	simm.s32 $0x0  }
0x9: {  	s4 =	sand.u32 $0x1, s4;
	s8 =	smul.u32 $0x2800, s1;
	[smem:$0x7FF] =	sst s3  }
0xa: {  	s5 =	sadd.s32 $0x2B800, s0;
	s6 =	sadd.s32 $0x21A00, s0;
	s7 =	smul.u32 $0x28000, s4  }
0xb: {  	v0 =	vimm.s32 $0x0;
	s11 =	sadd.s32 $0x21200, s0;
	_ =	strace $0x8000004A;
	[dreg:$0x3] =	wrdreg s5  }
.Ltmp0:
0xc: {  	v1 =	vimm.s32 $0x1;
	v2 =	vimm.s32 $0x2;
	v3 =	vimm.s32 $0x3;
	s5 =	sadd.s32 $0x50D800, s0;
	s9 =	sadd.s32 s8, s7;
	(pc) =	sbr.rel .LBB2_1-.Ltmp0, $4  }
0xd: {  	v4 =	vimm.s32 $0x4;
	v5 =	vimm.s32 $0x5;
	v6 =	vimm.s32 $0x6;
	s10 =	ssub.s32 $0x2, s4;
	[dreg:$0x4] =	wrdreg s11;
	s9 =	sshrl.u32 s9, $0x3  }
0xe: {  	v7 =	vimm.s32 $0x7;
	v8 =	vimm.s32 $0x8;
	v9 =	vimm.s32 $0x9;
	s31 =	sshrl.u32 s10, $0x1;
	s7 =	sadd.s32 $0x17400, s0;
	s0 =	sadd.s32 s9, s0  }
0xf: {  	v10 =	vimm.s32 $0xA;
	v11 =	vimm.s32 $0xB;
	v12 =	vimm.s32 $0xC;
	s12 =	ssub.s32 s10, s31;
	s10 =	sadd.s32 s8, s2;
	s0 =	sadd.s32 $0x2BE00, s0  }
0x10: {  	v13 =	vimm.s32 $0xD;
	v14 =	vimm.s32 $0xE;
	v15 =	vimm.s32 $0xF;
	s12 =	smax.u32 s12, $0x1;
	s9 =	sshll.u32 s4, $0x4;
	[dreg:$0x5] =	wrdreg s0  }
.LBB2_7:
0x11: {  	[bflag:$0x0] =	sbarrier.arrive $0xFFFF  }
0x12: {  	[tilespmem:s13], [sflag:$0x2] =	stream.linear.gather [spmem:s10], $0x2800, $0x38;
	[tilespmem:$0x9B10] =	vst v63  }
0x13: {  	s29 =	sadd.s32 $0x1, s29;
	_ =	swait.ge [sflag:s14], $0x2800  }
0x14: {  	p0 =	sne.s32 s29, s12;
	[sflag:s14] =	ssyncset.done $0x0  }
.Ltmp1:
0x15: {  	s0 =	rddreg [dreg:$0x5];
	[sflag:s14] =	ssyncadd.s32 $0xFFFFD800;
	(pc) =	sbr.rel @!p0 .LBB2_8-.Ltmp1, $4  }
0x16: {  	[hbm4b:s0+s3] =	stream.linear.scatter [tilespmem:s13], [sflag:$0x2], $0x2800, $0x38;
	[tilespmem:$0x9B10] =	vst v63  }
0x17: {  	_ =	swait.ge [sflag:s14], $0x2800  }
0x18: {  	[sflag:s14] =	ssyncset.done $0x0  }
0x19: {  	[sflag:s14] =	ssyncadd.s32 $0xFFFFD800  }
.LBB2_1:
0x1a: {  	s0 =	rddreg [dreg:$0x4]  }
0x1b: {  	[tilespmem:s13], [sflag:$0x2] =	stream.linear.gather [hbm4b:s0+s3], $0x2800, $0x38;
	[tilespmem:$0x9B10] =	vst v63  }
0x1c: {  	_ =	swait.ge [sflag:s14], $0x2800  }
0x1d: {  	[sflag:s14] =	ssyncset.done $0x0  }
0x1e: {  	s31 =	rddreg [dreg:$0x3];
	[sflag:s14] =	ssyncadd.s32 $0xFFFFD800  }
0x1f: {  	[tilespmem:s15], [sflag:$0x2] =	stream.linear.gather [hbm4b:s31+s3], $0x2710, $0x38;
	[tilespmem:$0x9B10] =	vst v63  }
0x20: {  	_ =	swait.ge [sflag:s14], $0x2710  }
0x21: {  	[sflag:s14] =	ssyncset.done $0x0  }
0x22: {  	[sflag:s14] =	ssyncadd.s32 $0xFFFFD8F0  }
0x23: {  	[spmem:s10] =	stream.linear.scatter [tilespmem:s13], [sflag:$0x2], $0x2800, $0x38;
	[tilespmem:$0x9B10] =	vst v63  }
.Ltmp2:
0x24: {  	_ =	swait.ge [sflag:s14], $0x2800;
	(pc) =	sbr.rel .LBB2_2-.Ltmp2, $4  }
0x25: {  	[sflag:s14] =	ssyncset.done $0x0  }
0x26: {  	[sflag:s14] =	ssyncadd.s32 $0xFFFFD800  }
0x27: {  	[bflag:$0x0] =	sbarrier.arrive $0xFFFF  }
0x28: {  	s30 =	simm.s32 $0x0  }
.LBB2_6:
0x29: {  	s30 =	sadd.s32 $0x1, s30  }
0x2a: {  	p0 =	sne.s32 s30, $0x14  }
.Ltmp3:
0x2b: {  	_ = 	snop;
	(pc) =	sbr.rel @!p0 .LBB2_7-.Ltmp3, $1  }
0x2c: {  	_ =	sdelay $0x3  }
.LBB2_2:
0x2d: {  	s0 =	sshll.u32 s30, $0x5  }
0x2e: {  	s0 =	sor.u32 s0, s9  }
0x2f: {  	s0 =	sor.u32 s1, s0  }
0x30: {  	p0 =	sgt.u32 s0, $0x270  }
.Ltmp4:
0x31: {  	_ = 	snop;
	(pc) =	sbr.rel @p0 .LBB2_6-.Ltmp4, $1  }
0x32: {  	_ =	sdelay $0x3  }
0x33: {  	s4 =	sshll.u32 s0, $0x6  }
0x34: {  	s31 =	simm.s32 $0x0;
	s8 =	sadd.s32 s6, s4  }
0x35: {  	[tilespmem:s16], [sflag:$0x3] =	stream.linear.gather [hbm4b:s8+s31], $0x200, $0x38;
	[tilespmem:$0x9B10] =	vst v63  }
0x36: {  	_ =	swait.ge [sflag:s17], $0x200  }
0x37: {  	[sflag:s17] =	ssyncset.done $0x0  }
0x38: {  	s4 =	sadd.s32 s7, s4;
	[sflag:s17] =	ssyncadd.s32 $0xFFFFFE00  }
0x39: {  	[tilespmem:s18], [sflag:$0x3] =	stream.linear.gather [hbm4b:s4+s31], $0x200, $0x38;
	[tilespmem:$0x9B10] =	vst v63  }
0x3a: {  	_ =	swait.ge [sflag:s17], $0x200  }
0x3b: {  	s11 =	sshll.u32 s0, $0xA;
	[sflag:s17] =	ssyncset.done $0x0  }
0x3c: {  	s0 =	sadd.s32 s5, s11;
	[sflag:s17] =	ssyncadd.s32 $0xFFFFFE00  }
0x3d: {  	[tilespmem:s19], [sflag:$0x1] =	stream.linear.gather [hbm4b:s0+s31], $0x2000, $0x38;
	[tilespmem:$0x9B10] =	vst v63  }
0x3e: {  	s4 =	sand.u32 $0x600, s31;
	_ =	swait.ge [sflag:s20], $0x2000  }
0x3f: {  	s8 =	sand.u32 $0x70, s31;
	s0 =	sshrl.u32 s4, $0x2;
	[sflag:s20] =	ssyncset.done $0x0  }
0x40: {  	s0 =	sor.u32 s8, s0;
	[sflag:s20] =	ssyncadd.s32 $0xFFFFE000  }
0x41: {  	v16 =	vld [tilespmem:s0+$0x2800];
	_ =	sdelay $0x7  }
0x42: {  	v16 =	vld.idx.msk [tilespmem:v16+s15+$0x0], $0xffff  }
0x43: {  	s31 =	simm.s32 $0x2C80  }
0x44: {  	v17 =	vld [tilespmem:s31+$0xFFFFFF80]  }
0x45: {  	v18 =	vld [tilespmem:s31+$0xFFFFFF90]  }
0x46: {  	v19 =	vld [tilespmem:s31+$0xFFFFFFA0]  }
0x47: {  	v20 =	vld [tilespmem:s31+$0xFFFFFFB0];
	v21 =	vperm.xlane v16, v0  }
0x48: {  	v23 =	vld [tilespmem:s31+$0xFFFFFFC0];
	v22 =	vperm.xlane v16, v1  }
0x49: {  	v24 =	vld [tilespmem:s31+$0xFFFFFFD0];
	v25 =	vperm.xlane v16, v2;
	v17 =	vmul.f32 v17, v21  }
0x4a: {  	v51 =	vld [tilespmem:s31+$0xFFFFFFE0];
	v50 =	vperm.xlane v16, v3;
	v18 =	vmul.f32 v18, v22  }
0x4b: {  	v26 =	vld [tilespmem:s31+$0xFFFFFFF0];
	v19 =	vmul.f32 v19, v25;
	[tilespmem:s31+$0xFFFFFF80] =	vst v17;
	v17 =	vperm.xlane v16, v4  }
0x4c: {  	v52 =	vperm.xlane v16, v5;
	v20 =	vmul.f32 v20, v50;
	[tilespmem:s31+$0xFFFFFF90] =	vst v18;
	v18 =	vld [tilespmem:s31+$0x0]  }
0x4d: {  	v53 =	vld [tilespmem:s31+$0x10];
	v27 =	vperm.xlane v16, v6;
	[tilespmem:s31+$0xFFFFFFA0] =	vst v19;
	v17 =	vmul.f32 v23, v17  }
0x4e: {  	v58 =	vld [tilespmem:s31+$0x50];
	v21 =	vmul.f32 v24, v52;
	v19 =	vperm.xlane v16, v7;
	[tilespmem:s31+$0xFFFFFFB0] =	vst v20  }
0x4f: {  	v55 =	vld [tilespmem:s31+$0x30];
	v22 =	vmul.f32 v51, v27;
	[tilespmem:s31+$0xFFFFFFC0] =	vst v17;
	v17 =	vperm.xlane v16, v8  }
0x50: {  	v57 =	vld [tilespmem:s31+$0x40];
	v56 =	vperm.xlane v16, v9;
	[tilespmem:s31+$0xFFFFFFD0] =	vst v21;
	v19 =	vmul.f32 v26, v19  }
0x51: {  	v54 =	vld [tilespmem:s31+$0x20];
	v61 =	vperm.xlane v16, v13;
	[tilespmem:s31+$0xFFFFFFE0] =	vst v22;
	v17 =	vmul.f32 v18, v17  }
0x52: {  	v60 =	vperm.xlane v16, v11;
	v24 =	vmul.f32 v53, v56;
	[tilespmem:s31+$0xFFFFFFF0] =	vst v19;
	v19 =	vld [tilespmem:s31+$0x60]  }
0x53: {  	v63 =	vmul.f32 v58, v61;
	v18 =	vld [tilespmem:s31+$0x70];
	[tilespmem:s31+$0x0] =	vst v17;
	v17 =	vperm.xlane v16, v12  }
0x54: {  	v59 =	vperm.xlane v16, v10;
	v20 =	vmul.f32 v55, v60;
	[tilespmem:s31+$0x10] =	vst v24  }
0x55: {  	v62 =	vperm.xlane v16, v14;
	[tilespmem:s31+$0x50] =	vst v63;
	v17 =	vmul.f32 v57, v17  }
0x56: {  	v23 =	vmul.f32 v54, v59;
	[tilespmem:s31+$0x30] =	vst v20;
	v16 =	vperm.xlane v16, v15  }
0x57: {  	s11 =	simm.s32 $0x40;
	[tilespmem:s31+$0x40] =	vst v17;
	v17 =	vmul.f32 v19, v62  }
0x58: {  	s4 =	simm.s32 $0x10;
	s8 =	sand.u32 $0x600, s11;
	s0 =	simm.s32 $0x80;
	[tilespmem:s31+$0x20] =	vst v23;
	v16 =	vmul.f32 v18, v16  }
.LBB2_4:
0x59: {  	p0 =	sne.s32 s0, $0x7C0;
	s11 =	sand.u32 $0x70, s4;
	s8 =	sshrl.u32 s8, $0x2;
	[tilespmem:s31+$0x60] =	vst v17  }
0x5a: {  	s8 =	sor.u32 s11, s8;
	[tilespmem:s31+$0x70] =	vst v16  }
0x5b: {  	v16 =	vld [tilespmem:s8+$0x2800];
	_ =	sdelay $0x7  }
0x5c: {  	s31 =	sadd.s32 $0x100, s31;
	v16 =	vld.idx.msk [tilespmem:v16+s15+$0x0], $0xffff  }
0x5d: {  	v17 =	vld [tilespmem:s31+$0xFFFFFFB0]  }
0x5e: {  	v18 =	vld [tilespmem:s31+$0xFFFFFF90]  }
0x5f: {  	v19 =	vld [tilespmem:s31+$0xFFFFFF80]  }
0x60: {  	v20 =	vld [tilespmem:s31+$0xFFFFFFA0]  }
0x61: {  	v21 =	vld [tilespmem:s31+$0xFFFFFFF0]  }
0x62: {  	v22 =	vperm.xlane v16, v0;
	v23 =	vperm.xlane v16, v1;
	v24 =	vld [tilespmem:s31+$0xFFFFFFD0]  }
0x63: {  	v25 =	vperm.xlane v16, v2;
	v26 =	vperm.xlane v16, v3;
	v27 =	vld [tilespmem:s31+$0xFFFFFFC0]  }
0x64: {  	v18 =	vmul.f32 v18, v23;
	v19 =	vmul.f32 v19, v22;
	v22 =	vld [tilespmem:s31+$0xFFFFFFE0]  }
0x65: {  	v17 =	vmul.f32 v17, v26;
	v20 =	vmul.f32 v20, v25;
	v23 =	vld [tilespmem:s31+$0x30]  }
0x66: {  	v25 =	vperm.xlane v16, v5;
	[tilespmem:s31+$0xFFFFFF80] =	vst v19;
	v19 =	vperm.xlane v16, v4;
	v26 =	vld [tilespmem:s31+$0x10]  }
0x67: {  	v28 =	vperm.xlane v16, v7;
	[tilespmem:s31+$0xFFFFFF90] =	vst v18;
	v18 =	vperm.xlane v16, v6;
	v29 =	vld [tilespmem:s31+$0x0]  }
0x68: {  	[tilespmem:s31+$0xFFFFFFA0] =	vst v20;
	v19 =	vmul.f32 v27, v19;
	v20 =	vmul.f32 v24, v25;
	v24 =	vld [tilespmem:s31+$0x20]  }
0x69: {  	[tilespmem:s31+$0xFFFFFFB0] =	vst v17;
	v17 =	vmul.f32 v22, v18;
	v18 =	vmul.f32 v21, v28;
	v21 =	vld [tilespmem:s31+$0x70]  }
0x6a: {  	v22 =	vperm.xlane v16, v9;
	[tilespmem:s31+$0xFFFFFFC0] =	vst v19;
	v19 =	vperm.xlane v16, v8;
	v25 =	vld [tilespmem:s31+$0x50]  }
0x6b: {  	v27 =	vperm.xlane v16, v11;
	[tilespmem:s31+$0xFFFFFFD0] =	vst v20;
	v20 =	vperm.xlane v16, v10;
	v28 =	vld [tilespmem:s31+$0x40]  }
0x6c: {  	[tilespmem:s31+$0xFFFFFFE0] =	vst v17;
	v17 =	vmul.f32 v29, v19;
	v19 =	vmul.f32 v26, v22;
	v22 =	vld [tilespmem:s31+$0x60]  }
0x6d: {  	[tilespmem:s31+$0xFFFFFFF0] =	vst v18;
	v18 =	vmul.f32 v24, v20;
	v20 =	vmul.f32 v23, v27  }
0x6e: {  	v23 =	vperm.xlane v16, v13;
	[tilespmem:s31+$0x0] =	vst v17;
	v17 =	vperm.xlane v16, v12  }
.Ltmp5:
0x6f: {  	[tilespmem:s31+$0x10] =	vst v19;
	v19 =	vperm.xlane v16, v14;
	v16 =	vperm.xlane v16, v15;
	(pc) =	sbr.rel @p0 .LBB2_4-.Ltmp5, $4  }
0x70: {  	v23 =	vmul.f32 v25, v23;
	[tilespmem:s31+$0x20] =	vst v18;
	v18 =	vmul.f32 v28, v17  }
0x71: {  	[tilespmem:s31+$0x30] =	vst v20;
	v17 =	vmul.f32 v22, v19;
	v16 =	vmul.f32 v21, v16  }
0x72: {  	[tilespmem:s31+$0x40] =	vst v18  }
0x73: {  	s4 =	sadd.s32 $0x10, s4;
	s8 =	sand.u32 $0x600, s0;
	s0 =	sadd.s32 $0x40, s0;
	[tilespmem:s31+$0x50] =	vst v23  }
0x74: {  	s0 =	sand.u32 $0x70, s4;
	s11 =	sshrl.u32 s8, $0x2;
	[tilespmem:s31+$0x60] =	vst v17  }
0x75: {  	[tilespmem:s31+$0x70] =	vst v16;
	s0 =	sor.u32 s0, s11  }
0x76: {  	v16 =	vld [tilespmem:s0+$0x2800];
	_ =	sdelay $0x7  }
0x77: {  	v16 =	vld.idx.msk [tilespmem:v16+s15+$0x0], $0xffff  }
0x78: {  	s31 =	sadd.s32 $0x100, s31  }
0x79: {  	v17 =	vld [tilespmem:s31+$0xFFFFFF80]  }
0x7a: {  	v18 =	vld [tilespmem:s31+$0xFFFFFF90]  }
0x7b: {  	v19 =	vld [tilespmem:s31+$0xFFFFFFA0]  }
0x7c: {  	v20 =	vld [tilespmem:s31+$0xFFFFFFB0];
	v21 =	vperm.xlane v16, v0  }
0x7d: {  	v24 =	vld [tilespmem:s31+$0xFFFFFFD0];
	v22 =	vperm.xlane v16, v1  }
0x7e: {  	v46 =	vld [tilespmem:s31+$0xFFFFFFE0];
	v25 =	vperm.xlane v16, v2;
	v17 =	vmul.f32 v17, v21  }
0x7f: {  	v23 =	vld [tilespmem:s31+$0xFFFFFFC0];
	v45 =	vperm.xlane v16, v3;
	v18 =	vmul.f32 v18, v22  }
0x80: {  	v49 =	vld [tilespmem:s31+$0x10];
	v47 =	vperm.xlane v16, v5;
	v19 =	vmul.f32 v19, v25;
	[tilespmem:s31+$0xFFFFFF80] =	vst v17  }
0x81: {  	v59 =	vld [tilespmem:s31+$0x60];
	v27 =	vperm.xlane v16, v6;
	v20 =	vmul.f32 v20, v45;
	[tilespmem:s31+$0xFFFFFF90] =	vst v18  }
0x82: {  	v26 =	vld [tilespmem:s31+$0xFFFFFFF0];
	v21 =	vmul.f32 v24, v47;
	v17 =	vperm.xlane v16, v4;
	[tilespmem:s31+$0xFFFFFFA0] =	vst v19  }
0x83: {  	v48 =	vld [tilespmem:s31+$0x0];
	v53 =	vperm.xlane v16, v9;
	v22 =	vmul.f32 v46, v27;
	[tilespmem:s31+$0xFFFFFFB0] =	vst v20  }
0x84: {  	v52 =	vld [tilespmem:s31+$0x30];
	v62 =	vperm.xlane v16, v14;
	[tilespmem:s31+$0xFFFFFFD0] =	vst v21;
	v17 =	vmul.f32 v23, v17  }
0x85: {  	v55 =	vld [tilespmem:s31+$0x50];
	v50 =	vperm.xlane v16, v7;
	v58 =	vmul.f32 v49, v53;
	[tilespmem:s31+$0xFFFFFFE0] =	vst v22  }
0x86: {  	v51 =	vld [tilespmem:s31+$0x20];
	v63 =	vmul.f32 v59, v62;
	[tilespmem:s31+$0xFFFFFFC0] =	vst v17;
	v17 =	vperm.xlane v16, v8  }
0x87: {  	v54 =	vld [tilespmem:s31+$0x40];
	v57 =	vperm.xlane v16, v11;
	v19 =	vmul.f32 v26, v50;
	[tilespmem:s31+$0x10] =	vst v58  }
0x88: {  	v60 =	vld [tilespmem:s31+$0x70];
	v61 =	vperm.xlane v16, v13;
	[tilespmem:s31+$0x60] =	vst v63;
	v17 =	vmul.f32 v48, v17  }
0x89: {  	v56 =	vperm.xlane v16, v10;
	v18 =	vmul.f32 v52, v57;
	[tilespmem:s31+$0xFFFFFFF0] =	vst v19  }
0x8a: {  	v20 =	vmul.f32 v55, v61;
	[tilespmem:s31+$0x0] =	vst v17;
	v17 =	vperm.xlane v16, v12  }
0x8b: {  	v23 =	vmul.f32 v51, v56;
	[tilespmem:s31+$0x30] =	vst v18;
	v16 =	vperm.xlane v16, v15  }
0x8c: {  	[tilespmem:s31+$0x50] =	vst v20;
	v17 =	vmul.f32 v54, v17  }
0x8d: {  	[tilespmem:s31+$0x20] =	vst v23;
	v16 =	vmul.f32 v60, v16  }
0x8e: {  	[tilespmem:s31+$0x40] =	vst v17  }
0x8f: {  	[tilespmem:s31+$0x70] =	vst v16  }
0x90: {  	[spmem:s2] =	stream.indirect.scatter.add.f32 [tilespmem:s19], [sflag:$0x3], $0x10, s18, s21, $0xb8;
	[tilespmem:$0x9B10] =	vst v63  }
0x91: {  	_ =	swait.ge [sflag:s17], $0x800  }
0x92: {  	[sflag:s17] =	ssyncset.done $0x0  }
0x93: {  	[sflag:s17] =	ssyncadd.s32 $0xFFFFF800  }
0x94: {  	[spmem:s2] =	stream.indirect.scatter.add.f32 [tilespmem:s23], [sflag:$0x3], $0x10, s22, s21, $0xb8;
	[tilespmem:$0x9B10] =	vst v63  }
0x95: {  	_ =	swait.ge [sflag:s17], $0x800  }
0x96: {  	[sflag:s17] =	ssyncset.done $0x0  }
0x97: {  	[sflag:s17] =	ssyncadd.s32 $0xFFFFF800  }
0x98: {  	[spmem:s2] =	stream.indirect.scatter.add.f32 [tilespmem:s25], [sflag:$0x3], $0x10, s24, s21, $0xb8;
	[tilespmem:$0x9B10] =	vst v63  }
0x99: {  	_ =	swait.ge [sflag:s17], $0x800  }
0x9a: {  	[sflag:s17] =	ssyncset.done $0x0  }
.Ltmp6:
0x9b: {  	[sflag:s17] =	ssyncadd.s32 $0xFFFFF800;
	(pc) =	sbr.rel .LBB2_6-.Ltmp6, $4  }
0x9c: {  	[spmem:s2] =	stream.indirect.scatter.add.f32 [tilespmem:s28], [sflag:$0x2], $0x10, s26, s21, $0xb8;
	[tilespmem:$0x9B10] =	vst v63  }
0x9d: {  	_ =	swait.ge [sflag:s14], $0x800  }
0x9e: {  	[sflag:s14] =	ssyncset.done $0x0  }
0x9f: {  	[sflag:s14] =	ssyncadd.s32 $0xFFFFF800  }
.LBB2_8:
0xa0: {  	_ =	sfence.sel $0x180000  }
0xa1: {  	[bflag:$0x0] =	sbarrier.arrive $0xFFFF  }
0xa2: {  	_ =	strace $0x9000004A  }
0xa3: {  	[bflag:$0x2] =	sbarrier.arrive $0xFFFF  }
0xa4: {  	p0 =	sne.s32 s1, $0x0;
	s0 =	rddreg [dreg:$0x2]  }
0xa5: {  	s0 =	sadd.s32 @!p0 $0x100000, s0  }
0xa6: {  	[sflag:s0] =	ssyncadd.tile.s32 @!p0 $0x1;
	_ =	shalt  }
.Lfunc_end2:
_tile_overlayer_lowered:
.L_overlay_start_2:
0xa7: {  	(tag) =	ssettag $0x2  }
0xa8: {  	s0 =	rddreg [dreg:$0x0];
	s2 =	stileid.u32  }
0xa9: {  	s1 =	rddreg [dreg:$0x1];
	p0 =	sne.s32 s2, $0x0  }
0xaa: {  	s3 =	rddreg [dreg:$0x2];
	[bflag:$0x3] =	sbarrier.arrive $0xFFFF;
	s2 =	simm.s32 @!p0 $0x1C02  }
0xab: {  	[timem:s3], [sflag:s2] =	dma.local @!p0 [hbm:s0], s1  }
0xac: {  	s0 =	simm.s32 @!p0 $0x2  }
0xad: {  	_ =	swait.ge @!p0 [sflag:s0], s1  }
0xae: {  	s1 =	ssub.s32 @!p0 $0x0, s1;
	[sflag:s0] =	ssyncset.done @!p0 $0x0  }
0xaf: {  	[sflag:s0] =	ssyncadd.s32 @!p0 s1  }
0xb0: {  	[bflag:$0x3] =	sbarrier.arrive $0xFFFF  }
0xb1: {  	_ =	shalt  }

// kernel: kernel.17.cloned.1.call-start
scs
__scs_entry_jumppad:
0x0: {  	(pc) =	sbr.rel $0x88, $3  }
0x1: {  	(tag) =	ssettag $0x0;
	lr =	simm.s32 $0x1  }
0x2: {  	[smem:$0x3F94] =	sst lr;
	_ =	strace $0xD0000000  }
0x3: {  	_ = 	snop  }
0x4: {  	_ = 	snop  }
0x5: {  	_ = 	snop  }
0x6: {  	_ = 	snop  }
0x7: {  	_ = 	snop  }
__scs_overlays_trampoline_lowered:
0x8: {  	[smem:$0x3FA3] =	sst s0  }
0x9: {  	[smem:$0x3FA4] =	sst s1  }
0xa: {  	[smem:$0x3FA5] =	sst s2  }
0xb: {  	[smem:$0x3FA6] =	sst s3  }
0xc: {  	[smem:$0x3FA7] =	sst s4  }
0xd: {  	[smem:$0x3FA8] =	sst s5  }
0xe: {  	[smem:$0x3FA9] =	sst s6  }
0xf: {  	[smem:$0x3FAA] =	sst s7  }
0x10: {  	[smem:$0x3FAB] =	sst s8  }
0x11: {  	[smem:$0x3FAC] =	sst s9;
	s0 =	simm.s32 @!p0 $0x0  }
0x12: {  	s1 =	sld [smem:$0x3F92];
	s0 =	simm.s32 @p0 $0x1  }
0x13: {  	[smem:$0x3FAD] =	sst s0;
	s0 =	simm.s32 @!p1 $0x0  }
0x14: {  	s2 =	sld [smem:$0x3F91];
	s0 =	simm.s32 @p1 $0x1  }
0x15: {  	[smem:$0x3FAE] =	sst s0;
	s0 =	simm.s32 @!p2 $0x0  }
0x16: {  	s3 =	sld [smem:$0x3FDB];
	s0 =	simm.s32 @p2 $0x1  }
0x17: {  	s4 =	simm.s32 $0x1BF5;
	[smem:$0x3FB0] =	sst s0  }
0x18: {  	s0 =	sld [smem:$0x3F93];
	_ =	swait.ge [sflag:s4], $0x0  }
0x19: {  	s7 =	sld [smem:$0x3F94]  }
0x1a: {  	s8 =	sadd.s32 $0xFFFFE003, lr  }
0x1b: {  	s9 =	sadd.s32 $0xFFFFFEF7, lr;
	s5 =	simm.s32 $0xFFFFFFFF;
	p2 =	slt.u32 s8, $0xFFFFF086  }
0x1c: {  	p1 =	slt.u32 s9, $0xF7A;
	s5 =	simm.s32 @!p2 $0x0  }
0x1d: {  	s5 =	simm.s32 @p1 $0x1;
	p0 =	seq.s32 s7, s2  }
0x1e: {  	s7 =	smul.u32 @!p0 $0xF7A, s2;
	p2 =	seq.s32 @!p0 s5, $0x0  }
0x1f: {  	s9 =	smul.u32 $0xF7A, s1;
	s8 =	simm.s32 @!p0 $0x1BF5;
	p2 =	por !p2, p0  }
0x20: {  	[sflag:s8] =	ssyncset.s32 @!p0 $0xFFFFF086;
	s6 =	sadd.s32 @!p0 s3, s7;
	s7 =	simm.s32 @!p0 $0x108  }
0x21: {  	s3 =	sadd.s32 s3, s9;
	s6 =	sadd.s32 @!p0 $0x88, s6;
	s7 =	simm.s32 @p2 $0x1082  }
0x22: {  	[simem:s7], [sflag:s8] =	dma.local @!p0 [hbm:s6], $0xF7A  }
0x23: {  	s9 =	sor.u32 $0xD0000000, s2;
	s6 =	simm.s32 $0x108;
	_ =	swait.ge @!p0 [sflag:s8], $0x0  }
0x24: {  	s3 =	sadd.s32 $0x88, s3;
	s6 =	simm.s32 @!p1 $0x1082;
	[sflag:s4] =	ssyncset.s32 $0xFFFFF086  }
0x25: {  	[simem:s6], [sflag:s4] =	dma.local [hbm:s3], $0xF7A  }
0x26: {  	[smem:$0x3F94] =	sst s1;
	(tag) =	ssettag s2;
	_ =	strace s9  }
0x27: {  	s1 =	sld [smem:$0x3FA4]  }
0x28: {  	s2 =	sld [smem:$0x3FA5]  }
0x29: {  	s4 =	sld [smem:$0x3FA7]  }
0x2a: {  	p0 =	seq.s32 s5, $0x0;
	s5 =	sld [smem:$0x3FA8]  }
0x2b: {  	s6 =	sld [smem:$0x3FA9]  }
0x2c: {  	s7 =	sld [smem:$0x3FAA]  }
0x2d: {  	s3 =	simm.s32 $0x108;
	s8 =	sld [smem:$0x3FAB]  }
0x2e: {  	s3 =	simm.s32 @!p0 $0x1082;
	s9 =	sld [smem:$0x3FAC]  }
0x2f: {  	lr =	sadd.s32 s0, s3;
	s0 =	sld [smem:$0x3FA3]  }
0x30: {  	s3 =	sld [smem:$0x3FA6]  }
0x31: {  	[smem:$0x3FAF] =	sst s10  }
0x32: {  	s10 =	sld [smem:$0x3FAD];
	_ =	sdelay $0x3  }
0x33: {  	p0 =	seq.s32 s10, $0x1;
	s10 =	sld [smem:$0x3FAF];
	_ =	sdelay $0x3  }
0x34: {  	[smem:$0x3FAF] =	sst s10  }
0x35: {  	s10 =	sld [smem:$0x3FAE];
	_ =	sdelay $0x3  }
0x36: {  	p1 =	seq.s32 s10, $0x1;
	s10 =	sld [smem:$0x3FAF];
	_ =	sdelay $0x3  }
0x37: {  	[smem:$0x3FAF] =	sst s10  }
0x38: {  	s10 =	sld [smem:$0x3FB0]  }
0x39: {  	_ = 	snop;
	(pc) =	sbr.ind lr, $3  }
0x3a: {  	_ = 	snop  }
0x3b: {  	_ = 	snop  }
0x3c: {  	p2 =	seq.s32 s10, $0x1;
	s10 =	sld [smem:$0x3FAF]  }
0x3d: {  	_ =	shalt  }
0x3e: {  	_ =	shalt  }
0x3f: {  	_ =	shalt  }
0x40: {  	_ =	shalt  }
0x41: {  	_ =	shalt  }
0x42: {  	_ =	shalt  }
0x43: {  	_ =	shalt  }
0x44: {  	_ =	shalt  }
0x45: {  	_ =	shalt  }
0x46: {  	_ =	shalt  }
0x47: {  	_ =	shalt  }
0x48: {  	_ =	shalt  }
0x49: {  	_ =	shalt  }
0x4a: {  	_ =	shalt  }
0x4b: {  	_ =	shalt  }
0x4c: {  	_ =	shalt  }
0x4d: {  	_ =	shalt  }
0x4e: {  	_ =	shalt  }
0x4f: {  	_ =	shalt  }
0x50: {  	_ =	shalt  }
0x51: {  	_ =	shalt  }
0x52: {  	_ =	shalt  }
0x53: {  	_ =	shalt  }
0x54: {  	_ =	shalt  }
0x55: {  	_ =	shalt  }
0x56: {  	_ =	shalt  }
0x57: {  	_ =	shalt  }
0x58: {  	_ =	shalt  }
0x59: {  	_ =	shalt  }
0x5a: {  	_ =	shalt  }
0x5b: {  	_ =	shalt  }
0x5c: {  	_ =	shalt  }
0x5d: {  	_ =	shalt  }
0x5e: {  	_ =	shalt  }
0x5f: {  	_ =	shalt  }
0x60: {  	_ =	shalt  }
0x61: {  	_ =	shalt  }
0x62: {  	_ =	shalt  }
0x63: {  	_ =	shalt  }
0x64: {  	_ =	shalt  }
0x65: {  	_ =	shalt  }
0x66: {  	_ =	shalt  }
0x67: {  	_ =	shalt  }
0x68: {  	_ =	shalt  }
0x69: {  	_ =	shalt  }
0x6a: {  	_ =	shalt  }
0x6b: {  	_ =	shalt  }
0x6c: {  	_ =	shalt  }
0x6d: {  	_ =	shalt  }
0x6e: {  	_ =	shalt  }
0x6f: {  	_ =	shalt  }
0x70: {  	_ =	shalt  }
0x71: {  	_ =	shalt  }
0x72: {  	_ =	shalt  }
0x73: {  	_ =	shalt  }
0x74: {  	_ =	shalt  }
0x75: {  	_ =	shalt  }
0x76: {  	_ =	shalt  }
0x77: {  	_ =	shalt  }
0x78: {  	_ =	shalt  }
0x79: {  	_ =	shalt  }
0x7a: {  	_ =	shalt  }
0x7b: {  	_ =	shalt  }
0x7c: {  	_ =	shalt  }
0x7d: {  	_ =	shalt  }
0x7e: {  	_ =	shalt  }
0x7f: {  	_ =	shalt  }
0x80: {  	_ =	shalt  }
0x81: {  	_ =	shalt  }
0x82: {  	_ =	shalt  }
0x83: {  	_ =	shalt  }
0x84: {  	_ =	shalt  }
0x85: {  	_ =	shalt  }
0x86: {  	_ =	shalt  }
0x87: {  	_ =	shalt  }
.Lfunc_end0:
.L_simem_size_0:
called_computation.2_lowered:
.L_overlay_start_0:
0x88: {  	s2 =	sld [smem:$0x3FD9]  }
0x89: {  	s3 =	sld [smem:$0x3FFE];
	_ =	sdelay $0x1  }
0x8a: {  	s1 =	srdreg.scid  }
0x8b: {  	s0 =	sand.u32 $0x1, s1  }
0x8c: {  	s17 =	sshll.u32 s0, $0xA;
	s2 =	sadd.s32 s3, s2  }
0x8d: {  	s2 =	sadd.s32 s2, s17  }
0x8e: {  	[smem:$0x3FBB] =	sst s2  }
0x8f: {  	_ = 	snop  }
0x90: {  	s18 =	sld [smem:$0x3FD0];
	(tm) =	ssettm $0x1  }
0x91: {  	s19 =	sld [smem:$0x3FFB];
	_ =	sdelay $0x3  }
0x92: {  	_ =	strace s19  }
0x93: {  	s2 =	sld [smem:$0x3FFC];
	_ =	sdelay $0x3  }
0x94: {  	_ =	strace s2  }
0x95: {  	s2 =	sld [smem:$0x3FFD];
	_ =	sdelay $0x3  }
0x96: {  	_ =	strace s2  }
0x97: {  	_ =	strace $0x8FFFFFFF  }
0x98: {  	s20 =	sld [smem:$0x3FDB];
	_ =	sdelay $0x1  }
0x99: {  	s4 =	simm.s32 $_scs_section_size  }
0x9a: {  	s5 =	simm.s32 $_size__tile_overlayer_lowered;
	s6 =	simm.s32 $_tile_overlayer_lowered  }
0x9b: {  	s7 =	simm.s32 $0x1BFF;
	s21 =	sshll.u32 s6, $0x1;
	s4 =	sadd.s32 s4, s20  }
0x9c: {  	s22 =	simm.s32 $0x0;
	s5 =	sshll.u32 s5, $0x1;
	s6 =	sadd.s32 s21, s4  }
0x9d: {  	[timem:s22], [sflag:s7] =	dma.local [hbm:s6], s5  }
0x9e: {  	_ =	swait.ge [sflag:s7], s5  }
0x9f: {  	s5 =	ssub.s32 $0x0, s5;
	[sflag:s7] =	ssyncset.done $0x0  }
0xa0: {  	[sflag:s7] =	ssyncadd.s32 s5;
	_ =	sdelay $0x1  }
0xa1: {  	s23 =	simm.s32 $0x1B8B  }
0xa2: {  	_ =	swait.ge [sflag:s23], $0x1  }
0xa3: {  	[sflag:s23] =	ssyncset.done $0x0  }
0xa4: {  	[sflag:s23] =	ssyncadd.s32 $0xFFFFFFFF  }
0xa5: {  	s5 =	sld [smem:$0x0]  }
0xa6: {  	s6 =	sand.u32 $0xFFFFFFFE, s1  }
0xa7: {  	p0 =	sne.s32 s1, s6  }
0xa8: {  	s6 =	sshll.u32 @p0 s6, $0xE  }
0xa9: {  	s6 =	sadd.s32 @p0 $0x11B8D, s6;
	s7 =	sshll.u32 @p0 s5, $0x11  }
0xaa: {  	s6 =	sor.u32 @p0 s7, s6  }
0xab: {  	[sflag:s6] =	ssyncadd.remote.s32 @p0 $0x1;
	_ =	sdelay $0x1  }
0xac: {  	s6 =	simm.s32 @p0 $0x1B8D  }
0xad: {  	_ =	swait.eq @p0 [sflag:s6], $0x1  }
0xae: {  	[sflag:s6] =	ssyncadd.s32 @p0 $0xFFFFFFFF  }
0xaf: {  	s7 =	sshll.u32 @!p0 s1, $0xE  }
0xb0: {  	s7 =	sor.u32 @!p0 $0x4000, s7;
	s6 =	simm.s32 @!p0 $0x1B8D  }
0xb1: {  	s5 =	sshll.u32 @!p0 s5, $0x11;
	s7 =	sadd.s32 @!p0 $0x11B8D, s7;
	_ =	swait.eq @!p0 [sflag:s6], $0x1  }
0xb2: {  	s5 =	sor.u32 @!p0 s5, s7;
	[sflag:s6] =	ssyncadd.s32 @!p0 $0xFFFFFFFF  }
0xb3: {  	s25 =	simm.s32 $0x1B8E;
	s24 =	sld [smem:$0x3FFE];
	[sflag:s5] =	ssyncadd.remote.s32 @!p0 $0x1  }
0xb4: {  	s26 =	simm.s32 $execute0_lowered;
	[smem:$0x3FD2] =	sst s25  }
0xb5: {  	s6 =	sshll.u32 s26, $0x1;
	_ =	strace $0x8000004C;
	[dreg:$0x1] =	wrdreg $0xFFFFFFFF  }
0xb6: {  	s28 =	simm.s32 $_size_execute0_lowered;
	s4 =	sadd.s32 s4, s6;
	[dreg:$0x0] =	wrdreg $0x0  }
0xb7: {  	s6 =	sshll.u32 s28, $0x1;
	[dreg:$0x2] =	wrdreg s4  }
0xb8: {  	[dreg:$0x3] =	wrdreg s6  }
0xb9: {  	[dreg:$0x4] =	wrdreg $0xC0  }
0xba: {  	_ =	task [dreg:s22], $0x5FFFF  }
0xbb: {  	[dreg:$0x1] =	wrdreg $0xFFFFFFFF  }
0xbc: {  	[dreg:$0x0] =	wrdreg $0x60  }
0xbd: {  	[dreg:$0x2] =	wrdreg s18  }
0xbe: {  	[dreg:$0x3] =	wrdreg s24  }
0xbf: {  	[dreg:$0x4] =	wrdreg $0x0  }
0xc0: {  	[dreg:$0x5] =	wrdreg $0xA  }
0xc1: {  	_ =	task.clear_ibuf [dreg:s22], $0x6FFFF;
	_ =	strace $0x9000004C  }
0xc2: {  	s29 =	simm.s32 $0xA;
	_ =	strace $0x8000004E  }
0xc3: {  	_ =	swait.ge [sflag:s29], $0x1  }
0xc4: {  	[sflag:s29] =	ssyncadd.s32 $0xFFFFFFFF  }
0xc5: {  	_ =	strace $0x9000004E  }
0xc6: {  	_ =	sfence  }
0xc7: {  	s30 =	sld [smem:$0x0];
	_ =	sdelay $0x2  }
0xc8: {  	s31 =	sshll.u32 s1, $0xD;
	s1 =	sshrl.u32 s1, $0x2  }
0xc9: {  	s4 =	sand.u32 $0x4000, s31;
	s1 =	sadd.s32 s1, s30  }
0xca: {  	s0 =	sor.u32 s4, s0;
	s1 =	sshll.u32 s1, $0x11  }
0xcb: {  	s0 =	sor.u32 s1, s0  }
0xcc: {  	s0 =	sadd.s32 $0x8F2B, s0  }
0xcd: {  	[sflag:s0] =	ssyncadd.remote.s32 $0x1  }
0xce: {  	_ =	sfence.sel $0xFFFF  }
0xcf: {  	[dreg:$0x0] =	wrdreg $0xFFFFFFFF;
	(pc) =	sbr.abs _section_cstart, $3  }
0xd0: {  	[dreg:$0x1] =	wrdreg $0xFFFFFFFF  }
0xd1: {  	_ =	task.clear_ibuf [dreg:s22], $0x2FFFF;
	_ =	strace $0x9FFFFFFF  }
0xd2: {  	(tm) =	ssettm $0x7FFFFFFF  }
0xd3: {  	_ =	shalt  }
tec
execute0_lowered:
.L_overlay_start_1:
0x0: {  	(tag) =	ssettag $0x1  }
0x1: {  	s1 =	rddreg [dreg:$0x0]  }
0x2: {  	s6 =	rddreg [dreg:$0x1]  }
0x3: {  	s2 =	rddreg [dreg:$0x2]  }
0x4: {  	s3 =	srdreg.scid;
	s4 =	simm.s32 $0x0;
	s0 =	stileid.u32  }
0x5: {  	s22 =	simm.s32 $0x0;
	s7 =	sand.u32 $0x1, s3;
	s8 =	smul.u32 $0x50000, s0  }
0x6: {  	[smem:$0x7FF] =	sst s4;
	s15 =	sadd.s32 $0x36600, s6;
	s10 =	smul.u32 $0x14000, s0  }
0x7: {  	s30 =	sshll.u32 s0, $0x5;
	s5 =	sshll.u32 s7, $0x9;
	_ =	strace $0x8000004D  }
0x8: {  	s23 =	ssub.s32 $0x2, s7;
	s19 =	sshll.u32 s7, $0x4;
	s14 =	smul.u32 $0x140000, s7  }
0x9: {  	s17 =	sadd.s32 s5, s6;
	s5 =	sadd.s32 $0x35E00, s6;
	s9 =	sshrl.u32 s23, $0x1  }
0xa: {  	s8 =	sshrl.u32 s8, $0x2;
	s11 =	sadd.s32 $0x4000, s10;
	s12 =	sadd.s32 $0x8000, s10  }
0xb: {  	s13 =	sadd.s32 $0xC000, s10;
	s18 =	sadd.s32 $0x10000, s10;
	s19 =	sor.u32 s19, s0  }
0xc: {  	s16 =	ssub.s32 s23, s9;
	s6 =	sadd.s32 s8, s2;
	s7 =	sadd.s32 s11, s2  }
0xd: {  	s8 =	sadd.s32 s12, s2;
	s9 =	sadd.s32 s13, s2;
	s20 =	sadd.s32 s10, s14  }
0xe: {  	s10 =	sadd.s32 s18, s2;
	s21 =	sadd.s32 s14, s11;
	s25 =	sadd.s32 s14, s12  }
0xf: {  	s28 =	sadd.s32 s14, s13;
	s18 =	sadd.s32 s14, s18;
	s31 =	sadd.s32 s30, s17  }
0x10: {  	s20 =	sshrl.u32 s20, $0x3;
	s24 =	sshrl.u32 s21, $0x3;
	s26 =	sshrl.u32 s25, $0x3  }
0x11: {  	s29 =	sshrl.u32 s28, $0x3;
	s18 =	sshrl.u32 s18, $0x3;
	s16 =	smax.u32 s16, $0x1  }
0x12: {  	s17 =	sadd.s32 $0x3800, s31;
	s21 =	simm.s32 $0x2;
	s11 =	sadd.s32 s15, s20  }
0x13: {  	s12 =	sadd.s32 s15, s24;
	s13 =	sadd.s32 s15, s26;
	s14 =	sadd.s32 s15, s29  }
0x14: {  	s15 =	sadd.s32 s15, s18;
	s18 =	sadd.s32 $0xD600, s31;
	s20 =	simm.s32 $0x14200  }
.LBB2_1:
0x15: {  	[tilespmem:s20], [sflag:$0x2] =	stream.linear.gather [hbm4b:s5+s4], $0x4000, $0x38;
	[tilespmem:$0x1C200] =	vst v63  }
0x16: {  	_ =	swait.ge [sflag:s21], $0x4000  }
0x17: {  	[sflag:s21] =	ssyncset.done $0x0  }
0x18: {  	[sflag:s21] =	ssyncadd.s32 $0xFFFFC000  }
0x19: {  	[spmem:s6] =	stream.linear.scatter [tilespmem:s20], [sflag:$0x2], $0x4000, $0x38;
	[tilespmem:$0x1C200] =	vst v63  }
0x1a: {  	_ =	swait.ge [sflag:s21], $0x4000  }
0x1b: {  	[sflag:s21] =	ssyncset.done $0x0  }
0x1c: {  	[sflag:s21] =	ssyncadd.s32 $0xFFFFC000  }
0x1d: {  	[spmem:s7] =	stream.linear.scatter [tilespmem:s20], [sflag:$0x2], $0x4000, $0x38;
	[tilespmem:$0x1C200] =	vst v63  }
0x1e: {  	_ =	swait.ge [sflag:s21], $0x4000  }
0x1f: {  	[sflag:s21] =	ssyncset.done $0x0  }
0x20: {  	[sflag:s21] =	ssyncadd.s32 $0xFFFFC000  }
0x21: {  	[spmem:s8] =	stream.linear.scatter [tilespmem:s20], [sflag:$0x2], $0x4000, $0x38;
	[tilespmem:$0x1C200] =	vst v63  }
0x22: {  	_ =	swait.ge [sflag:s21], $0x4000  }
0x23: {  	[sflag:s21] =	ssyncset.done $0x0  }
0x24: {  	[sflag:s21] =	ssyncadd.s32 $0xFFFFC000  }
0x25: {  	[spmem:s9] =	stream.linear.scatter [tilespmem:s20], [sflag:$0x2], $0x4000, $0x38;
	[tilespmem:$0x1C200] =	vst v63  }
0x26: {  	_ =	swait.ge [sflag:s21], $0x4000  }
0x27: {  	[sflag:s21] =	ssyncset.done $0x0  }
0x28: {  	[sflag:s21] =	ssyncadd.s32 $0xFFFFC000  }
0x29: {  	[spmem:s10] =	stream.linear.scatter [tilespmem:s20], [sflag:$0x2], $0x4000, $0x38;
	[tilespmem:$0x1C200] =	vst v63  }
0x2a: {  	_ =	swait.ge [sflag:s21], $0x4000  }
0x2b: {  	p0 =	sgt.u32 s19, $0x4E1;
	[sflag:s21] =	ssyncset.done $0x0  }
0x2c: {  	s23 =	sadd.s32 @!p0 $0x0, s18;
	s24 =	simm.s32 @!p0 $0x0;
	[sflag:s21] =	ssyncadd.s32 $0xFFFFC000  }
0x2d: {  	s25 =	simm.s32 @!p0 $0x14000;
	s26 =	simm.s32 @!p0 $0x3;
	[bflag:$0x0] =	sbarrier.arrive $0xFFFF  }
0x2e: {  	[tilespmem:s25], [sflag:$0x3] =	stream.linear.gather @!p0 [hbm4b:s23+s24], $0x100, $0x38;
	[tilespmem:$0x1C200] =	vst v63  }
0x2f: {  	_ =	swait.ge @!p0 [sflag:s26], $0x100  }
0x30: {  	[sflag:s26] =	ssyncset.done @!p0 $0x0  }
0x31: {  	s28 =	simm.s32 @!p0 $0x14100;
	s23 =	sadd.s32 @!p0 $0x0, s17;
	[sflag:s26] =	ssyncadd.s32 @!p0 $0xFFFFFF00  }
0x32: {  	[tilespmem:s28], [sflag:$0x3] =	stream.linear.gather @!p0 [hbm4b:s23+s24], $0x100, $0x38;
	[tilespmem:$0x1C200] =	vst v63  }
0x33: {  	_ =	swait.ge @!p0 [sflag:s26], $0x100;
	p0 =	por p0, p0  }
0x34: {  	[sflag:s26] =	ssyncset.done @!p0 $0x0  }
0x35: {  	s23 =	simm.s32 @!p0 $0x80;
	s24 =	simm.s32 @!p0 $0x14200;
	[sflag:s26] =	ssyncadd.s32 @!p0 $0xFFFFFF00  }
0x36: {  	[tilespmem:s24], [sflag:$0x1] =	stream.indirect.gather @!p0 [hbm4b:s1+s23], $0x80, s25, s23, $0xb8;
	[tilespmem:$0x1C200] =	vst v63  }
0x37: {  	s29 =	simm.s32 @!p0 $0x18200;
	s30 =	simm.s32 @!p0 $0x1;
	s25 =	simm.s32 @!p0 $0x14080  }
0x38: {  	[tilespmem:s29], [sflag:$0x1] =	stream.indirect.gather @!p0 [hbm4b:s1+s23], $0x80, s25, s23, $0xb8;
	[tilespmem:$0x1C200] =	vst v63  }
0x39: {  	_ =	swait.ge @!p0 [sflag:s30], $0x4000  }
0x3a: {  	[sflag:s30] =	ssyncset.done @!p0 $0x0  }
0x3b: {  	[sflag:s30] =	ssyncadd.s32 @!p0 $0xFFFFC000  }
0x3c: {  	[spmem:s2] =	stream.indirect.scatter.add.f32 @!p0 [tilespmem:s24], [sflag:$0x3], $0x80, s28, s23, $0xb8;
	[tilespmem:$0x1C200] =	vst v63  }
0x3d: {  	_ =	swait.ge @!p0 [sflag:s26], $0x4000  }
0x3e: {  	[sflag:s26] =	ssyncset.done @!p0 $0x0  }
0x3f: {  	[sflag:s26] =	ssyncadd.s32 @!p0 $0xFFFFC000  }
0x40: {  	_ =	swait.ge @!p0 [sflag:s30], $0x4000  }
0x41: {  	[sflag:s30] =	ssyncset.done @!p0 $0x0  }
0x42: {  	s24 =	simm.s32 @!p0 $0x14180;
	[sflag:s30] =	ssyncadd.s32 @!p0 $0xFFFFC000  }
0x43: {  	[spmem:s2] =	stream.indirect.scatter.add.f32 @!p0 [tilespmem:s29], [sflag:$0x2], $0x80, s24, s23, $0xb8;
	[tilespmem:$0x1C200] =	vst v63  }
0x44: {  	s25 =	simm.s32 $0x800;
	s26 =	simm.s32 @!p0 $0x2;
	s24 =	sadd.s32 $0x20, s19  }
0x45: {  	s23 =	simm.s32 $0x400;
	p2 =	sgt.u32 s24, $0x4E1;
	_ =	swait.ge @!p0 [sflag:s26], $0x4000  }
.LBB2_2:
0x46: {  	s28 =	sadd.s32 @!p2 s23, s18;
	s29 =	simm.s32 @!p2 $0x0;
	[sflag:s26] =	ssyncset.done @!p0 $0x0  }
0x47: {  	s30 =	simm.s32 @!p2 $0x14000;
	s31 =	simm.s32 @!p2 $0x3;
	[sflag:s26] =	ssyncadd.s32 @!p0 $0xFFFFC000  }
0x48: {  	[tilespmem:s30], [sflag:$0x3] =	stream.linear.gather @!p2 [hbm4b:s28+s29], $0x100, $0x38;
	[tilespmem:$0x1C200] =	vst v63  }
0x49: {  	s26 =	smov.u32 s25;
	s25 =	sadd.s32 $0x400, s25;
	_ =	swait.ge @!p2 [sflag:s31], $0x100  }
0x4a: {  	s0 =	simm.s32 @!p2 $0x14100;
	s28 =	sadd.s32 @!p2 s23, s17;
	[sflag:s31] =	ssyncset.done @!p2 $0x0  }
0x4b: {  	p1 =	sne.s32 s25, $0xA000;
	s23 =	smov.u32 s26;
	[sflag:s31] =	ssyncadd.s32 @!p2 $0xFFFFFF00  }
0x4c: {  	[tilespmem:s0], [sflag:$0x3] =	stream.linear.gather @!p2 [hbm4b:s28+s29], $0x100, $0x38;
	[tilespmem:$0x1C200] =	vst v63  }
0x4d: {  	p0 =	por p2, p2;
	_ =	swait.ge @!p2 [sflag:s31], $0x100  }
0x4e: {  	s26 =	simm.s32 @!p0 $0x14200;
	s28 =	simm.s32 @!p0 $0x80;
	[sflag:s31] =	ssyncset.done @!p0 $0x0  }
0x4f: {  	s3 =	simm.s32 @!p0 $0x18200;
	s29 =	simm.s32 @!p0 $0x14080;
	[sflag:s31] =	ssyncadd.s32 @!p0 $0xFFFFFF00  }
0x50: {  	[tilespmem:s26], [sflag:$0x1] =	stream.indirect.gather @!p0 [hbm4b:s1+s28], $0x80, s30, s28, $0xb8;
	[tilespmem:$0x1C200] =	vst v63  }
0x51: {  	s30 =	simm.s32 @!p0 $0x1  }
0x52: {  	[tilespmem:s3], [sflag:$0x1] =	stream.indirect.gather @!p0 [hbm4b:s1+s28], $0x80, s29, s28, $0xb8;
	[tilespmem:$0x1C200] =	vst v63  }
0x53: {  	_ =	swait.ge @!p0 [sflag:s30], $0x4000  }
0x54: {  	[sflag:s30] =	ssyncset.done @!p0 $0x0  }
0x55: {  	[sflag:s30] =	ssyncadd.s32 @!p0 $0xFFFFC000  }
0x56: {  	[spmem:s2] =	stream.indirect.scatter.add.f32 @!p0 [tilespmem:s26], [sflag:$0x3], $0x80, s0, s28, $0xb8;
	[tilespmem:$0x1C200] =	vst v63  }
0x57: {  	_ =	swait.ge @!p0 [sflag:s31], $0x4000  }
0x58: {  	[sflag:s31] =	ssyncset.done @!p0 $0x0  }
0x59: {  	[sflag:s31] =	ssyncadd.s32 @!p0 $0xFFFFC000  }
.Ltmp0:
0x5a: {  	_ =	swait.ge @!p0 [sflag:s30], $0x4000;
	(pc) =	sbr.rel @p1 .LBB2_2-.Ltmp0, $4  }
0x5b: {  	s0 =	simm.s32 @!p0 $0x14180;
	[sflag:s30] =	ssyncset.done @!p0 $0x0  }
0x5c: {  	s24 =	sadd.s32 $0x20, s24;
	s26 =	simm.s32 @!p0 $0x2;
	[sflag:s30] =	ssyncadd.s32 @!p0 $0xFFFFC000  }
0x5d: {  	[spmem:s2] =	stream.indirect.scatter.add.f32 @!p0 [tilespmem:s3], [sflag:$0x2], $0x80, s0, s28, $0xb8;
	[tilespmem:$0x1C200] =	vst v63  }
0x5e: {  	p2 =	sgt.u32 s24, $0x4E1;
	_ =	swait.ge @!p0 [sflag:s26], $0x4000  }
0x5f: {  	s0 =	sadd.s32 @!p2 s23, s18;
	s3 =	simm.s32 @!p2 $0x0;
	[sflag:s26] =	ssyncset.done @!p0 $0x0  }
0x60: {  	s24 =	simm.s32 @!p2 $0x14000;
	s25 =	simm.s32 @!p2 $0x3;
	[sflag:s26] =	ssyncadd.s32 @!p0 $0xFFFFC000  }
0x61: {  	[tilespmem:s24], [sflag:$0x3] =	stream.linear.gather @!p2 [hbm4b:s0+s3], $0x100, $0x38;
	[tilespmem:$0x1C200] =	vst v63  }
0x62: {  	_ =	swait.ge @!p2 [sflag:s25], $0x100  }
0x63: {  	[sflag:s25] =	ssyncset.done @!p2 $0x0  }
0x64: {  	s0 =	sadd.s32 @!p2 s23, s17;
	s23 =	simm.s32 @!p2 $0x14100;
	[sflag:s25] =	ssyncadd.s32 @!p2 $0xFFFFFF00  }
0x65: {  	[tilespmem:s23], [sflag:$0x3] =	stream.linear.gather @!p2 [hbm4b:s0+s3], $0x100, $0x38;
	[tilespmem:$0x1C200] =	vst v63  }
0x66: {  	p0 =	por p2, p2;
	_ =	swait.ge @!p2 [sflag:s25], $0x100  }
0x67: {  	[sflag:s25] =	ssyncset.done @!p0 $0x0  }
0x68: {  	s0 =	simm.s32 @!p0 $0x80;
	s3 =	simm.s32 @!p0 $0x14200;
	[sflag:s25] =	ssyncadd.s32 @!p0 $0xFFFFFF00  }
0x69: {  	[tilespmem:s3], [sflag:$0x1] =	stream.indirect.gather @!p0 [hbm4b:s1+s0], $0x80, s24, s0, $0xb8;
	[tilespmem:$0x1C200] =	vst v63  }
0x6a: {  	s26 =	simm.s32 @!p0 $0x18200;
	s28 =	simm.s32 @!p0 $0x1;
	s24 =	simm.s32 @!p0 $0x14080  }
0x6b: {  	[tilespmem:s26], [sflag:$0x1] =	stream.indirect.gather @!p0 [hbm4b:s1+s0], $0x80, s24, s0, $0xb8;
	[tilespmem:$0x1C200] =	vst v63  }
0x6c: {  	_ =	swait.ge @!p0 [sflag:s28], $0x4000  }
0x6d: {  	[sflag:s28] =	ssyncset.done @!p0 $0x0  }
0x6e: {  	[sflag:s28] =	ssyncadd.s32 @!p0 $0xFFFFC000  }
0x6f: {  	[spmem:s2] =	stream.indirect.scatter.add.f32 @!p0 [tilespmem:s3], [sflag:$0x3], $0x80, s23, s0, $0xb8;
	[tilespmem:$0x1C200] =	vst v63  }
0x70: {  	_ =	swait.ge @!p0 [sflag:s25], $0x4000  }
0x71: {  	[sflag:s25] =	ssyncset.done @!p0 $0x0  }
0x72: {  	[sflag:s25] =	ssyncadd.s32 @!p0 $0xFFFFC000  }
0x73: {  	_ =	swait.ge @!p0 [sflag:s28], $0x4000  }
0x74: {  	[sflag:s28] =	ssyncset.done @!p0 $0x0  }
0x75: {  	s3 =	simm.s32 @!p0 $0x14180;
	s23 =	simm.s32 @!p0 $0x2;
	[sflag:s28] =	ssyncadd.s32 @!p0 $0xFFFFC000  }
0x76: {  	[spmem:s2] =	stream.indirect.scatter.add.f32 @!p0 [tilespmem:s26], [sflag:$0x2], $0x80, s3, s0, $0xb8;
	[tilespmem:$0x1C200] =	vst v63  }
0x77: {  	_ =	swait.ge @!p0 [sflag:s23], $0x4000  }
0x78: {  	[sflag:s23] =	ssyncset.done @!p0 $0x0  }
0x79: {  	[sflag:s23] =	ssyncadd.s32 @!p0 $0xFFFFC000  }
0x7a: {  	[bflag:$0x0] =	sbarrier.arrive $0xFFFF  }
0x7b: {  	[tilespmem:s20], [sflag:$0x2] =	stream.linear.gather [spmem:s6], $0x4000, $0x38;
	[tilespmem:$0x1C200] =	vst v63  }
0x7c: {  	_ =	swait.ge [sflag:s21], $0x4000  }
0x7d: {  	[sflag:s21] =	ssyncset.done $0x0  }
0x7e: {  	[sflag:s21] =	ssyncadd.s32 $0xFFFFC000  }
0x7f: {  	[hbm4b:s11+s4] =	stream.linear.scatter [tilespmem:s20], [sflag:$0x2], $0x4000, $0x38;
	[tilespmem:$0x1C200] =	vst v63  }
0x80: {  	_ =	swait.ge [sflag:s21], $0x4000  }
0x81: {  	[sflag:s21] =	ssyncset.done $0x0  }
0x82: {  	[sflag:s21] =	ssyncadd.s32 $0xFFFFC000  }
0x83: {  	[tilespmem:s20], [sflag:$0x2] =	stream.linear.gather [spmem:s7], $0x4000, $0x38;
	[tilespmem:$0x1C200] =	vst v63  }
0x84: {  	_ =	swait.ge [sflag:s21], $0x4000  }
0x85: {  	[sflag:s21] =	ssyncset.done $0x0  }
0x86: {  	[sflag:s21] =	ssyncadd.s32 $0xFFFFC000  }
0x87: {  	[hbm4b:s12+s4] =	stream.linear.scatter [tilespmem:s20], [sflag:$0x2], $0x4000, $0x38;
	[tilespmem:$0x1C200] =	vst v63  }
0x88: {  	_ =	swait.ge [sflag:s21], $0x4000  }
0x89: {  	[sflag:s21] =	ssyncset.done $0x0  }
0x8a: {  	[sflag:s21] =	ssyncadd.s32 $0xFFFFC000  }
0x8b: {  	[tilespmem:s20], [sflag:$0x2] =	stream.linear.gather [spmem:s8], $0x4000, $0x38;
	[tilespmem:$0x1C200] =	vst v63  }
0x8c: {  	_ =	swait.ge [sflag:s21], $0x4000  }
0x8d: {  	[sflag:s21] =	ssyncset.done $0x0  }
0x8e: {  	[sflag:s21] =	ssyncadd.s32 $0xFFFFC000  }
0x8f: {  	[hbm4b:s13+s4] =	stream.linear.scatter [tilespmem:s20], [sflag:$0x2], $0x4000, $0x38;
	[tilespmem:$0x1C200] =	vst v63  }
0x90: {  	_ =	swait.ge [sflag:s21], $0x4000  }
0x91: {  	[sflag:s21] =	ssyncset.done $0x0  }
0x92: {  	[sflag:s21] =	ssyncadd.s32 $0xFFFFC000  }
0x93: {  	[tilespmem:s20], [sflag:$0x2] =	stream.linear.gather [spmem:s9], $0x4000, $0x38;
	[tilespmem:$0x1C200] =	vst v63  }
0x94: {  	_ =	swait.ge [sflag:s21], $0x4000  }
0x95: {  	[sflag:s21] =	ssyncset.done $0x0  }
0x96: {  	[sflag:s21] =	ssyncadd.s32 $0xFFFFC000  }
0x97: {  	[hbm4b:s14+s4] =	stream.linear.scatter [tilespmem:s20], [sflag:$0x2], $0x4000, $0x38;
	[tilespmem:$0x1C200] =	vst v63  }
0x98: {  	_ =	swait.ge [sflag:s21], $0x4000  }
0x99: {  	[sflag:s21] =	ssyncset.done $0x0  }
0x9a: {  	[sflag:s21] =	ssyncadd.s32 $0xFFFFC000  }
0x9b: {  	[tilespmem:s20], [sflag:$0x2] =	stream.linear.gather [spmem:s10], $0x4000, $0x38;
	[tilespmem:$0x1C200] =	vst v63  }
0x9c: {  	s22 =	sadd.s32 $0x1, s22;
	_ =	swait.ge [sflag:s21], $0x4000  }
0x9d: {  	p0 =	sne.s32 s22, s16;
	[sflag:s21] =	ssyncset.done $0x0  }
.Ltmp1:
0x9e: {  	[sflag:s21] =	ssyncadd.s32 $0xFFFFC000;
	(pc) =	sbr.rel @p0 .LBB2_1-.Ltmp1, $4  }
0x9f: {  	[hbm4b:s15+s4] =	stream.linear.scatter [tilespmem:s20], [sflag:$0x2], $0x4000, $0x38;
	[tilespmem:$0x1C200] =	vst v63  }
0xa0: {  	_ =	swait.ge [sflag:s21], $0x4000  }
0xa1: {  	[sflag:s21] =	ssyncset.done $0x0  }
0xa2: {  	[sflag:s21] =	ssyncadd.s32 $0xFFFFC000  }
0xa3: {  	_ =	sfence.sel $0x180000  }
0xa4: {  	[bflag:$0x0] =	sbarrier.arrive $0xFFFF  }
0xa5: {  	_ =	strace $0x9000004D  }
0xa6: {  	s0 =	stileid.u32;
	[bflag:$0x2] =	sbarrier.arrive $0xFFFF  }
0xa7: {  	p0 =	sne.s32 s0, $0x0;
	s0 =	rddreg [dreg:$0x3]  }
0xa8: {  	s0 =	sadd.s32 @!p0 $0x100000, s0  }
0xa9: {  	[sflag:s0] =	ssyncadd.tile.s32 @!p0 $0x1;
	_ =	shalt  }
.Lfunc_end2:
_tile_overlayer_lowered:
.L_overlay_start_2:
0xaa: {  	(tag) =	ssettag $0x2  }
0xab: {  	s0 =	rddreg [dreg:$0x0];
	s2 =	stileid.u32  }
0xac: {  	s1 =	rddreg [dreg:$0x1];
	p0 =	sne.s32 s2, $0x0  }
0xad: {  	s3 =	rddreg [dreg:$0x2];
	[bflag:$0x3] =	sbarrier.arrive $0xFFFF;
	s2 =	simm.s32 @!p0 $0x1C02  }
0xae: {  	[timem:s3], [sflag:s2] =	dma.local @!p0 [hbm:s0], s1  }
0xaf: {  	s0 =	simm.s32 @!p0 $0x2  }
0xb0: {  	_ =	swait.ge @!p0 [sflag:s0], s1  }
0xb1: {  	s1 =	ssub.s32 @!p0 $0x0, s1;
	[sflag:s0] =	ssyncset.done @!p0 $0x0  }
0xb2: {  	[sflag:s0] =	ssyncadd.s32 @!p0 s1  }
0xb3: {  	[bflag:$0x3] =	sbarrier.arrive $0xFFFF  }
0xb4: {  	_ =	shalt  }

// kernel: kernel.20.cloned.1.call-start
scs
__scs_entry_jumppad:
0x0: {  	(pc) =	sbr.rel $0x88, $3  }
0x1: {  	(tag) =	ssettag $0x0;
	lr =	simm.s32 $0x1  }
0x2: {  	[smem:$0x3F94] =	sst lr;
	_ =	strace $0xD0000000  }
0x3: {  	_ = 	snop  }
0x4: {  	_ = 	snop  }
0x5: {  	_ = 	snop  }
0x6: {  	_ = 	snop  }
0x7: {  	_ = 	snop  }
__scs_overlays_trampoline_lowered:
0x8: {  	[smem:$0x3FA3] =	sst s0  }
0x9: {  	[smem:$0x3FA4] =	sst s1  }
0xa: {  	[smem:$0x3FA5] =	sst s2  }
0xb: {  	[smem:$0x3FA6] =	sst s3  }
0xc: {  	[smem:$0x3FA7] =	sst s4  }
0xd: {  	[smem:$0x3FA8] =	sst s5  }
0xe: {  	[smem:$0x3FA9] =	sst s6  }
0xf: {  	[smem:$0x3FAA] =	sst s7  }
0x10: {  	[smem:$0x3FAB] =	sst s8  }
0x11: {  	[smem:$0x3FAC] =	sst s9;
	s0 =	simm.s32 @!p0 $0x0  }
0x12: {  	s1 =	sld [smem:$0x3F92];
	s0 =	simm.s32 @p0 $0x1  }
0x13: {  	[smem:$0x3FAD] =	sst s0;
	s0 =	simm.s32 @!p1 $0x0  }
0x14: {  	s2 =	sld [smem:$0x3F91];
	s0 =	simm.s32 @p1 $0x1  }
0x15: {  	[smem:$0x3FAE] =	sst s0;
	s0 =	simm.s32 @!p2 $0x0  }
0x16: {  	s3 =	sld [smem:$0x3FDB];
	s0 =	simm.s32 @p2 $0x1  }
0x17: {  	s4 =	simm.s32 $0x1BF5;
	[smem:$0x3FB0] =	sst s0  }
0x18: {  	s0 =	sld [smem:$0x3F93];
	_ =	swait.ge [sflag:s4], $0x0  }
0x19: {  	s7 =	sld [smem:$0x3F94]  }
0x1a: {  	s8 =	sadd.s32 $0xFFFFE003, lr  }
0x1b: {  	s9 =	sadd.s32 $0xFFFFFEF7, lr;
	s5 =	simm.s32 $0xFFFFFFFF;
	p2 =	slt.u32 s8, $0xFFFFF086  }
0x1c: {  	p1 =	slt.u32 s9, $0xF7A;
	s5 =	simm.s32 @!p2 $0x0  }
0x1d: {  	s5 =	simm.s32 @p1 $0x1;
	p0 =	seq.s32 s7, s2  }
0x1e: {  	s7 =	smul.u32 @!p0 $0xF7A, s2;
	p2 =	seq.s32 @!p0 s5, $0x0  }
0x1f: {  	s9 =	smul.u32 $0xF7A, s1;
	s8 =	simm.s32 @!p0 $0x1BF5;
	p2 =	por !p2, p0  }
0x20: {  	[sflag:s8] =	ssyncset.s32 @!p0 $0xFFFFF086;
	s6 =	sadd.s32 @!p0 s3, s7;
	s7 =	simm.s32 @!p0 $0x108  }
0x21: {  	s3 =	sadd.s32 s3, s9;
	s6 =	sadd.s32 @!p0 $0x88, s6;
	s7 =	simm.s32 @p2 $0x1082  }
0x22: {  	[simem:s7], [sflag:s8] =	dma.local @!p0 [hbm:s6], $0xF7A  }
0x23: {  	s9 =	sor.u32 $0xD0000000, s2;
	s6 =	simm.s32 $0x108;
	_ =	swait.ge @!p0 [sflag:s8], $0x0  }
0x24: {  	s3 =	sadd.s32 $0x88, s3;
	s6 =	simm.s32 @!p1 $0x1082;
	[sflag:s4] =	ssyncset.s32 $0xFFFFF086  }
0x25: {  	[simem:s6], [sflag:s4] =	dma.local [hbm:s3], $0xF7A  }
0x26: {  	[smem:$0x3F94] =	sst s1;
	(tag) =	ssettag s2;
	_ =	strace s9  }
0x27: {  	s1 =	sld [smem:$0x3FA4]  }
0x28: {  	s2 =	sld [smem:$0x3FA5]  }
0x29: {  	s4 =	sld [smem:$0x3FA7]  }
0x2a: {  	p0 =	seq.s32 s5, $0x0;
	s5 =	sld [smem:$0x3FA8]  }
0x2b: {  	s6 =	sld [smem:$0x3FA9]  }
0x2c: {  	s7 =	sld [smem:$0x3FAA]  }
0x2d: {  	s3 =	simm.s32 $0x108;
	s8 =	sld [smem:$0x3FAB]  }
0x2e: {  	s3 =	simm.s32 @!p0 $0x1082;
	s9 =	sld [smem:$0x3FAC]  }
0x2f: {  	lr =	sadd.s32 s0, s3;
	s0 =	sld [smem:$0x3FA3]  }
0x30: {  	s3 =	sld [smem:$0x3FA6]  }
0x31: {  	[smem:$0x3FAF] =	sst s10  }
0x32: {  	s10 =	sld [smem:$0x3FAD];
	_ =	sdelay $0x3  }
0x33: {  	p0 =	seq.s32 s10, $0x1;
	s10 =	sld [smem:$0x3FAF];
	_ =	sdelay $0x3  }
0x34: {  	[smem:$0x3FAF] =	sst s10  }
0x35: {  	s10 =	sld [smem:$0x3FAE];
	_ =	sdelay $0x3  }
0x36: {  	p1 =	seq.s32 s10, $0x1;
	s10 =	sld [smem:$0x3FAF];
	_ =	sdelay $0x3  }
0x37: {  	[smem:$0x3FAF] =	sst s10  }
0x38: {  	s10 =	sld [smem:$0x3FB0]  }
0x39: {  	_ = 	snop;
	(pc) =	sbr.ind lr, $3  }
0x3a: {  	_ = 	snop  }
0x3b: {  	_ = 	snop  }
0x3c: {  	p2 =	seq.s32 s10, $0x1;
	s10 =	sld [smem:$0x3FAF]  }
0x3d: {  	_ =	shalt  }
0x3e: {  	_ =	shalt  }
0x3f: {  	_ =	shalt  }
0x40: {  	_ =	shalt  }
0x41: {  	_ =	shalt  }
0x42: {  	_ =	shalt  }
0x43: {  	_ =	shalt  }
0x44: {  	_ =	shalt  }
0x45: {  	_ =	shalt  }
0x46: {  	_ =	shalt  }
0x47: {  	_ =	shalt  }
0x48: {  	_ =	shalt  }
0x49: {  	_ =	shalt  }
0x4a: {  	_ =	shalt  }
0x4b: {  	_ =	shalt  }
0x4c: {  	_ =	shalt  }
0x4d: {  	_ =	shalt  }
0x4e: {  	_ =	shalt  }
0x4f: {  	_ =	shalt  }
0x50: {  	_ =	shalt  }
0x51: {  	_ =	shalt  }
0x52: {  	_ =	shalt  }
0x53: {  	_ =	shalt  }
0x54: {  	_ =	shalt  }
0x55: {  	_ =	shalt  }
0x56: {  	_ =	shalt  }
0x57: {  	_ =	shalt  }
0x58: {  	_ =	shalt  }
0x59: {  	_ =	shalt  }
0x5a: {  	_ =	shalt  }
0x5b: {  	_ =	shalt  }
0x5c: {  	_ =	shalt  }
0x5d: {  	_ =	shalt  }
0x5e: {  	_ =	shalt  }
0x5f: {  	_ =	shalt  }
0x60: {  	_ =	shalt  }
0x61: {  	_ =	shalt  }
0x62: {  	_ =	shalt  }
0x63: {  	_ =	shalt  }
0x64: {  	_ =	shalt  }
0x65: {  	_ =	shalt  }
0x66: {  	_ =	shalt  }
0x67: {  	_ =	shalt  }
0x68: {  	_ =	shalt  }
0x69: {  	_ =	shalt  }
0x6a: {  	_ =	shalt  }
0x6b: {  	_ =	shalt  }
0x6c: {  	_ =	shalt  }
0x6d: {  	_ =	shalt  }
0x6e: {  	_ =	shalt  }
0x6f: {  	_ =	shalt  }
0x70: {  	_ =	shalt  }
0x71: {  	_ =	shalt  }
0x72: {  	_ =	shalt  }
0x73: {  	_ =	shalt  }
0x74: {  	_ =	shalt  }
0x75: {  	_ =	shalt  }
0x76: {  	_ =	shalt  }
0x77: {  	_ =	shalt  }
0x78: {  	_ =	shalt  }
0x79: {  	_ =	shalt  }
0x7a: {  	_ =	shalt  }
0x7b: {  	_ =	shalt  }
0x7c: {  	_ =	shalt  }
0x7d: {  	_ =	shalt  }
0x7e: {  	_ =	shalt  }
0x7f: {  	_ =	shalt  }
0x80: {  	_ =	shalt  }
0x81: {  	_ =	shalt  }
0x82: {  	_ =	shalt  }
0x83: {  	_ =	shalt  }
0x84: {  	_ =	shalt  }
0x85: {  	_ =	shalt  }
0x86: {  	_ =	shalt  }
0x87: {  	_ =	shalt  }
.Lfunc_end0:
.L_simem_size_0:
called_computation.3_lowered:
.L_overlay_start_0:
0x88: {  	s2 =	sld [smem:$0x3FD9]  }
0x89: {  	s3 =	sld [smem:$0x3FFE];
	_ =	sdelay $0x1  }
0x8a: {  	s1 =	srdreg.scid  }
0x8b: {  	s0 =	sand.u32 $0x1, s1  }
0x8c: {  	s17 =	sshll.u32 s0, $0xA;
	s2 =	sadd.s32 s3, s2  }
0x8d: {  	s2 =	sadd.s32 s2, s17  }
0x8e: {  	[smem:$0x3FBB] =	sst s2  }
0x8f: {  	_ = 	snop  }
0x90: {  	s2 =	sld [smem:$0x3FD0];
	(tm) =	ssettm $0x1  }
0x91: {  	s18 =	sld [smem:$0x3FFB];
	_ =	sdelay $0x3  }
0x92: {  	_ =	strace s18  }
0x93: {  	s3 =	sld [smem:$0x3FFC];
	_ =	sdelay $0x3  }
0x94: {  	_ =	strace s3  }
0x95: {  	s3 =	sld [smem:$0x3FFD];
	_ =	sdelay $0x3  }
0x96: {  	_ =	strace s3  }
0x97: {  	_ =	strace $0x8FFFFFFF  }
0x98: {  	s19 =	sld [smem:$0x3FDB];
	_ =	sdelay $0x1  }
0x99: {  	s4 =	simm.s32 $_scs_section_size  }
0x9a: {  	s5 =	simm.s32 $_size__tile_overlayer_lowered;
	s6 =	simm.s32 $_tile_overlayer_lowered  }
0x9b: {  	s22 =	simm.s32 $0x1BFF;
	s21 =	sshll.u32 s6, $0x1;
	s3 =	sadd.s32 s4, s19  }
0x9c: {  	s7 =	simm.s32 $0x0;
	s20 =	sshll.u32 s5, $0x1;
	s5 =	sadd.s32 s21, s3  }
0x9d: {  	[timem:s7], [sflag:s22] =	dma.local [hbm:s5], s20  }
0x9e: {  	_ =	swait.ge [sflag:s22], s20  }
0x9f: {  	s4 =	ssub.s32 $0x0, s20;
	[sflag:s22] =	ssyncset.done $0x0  }
0xa0: {  	[sflag:s22] =	ssyncadd.s32 s4;
	_ =	sdelay $0x1  }
0xa1: {  	s23 =	simm.s32 $0x1B8B  }
0xa2: {  	_ =	swait.ge [sflag:s23], $0x1  }
0xa3: {  	[sflag:s23] =	ssyncset.done $0x0  }
0xa4: {  	s25 =	simm.s32 $0x1B8E;
	s24 =	sld [smem:$0x3FFE];
	[sflag:s23] =	ssyncadd.s32 $0xFFFFFFFF  }
0xa5: {  	s26 =	simm.s32 $execute0_lowered;
	[smem:$0x3FD2] =	sst s25  }
0xa6: {  	s5 =	sshll.u32 s26, $0x1;
	_ =	strace $0x8000004F;
	[dreg:$0x1] =	wrdreg $0xFFFFFFFF  }
0xa7: {  	s28 =	simm.s32 $_size_execute0_lowered;
	s3 =	sadd.s32 s3, s5;
	[dreg:$0x0] =	wrdreg $0x0  }
0xa8: {  	s5 =	sshll.u32 s28, $0x1;
	[dreg:$0x2] =	wrdreg s3  }
0xa9: {  	[dreg:$0x3] =	wrdreg s5  }
0xaa: {  	[dreg:$0x4] =	wrdreg $0xC0  }
0xab: {  	_ =	task [dreg:s7], $0x5FFFF  }
0xac: {  	[dreg:$0x1] =	wrdreg $0xFFFFFFFF  }
0xad: {  	[dreg:$0x0] =	wrdreg $0x60  }
0xae: {  	[dreg:$0x2] =	wrdreg s2  }
0xaf: {  	[dreg:$0x3] =	wrdreg s24  }
0xb0: {  	[dreg:$0x4] =	wrdreg $0x0  }
0xb1: {  	[dreg:$0x5] =	wrdreg $0x9  }
0xb2: {  	_ =	task.clear_ibuf [dreg:s7], $0x6FFFF;
	_ =	strace $0x9000004F  }
0xb3: {  	s29 =	simm.s32 $0x9;
	_ =	strace $0x80000051  }
0xb4: {  	_ =	swait.ge [sflag:s29], $0x1  }
0xb5: {  	[sflag:s29] =	ssyncadd.s32 $0xFFFFFFFF  }
0xb6: {  	_ =	strace $0x90000051  }
0xb7: {  	_ =	sfence  }
0xb8: {  	s30 =	sld [smem:$0x0];
	_ =	sdelay $0x2  }
0xb9: {  	s31 =	sshll.u32 s1, $0xD;
	s1 =	sshrl.u32 s1, $0x2  }
0xba: {  	s3 =	sand.u32 $0x4000, s31;
	s1 =	sadd.s32 s1, s30  }
0xbb: {  	s0 =	sor.u32 s3, s0;
	s1 =	sshll.u32 s1, $0x11  }
0xbc: {  	s0 =	sor.u32 s1, s0  }
0xbd: {  	s0 =	sadd.s32 $0x8F2B, s0  }
0xbe: {  	[sflag:s0] =	ssyncadd.remote.s32 $0x1  }
0xbf: {  	_ =	sfence.sel $0xFFFF  }
0xc0: {  	[dreg:$0x0] =	wrdreg $0xFFFFFFFF;
	(pc) =	sbr.abs _section_cstart, $3  }
0xc1: {  	[dreg:$0x1] =	wrdreg $0xFFFFFFFF  }
0xc2: {  	_ =	task.clear_ibuf [dreg:s7], $0x2FFFF;
	_ =	strace $0x9FFFFFFF  }
0xc3: {  	(tm) =	ssettm $0x7FFFFFFF  }
tec
execute0_lowered:
.L_overlay_start_1:
0x0: {  	(tag) =	ssettag $0x1  }
0x1: {  	s1 =	rddreg [dreg:$0x0]  }
0x2: {  	s6 =	rddreg [dreg:$0x1]  }
0x3: {  	s2 =	rddreg [dreg:$0x2]  }
0x4: {  	s3 =	srdreg.scid;
	s4 =	simm.s32 $0x0;
	s0 =	stileid.u32  }
0x5: {  	s22 =	simm.s32 $0x0;
	s7 =	sand.u32 $0x1, s3;
	s8 =	smul.u32 $0x50000, s0  }
0x6: {  	[smem:$0x7FF] =	sst s4;
	s15 =	sadd.s32 $0x36600, s6;
	s10 =	smul.u32 $0x14000, s0  }
0x7: {  	s30 =	sshll.u32 s0, $0x5;
	s5 =	sshll.u32 s7, $0x9;
	_ =	strace $0x80000050  }
0x8: {  	s23 =	ssub.s32 $0x2, s7;
	s19 =	sshll.u32 s7, $0x4;
	s14 =	smul.u32 $0x140000, s7  }
0x9: {  	s17 =	sadd.s32 s5, s6;
	s5 =	sadd.s32 $0x35E00, s6;
	s9 =	sshrl.u32 s23, $0x1  }
0xa: {  	s8 =	sshrl.u32 s8, $0x2;
	s11 =	sadd.s32 $0x4000, s10;
	s12 =	sadd.s32 $0x8000, s10  }
0xb: {  	s13 =	sadd.s32 $0xC000, s10;
	s18 =	sadd.s32 $0x10000, s10;
	s19 =	sor.u32 s19, s0  }
0xc: {  	s16 =	ssub.s32 s23, s9;
	s6 =	sadd.s32 s8, s2;
	s7 =	sadd.s32 s11, s2  }
0xd: {  	s8 =	sadd.s32 s12, s2;
	s9 =	sadd.s32 s13, s2;
	s20 =	sadd.s32 s10, s14  }
0xe: {  	s10 =	sadd.s32 s18, s2;
	s21 =	sadd.s32 s14, s11;
	s25 =	sadd.s32 s14, s12  }
0xf: {  	s28 =	sadd.s32 s14, s13;
	s18 =	sadd.s32 s14, s18;
	s31 =	sadd.s32 s30, s17  }
0x10: {  	s20 =	sshrl.u32 s20, $0x3;
	s24 =	sshrl.u32 s21, $0x3;
	s26 =	sshrl.u32 s25, $0x3  }
0x11: {  	s29 =	sshrl.u32 s28, $0x3;
	s18 =	sshrl.u32 s18, $0x3;
	s16 =	smax.u32 s16, $0x1  }
0x12: {  	s17 =	sadd.s32 $0x3800, s31;
	s21 =	simm.s32 $0x2;
	s11 =	sadd.s32 s15, s20  }
0x13: {  	s12 =	sadd.s32 s15, s24;
	s13 =	sadd.s32 s15, s26;
	s14 =	sadd.s32 s15, s29  }
0x14: {  	s15 =	sadd.s32 s15, s18;
	s18 =	sadd.s32 $0xD600, s31;
	s20 =	simm.s32 $0x14200  }
.LBB2_1:
0x15: {  	[tilespmem:s20], [sflag:$0x2] =	stream.linear.gather [hbm4b:s5+s4], $0x4000, $0x38;
	[tilespmem:$0x1C200] =	vst v63  }
0x16: {  	_ =	swait.ge [sflag:s21], $0x4000  }
0x17: {  	[sflag:s21] =	ssyncset.done $0x0  }
0x18: {  	[sflag:s21] =	ssyncadd.s32 $0xFFFFC000  }
0x19: {  	[spmem:s6] =	stream.linear.scatter [tilespmem:s20], [sflag:$0x2], $0x4000, $0x38;
	[tilespmem:$0x1C200] =	vst v63  }
0x1a: {  	_ =	swait.ge [sflag:s21], $0x4000  }
0x1b: {  	[sflag:s21] =	ssyncset.done $0x0  }
0x1c: {  	[sflag:s21] =	ssyncadd.s32 $0xFFFFC000  }
0x1d: {  	[spmem:s7] =	stream.linear.scatter [tilespmem:s20], [sflag:$0x2], $0x4000, $0x38;
	[tilespmem:$0x1C200] =	vst v63  }
0x1e: {  	_ =	swait.ge [sflag:s21], $0x4000  }
0x1f: {  	[sflag:s21] =	ssyncset.done $0x0  }
0x20: {  	[sflag:s21] =	ssyncadd.s32 $0xFFFFC000  }
0x21: {  	[spmem:s8] =	stream.linear.scatter [tilespmem:s20], [sflag:$0x2], $0x4000, $0x38;
	[tilespmem:$0x1C200] =	vst v63  }
0x22: {  	_ =	swait.ge [sflag:s21], $0x4000  }
0x23: {  	[sflag:s21] =	ssyncset.done $0x0  }
0x24: {  	[sflag:s21] =	ssyncadd.s32 $0xFFFFC000  }
0x25: {  	[spmem:s9] =	stream.linear.scatter [tilespmem:s20], [sflag:$0x2], $0x4000, $0x38;
	[tilespmem:$0x1C200] =	vst v63  }
0x26: {  	_ =	swait.ge [sflag:s21], $0x4000  }
0x27: {  	[sflag:s21] =	ssyncset.done $0x0  }
0x28: {  	[sflag:s21] =	ssyncadd.s32 $0xFFFFC000  }
0x29: {  	[spmem:s10] =	stream.linear.scatter [tilespmem:s20], [sflag:$0x2], $0x4000, $0x38;
	[tilespmem:$0x1C200] =	vst v63  }
0x2a: {  	_ =	swait.ge [sflag:s21], $0x4000  }
0x2b: {  	p0 =	sgt.u32 s19, $0x4E1;
	[sflag:s21] =	ssyncset.done $0x0  }
0x2c: {  	s23 =	sadd.s32 @!p0 $0x0, s18;
	s24 =	simm.s32 @!p0 $0x0;
	[sflag:s21] =	ssyncadd.s32 $0xFFFFC000  }
0x2d: {  	s25 =	simm.s32 @!p0 $0x14000;
	s26 =	simm.s32 @!p0 $0x3;
	[bflag:$0x0] =	sbarrier.arrive $0xFFFF  }
0x2e: {  	[tilespmem:s25], [sflag:$0x3] =	stream.linear.gather @!p0 [hbm4b:s23+s24], $0x100, $0x38;
	[tilespmem:$0x1C200] =	vst v63  }
0x2f: {  	_ =	swait.ge @!p0 [sflag:s26], $0x100  }
0x30: {  	[sflag:s26] =	ssyncset.done @!p0 $0x0  }
0x31: {  	s28 =	simm.s32 @!p0 $0x14100;
	s23 =	sadd.s32 @!p0 $0x0, s17;
	[sflag:s26] =	ssyncadd.s32 @!p0 $0xFFFFFF00  }
0x32: {  	[tilespmem:s28], [sflag:$0x3] =	stream.linear.gather @!p0 [hbm4b:s23+s24], $0x100, $0x38;
	[tilespmem:$0x1C200] =	vst v63  }
0x33: {  	_ =	swait.ge @!p0 [sflag:s26], $0x100;
	p0 =	por p0, p0  }
0x34: {  	[sflag:s26] =	ssyncset.done @!p0 $0x0  }
0x35: {  	s23 =	simm.s32 @!p0 $0x80;
	s24 =	simm.s32 @!p0 $0x14200;
	[sflag:s26] =	ssyncadd.s32 @!p0 $0xFFFFFF00  }
0x36: {  	[tilespmem:s24], [sflag:$0x1] =	stream.indirect.gather @!p0 [hbm4b:s1+s23], $0x80, s25, s23, $0xb8;
	[tilespmem:$0x1C200] =	vst v63  }
0x37: {  	s29 =	simm.s32 @!p0 $0x18200;
	s30 =	simm.s32 @!p0 $0x1;
	s25 =	simm.s32 @!p0 $0x14080  }
0x38: {  	[tilespmem:s29], [sflag:$0x1] =	stream.indirect.gather @!p0 [hbm4b:s1+s23], $0x80, s25, s23, $0xb8;
	[tilespmem:$0x1C200] =	vst v63  }
0x39: {  	_ =	swait.ge @!p0 [sflag:s30], $0x4000  }
0x3a: {  	[sflag:s30] =	ssyncset.done @!p0 $0x0  }
0x3b: {  	[sflag:s30] =	ssyncadd.s32 @!p0 $0xFFFFC000  }
0x3c: {  	[spmem:s2] =	stream.indirect.scatter.add.f32 @!p0 [tilespmem:s24], [sflag:$0x3], $0x80, s28, s23, $0xb8;
	[tilespmem:$0x1C200] =	vst v63  }
0x3d: {  	_ =	swait.ge @!p0 [sflag:s26], $0x4000  }
0x3e: {  	[sflag:s26] =	ssyncset.done @!p0 $0x0  }
0x3f: {  	[sflag:s26] =	ssyncadd.s32 @!p0 $0xFFFFC000  }
0x40: {  	_ =	swait.ge @!p0 [sflag:s30], $0x4000  }
0x41: {  	[sflag:s30] =	ssyncset.done @!p0 $0x0  }
0x42: {  	s24 =	simm.s32 @!p0 $0x14180;
	[sflag:s30] =	ssyncadd.s32 @!p0 $0xFFFFC000  }
0x43: {  	[spmem:s2] =	stream.indirect.scatter.add.f32 @!p0 [tilespmem:s29], [sflag:$0x2], $0x80, s24, s23, $0xb8;
	[tilespmem:$0x1C200] =	vst v63  }
0x44: {  	s25 =	simm.s32 $0x800;
	s26 =	simm.s32 @!p0 $0x2;
	s24 =	sadd.s32 $0x20, s19  }
0x45: {  	s23 =	simm.s32 $0x400;
	p2 =	sgt.u32 s24, $0x4E1;
	_ =	swait.ge @!p0 [sflag:s26], $0x4000  }
.LBB2_2:
0x46: {  	s28 =	sadd.s32 @!p2 s23, s18;
	s29 =	simm.s32 @!p2 $0x0;
	[sflag:s26] =	ssyncset.done @!p0 $0x0  }
0x47: {  	s30 =	simm.s32 @!p2 $0x14000;
	s31 =	simm.s32 @!p2 $0x3;
	[sflag:s26] =	ssyncadd.s32 @!p0 $0xFFFFC000  }
0x48: {  	[tilespmem:s30], [sflag:$0x3] =	stream.linear.gather @!p2 [hbm4b:s28+s29], $0x100, $0x38;
	[tilespmem:$0x1C200] =	vst v63  }
0x49: {  	s26 =	smov.u32 s25;
	s25 =	sadd.s32 $0x400, s25;
	_ =	swait.ge @!p2 [sflag:s31], $0x100  }
0x4a: {  	s0 =	simm.s32 @!p2 $0x14100;
	s28 =	sadd.s32 @!p2 s23, s17;
	[sflag:s31] =	ssyncset.done @!p2 $0x0  }
0x4b: {  	p1 =	sne.s32 s25, $0xA000;
	s23 =	smov.u32 s26;
	[sflag:s31] =	ssyncadd.s32 @!p2 $0xFFFFFF00  }
0x4c: {  	[tilespmem:s0], [sflag:$0x3] =	stream.linear.gather @!p2 [hbm4b:s28+s29], $0x100, $0x38;
	[tilespmem:$0x1C200] =	vst v63  }
0x4d: {  	p0 =	por p2, p2;
	_ =	swait.ge @!p2 [sflag:s31], $0x100  }
0x4e: {  	s26 =	simm.s32 @!p0 $0x14200;
	s28 =	simm.s32 @!p0 $0x80;
	[sflag:s31] =	ssyncset.done @!p0 $0x0  }
0x4f: {  	s3 =	simm.s32 @!p0 $0x18200;
	s29 =	simm.s32 @!p0 $0x14080;
	[sflag:s31] =	ssyncadd.s32 @!p0 $0xFFFFFF00  }
0x50: {  	[tilespmem:s26], [sflag:$0x1] =	stream.indirect.gather @!p0 [hbm4b:s1+s28], $0x80, s30, s28, $0xb8;
	[tilespmem:$0x1C200] =	vst v63  }
0x51: {  	s30 =	simm.s32 @!p0 $0x1  }
0x52: {  	[tilespmem:s3], [sflag:$0x1] =	stream.indirect.gather @!p0 [hbm4b:s1+s28], $0x80, s29, s28, $0xb8;
	[tilespmem:$0x1C200] =	vst v63  }
0x53: {  	_ =	swait.ge @!p0 [sflag:s30], $0x4000  }
0x54: {  	[sflag:s30] =	ssyncset.done @!p0 $0x0  }
0x55: {  	[sflag:s30] =	ssyncadd.s32 @!p0 $0xFFFFC000  }
0x56: {  	[spmem:s2] =	stream.indirect.scatter.add.f32 @!p0 [tilespmem:s26], [sflag:$0x3], $0x80, s0, s28, $0xb8;
	[tilespmem:$0x1C200] =	vst v63  }
0x57: {  	_ =	swait.ge @!p0 [sflag:s31], $0x4000  }
0x58: {  	[sflag:s31] =	ssyncset.done @!p0 $0x0  }
0x59: {  	[sflag:s31] =	ssyncadd.s32 @!p0 $0xFFFFC000  }
.Ltmp0:
0x5a: {  	_ =	swait.ge @!p0 [sflag:s30], $0x4000;
	(pc) =	sbr.rel @p1 .LBB2_2-.Ltmp0, $4  }
0x5b: {  	s0 =	simm.s32 @!p0 $0x14180;
	[sflag:s30] =	ssyncset.done @!p0 $0x0  }
0x5c: {  	s24 =	sadd.s32 $0x20, s24;
	s26 =	simm.s32 @!p0 $0x2;
	[sflag:s30] =	ssyncadd.s32 @!p0 $0xFFFFC000  }
0x5d: {  	[spmem:s2] =	stream.indirect.scatter.add.f32 @!p0 [tilespmem:s3], [sflag:$0x2], $0x80, s0, s28, $0xb8;
	[tilespmem:$0x1C200] =	vst v63  }
0x5e: {  	p2 =	sgt.u32 s24, $0x4E1;
	_ =	swait.ge @!p0 [sflag:s26], $0x4000  }
0x5f: {  	s0 =	sadd.s32 @!p2 s23, s18;
	s3 =	simm.s32 @!p2 $0x0;
	[sflag:s26] =	ssyncset.done @!p0 $0x0  }
0x60: {  	s24 =	simm.s32 @!p2 $0x14000;
	s25 =	simm.s32 @!p2 $0x3;
	[sflag:s26] =	ssyncadd.s32 @!p0 $0xFFFFC000  }
0x61: {  	[tilespmem:s24], [sflag:$0x3] =	stream.linear.gather @!p2 [hbm4b:s0+s3], $0x100, $0x38;
	[tilespmem:$0x1C200] =	vst v63  }
0x62: {  	_ =	swait.ge @!p2 [sflag:s25], $0x100  }
0x63: {  	[sflag:s25] =	ssyncset.done @!p2 $0x0  }
0x64: {  	s0 =	sadd.s32 @!p2 s23, s17;
	s23 =	simm.s32 @!p2 $0x14100;
	[sflag:s25] =	ssyncadd.s32 @!p2 $0xFFFFFF00  }
0x65: {  	[tilespmem:s23], [sflag:$0x3] =	stream.linear.gather @!p2 [hbm4b:s0+s3], $0x100, $0x38;
	[tilespmem:$0x1C200] =	vst v63  }
0x66: {  	p0 =	por p2, p2;
	_ =	swait.ge @!p2 [sflag:s25], $0x100  }
0x67: {  	[sflag:s25] =	ssyncset.done @!p0 $0x0  }
0x68: {  	s0 =	simm.s32 @!p0 $0x80;
	s3 =	simm.s32 @!p0 $0x14200;
	[sflag:s25] =	ssyncadd.s32 @!p0 $0xFFFFFF00  }
0x69: {  	[tilespmem:s3], [sflag:$0x1] =	stream.indirect.gather @!p0 [hbm4b:s1+s0], $0x80, s24, s0, $0xb8;
	[tilespmem:$0x1C200] =	vst v63  }
0x6a: {  	s26 =	simm.s32 @!p0 $0x18200;
	s28 =	simm.s32 @!p0 $0x1;
	s24 =	simm.s32 @!p0 $0x14080  }
0x6b: {  	[tilespmem:s26], [sflag:$0x1] =	stream.indirect.gather @!p0 [hbm4b:s1+s0], $0x80, s24, s0, $0xb8;
	[tilespmem:$0x1C200] =	vst v63  }
0x6c: {  	_ =	swait.ge @!p0 [sflag:s28], $0x4000  }
0x6d: {  	[sflag:s28] =	ssyncset.done @!p0 $0x0  }
0x6e: {  	[sflag:s28] =	ssyncadd.s32 @!p0 $0xFFFFC000  }
0x6f: {  	[spmem:s2] =	stream.indirect.scatter.add.f32 @!p0 [tilespmem:s3], [sflag:$0x3], $0x80, s23, s0, $0xb8;
	[tilespmem:$0x1C200] =	vst v63  }
0x70: {  	_ =	swait.ge @!p0 [sflag:s25], $0x4000  }
0x71: {  	[sflag:s25] =	ssyncset.done @!p0 $0x0  }
0x72: {  	[sflag:s25] =	ssyncadd.s32 @!p0 $0xFFFFC000  }
0x73: {  	_ =	swait.ge @!p0 [sflag:s28], $0x4000  }
0x74: {  	[sflag:s28] =	ssyncset.done @!p0 $0x0  }
0x75: {  	s3 =	simm.s32 @!p0 $0x14180;
	s23 =	simm.s32 @!p0 $0x2;
	[sflag:s28] =	ssyncadd.s32 @!p0 $0xFFFFC000  }
0x76: {  	[spmem:s2] =	stream.indirect.scatter.add.f32 @!p0 [tilespmem:s26], [sflag:$0x2], $0x80, s3, s0, $0xb8;
	[tilespmem:$0x1C200] =	vst v63  }
0x77: {  	_ =	swait.ge @!p0 [sflag:s23], $0x4000  }
0x78: {  	[sflag:s23] =	ssyncset.done @!p0 $0x0  }
0x79: {  	[sflag:s23] =	ssyncadd.s32 @!p0 $0xFFFFC000  }
0x7a: {  	[bflag:$0x0] =	sbarrier.arrive $0xFFFF  }
0x7b: {  	[tilespmem:s20], [sflag:$0x2] =	stream.linear.gather [spmem:s6], $0x4000, $0x38;
	[tilespmem:$0x1C200] =	vst v63  }
0x7c: {  	_ =	swait.ge [sflag:s21], $0x4000  }
0x7d: {  	[sflag:s21] =	ssyncset.done $0x0  }
0x7e: {  	[sflag:s21] =	ssyncadd.s32 $0xFFFFC000  }
0x7f: {  	[hbm4b:s11+s4] =	stream.linear.scatter [tilespmem:s20], [sflag:$0x2], $0x4000, $0x38;
	[tilespmem:$0x1C200] =	vst v63  }
0x80: {  	_ =	swait.ge [sflag:s21], $0x4000  }
0x81: {  	[sflag:s21] =	ssyncset.done $0x0  }
0x82: {  	[sflag:s21] =	ssyncadd.s32 $0xFFFFC000  }
0x83: {  	[tilespmem:s20], [sflag:$0x2] =	stream.linear.gather [spmem:s7], $0x4000, $0x38;
	[tilespmem:$0x1C200] =	vst v63  }
0x84: {  	_ =	swait.ge [sflag:s21], $0x4000  }
0x85: {  	[sflag:s21] =	ssyncset.done $0x0  }
0x86: {  	[sflag:s21] =	ssyncadd.s32 $0xFFFFC000  }
0x87: {  	[hbm4b:s12+s4] =	stream.linear.scatter [tilespmem:s20], [sflag:$0x2], $0x4000, $0x38;
	[tilespmem:$0x1C200] =	vst v63  }
0x88: {  	_ =	swait.ge [sflag:s21], $0x4000  }
0x89: {  	[sflag:s21] =	ssyncset.done $0x0  }
0x8a: {  	[sflag:s21] =	ssyncadd.s32 $0xFFFFC000  }
0x8b: {  	[tilespmem:s20], [sflag:$0x2] =	stream.linear.gather [spmem:s8], $0x4000, $0x38;
	[tilespmem:$0x1C200] =	vst v63  }
0x8c: {  	_ =	swait.ge [sflag:s21], $0x4000  }
0x8d: {  	[sflag:s21] =	ssyncset.done $0x0  }
0x8e: {  	[sflag:s21] =	ssyncadd.s32 $0xFFFFC000  }
0x8f: {  	[hbm4b:s13+s4] =	stream.linear.scatter [tilespmem:s20], [sflag:$0x2], $0x4000, $0x38;
	[tilespmem:$0x1C200] =	vst v63  }
0x90: {  	_ =	swait.ge [sflag:s21], $0x4000  }
0x91: {  	[sflag:s21] =	ssyncset.done $0x0  }
0x92: {  	[sflag:s21] =	ssyncadd.s32 $0xFFFFC000  }
0x93: {  	[tilespmem:s20], [sflag:$0x2] =	stream.linear.gather [spmem:s9], $0x4000, $0x38;
	[tilespmem:$0x1C200] =	vst v63  }
0x94: {  	_ =	swait.ge [sflag:s21], $0x4000  }
0x95: {  	[sflag:s21] =	ssyncset.done $0x0  }
0x96: {  	[sflag:s21] =	ssyncadd.s32 $0xFFFFC000  }
0x97: {  	[hbm4b:s14+s4] =	stream.linear.scatter [tilespmem:s20], [sflag:$0x2], $0x4000, $0x38;
	[tilespmem:$0x1C200] =	vst v63  }
0x98: {  	_ =	swait.ge [sflag:s21], $0x4000  }
0x99: {  	[sflag:s21] =	ssyncset.done $0x0  }
0x9a: {  	[sflag:s21] =	ssyncadd.s32 $0xFFFFC000  }
0x9b: {  	[tilespmem:s20], [sflag:$0x2] =	stream.linear.gather [spmem:s10], $0x4000, $0x38;
	[tilespmem:$0x1C200] =	vst v63  }
0x9c: {  	s22 =	sadd.s32 $0x1, s22;
	_ =	swait.ge [sflag:s21], $0x4000  }
0x9d: {  	p0 =	sne.s32 s22, s16;
	[sflag:s21] =	ssyncset.done $0x0  }
.Ltmp1:
0x9e: {  	[sflag:s21] =	ssyncadd.s32 $0xFFFFC000;
	(pc) =	sbr.rel @p0 .LBB2_1-.Ltmp1, $4  }
0x9f: {  	[hbm4b:s15+s4] =	stream.linear.scatter [tilespmem:s20], [sflag:$0x2], $0x4000, $0x38;
	[tilespmem:$0x1C200] =	vst v63  }
0xa0: {  	_ =	swait.ge [sflag:s21], $0x4000  }
0xa1: {  	[sflag:s21] =	ssyncset.done $0x0  }
0xa2: {  	[sflag:s21] =	ssyncadd.s32 $0xFFFFC000  }
0xa3: {  	_ =	sfence.sel $0x180000  }
0xa4: {  	[bflag:$0x0] =	sbarrier.arrive $0xFFFF  }
0xa5: {  	_ =	strace $0x90000050  }
0xa6: {  	s0 =	stileid.u32;
	[bflag:$0x2] =	sbarrier.arrive $0xFFFF  }
0xa7: {  	p0 =	sne.s32 s0, $0x0;
	s0 =	rddreg [dreg:$0x3]  }
0xa8: {  	s0 =	sadd.s32 @!p0 $0x100000, s0  }
0xa9: {  	[sflag:s0] =	ssyncadd.tile.s32 @!p0 $0x1;
	_ =	shalt  }
.Lfunc_end2:
_tile_overlayer_lowered:
.L_overlay_start_2:
0xaa: {  	(tag) =	ssettag $0x2  }
0xab: {  	s0 =	rddreg [dreg:$0x0];
	s2 =	stileid.u32  }
0xac: {  	s1 =	rddreg [dreg:$0x1];
	p0 =	sne.s32 s2, $0x0  }
0xad: {  	s3 =	rddreg [dreg:$0x2];
	[bflag:$0x3] =	sbarrier.arrive $0xFFFF;
	s2 =	simm.s32 @!p0 $0x1C02  }
0xae: {  	[timem:s3], [sflag:s2] =	dma.local @!p0 [hbm:s0], s1  }
0xaf: {  	s0 =	simm.s32 @!p0 $0x2  }
0xb0: {  	_ =	swait.ge @!p0 [sflag:s0], s1  }
0xb1: {  	s1 =	ssub.s32 @!p0 $0x0, s1;
	[sflag:s0] =	ssyncset.done @!p0 $0x0  }
0xb2: {  	[sflag:s0] =	ssyncadd.s32 @!p0 s1  }
0xb3: {  	[bflag:$0x3] =	sbarrier.arrive $0xFFFF  }
0xb4: {  	_ =	shalt  }

</sc_bundles>
